<compile_context>
chip_gen: v7x
topology: tpu7x:2x2x1
jax: 0.10.2.dev20260603
libtpu: 0.0.44.dev20260713+nightly
codegen_flags: <defaults>
</compile_context>

<pallas_src>
import functools

import jax
import jax.numpy as jnp
from jax import lax
from jax.experimental import pallas as pl
from jax.experimental.pallas import tpu as pltpu
from jax.experimental.pallas import tpu_sc as plsc

TILE = 256


def _router_kernel(x_ref, g_ref, idx_ref, w_ref, *, n_exp):
    logits = jnp.dot(x_ref[...], g_ref[...], preferred_element_type=jnp.float32)
    eidx = jax.lax.broadcasted_iota(jnp.int32, logits.shape, 1)
    m1 = jnp.max(logits, axis=1, keepdims=True)
    i1 = jnp.min(jnp.where(logits == m1, eidx, n_exp), axis=1, keepdims=True)
    masked = jnp.where(eidx == i1, -jnp.inf, logits)
    m2 = jnp.max(masked, axis=1, keepdims=True)
    i2 = jnp.min(jnp.where(masked == m2, eidx, n_exp), axis=1, keepdims=True)
    e2 = jnp.exp(m2 - m1)
    w1 = 1.0 / (1.0 + e2)
    w2 = e2 / (1.0 + e2)
    idx_ref[...] = jnp.concatenate([i1, i2], axis=1)
    w_ref[...] = jnp.concatenate([w1, w2], axis=1)


def _mlp_half(xs, wi0, wi1, wo):
    a0 = jnp.dot(xs, wi0, preferred_element_type=jnp.float32)
    a1 = jnp.dot(xs, wi1, preferred_element_type=jnp.float32)
    h = jax.nn.gelu(a0) * a1
    return jnp.dot(h, wo, preferred_element_type=jnp.float32)


def _gmm_a_kernel(grp_ref, xs_ref, wi0_ref, wi1_ref, wo_ref, w_ref, outs_ref,
                  *, nt):
    @pl.when(pl.program_id(0) < grp_ref[nt])
    def _():
        outs_ref[...] = _mlp_half(
            xs_ref[...], wi0_ref[0], wi1_ref[0], wo_ref[0]) * w_ref[...]


def _gmm_b_kernel(grp_ref, xs_ref, wi0_ref, wi1_ref, wo_ref, w_ref, prev_ref,
                  outs_ref, *, nt):
    @pl.when(pl.program_id(0) < grp_ref[nt])
    def _():
        outs_ref[...] = prev_ref[...] + _mlp_half(
            xs_ref[...], wi0_ref[0], wi1_ref[0], wo_ref[0]) * w_ref[...]


def _sc_gather_rows(x, idx, padrows, d):
    info = plsc.get_sparse_core_info()
    nw = info.num_cores * info.num_subcores
    rows_per_w = padrows // nw
    nbuf = 4
    chunk = 24
    n_chunks = rows_per_w // chunk
    mesh = plsc.VectorSubcoreMesh(core_axis_name="c", subcore_axis_name="s")

    @functools.partial(
        pl.kernel, mesh=mesh,
        out_type=jax.ShapeDtypeStruct((padrows, d), jnp.float32),
        scratch_types=[pltpu.VMEM((chunk,), jnp.int32) for _ in range(n_chunks)]
        + [pltpu.VMEM((chunk, d), jnp.float32)] * nbuf
        + [pltpu.SemaphoreType.DMA] * (2 * nbuf),
    )
    def k(x_hbm, idx_hbm, xs_hbm, *bufs_sems):
        idxs = bufs_sems[:n_chunks]
        rows = bufs_sems[n_chunks:n_chunks + nbuf]
        gsem = bufs_sems[n_chunks + nbuf:n_chunks + 2 * nbuf]
        wsem = bufs_sems[n_chunks + 2 * nbuf:]
        wid = lax.axis_index("s") * info.num_cores + lax.axis_index("c")
        base = wid * rows_per_w
        for c in range(n_chunks):
            pltpu.sync_copy(idx_hbm.at[pl.ds(base + c * chunk, chunk)], idxs[c])
        g = [None] * nbuf
        wb = [None] * nbuf
        for c in range(n_chunks):
            b = c % nbuf
            if wb[b] is not None:
                wb[b].wait()
            g[b] = pltpu.async_copy(
                x_hbm.at[idxs[c]], rows[b], gsem[b])
            if c >= nbuf - 1:
                oc = c - (nbuf - 1)
                ob = oc % nbuf
                g[ob].wait()
                wb[ob] = pltpu.async_copy(
                    rows[ob], xs_hbm.at[pl.ds(base + oc * chunk, chunk)],
                    wsem[ob])
        for oc in range(n_chunks - (nbuf - 1), n_chunks):
            ob = oc % nbuf
            g[ob].wait()
            wb[ob] = pltpu.async_copy(
                rows[ob], xs_hbm.at[pl.ds(base + oc * chunk, chunk)], wsem[ob])
        for b in range(nbuf):
            if wb[b] is not None:
                wb[b].wait()

    return k(x, idx)


def _sc_combine_rows(outs, pos0, pos1, t, d):
    info = plsc.get_sparse_core_info()
    nw = info.num_cores * info.num_subcores
    tok_per_w = t // nw
    chunk = 32
    n_chunks = tok_per_w // chunk
    lanes = info.num_lanes
    mesh = plsc.VectorSubcoreMesh(core_axis_name="c", subcore_axis_name="s")

    @functools.partial(
        pl.kernel, mesh=mesh,
        out_type=jax.ShapeDtypeStruct((t, d), jnp.float32),
        scratch_types=[
            pltpu.VMEM((chunk,), jnp.int32),
            pltpu.VMEM((chunk,), jnp.int32),
            pltpu.VMEM((chunk, d), jnp.float32),
            pltpu.VMEM((chunk, d), jnp.float32),
            pltpu.SemaphoreType.DMA,
            pltpu.SemaphoreType.DMA,
        ],
    )
    def k(outs_hbm, pos0_hbm, pos1_hbm, out_hbm,
          idx0_v, idx1_v, rows0_v, rows1_v, sem0, sem1):
        wid = lax.axis_index("s") * info.num_cores + lax.axis_index("c")
        base = wid * tok_per_w
        slices_per_row = d // lanes

        def body(c, _):
            off = base + c * chunk
            pltpu.sync_copy(pos0_hbm.at[pl.ds(off, chunk)], idx0_v)
            pltpu.sync_copy(pos1_hbm.at[pl.ds(off, chunk)], idx1_v)
            cp0 = pltpu.async_copy(outs_hbm.at[idx0_v], rows0_v, sem0)
            cp1 = pltpu.async_copy(outs_hbm.at[idx1_v], rows1_v, sem1)
            cp0.wait()
            cp1.wait()

            def add_row(r, _):
                for s in range(slices_per_row):
                    sl = pl.ds(s * lanes, lanes)
                    rows0_v[r, sl] = rows0_v[r, sl] + rows1_v[r, sl]
                return 0
            lax.fori_loop(0, chunk, add_row, 0)
            pltpu.sync_copy(rows0_v, out_hbm.at[pl.ds(off, chunk)])
            return 0
        lax.fori_loop(0, n_chunks, body, 0)

    return k(outs, pos0, pos1)


def kernel(inputs, decoder_segment_ids, decoder_positions, gate_kernel, wi_0, wi_1, wo):
    del decoder_segment_ids, decoder_positions
    b, s, d = inputs.shape
    t = b * s
    n_exp = gate_kernel.shape[-1]
    f_dim = wi_0.shape[-1]
    k = 2
    tk = t * k
    nt = tk // TILE + n_exp
    padrows = nt * TILE
    fb = f_dim // 2

    x = inputs.reshape(t, d)

    top_idx, top_w = pl.pallas_call(
        functools.partial(_router_kernel, n_exp=n_exp),
        out_shape=(
            jax.ShapeDtypeStruct((t, k), jnp.int32),
            jax.ShapeDtypeStruct((t, k), jnp.float32),
        ),
    )(x, gate_kernel)

    flat_e = top_idx.reshape(-1)
    flat_t = (jnp.arange(tk, dtype=jnp.int32) // k)
    flat_w = top_w.reshape(-1)
    counts = jnp.bincount(flat_e, length=n_exp)
    padded = ((counts + TILE - 1) // TILE) * TILE
    pend = jnp.cumsum(padded)
    pstart = pend - padded
    ustart = jnp.cumsum(counts) - counts
    order = jnp.argsort(flat_e, stable=True)
    inv = jnp.zeros(tk, jnp.int32).at[order].set(
        jnp.arange(tk, dtype=jnp.int32))
    se = flat_e[order]
    pos = jnp.arange(tk)
    dest = pstart[se] + (pos - ustart[se])
    rowpos = dest[inv].astype(jnp.int32).reshape(t, k)
    prow = jnp.arange(padrows)
    g_row = jnp.minimum(
        jnp.searchsorted(pend, prow, side='right'), n_exp - 1)
    sp = prow - pstart[g_row] + ustart[g_row]
    valid = (prow - pstart[g_row]) < counts[g_row]
    slot = order[jnp.clip(sp, 0, tk - 1)]
    sorted_tok = jnp.where(valid, flat_t[slot], 0).astype(jnp.int32)
    sorted_w = jnp.where(valid, flat_w[slot], 0.0)
    tile_grp = jnp.clip(
        jnp.searchsorted(pend, jnp.arange(nt) * TILE, side='right'),
        0, n_exp - 1).astype(jnp.int32)
    n_active = ((pend[-1] + TILE - 1) // TILE).astype(jnp.int32)
    grp_arr = jnp.concatenate([tile_grp, n_active[None]])

    xs = _sc_gather_rows(x, sorted_tok, padrows, d)

    sw = sorted_w.reshape(padrows, 1)
    common = dict(
        out_shape=jax.ShapeDtypeStruct((padrows, d), jnp.float32),
        compiler_params=pltpu.CompilerParams(
            dimension_semantics=("arbitrary",),
            vmem_limit_bytes=100 * 1024 * 1024,
        ),
    )
    xs_spec = pl.BlockSpec((TILE, d), lambda i, grp: (i, 0))
    w_spec = pl.BlockSpec((TILE, 1), lambda i, grp: (i, 0))

    def wi_spec(half):
        return pl.BlockSpec((1, d, fb), lambda i, grp: (grp[i], 0, half))

    def wo_spec(half):
        return pl.BlockSpec((1, fb, d), lambda i, grp: (grp[i], half, 0))

    outs_a = pl.pallas_call(
        functools.partial(_gmm_a_kernel, nt=nt),
        grid_spec=pltpu.PrefetchScalarGridSpec(
            num_scalar_prefetch=1,
            grid=(nt,),
            in_specs=[xs_spec, wi_spec(0), wi_spec(0), wo_spec(0), w_spec],
            out_specs=pl.BlockSpec((TILE, d), lambda i, grp: (i, 0)),
        ),
        **common,
    )(grp_arr, xs, wi_0, wi_1, wo, sw)

    outs = pl.pallas_call(
        functools.partial(_gmm_b_kernel, nt=nt),
        grid_spec=pltpu.PrefetchScalarGridSpec(
            num_scalar_prefetch=1,
            grid=(nt,),
            in_specs=[xs_spec, wi_spec(1), wi_spec(1), wo_spec(1), w_spec,
                      pl.BlockSpec((TILE, d), lambda i, grp: (i, 0))],
            out_specs=pl.BlockSpec((TILE, d), lambda i, grp: (i, 0)),
        ),
        **common,
    )(grp_arr, xs, wi_0, wi_1, wo, sw, outs_a)

    out = _sc_combine_rows(outs, rowpos[:, 0], rowpos[:, 1], t, d)
    return out.reshape(b, s, d)

# --- scband reference (transcript-rebuilt; emitter-appended) ---
"""Pipeline reference for scband-routed-experts-only-decoder-layer-18322330485348 (READ-ONLY COPY).

The authoritative reference and input builder live on the scoring server;
editing this copy changes nothing except your own understanding.
"""

import jax, jax.numpy as jnp
import numpy as np

EMB = 1024
MLP = 4096
E = 8
K = 2
B = 1
S = 2048


def setup_inputs(seed: int = 0) -> dict:
    key = jax.random.key(seed)
    ks = jax.random.split(key, 5)
    inputs = jax.random.normal(ks[0], (B, S, EMB), dtype=jnp.float32)
    decoder_segment_ids = jnp.ones((B, S), dtype=jnp.int32)
    decoder_positions = (jnp.arange(B * S, dtype=jnp.int32) % S).reshape(B, S)
    gate_kernel = jax.random.normal(ks[1], (EMB, E), dtype=jnp.float32) * 0.02
    wi_0 = jax.random.normal(ks[2], (E, EMB, MLP), dtype=jnp.float32) * 0.02
    wi_1 = jax.random.normal(ks[3], (E, EMB, MLP), dtype=jnp.float32) * 0.02
    wo = jax.random.normal(ks[4], (E, MLP, EMB), dtype=jnp.float32) * 0.02
    return {
        "inputs": inputs,
        "decoder_segment_ids": decoder_segment_ids,
        "decoder_positions": decoder_positions,
        "gate_kernel": gate_kernel,
        "wi_0": wi_0,
        "wi_1": wi_1,
        "wo": wo,
    }


def _routed_moe(x, gate_kernel, wi_0, wi_1, wo):
    # Faithful dense-dispatch RoutedMoE: router -> top-k -> softmax combine
    # -> gated-GELU expert MLP -> weighted combine.
    Bv, Sv, D = x.shape
    xt = x.reshape(-1, D)  # [T, D]
    T = xt.shape[0]
    router_logits = xt @ gate_kernel  # [T, E]
    top_vals, top_idx = jax.lax.top_k(router_logits, K)  # [T, K]
    weights = jax.nn.softmax(top_vals.astype(jnp.float32), axis=-1)  # [T, K]
    n_experts = router_logits.shape[-1]
    combine = jnp.zeros((T, n_experts), dtype=jnp.float32)
    combine = combine.at[jnp.arange(T)[:, None], top_idx].add(weights)  # [T, E]
    # Expert MLPs (computed densely, combined via routing weights)
    h0 = jnp.einsum('td,edf->etf', xt, wi_0)  # [E, T, F]
    h1 = jnp.einsum('td,edf->etf', xt, wi_1)  # [E, T, F]
    h = jax.nn.gelu(h0) * h1  # gated GELU
    expert_out = jnp.einsum('etf,efd->etd', h, wo)  # [E, T, D]
    out = jnp.einsum('etd,te->td', expert_out, combine)  # [T, D]
    return out.reshape(Bv, Sv, D)


def reference(inputs, decoder_segment_ids, decoder_positions, gate_kernel, wi_0, wi_1, wo):
    # decoder_segment_ids / decoder_positions are accepted per the layer
    # signature but unused by the routed-MoE-only decoder layer.
    layer_output = _routed_moe(inputs, gate_kernel, wi_0, wi_1, wo)
    return layer_output

if __name__ == "__main__":
    import jax
    _d = setup_inputs()
    print(jax.jit(kernel)(*tuple(_d.values())))

</pallas_src>

<mosaic_0001>
#map = affine_map<(d0, d1) -> (0, 0)>
#map1 = affine_map<(d0, d1) -> (0)>
module attributes {stable_mosaic.version = 14 : i64} {
  func.func @k(%arg0: i32, %arg1: i32, %arg2: memref<2048x1024xf32, #tpu.memory_space<hbm>>, %arg3: memref<6144xi32, #tpu.memory_space<hbm>>, %arg4: memref<6144x1024xf32, #tpu.memory_space<hbm>>, %arg5: memref<24xi32, #tpu.memory_space<vmem>>, %arg6: memref<24xi32, #tpu.memory_space<vmem>>, %arg7: memref<24xi32, #tpu.memory_space<vmem>>, %arg8: memref<24xi32, #tpu.memory_space<vmem>>, %arg9: memref<24xi32, #tpu.memory_space<vmem>>, %arg10: memref<24xi32, #tpu.memory_space<vmem>>, %arg11: memref<24xi32, #tpu.memory_space<vmem>>, %arg12: memref<24xi32, #tpu.memory_space<vmem>>, %arg13: memref<24x1024xf32, #tpu.memory_space<vmem>>, %arg14: memref<24x1024xf32, #tpu.memory_space<vmem>>, %arg15: memref<24x1024xf32, #tpu.memory_space<vmem>>, %arg16: memref<24x1024xf32, #tpu.memory_space<vmem>>, %arg17: memref<!tpu.dma_semaphore, #tpu.memory_space<semaphore_mem>>, %arg18: memref<!tpu.dma_semaphore, #tpu.memory_space<semaphore_mem>>, %arg19: memref<!tpu.dma_semaphore, #tpu.memory_space<semaphore_mem>>, %arg20: memref<!tpu.dma_semaphore, #tpu.memory_space<semaphore_mem>>, %arg21: memref<!tpu.dma_semaphore, #tpu.memory_space<semaphore_mem>>, %arg22: memref<!tpu.dma_semaphore, #tpu.memory_space<semaphore_mem>>, %arg23: memref<!tpu.dma_semaphore, #tpu.memory_space<semaphore_mem>>, %arg24: memref<!tpu.dma_semaphore, #tpu.memory_space<semaphore_mem>>) attributes {dimension_semantics = [#tpu.dimension_semantics<core_parallel>, #tpu.dimension_semantics<subcore_parallel>], iteration_bounds = array<i64: 2, 16>, scalar_prefetch = 0 : i64, scratch_operands = 20 : i64, tpu.core_type = #tpu.core_type<sc_vector_subcore>, window_params = [{transform_indices = #map}, {transform_indices = #map1}, {transform_indices = #map}]} {
    %mul3A = arith.constant 2 : i32
    %mul3A_0 = arith.muli %arg1, %mul3A : i32
    %add3A = arith.addi %mul3A_0, %arg0 : i32
    %mul3A_1 = arith.constant 192 : i32
    %mul3A_2 = arith.muli %add3A, %mul3A_1 : i32
    %add3A_3 = arith.constant 0 : i32
    %add3A_4 = arith.addi %mul3A_2, %add3A_3 : i32
    "tpu.region"() ({
      %run_scoped3A = tpu.sem_alloc : memref<!tpu.dma_semaphore, #tpu.memory_space<semaphore_mem>>
      %dma_start3A_145 = tpu.memref_slice %arg3[%add3A_4] : memref<6144xi32, #tpu.memory_space<hbm>> -> memref<24xi32, #tpu.memory_space<hbm>>
      %dma_start3A_146 = tpu.memref_slice %arg3[%add3A_4] : memref<6144xi32, #tpu.memory_space<hbm>> -> memref<24xi32, #tpu.memory_space<hbm>>
      tpu.enqueue_dma source(%dma_start3A_146 : memref<24xi32, #tpu.memory_space<hbm>>) target(%arg5 : memref<24xi32, #tpu.memory_space<vmem>>) target_semaphore(%run_scoped3A : memref<!tpu.dma_semaphore, #tpu.memory_space<semaphore_mem>>)
      %dma_wait3A_147 = tpu.memref_slice %arg3[%add3A_4] : memref<6144xi32, #tpu.memory_space<hbm>> -> memref<24xi32, #tpu.memory_space<hbm>>
      %dma_wait3A_148 = tpu.memref_slice %arg3[%add3A_4] : memref<6144xi32, #tpu.memory_space<hbm>> -> memref<24xi32, #tpu.memory_space<hbm>>
      tpu.wait_dma2 semaphore(%run_scoped3A : memref<!tpu.dma_semaphore, #tpu.memory_space<semaphore_mem>>) src(%dma_wait3A_148 : memref<24xi32, #tpu.memory_space<hbm>>) dst(%arg5 : memref<24xi32, #tpu.memory_space<vmem>>)
      tpu.yield
    }) : () -> ()
    %add3A_5 = arith.constant 24 : i32
    %add3A_6 = arith.addi %mul3A_2, %add3A_5 : i32
    "tpu.region"() ({
      %run_scoped3A = tpu.sem_alloc : memref<!tpu.dma_semaphore, #tpu.memory_space<semaphore_mem>>
      %dma_start3A_145 = tpu.memref_slice %arg3[%add3A_6] : memref<6144xi32, #tpu.memory_space<hbm>> -> memref<24xi32, #tpu.memory_space<hbm>>
      %dma_start3A_146 = tpu.memref_slice %arg3[%add3A_6] : memref<6144xi32, #tpu.memory_space<hbm>> -> memref<24xi32, #tpu.memory_space<hbm>>
      tpu.enqueue_dma source(%dma_start3A_146 : memref<24xi32, #tpu.memory_space<hbm>>) target(%arg6 : memref<24xi32, #tpu.memory_space<vmem>>) target_semaphore(%run_scoped3A : memref<!tpu.dma_semaphore, #tpu.memory_space<semaphore_mem>>)
      %dma_wait3A_147 = tpu.memref_slice %arg3[%add3A_6] : memref<6144xi32, #tpu.memory_space<hbm>> -> memref<24xi32, #tpu.memory_space<hbm>>
      %dma_wait3A_148 = tpu.memref_slice %arg3[%add3A_6] : memref<6144xi32, #tpu.memory_space<hbm>> -> memref<24xi32, #tpu.memory_space<hbm>>
      tpu.wait_dma2 semaphore(%run_scoped3A : memref<!tpu.dma_semaphore, #tpu.memory_space<semaphore_mem>>) src(%dma_wait3A_148 : memref<24xi32, #tpu.memory_space<hbm>>) dst(%arg6 : memref<24xi32, #tpu.memory_space<vmem>>)
      tpu.yield
    }) : () -> ()
    %add3A_7 = arith.constant 48 : i32
    %add3A_8 = arith.addi %mul3A_2, %add3A_7 : i32
    "tpu.region"() ({
      %run_scoped3A = tpu.sem_alloc : memref<!tpu.dma_semaphore, #tpu.memory_space<semaphore_mem>>
      %dma_start3A_145 = tpu.memref_slice %arg3[%add3A_8] : memref<6144xi32, #tpu.memory_space<hbm>> -> memref<24xi32, #tpu.memory_space<hbm>>
      %dma_start3A_146 = tpu.memref_slice %arg3[%add3A_8] : memref<6144xi32, #tpu.memory_space<hbm>> -> memref<24xi32, #tpu.memory_space<hbm>>
      tpu.enqueue_dma source(%dma_start3A_146 : memref<24xi32, #tpu.memory_space<hbm>>) target(%arg7 : memref<24xi32, #tpu.memory_space<vmem>>) target_semaphore(%run_scoped3A : memref<!tpu.dma_semaphore, #tpu.memory_space<semaphore_mem>>)
      %dma_wait3A_147 = tpu.memref_slice %arg3[%add3A_8] : memref<6144xi32, #tpu.memory_space<hbm>> -> memref<24xi32, #tpu.memory_space<hbm>>
      %dma_wait3A_148 = tpu.memref_slice %arg3[%add3A_8] : memref<6144xi32, #tpu.memory_space<hbm>> -> memref<24xi32, #tpu.memory_space<hbm>>
      tpu.wait_dma2 semaphore(%run_scoped3A : memref<!tpu.dma_semaphore, #tpu.memory_space<semaphore_mem>>) src(%dma_wait3A_148 : memref<24xi32, #tpu.memory_space<hbm>>) dst(%arg7 : memref<24xi32, #tpu.memory_space<vmem>>)
      tpu.yield
    }) : () -> ()
    %add3A_9 = arith.constant 72 : i32
    %add3A_10 = arith.addi %mul3A_2, %add3A_9 : i32
    "tpu.region"() ({
      %run_scoped3A = tpu.sem_alloc : memref<!tpu.dma_semaphore, #tpu.memory_space<semaphore_mem>>
      %dma_start3A_145 = tpu.memref_slice %arg3[%add3A_10] : memref<6144xi32, #tpu.memory_space<hbm>> -> memref<24xi32, #tpu.memory_space<hbm>>
      %dma_start3A_146 = tpu.memref_slice %arg3[%add3A_10] : memref<6144xi32, #tpu.memory_space<hbm>> -> memref<24xi32, #tpu.memory_space<hbm>>
      tpu.enqueue_dma source(%dma_start3A_146 : memref<24xi32, #tpu.memory_space<hbm>>) target(%arg8 : memref<24xi32, #tpu.memory_space<vmem>>) target_semaphore(%run_scoped3A : memref<!tpu.dma_semaphore, #tpu.memory_space<semaphore_mem>>)
      %dma_wait3A_147 = tpu.memref_slice %arg3[%add3A_10] : memref<6144xi32, #tpu.memory_space<hbm>> -> memref<24xi32, #tpu.memory_space<hbm>>
      %dma_wait3A_148 = tpu.memref_slice %arg3[%add3A_10] : memref<6144xi32, #tpu.memory_space<hbm>> -> memref<24xi32, #tpu.memory_space<hbm>>
      tpu.wait_dma2 semaphore(%run_scoped3A : memref<!tpu.dma_semaphore, #tpu.memory_space<semaphore_mem>>) src(%dma_wait3A_148 : memref<24xi32, #tpu.memory_space<hbm>>) dst(%arg8 : memref<24xi32, #tpu.memory_space<vmem>>)
      tpu.yield
    }) : () -> ()
    %add3A_11 = arith.constant 96 : i32
    %add3A_12 = arith.addi %mul3A_2, %add3A_11 : i32
    "tpu.region"() ({
      %run_scoped3A = tpu.sem_alloc : memref<!tpu.dma_semaphore, #tpu.memory_space<semaphore_mem>>
      %dma_start3A_145 = tpu.memref_slice %arg3[%add3A_12] : memref<6144xi32, #tpu.memory_space<hbm>> -> memref<24xi32, #tpu.memory_space<hbm>>
      %dma_start3A_146 = tpu.memref_slice %arg3[%add3A_12] : memref<6144xi32, #tpu.memory_space<hbm>> -> memref<24xi32, #tpu.memory_space<hbm>>
      tpu.enqueue_dma source(%dma_start3A_146 : memref<24xi32, #tpu.memory_space<hbm>>) target(%arg9 : memref<24xi32, #tpu.memory_space<vmem>>) target_semaphore(%run_scoped3A : memref<!tpu.dma_semaphore, #tpu.memory_space<semaphore_mem>>)
      %dma_wait3A_147 = tpu.memref_slice %arg3[%add3A_12] : memref<6144xi32, #tpu.memory_space<hbm>> -> memref<24xi32, #tpu.memory_space<hbm>>
      %dma_wait3A_148 = tpu.memref_slice %arg3[%add3A_12] : memref<6144xi32, #tpu.memory_space<hbm>> -> memref<24xi32, #tpu.memory_space<hbm>>
      tpu.wait_dma2 semaphore(%run_scoped3A : memref<!tpu.dma_semaphore, #tpu.memory_space<semaphore_mem>>) src(%dma_wait3A_148 : memref<24xi32, #tpu.memory_space<hbm>>) dst(%arg9 : memref<24xi32, #tpu.memory_space<vmem>>)
      tpu.yield
    }) : () -> ()
    %add3A_13 = arith.constant 120 : i32
    %add3A_14 = arith.addi %mul3A_2, %add3A_13 : i32
    "tpu.region"() ({
      %run_scoped3A = tpu.sem_alloc : memref<!tpu.dma_semaphore, #tpu.memory_space<semaphore_mem>>
      %dma_start3A_145 = tpu.memref_slice %arg3[%add3A_14] : memref<6144xi32, #tpu.memory_space<hbm>> -> memref<24xi32, #tpu.memory_space<hbm>>
      %dma_start3A_146 = tpu.memref_slice %arg3[%add3A_14] : memref<6144xi32, #tpu.memory_space<hbm>> -> memref<24xi32, #tpu.memory_space<hbm>>
      tpu.enqueue_dma source(%dma_start3A_146 : memref<24xi32, #tpu.memory_space<hbm>>) target(%arg10 : memref<24xi32, #tpu.memory_space<vmem>>) target_semaphore(%run_scoped3A : memref<!tpu.dma_semaphore, #tpu.memory_space<semaphore_mem>>)
      %dma_wait3A_147 = tpu.memref_slice %arg3[%add3A_14] : memref<6144xi32, #tpu.memory_space<hbm>> -> memref<24xi32, #tpu.memory_space<hbm>>
      %dma_wait3A_148 = tpu.memref_slice %arg3[%add3A_14] : memref<6144xi32, #tpu.memory_space<hbm>> -> memref<24xi32, #tpu.memory_space<hbm>>
      tpu.wait_dma2 semaphore(%run_scoped3A : memref<!tpu.dma_semaphore, #tpu.memory_space<semaphore_mem>>) src(%dma_wait3A_148 : memref<24xi32, #tpu.memory_space<hbm>>) dst(%arg10 : memref<24xi32, #tpu.memory_space<vmem>>)
      tpu.yield
    }) : () -> ()
    %add3A_15 = arith.constant 144 : i32
    %add3A_16 = arith.addi %mul3A_2, %add3A_15 : i32
    "tpu.region"() ({
      %run_scoped3A = tpu.sem_alloc : memref<!tpu.dma_semaphore, #tpu.memory_space<semaphore_mem>>
      %dma_start3A_145 = tpu.memref_slice %arg3[%add3A_16] : memref<6144xi32, #tpu.memory_space<hbm>> -> memref<24xi32, #tpu.memory_space<hbm>>
      %dma_start3A_146 = tpu.memref_slice %arg3[%add3A_16] : memref<6144xi32, #tpu.memory_space<hbm>> -> memref<24xi32, #tpu.memory_space<hbm>>
      tpu.enqueue_dma source(%dma_start3A_146 : memref<24xi32, #tpu.memory_space<hbm>>) target(%arg11 : memref<24xi32, #tpu.memory_space<vmem>>) target_semaphore(%run_scoped3A : memref<!tpu.dma_semaphore, #tpu.memory_space<semaphore_mem>>)
      %dma_wait3A_147 = tpu.memref_slice %arg3[%add3A_16] : memref<6144xi32, #tpu.memory_space<hbm>> -> memref<24xi32, #tpu.memory_space<hbm>>
      %dma_wait3A_148 = tpu.memref_slice %arg3[%add3A_16] : memref<6144xi32, #tpu.memory_space<hbm>> -> memref<24xi32, #tpu.memory_space<hbm>>
      tpu.wait_dma2 semaphore(%run_scoped3A : memref<!tpu.dma_semaphore, #tpu.memory_space<semaphore_mem>>) src(%dma_wait3A_148 : memref<24xi32, #tpu.memory_space<hbm>>) dst(%arg11 : memref<24xi32, #tpu.memory_space<vmem>>)
      tpu.yield
    }) : () -> ()
    %add3A_17 = arith.constant 168 : i32
    %add3A_18 = arith.addi %mul3A_2, %add3A_17 : i32
    "tpu.region"() ({
      %run_scoped3A = tpu.sem_alloc : memref<!tpu.dma_semaphore, #tpu.memory_space<semaphore_mem>>
      %dma_start3A_145 = tpu.memref_slice %arg3[%add3A_18] : memref<6144xi32, #tpu.memory_space<hbm>> -> memref<24xi32, #tpu.memory_space<hbm>>
      %dma_start3A_146 = tpu.memref_slice %arg3[%add3A_18] : memref<6144xi32, #tpu.memory_space<hbm>> -> memref<24xi32, #tpu.memory_space<hbm>>
      tpu.enqueue_dma source(%dma_start3A_146 : memref<24xi32, #tpu.memory_space<hbm>>) target(%arg12 : memref<24xi32, #tpu.memory_space<vmem>>) target_semaphore(%run_scoped3A : memref<!tpu.dma_semaphore, #tpu.memory_space<semaphore_mem>>)
      %dma_wait3A_147 = tpu.memref_slice %arg3[%add3A_18] : memref<6144xi32, #tpu.memory_space<hbm>> -> memref<24xi32, #tpu.memory_space<hbm>>
      %dma_wait3A_148 = tpu.memref_slice %arg3[%add3A_18] : memref<6144xi32, #tpu.memory_space<hbm>> -> memref<24xi32, #tpu.memory_space<hbm>>
      tpu.wait_dma2 semaphore(%run_scoped3A : memref<!tpu.dma_semaphore, #tpu.memory_space<semaphore_mem>>) src(%dma_wait3A_148 : memref<24xi32, #tpu.memory_space<hbm>>) dst(%arg12 : memref<24xi32, #tpu.memory_space<vmem>>)
      tpu.yield
    }) : () -> ()
    %dma_start3A = arith.constant 0 : i32
    %dma_start3A_19 = arith.constant 0 : i32
    %dma_start3A_20 = tpu.memref_slice %arg2[%dma_start3A, %dma_start3A_19] : memref<2048x1024xf32, #tpu.memory_space<hbm>> -> memref<2048x1024xf32, #tpu.memory_space<hbm>>
    tpu.enqueue_indirect_dma source(%dma_start3A_20 : memref<2048x1024xf32, #tpu.memory_space<hbm>>) target(%arg13 : memref<24x1024xf32, #tpu.memory_space<vmem>>) offsets(%arg5 : memref<24xi32, #tpu.memory_space<vmem>>) semaphore(%arg17 : memref<!tpu.dma_semaphore, #tpu.memory_space<semaphore_mem>>)
    %dma_start3A_21 = arith.constant 0 : i32
    %dma_start3A_22 = arith.constant 0 : i32
    %dma_start3A_23 = tpu.memref_slice %arg2[%dma_start3A_21, %dma_start3A_22] : memref<2048x1024xf32, #tpu.memory_space<hbm>> -> memref<2048x1024xf32, #tpu.memory_space<hbm>>
    tpu.enqueue_indirect_dma source(%dma_start3A_23 : memref<2048x1024xf32, #tpu.memory_space<hbm>>) target(%arg14 : memref<24x1024xf32, #tpu.memory_space<vmem>>) offsets(%arg6 : memref<24xi32, #tpu.memory_space<vmem>>) semaphore(%arg18 : memref<!tpu.dma_semaphore, #tpu.memory_space<semaphore_mem>>)
    %dma_start3A_24 = arith.constant 0 : i32
    %dma_start3A_25 = arith.constant 0 : i32
    %dma_start3A_26 = tpu.memref_slice %arg2[%dma_start3A_24, %dma_start3A_25] : memref<2048x1024xf32, #tpu.memory_space<hbm>> -> memref<2048x1024xf32, #tpu.memory_space<hbm>>
    tpu.enqueue_indirect_dma source(%dma_start3A_26 : memref<2048x1024xf32, #tpu.memory_space<hbm>>) target(%arg15 : memref<24x1024xf32, #tpu.memory_space<vmem>>) offsets(%arg7 : memref<24xi32, #tpu.memory_space<vmem>>) semaphore(%arg19 : memref<!tpu.dma_semaphore, #tpu.memory_space<semaphore_mem>>)
    %dma_start3A_27 = arith.constant 0 : i32
    %dma_start3A_28 = arith.constant 0 : i32
    %dma_start3A_29 = tpu.memref_slice %arg2[%dma_start3A_27, %dma_start3A_28] : memref<2048x1024xf32, #tpu.memory_space<hbm>> -> memref<2048x1024xf32, #tpu.memory_space<hbm>>
    tpu.enqueue_indirect_dma source(%dma_start3A_29 : memref<2048x1024xf32, #tpu.memory_space<hbm>>) target(%arg16 : memref<24x1024xf32, #tpu.memory_space<vmem>>) offsets(%arg8 : memref<24xi32, #tpu.memory_space<vmem>>) semaphore(%arg20 : memref<!tpu.dma_semaphore, #tpu.memory_space<semaphore_mem>>)
    %dma_wait3A = arith.constant 0 : i32
    %dma_wait3A_30 = arith.constant 0 : i32
    %dma_wait3A_31 = tpu.memref_slice %arg2[%dma_wait3A, %dma_wait3A_30] : memref<2048x1024xf32, #tpu.memory_space<hbm>> -> memref<2048x1024xf32, #tpu.memory_space<hbm>>
    tpu.wait_indirect_dma semaphore(%arg17 : memref<!tpu.dma_semaphore, #tpu.memory_space<semaphore_mem>>) src(%dma_wait3A_31 : memref<2048x1024xf32, #tpu.memory_space<hbm>>) dst(%arg13 : memref<24x1024xf32, #tpu.memory_space<vmem>>)
    %add3A_32 = arith.constant 0 : i32
    %add3A_33 = arith.addi %mul3A_2, %add3A_32 : i32
    %dma_start3A_34 = arith.constant 0 : i32
    %dma_start3A_35 = tpu.memref_slice %arg4[%add3A_33, %dma_start3A_34] : memref<6144x1024xf32, #tpu.memory_space<hbm>> -> memref<24x1024xf32, #tpu.memory_space<hbm>>
    %dma_start3A_36 = arith.constant 0 : i32
    %dma_start3A_37 = tpu.memref_slice %arg4[%add3A_33, %dma_start3A_36] : memref<6144x1024xf32, #tpu.memory_space<hbm>> -> memref<24x1024xf32, #tpu.memory_space<hbm>>
    tpu.enqueue_dma source(%arg13 : memref<24x1024xf32, #tpu.memory_space<vmem>>) target(%dma_start3A_37 : memref<24x1024xf32, #tpu.memory_space<hbm>>) target_semaphore(%arg21 : memref<!tpu.dma_semaphore, #tpu.memory_space<semaphore_mem>>)
    %dma_wait3A_38 = arith.constant 0 : i32
    %dma_wait3A_39 = tpu.memref_slice %arg4[%add3A_33, %dma_wait3A_38] : memref<6144x1024xf32, #tpu.memory_space<hbm>> -> memref<24x1024xf32, #tpu.memory_space<hbm>>
    %dma_wait3A_40 = arith.constant 0 : i32
    %dma_wait3A_41 = tpu.memref_slice %arg4[%add3A_33, %dma_wait3A_40] : memref<6144x1024xf32, #tpu.memory_space<hbm>> -> memref<24x1024xf32, #tpu.memory_space<hbm>>
    tpu.wait_dma2 semaphore(%arg21 : memref<!tpu.dma_semaphore, #tpu.memory_space<semaphore_mem>>) src(%arg13 : memref<24x1024xf32, #tpu.memory_space<vmem>>) dst(%dma_wait3A_41 : memref<24x1024xf32, #tpu.memory_space<hbm>>)
    %dma_start3A_42 = arith.constant 0 : i32
    %dma_start3A_43 = arith.constant 0 : i32
    %dma_start3A_44 = tpu.memref_slice %arg2[%dma_start3A_42, %dma_start3A_43] : memref<2048x1024xf32, #tpu.memory_space<hbm>> -> memref<2048x1024xf32, #tpu.memory_space<hbm>>
    tpu.enqueue_indirect_dma source(%dma_start3A_44 : memref<2048x1024xf32, #tpu.memory_space<hbm>>) target(%arg13 : memref<24x1024xf32, #tpu.memory_space<vmem>>) offsets(%arg9 : memref<24xi32, #tpu.memory_space<vmem>>) semaphore(%arg17 : memref<!tpu.dma_semaphore, #tpu.memory_space<semaphore_mem>>)
    %dma_wait3A_45 = arith.constant 0 : i32
    %dma_wait3A_46 = arith.constant 0 : i32
    %dma_wait3A_47 = tpu.memref_slice %arg2[%dma_wait3A_45, %dma_wait3A_46] : memref<2048x1024xf32, #tpu.memory_space<hbm>> -> memref<2048x1024xf32, #tpu.memory_space<hbm>>
    tpu.wait_indirect_dma semaphore(%arg18 : memref<!tpu.dma_semaphore, #tpu.memory_space<semaphore_mem>>) src(%dma_wait3A_47 : memref<2048x1024xf32, #tpu.memory_space<hbm>>) dst(%arg14 : memref<24x1024xf32, #tpu.memory_space<vmem>>)
    %add3A_48 = arith.constant 24 : i32
    %add3A_49 = arith.addi %mul3A_2, %add3A_48 : i32
    %dma_start3A_50 = arith.constant 0 : i32
    %dma_start3A_51 = tpu.memref_slice %arg4[%add3A_49, %dma_start3A_50] : memref<6144x1024xf32, #tpu.memory_space<hbm>> -> memref<24x1024xf32, #tpu.memory_space<hbm>>
    %dma_start3A_52 = arith.constant 0 : i32
    %dma_start3A_53 = tpu.memref_slice %arg4[%add3A_49, %dma_start3A_52] : memref<6144x1024xf32, #tpu.memory_space<hbm>> -> memref<24x1024xf32, #tpu.memory_space<hbm>>
    tpu.enqueue_dma source(%arg14 : memref<24x1024xf32, #tpu.memory_space<vmem>>) target(%dma_start3A_53 : memref<24x1024xf32, #tpu.memory_space<hbm>>) target_semaphore(%arg22 : memref<!tpu.dma_semaphore, #tpu.memory_space<semaphore_mem>>)
    %dma_wait3A_54 = arith.constant 0 : i32
    %dma_wait3A_55 = tpu.memref_slice %arg4[%add3A_49, %dma_wait3A_54] : memref<6144x1024xf32, #tpu.memory_space<hbm>> -> memref<24x1024xf32, #tpu.memory_space<hbm>>
    %dma_wait3A_56 = arith.constant 0 : i32
    %dma_wait3A_57 = tpu.memref_slice %arg4[%add3A_49, %dma_wait3A_56] : memref<6144x1024xf32, #tpu.memory_space<hbm>> -> memref<24x1024xf32, #tpu.memory_space<hbm>>
    tpu.wait_dma2 semaphore(%arg22 : memref<!tpu.dma_semaphore, #tpu.memory_space<semaphore_mem>>) src(%arg14 : memref<24x1024xf32, #tpu.memory_space<vmem>>) dst(%dma_wait3A_57 : memref<24x1024xf32, #tpu.memory_space<hbm>>)
    %dma_start3A_58 = arith.constant 0 : i32
    %dma_start3A_59 = arith.constant 0 : i32
    %dma_start3A_60 = tpu.memref_slice %arg2[%dma_start3A_58, %dma_start3A_59] : memref<2048x1024xf32, #tpu.memory_space<hbm>> -> memref<2048x1024xf32, #tpu.memory_space<hbm>>
    tpu.enqueue_indirect_dma source(%dma_start3A_60 : memref<2048x1024xf32, #tpu.memory_space<hbm>>) target(%arg14 : memref<24x1024xf32, #tpu.memory_space<vmem>>) offsets(%arg10 : memref<24xi32, #tpu.memory_space<vmem>>) semaphore(%arg18 : memref<!tpu.dma_semaphore, #tpu.memory_space<semaphore_mem>>)
    %dma_wait3A_61 = arith.constant 0 : i32
    %dma_wait3A_62 = arith.constant 0 : i32
    %dma_wait3A_63 = tpu.memref_slice %arg2[%dma_wait3A_61, %dma_wait3A_62] : memref<2048x1024xf32, #tpu.memory_space<hbm>> -> memref<2048x1024xf32, #tpu.memory_space<hbm>>
    tpu.wait_indirect_dma semaphore(%arg19 : memref<!tpu.dma_semaphore, #tpu.memory_space<semaphore_mem>>) src(%dma_wait3A_63 : memref<2048x1024xf32, #tpu.memory_space<hbm>>) dst(%arg15 : memref<24x1024xf32, #tpu.memory_space<vmem>>)
    %add3A_64 = arith.constant 48 : i32
    %add3A_65 = arith.addi %mul3A_2, %add3A_64 : i32
    %dma_start3A_66 = arith.constant 0 : i32
    %dma_start3A_67 = tpu.memref_slice %arg4[%add3A_65, %dma_start3A_66] : memref<6144x1024xf32, #tpu.memory_space<hbm>> -> memref<24x1024xf32, #tpu.memory_space<hbm>>
    %dma_start3A_68 = arith.constant 0 : i32
    %dma_start3A_69 = tpu.memref_slice %arg4[%add3A_65, %dma_start3A_68] : memref<6144x1024xf32, #tpu.memory_space<hbm>> -> memref<24x1024xf32, #tpu.memory_space<hbm>>
    tpu.enqueue_dma source(%arg15 : memref<24x1024xf32, #tpu.memory_space<vmem>>) target(%dma_start3A_69 : memref<24x1024xf32, #tpu.memory_space<hbm>>) target_semaphore(%arg23 : memref<!tpu.dma_semaphore, #tpu.memory_space<semaphore_mem>>)
    %dma_wait3A_70 = arith.constant 0 : i32
    %dma_wait3A_71 = tpu.memref_slice %arg4[%add3A_65, %dma_wait3A_70] : memref<6144x1024xf32, #tpu.memory_space<hbm>> -> memref<24x1024xf32, #tpu.memory_space<hbm>>
    %dma_wait3A_72 = arith.constant 0 : i32
    %dma_wait3A_73 = tpu.memref_slice %arg4[%add3A_65, %dma_wait3A_72] : memref<6144x1024xf32, #tpu.memory_space<hbm>> -> memref<24x1024xf32, #tpu.memory_space<hbm>>
    tpu.wait_dma2 semaphore(%arg23 : memref<!tpu.dma_semaphore, #tpu.memory_space<semaphore_mem>>) src(%arg15 : memref<24x1024xf32, #tpu.memory_space<vmem>>) dst(%dma_wait3A_73 : memref<24x1024xf32, #tpu.memory_space<hbm>>)
    %dma_start3A_74 = arith.constant 0 : i32
    %dma_start3A_75 = arith.constant 0 : i32
    %dma_start3A_76 = tpu.memref_slice %arg2[%dma_start3A_74, %dma_start3A_75] : memref<2048x1024xf32, #tpu.memory_space<hbm>> -> memref<2048x1024xf32, #tpu.memory_space<hbm>>
    tpu.enqueue_indirect_dma source(%dma_start3A_76 : memref<2048x1024xf32, #tpu.memory_space<hbm>>) target(%arg15 : memref<24x1024xf32, #tpu.memory_space<vmem>>) offsets(%arg11 : memref<24xi32, #tpu.memory_space<vmem>>) semaphore(%arg19 : memref<!tpu.dma_semaphore, #tpu.memory_space<semaphore_mem>>)
    %dma_wait3A_77 = arith.constant 0 : i32
    %dma_wait3A_78 = arith.constant 0 : i32
    %dma_wait3A_79 = tpu.memref_slice %arg2[%dma_wait3A_77, %dma_wait3A_78] : memref<2048x1024xf32, #tpu.memory_space<hbm>> -> memref<2048x1024xf32, #tpu.memory_space<hbm>>
    tpu.wait_indirect_dma semaphore(%arg20 : memref<!tpu.dma_semaphore, #tpu.memory_space<semaphore_mem>>) src(%dma_wait3A_79 : memref<2048x1024xf32, #tpu.memory_space<hbm>>) dst(%arg16 : memref<24x1024xf32, #tpu.memory_space<vmem>>)
    %add3A_80 = arith.constant 72 : i32
    %add3A_81 = arith.addi %mul3A_2, %add3A_80 : i32
    %dma_start3A_82 = arith.constant 0 : i32
    %dma_start3A_83 = tpu.memref_slice %arg4[%add3A_81, %dma_start3A_82] : memref<6144x1024xf32, #tpu.memory_space<hbm>> -> memref<24x1024xf32, #tpu.memory_space<hbm>>
    %dma_start3A_84 = arith.constant 0 : i32
    %dma_start3A_85 = tpu.memref_slice %arg4[%add3A_81, %dma_start3A_84] : memref<6144x1024xf32, #tpu.memory_space<hbm>> -> memref<24x1024xf32, #tpu.memory_space<hbm>>
    tpu.enqueue_dma source(%arg16 : memref<24x1024xf32, #tpu.memory_space<vmem>>) target(%dma_start3A_85 : memref<24x1024xf32, #tpu.memory_space<hbm>>) target_semaphore(%arg24 : memref<!tpu.dma_semaphore, #tpu.memory_space<semaphore_mem>>)
    %dma_wait3A_86 = arith.constant 0 : i32
    %dma_wait3A_87 = tpu.memref_slice %arg4[%add3A_81, %dma_wait3A_86] : memref<6144x1024xf32, #tpu.memory_space<hbm>> -> memref<24x1024xf32, #tpu.memory_space<hbm>>
    %dma_wait3A_88 = arith.constant 0 : i32
    %dma_wait3A_89 = tpu.memref_slice %arg4[%add3A_81, %dma_wait3A_88] : memref<6144x1024xf32, #tpu.memory_space<hbm>> -> memref<24x1024xf32, #tpu.memory_space<hbm>>
    tpu.wait_dma2 semaphore(%arg24 : memref<!tpu.dma_semaphore, #tpu.memory_space<semaphore_mem>>) src(%arg16 : memref<24x1024xf32, #tpu.memory_space<vmem>>) dst(%dma_wait3A_89 : memref<24x1024xf32, #tpu.memory_space<hbm>>)
    %dma_start3A_90 = arith.constant 0 : i32
    %dma_start3A_91 = arith.constant 0 : i32
    %dma_start3A_92 = tpu.memref_slice %arg2[%dma_start3A_90, %dma_start3A_91] : memref<2048x1024xf32, #tpu.memory_space<hbm>> -> memref<2048x1024xf32, #tpu.memory_space<hbm>>
    tpu.enqueue_indirect_dma source(%dma_start3A_92 : memref<2048x1024xf32, #tpu.memory_space<hbm>>) target(%arg16 : memref<24x1024xf32, #tpu.memory_space<vmem>>) offsets(%arg12 : memref<24xi32, #tpu.memory_space<vmem>>) semaphore(%arg20 : memref<!tpu.dma_semaphore, #tpu.memory_space<semaphore_mem>>)
    %dma_wait3A_93 = arith.constant 0 : i32
    %dma_wait3A_94 = arith.constant 0 : i32
    %dma_wait3A_95 = tpu.memref_slice %arg2[%dma_wait3A_93, %dma_wait3A_94] : memref<2048x1024xf32, #tpu.memory_space<hbm>> -> memref<2048x1024xf32, #tpu.memory_space<hbm>>
    tpu.wait_indirect_dma semaphore(%arg17 : memref<!tpu.dma_semaphore, #tpu.memory_space<semaphore_mem>>) src(%dma_wait3A_95 : memref<2048x1024xf32, #tpu.memory_space<hbm>>) dst(%arg13 : memref<24x1024xf32, #tpu.memory_space<vmem>>)
    %add3A_96 = arith.constant 96 : i32
    %add3A_97 = arith.addi %mul3A_2, %add3A_96 : i32
    %dma_start3A_98 = arith.constant 0 : i32
    %dma_start3A_99 = tpu.memref_slice %arg4[%add3A_97, %dma_start3A_98] : memref<6144x1024xf32, #tpu.memory_space<hbm>> -> memref<24x1024xf32, #tpu.memory_space<hbm>>
    %dma_start3A_100 = arith.constant 0 : i32
    %dma_start3A_101 = tpu.memref_slice %arg4[%add3A_97, %dma_start3A_100] : memref<6144x1024xf32, #tpu.memory_space<hbm>> -> memref<24x1024xf32, #tpu.memory_space<hbm>>
    tpu.enqueue_dma source(%arg13 : memref<24x1024xf32, #tpu.memory_space<vmem>>) target(%dma_start3A_101 : memref<24x1024xf32, #tpu.memory_space<hbm>>) target_semaphore(%arg21 : memref<!tpu.dma_semaphore, #tpu.memory_space<semaphore_mem>>)
    %dma_wait3A_102 = arith.constant 0 : i32
    %dma_wait3A_103 = arith.constant 0 : i32
    %dma_wait3A_104 = tpu.memref_slice %arg2[%dma_wait3A_102, %dma_wait3A_103] : memref<2048x1024xf32, #tpu.memory_space<hbm>> -> memref<2048x1024xf32, #tpu.memory_space<hbm>>
    tpu.wait_indirect_dma semaphore(%arg18 : memref<!tpu.dma_semaphore, #tpu.memory_space<semaphore_mem>>) src(%dma_wait3A_104 : memref<2048x1024xf32, #tpu.memory_space<hbm>>) dst(%arg14 : memref<24x1024xf32, #tpu.memory_space<vmem>>)
    %add3A_105 = arith.constant 120 : i32
    %add3A_106 = arith.addi %mul3A_2, %add3A_105 : i32
    %dma_start3A_107 = arith.constant 0 : i32
    %dma_start3A_108 = tpu.memref_slice %arg4[%add3A_106, %dma_start3A_107] : memref<6144x1024xf32, #tpu.memory_space<hbm>> -> memref<24x1024xf32, #tpu.memory_space<hbm>>
    %dma_start3A_109 = arith.constant 0 : i32
    %dma_start3A_110 = tpu.memref_slice %arg4[%add3A_106, %dma_start3A_109] : memref<6144x1024xf32, #tpu.memory_space<hbm>> -> memref<24x1024xf32, #tpu.memory_space<hbm>>
    tpu.enqueue_dma source(%arg14 : memref<24x1024xf32, #tpu.memory_space<vmem>>) target(%dma_start3A_110 : memref<24x1024xf32, #tpu.memory_space<hbm>>) target_semaphore(%arg22 : memref<!tpu.dma_semaphore, #tpu.memory_space<semaphore_mem>>)
    %dma_wait3A_111 = arith.constant 0 : i32
    %dma_wait3A_112 = arith.constant 0 : i32
    %dma_wait3A_113 = tpu.memref_slice %arg2[%dma_wait3A_111, %dma_wait3A_112] : memref<2048x1024xf32, #tpu.memory_space<hbm>> -> memref<2048x1024xf32, #tpu.memory_space<hbm>>
    tpu.wait_indirect_dma semaphore(%arg19 : memref<!tpu.dma_semaphore, #tpu.memory_space<semaphore_mem>>) src(%dma_wait3A_113 : memref<2048x1024xf32, #tpu.memory_space<hbm>>) dst(%arg15 : memref<24x1024xf32, #tpu.memory_space<vmem>>)
    %add3A_114 = arith.constant 144 : i32
    %add3A_115 = arith.addi %mul3A_2, %add3A_114 : i32
    %dma_start3A_116 = arith.constant 0 : i32
    %dma_start3A_117 = tpu.memref_slice %arg4[%add3A_115, %dma_start3A_116] : memref<6144x1024xf32, #tpu.memory_space<hbm>> -> memref<24x1024xf32, #tpu.memory_space<hbm>>
    %dma_start3A_118 = arith.constant 0 : i32
    %dma_start3A_119 = tpu.memref_slice %arg4[%add3A_115, %dma_start3A_118] : memref<6144x1024xf32, #tpu.memory_space<hbm>> -> memref<24x1024xf32, #tpu.memory_space<hbm>>
    tpu.enqueue_dma source(%arg15 : memref<24x1024xf32, #tpu.memory_space<vmem>>) target(%dma_start3A_119 : memref<24x1024xf32, #tpu.memory_space<hbm>>) target_semaphore(%arg23 : memref<!tpu.dma_semaphore, #tpu.memory_space<semaphore_mem>>)
    %dma_wait3A_120 = arith.constant 0 : i32
    %dma_wait3A_121 = arith.constant 0 : i32
    %dma_wait3A_122 = tpu.memref_slice %arg2[%dma_wait3A_120, %dma_wait3A_121] : memref<2048x1024xf32, #tpu.memory_space<hbm>> -> memref<2048x1024xf32, #tpu.memory_space<hbm>>
    tpu.wait_indirect_dma semaphore(%arg20 : memref<!tpu.dma_semaphore, #tpu.memory_space<semaphore_mem>>) src(%dma_wait3A_122 : memref<2048x1024xf32, #tpu.memory_space<hbm>>) dst(%arg16 : memref<24x1024xf32, #tpu.memory_space<vmem>>)
    %add3A_123 = arith.constant 168 : i32
    %add3A_124 = arith.addi %mul3A_2, %add3A_123 : i32
    %dma_start3A_125 = arith.constant 0 : i32
    %dma_start3A_126 = tpu.memref_slice %arg4[%add3A_124, %dma_start3A_125] : memref<6144x1024xf32, #tpu.memory_space<hbm>> -> memref<24x1024xf32, #tpu.memory_space<hbm>>
    %dma_start3A_127 = arith.constant 0 : i32
    %dma_start3A_128 = tpu.memref_slice %arg4[%add3A_124, %dma_start3A_127] : memref<6144x1024xf32, #tpu.memory_space<hbm>> -> memref<24x1024xf32, #tpu.memory_space<hbm>>
    tpu.enqueue_dma source(%arg16 : memref<24x1024xf32, #tpu.memory_space<vmem>>) target(%dma_start3A_128 : memref<24x1024xf32, #tpu.memory_space<hbm>>) target_semaphore(%arg24 : memref<!tpu.dma_semaphore, #tpu.memory_space<semaphore_mem>>)
    %dma_wait3A_129 = arith.constant 0 : i32
    %dma_wait3A_130 = tpu.memref_slice %arg4[%add3A_97, %dma_wait3A_129] : memref<6144x1024xf32, #tpu.memory_space<hbm>> -> memref<24x1024xf32, #tpu.memory_space<hbm>>
    %dma_wait3A_131 = arith.constant 0 : i32
    %dma_wait3A_132 = tpu.memref_slice %arg4[%add3A_97, %dma_wait3A_131] : memref<6144x1024xf32, #tpu.memory_space<hbm>> -> memref<24x1024xf32, #tpu.memory_space<hbm>>
    tpu.wait_dma2 semaphore(%arg21 : memref<!tpu.dma_semaphore, #tpu.memory_space<semaphore_mem>>) src(%arg13 : memref<24x1024xf32, #tpu.memory_space<vmem>>) dst(%dma_wait3A_132 : memref<24x1024xf32, #tpu.memory_space<hbm>>)
    %dma_wait3A_133 = arith.constant 0 : i32
    %dma_wait3A_134 = tpu.memref_slice %arg4[%add3A_106, %dma_wait3A_133] : memref<6144x1024xf32, #tpu.memory_space<hbm>> -> memref<24x1024xf32, #tpu.memory_space<hbm>>
    %dma_wait3A_135 = arith.constant 0 : i32
    %dma_wait3A_136 = tpu.memref_slice %arg4[%add3A_106, %dma_wait3A_135] : memref<6144x1024xf32, #tpu.memory_space<hbm>> -> memref<24x1024xf32, #tpu.memory_space<hbm>>
    tpu.wait_dma2 semaphore(%arg22 : memref<!tpu.dma_semaphore, #tpu.memory_space<semaphore_mem>>) src(%arg14 : memref<24x1024xf32, #tpu.memory_space<vmem>>) dst(%dma_wait3A_136 : memref<24x1024xf32, #tpu.memory_space<hbm>>)
    %dma_wait3A_137 = arith.constant 0 : i32
    %dma_wait3A_138 = tpu.memref_slice %arg4[%add3A_115, %dma_wait3A_137] : memref<6144x1024xf32, #tpu.memory_space<hbm>> -> memref<24x1024xf32, #tpu.memory_space<hbm>>
    %dma_wait3A_139 = arith.constant 0 : i32
    %dma_wait3A_140 = tpu.memref_slice %arg4[%add3A_115, %dma_wait3A_139] : memref<6144x1024xf32, #tpu.memory_space<hbm>> -> memref<24x1024xf32, #tpu.memory_space<hbm>>
    tpu.wait_dma2 semaphore(%arg23 : memref<!tpu.dma_semaphore, #tpu.memory_space<semaphore_mem>>) src(%arg15 : memref<24x1024xf32, #tpu.memory_space<vmem>>) dst(%dma_wait3A_140 : memref<24x1024xf32, #tpu.memory_space<hbm>>)
    %dma_wait3A_141 = arith.constant 0 : i32
    %dma_wait3A_142 = tpu.memref_slice %arg4[%add3A_124, %dma_wait3A_141] : memref<6144x1024xf32, #tpu.memory_space<hbm>> -> memref<24x1024xf32, #tpu.memory_space<hbm>>
    %dma_wait3A_143 = arith.constant 0 : i32
    %dma_wait3A_144 = tpu.memref_slice %arg4[%add3A_124, %dma_wait3A_143] : memref<6144x1024xf32, #tpu.memory_space<hbm>> -> memref<24x1024xf32, #tpu.memory_space<hbm>>
    tpu.wait_dma2 semaphore(%arg24 : memref<!tpu.dma_semaphore, #tpu.memory_space<semaphore_mem>>) src(%arg16 : memref<24x1024xf32, #tpu.memory_space<vmem>>) dst(%dma_wait3A_144 : memref<24x1024xf32, #tpu.memory_space<hbm>>)
    return
  }
}

#map = affine_map<(d0, d1) -> (0, 0)>
#map1 = affine_map<(d0, d1) -> (0)>
module attributes {stable_mosaic.version = 14 : i64} {
  func.func @k(%arg0: i32, %arg1: i32, %arg2: memref<6144x1024xf32, #tpu.memory_space<hbm>>, %arg3: memref<2048xi32, #tpu.memory_space<hbm>>, %arg4: memref<2048xi32, #tpu.memory_space<hbm>>, %arg5: memref<2048x1024xf32, #tpu.memory_space<hbm>>, %arg6: memref<32xi32, #tpu.memory_space<vmem>>, %arg7: memref<32xi32, #tpu.memory_space<vmem>>, %arg8: memref<32x1024xf32, #tpu.memory_space<vmem>>, %arg9: memref<32x1024xf32, #tpu.memory_space<vmem>>, %arg10: memref<!tpu.dma_semaphore, #tpu.memory_space<semaphore_mem>>, %arg11: memref<!tpu.dma_semaphore, #tpu.memory_space<semaphore_mem>>) attributes {dimension_semantics = [#tpu.dimension_semantics<core_parallel>, #tpu.dimension_semantics<subcore_parallel>], iteration_bounds = array<i64: 2, 16>, scalar_prefetch = 0 : i64, scratch_operands = 6 : i64, tpu.core_type = #tpu.core_type<sc_vector_subcore>, window_params = [{transform_indices = #map}, {transform_indices = #map1}, {transform_indices = #map1}, {transform_indices = #map}]} {
    %mul3A = arith.constant 2 : i32
    %mul3A_0 = arith.muli %arg1, %mul3A : i32
    %add3A = arith.addi %mul3A_0, %arg0 : i32
    %mul3A_1 = arith.constant 64 : i32
    %mul3A_2 = arith.muli %add3A, %mul3A_1 : i32
    %scan3A = arith.constant 0 : i32
    %scan3A_3 = arith.constant 0 : i32
    %scan3A_4 = arith.constant 2 : i32
    %scan3A_5 = arith.addi %scan3A_3, %scan3A_4 : i32
    %scan3A_6 = arith.constant 1 : i32
    %scan3A_7 = scf.for %scan3A_9 = %scan3A_3 to %scan3A_5 step %scan3A_6 iter_args(%scan3A_10 = %scan3A) -> (i32)  : i32 {
      %mul3A_11 = arith.constant 32 : i32
      %mul3A_12 = arith.muli %scan3A_9, %mul3A_11 : i32
      %add3A_13 = arith.addi %mul3A_2, %mul3A_12 : i32
      "tpu.region"() ({
        %run_scoped3A = tpu.sem_alloc : memref<!tpu.dma_semaphore, #tpu.memory_space<semaphore_mem>>
        %dma_start3A_32 = tpu.memref_slice %arg3[%add3A_13] : memref<2048xi32, #tpu.memory_space<hbm>> -> memref<32xi32, #tpu.memory_space<hbm>>
        %dma_start3A_33 = tpu.memref_slice %arg3[%add3A_13] : memref<2048xi32, #tpu.memory_space<hbm>> -> memref<32xi32, #tpu.memory_space<hbm>>
        tpu.enqueue_dma source(%dma_start3A_33 : memref<32xi32, #tpu.memory_space<hbm>>) target(%arg6 : memref<32xi32, #tpu.memory_space<vmem>>) target_semaphore(%run_scoped3A : memref<!tpu.dma_semaphore, #tpu.memory_space<semaphore_mem>>)
        %dma_wait3A_34 = tpu.memref_slice %arg3[%add3A_13] : memref<2048xi32, #tpu.memory_space<hbm>> -> memref<32xi32, #tpu.memory_space<hbm>>
        %dma_wait3A_35 = tpu.memref_slice %arg3[%add3A_13] : memref<2048xi32, #tpu.memory_space<hbm>> -> memref<32xi32, #tpu.memory_space<hbm>>
        tpu.wait_dma2 semaphore(%run_scoped3A : memref<!tpu.dma_semaphore, #tpu.memory_space<semaphore_mem>>) src(%dma_wait3A_35 : memref<32xi32, #tpu.memory_space<hbm>>) dst(%arg6 : memref<32xi32, #tpu.memory_space<vmem>>)
        tpu.yield
      }) : () -> ()
      "tpu.region"() ({
        %run_scoped3A = tpu.sem_alloc : memref<!tpu.dma_semaphore, #tpu.memory_space<semaphore_mem>>
        %dma_start3A_32 = tpu.memref_slice %arg4[%add3A_13] : memref<2048xi32, #tpu.memory_space<hbm>> -> memref<32xi32, #tpu.memory_space<hbm>>
        %dma_start3A_33 = tpu.memref_slice %arg4[%add3A_13] : memref<2048xi32, #tpu.memory_space<hbm>> -> memref<32xi32, #tpu.memory_space<hbm>>
        tpu.enqueue_dma source(%dma_start3A_33 : memref<32xi32, #tpu.memory_space<hbm>>) target(%arg7 : memref<32xi32, #tpu.memory_space<vmem>>) target_semaphore(%run_scoped3A : memref<!tpu.dma_semaphore, #tpu.memory_space<semaphore_mem>>)
        %dma_wait3A_34 = tpu.memref_slice %arg4[%add3A_13] : memref<2048xi32, #tpu.memory_space<hbm>> -> memref<32xi32, #tpu.memory_space<hbm>>
        %dma_wait3A_35 = tpu.memref_slice %arg4[%add3A_13] : memref<2048xi32, #tpu.memory_space<hbm>> -> memref<32xi32, #tpu.memory_space<hbm>>
        tpu.wait_dma2 semaphore(%run_scoped3A : memref<!tpu.dma_semaphore, #tpu.memory_space<semaphore_mem>>) src(%dma_wait3A_35 : memref<32xi32, #tpu.memory_space<hbm>>) dst(%arg7 : memref<32xi32, #tpu.memory_space<vmem>>)
        tpu.yield
      }) : () -> ()
      %dma_start3A = arith.constant 0 : i32
      %dma_start3A_14 = arith.constant 0 : i32
      %dma_start3A_15 = tpu.memref_slice %arg2[%dma_start3A, %dma_start3A_14] : memref<6144x1024xf32, #tpu.memory_space<hbm>> -> memref<6144x1024xf32, #tpu.memory_space<hbm>>
      tpu.enqueue_indirect_dma source(%dma_start3A_15 : memref<6144x1024xf32, #tpu.memory_space<hbm>>) target(%arg8 : memref<32x1024xf32, #tpu.memory_space<vmem>>) offsets(%arg6 : memref<32xi32, #tpu.memory_space<vmem>>) semaphore(%arg10 : memref<!tpu.dma_semaphore, #tpu.memory_space<semaphore_mem>>)
      %dma_start3A_16 = arith.constant 0 : i32
      %dma_start3A_17 = arith.constant 0 : i32
      %dma_start3A_18 = tpu.memref_slice %arg2[%dma_start3A_16, %dma_start3A_17] : memref<6144x1024xf32, #tpu.memory_space<hbm>> -> memref<6144x1024xf32, #tpu.memory_space<hbm>>
      tpu.enqueue_indirect_dma source(%dma_start3A_18 : memref<6144x1024xf32, #tpu.memory_space<hbm>>) target(%arg9 : memref<32x1024xf32, #tpu.memory_space<vmem>>) offsets(%arg7 : memref<32xi32, #tpu.memory_space<vmem>>) semaphore(%arg11 : memref<!tpu.dma_semaphore, #tpu.memory_space<semaphore_mem>>)
      %dma_wait3A = arith.constant 0 : i32
      %dma_wait3A_19 = arith.constant 0 : i32
      %dma_wait3A_20 = tpu.memref_slice %arg2[%dma_wait3A, %dma_wait3A_19] : memref<6144x1024xf32, #tpu.memory_space<hbm>> -> memref<6144x1024xf32, #tpu.memory_space<hbm>>
      tpu.wait_indirect_dma semaphore(%arg10 : memref<!tpu.dma_semaphore, #tpu.memory_space<semaphore_mem>>) src(%dma_wait3A_20 : memref<6144x1024xf32, #tpu.memory_space<hbm>>) dst(%arg8 : memref<32x1024xf32, #tpu.memory_space<vmem>>)
      %dma_wait3A_21 = arith.constant 0 : i32
      %dma_wait3A_22 = arith.constant 0 : i32
      %dma_wait3A_23 = tpu.memref_slice %arg2[%dma_wait3A_21, %dma_wait3A_22] : memref<6144x1024xf32, #tpu.memory_space<hbm>> -> memref<6144x1024xf32, #tpu.memory_space<hbm>>
      tpu.wait_indirect_dma semaphore(%arg11 : memref<!tpu.dma_semaphore, #tpu.memory_space<semaphore_mem>>) src(%dma_wait3A_23 : memref<6144x1024xf32, #tpu.memory_space<hbm>>) dst(%arg9 : memref<32x1024xf32, #tpu.memory_space<vmem>>)
      %scan3A_24 = arith.constant 0 : i32
      %scan3A_25 = arith.constant 0 : i32
      %scan3A_26 = arith.constant 32 : i32
      %scan3A_27 = arith.addi %scan3A_25, %scan3A_26 : i32
      %scan3A_28 = arith.constant 1 : i32
      %scan3A_29 = scf.for %scan3A_32 = %scan3A_25 to %scan3A_27 step %scan3A_28 iter_args(%scan3A_33 = %scan3A_24) -> (i32)  : i32 {
        %get3A = arith.index_cast %scan3A_32 : i32 to index
        %get3A_34 = arith.constant 0 : index
        %get3A_35 = tpu.vector_load %arg8[%get3A, %get3A_34] {strides = array<i32>} : memref<32x1024xf32, #tpu.memory_space<vmem>>, vector<1x16xf32>,
        %get3A_36 = vector.shape_cast %get3A_35 : vector<1x16xf32> to vector<16xf32>
        %get3A_37 = arith.index_cast %scan3A_32 : i32 to index
        %get3A_38 = arith.constant 0 : index
        %get3A_39 = tpu.vector_load %arg9[%get3A_37, %get3A_38] {strides = array<i32>} : memref<32x1024xf32, #tpu.memory_space<vmem>>, vector<1x16xf32>,
        %get3A_40 = vector.shape_cast %get3A_39 : vector<1x16xf32> to vector<16xf32>
        %add3A_41 = arith.addf %get3A_36, %get3A_40 : vector<16xf32>
        %swap3A = arith.index_cast %scan3A_32 : i32 to index
        %swap3A_42 = arith.constant 0 : index
        %swap3A_43 = tpu.vector_load %arg8[%swap3A, %swap3A_42] {strides = array<i32>} : memref<32x1024xf32, #tpu.memory_space<vmem>>, vector<1x16xf32>,
        %swap3A_44 = vector.shape_cast %swap3A_43 : vector<1x16xf32> to vector<16xf32>
        %swap3A_45 = vector.shape_cast %add3A_41 : vector<16xf32> to vector<1x16xf32>
        tpu.vector_store %arg8[%swap3A, %swap3A_42], %swap3A_45 {strides = array<i32>} : memref<32x1024xf32, #tpu.memory_space<vmem>>, vector<1x16xf32>,
        %get3A_46 = arith.index_cast %scan3A_32 : i32 to index
        %get3A_47 = arith.constant 16 : index
        %get3A_48 = tpu.vector_load %arg8[%get3A_46, %get3A_47] {strides = array<i32>} : memref<32x1024xf32, #tpu.memory_space<vmem>>, vector<1x16xf32>,
        %get3A_49 = vector.shape_cast %get3A_48 : vector<1x16xf32> to vector<16xf32>
        %get3A_50 = arith.index_cast %scan3A_32 : i32 to index
        %get3A_51 = arith.constant 16 : index
        %get3A_52 = tpu.vector_load %arg9[%get3A_50, %get3A_51] {strides = array<i32>} : memref<32x1024xf32, #tpu.memory_space<vmem>>, vector<1x16xf32>,
        %get3A_53 = vector.shape_cast %get3A_52 : vector<1x16xf32> to vector<16xf32>
        %add3A_54 = arith.addf %get3A_49, %get3A_53 : vector<16xf32>
        %swap3A_55 = arith.index_cast %scan3A_32 : i32 to index
        %swap3A_56 = arith.constant 16 : index
        %swap3A_57 = tpu.vector_load %arg8[%swap3A_55, %swap3A_56] {strides = array<i32>} : memref<32x1024xf32, #tpu.memory_space<vmem>>, vector<1x16xf32>,
        %swap3A_58 = vector.shape_cast %swap3A_57 : vector<1x16xf32> to vector<16xf32>
        %swap3A_59 = vector.shape_cast %add3A_54 : vector<16xf32> to vector<1x16xf32>
        tpu.vector_store %arg8[%swap3A_55, %swap3A_56], %swap3A_59 {strides = array<i32>} : memref<32x1024xf32, #tpu.memory_space<vmem>>, vector<1x16xf32>,
        %get3A_60 = arith.index_cast %scan3A_32 : i32 to index
        %get3A_61 = arith.constant 32 : index
        %get3A_62 = tpu.vector_load %arg8[%get3A_60, %get3A_61] {strides = array<i32>} : memref<32x1024xf32, #tpu.memory_space<vmem>>, vector<1x16xf32>,
        %get3A_63 = vector.shape_cast %get3A_62 : vector<1x16xf32> to vector<16xf32>
        %get3A_64 = arith.index_cast %scan3A_32 : i32 to index
        %get3A_65 = arith.constant 32 : index
        %get3A_66 = tpu.vector_load %arg9[%get3A_64, %get3A_65] {strides = array<i32>} : memref<32x1024xf32, #tpu.memory_space<vmem>>, vector<1x16xf32>,
        %get3A_67 = vector.shape_cast %get3A_66 : vector<1x16xf32> to vector<16xf32>
        %add3A_68 = arith.addf %get3A_63, %get3A_67 : vector<16xf32>
        %swap3A_69 = arith.index_cast %scan3A_32 : i32 to index
        %swap3A_70 = arith.constant 32 : index
        %swap3A_71 = tpu.vector_load %arg8[%swap3A_69, %swap3A_70] {strides = array<i32>} : memref<32x1024xf32, #tpu.memory_space<vmem>>, vector<1x16xf32>,
        %swap3A_72 = vector.shape_cast %swap3A_71 : vector<1x16xf32> to vector<16xf32>
        %swap3A_73 = vector.shape_cast %add3A_68 : vector<16xf32> to vector<1x16xf32>
        tpu.vector_store %arg8[%swap3A_69, %swap3A_70], %swap3A_73 {strides = array<i32>} : memref<32x1024xf32, #tpu.memory_space<vmem>>, vector<1x16xf32>,
        %get3A_74 = arith.index_cast %scan3A_32 : i32 to index
        %get3A_75 = arith.constant 48 : index
        %get3A_76 = tpu.vector_load %arg8[%get3A_74, %get3A_75] {strides = array<i32>} : memref<32x1024xf32, #tpu.memory_space<vmem>>, vector<1x16xf32>,
        %get3A_77 = vector.shape_cast %get3A_76 : vector<1x16xf32> to vector<16xf32>
        %get3A_78 = arith.index_cast %scan3A_32 : i32 to index
        %get3A_79 = arith.constant 48 : index
        %get3A_80 = tpu.vector_load %arg9[%get3A_78, %get3A_79] {strides = array<i32>} : memref<32x1024xf32, #tpu.memory_space<vmem>>, vector<1x16xf32>,
        %get3A_81 = vector.shape_cast %get3A_80 : vector<1x16xf32> to vector<16xf32>
        %add3A_82 = arith.addf %get3A_77, %get3A_81 : vector<16xf32>
        %swap3A_83 = arith.index_cast %scan3A_32 : i32 to index
        %swap3A_84 = arith.constant 48 : index
        %swap3A_85 = tpu.vector_load %arg8[%swap3A_83, %swap3A_84] {strides = array<i32>} : memref<32x1024xf32, #tpu.memory_space<vmem>>, vector<1x16xf32>,
        %swap3A_86 = vector.shape_cast %swap3A_85 : vector<1x16xf32> to vector<16xf32>
        %swap3A_87 = vector.shape_cast %add3A_82 : vector<16xf32> to vector<1x16xf32>
        tpu.vector_store %arg8[%swap3A_83, %swap3A_84], %swap3A_87 {strides = array<i32>} : memref<32x1024xf32, #tpu.memory_space<vmem>>, vector<1x16xf32>,
        %get3A_88 = arith.index_cast %scan3A_32 : i32 to index
        %get3A_89 = arith.constant 64 : index
        %get3A_90 = tpu.vector_load %arg8[%get3A_88, %get3A_89] {strides = array<i32>} : memref<32x1024xf32, #tpu.memory_space<vmem>>, vector<1x16xf32>,
        %get3A_91 = vector.shape_cast %get3A_90 : vector<1x16xf32> to vector<16xf32>
        %get3A_92 = arith.index_cast %scan3A_32 : i32 to index
        %get3A_93 = arith.constant 64 : index
        %get3A_94 = tpu.vector_load %arg9[%get3A_92, %get3A_93] {strides = array<i32>} : memref<32x1024xf32, #tpu.memory_space<vmem>>, vector<1x16xf32>,
        %get3A_95 = vector.shape_cast %get3A_94 : vector<1x16xf32> to vector<16xf32>
        %add3A_96 = arith.addf %get3A_91, %get3A_95 : vector<16xf32>
        %swap3A_97 = arith.index_cast %scan3A_32 : i32 to index
        %swap3A_98 = arith.constant 64 : index
        %swap3A_99 = tpu.vector_load %arg8[%swap3A_97, %swap3A_98] {strides = array<i32>} : memref<32x1024xf32, #tpu.memory_space<vmem>>, vector<1x16xf32>,
        %swap3A_100 = vector.shape_cast %swap3A_99 : vector<1x16xf32> to vector<16xf32>
        %swap3A_101 = vector.shape_cast %add3A_96 : vector<16xf32> to vector<1x16xf32>
        tpu.vector_store %arg8[%swap3A_97, %swap3A_98], %swap3A_101 {strides = array<i32>} : memref<32x1024xf32, #tpu.memory_space<vmem>>, vector<1x16xf32>,
        %get3A_102 = arith.index_cast %scan3A_32 : i32 to index
        %get3A_103 = arith.constant 80 : index
        %get3A_104 = tpu.vector_load %arg8[%get3A_102, %get3A_103] {strides = array<i32>} : memref<32x1024xf32, #tpu.memory_space<vmem>>, vector<1x16xf32>,
        %get3A_105 = vector.shape_cast %get3A_104 : vector<1x16xf32> to vector<16xf32>
        %get3A_106 = arith.index_cast %scan3A_32 : i32 to index
        %get3A_107 = arith.constant 80 : index
        %get3A_108 = tpu.vector_load %arg9[%get3A_106, %get3A_107] {strides = array<i32>} : memref<32x1024xf32, #tpu.memory_space<vmem>>, vector<1x16xf32>,
        %get3A_109 = vector.shape_cast %get3A_108 : vector<1x16xf32> to vector<16xf32>
        %add3A_110 = arith.addf %get3A_105, %get3A_109 : vector<16xf32>
        %swap3A_111 = arith.index_cast %scan3A_32 : i32 to index
        %swap3A_112 = arith.constant 80 : index
        %swap3A_113 = tpu.vector_load %arg8[%swap3A_111, %swap3A_112] {strides = array<i32>} : memref<32x1024xf32, #tpu.memory_space<vmem>>, vector<1x16xf32>,
        %swap3A_114 = vector.shape_cast %swap3A_113 : vector<1x16xf32> to vector<16xf32>
        %swap3A_115 = vector.shape_cast %add3A_110 : vector<16xf32> to vector<1x16xf32>
        tpu.vector_store %arg8[%swap3A_111, %swap3A_112], %swap3A_115 {strides = array<i32>} : memref<32x1024xf32, #tpu.memory_space<vmem>>, vector<1x16xf32>,
        %get3A_116 = arith.index_cast %scan3A_32 : i32 to index
        %get3A_117 = arith.constant 96 : index
        %get3A_118 = tpu.vector_load %arg8[%get3A_116, %get3A_117] {strides = array<i32>} : memref<32x1024xf32, #tpu.memory_space<vmem>>, vector<1x16xf32>,
        %get3A_119 = vector.shape_cast %get3A_118 : vector<1x16xf32> to vector<16xf32>
        %get3A_120 = arith.index_cast %scan3A_32 : i32 to index
        %get3A_121 = arith.constant 96 : index
        %get3A_122 = tpu.vector_load %arg9[%get3A_120, %get3A_121] {strides = array<i32>} : memref<32x1024xf32, #tpu.memory_space<vmem>>, vector<1x16xf32>,
        %get3A_123 = vector.shape_cast %get3A_122 : vector<1x16xf32> to vector<16xf32>
        %add3A_124 = arith.addf %get3A_119, %get3A_123 : vector<16xf32>
        %swap3A_125 = arith.index_cast %scan3A_32 : i32 to index
        %swap3A_126 = arith.constant 96 : index
        %swap3A_127 = tpu.vector_load %arg8[%swap3A_125, %swap3A_126] {strides = array<i32>} : memref<32x1024xf32, #tpu.memory_space<vmem>>, vector<1x16xf32>,
        %swap3A_128 = vector.shape_cast %swap3A_127 : vector<1x16xf32> to vector<16xf32>
        %swap3A_129 = vector.shape_cast %add3A_124 : vector<16xf32> to vector<1x16xf32>
        tpu.vector_store %arg8[%swap3A_125, %swap3A_126], %swap3A_129 {strides = array<i32>} : memref<32x1024xf32, #tpu.memory_space<vmem>>, vector<1x16xf32>,
        %get3A_130 = arith.index_cast %scan3A_32 : i32 to index
        %get3A_131 = arith.constant 112 : index
        %get3A_132 = tpu.vector_load %arg8[%get3A_130, %get3A_131] {strides = array<i32>} : memref<32x1024xf32, #tpu.memory_space<vmem>>, vector<1x16xf32>,
        %get3A_133 = vector.shape_cast %get3A_132 : vector<1x16xf32> to vector<16xf32>
        %get3A_134 = arith.index_cast %scan3A_32 : i32 to index
        %get3A_135 = arith.constant 112 : index
        %get3A_136 = tpu.vector_load %arg9[%get3A_134, %get3A_135] {strides = array<i32>} : memref<32x1024xf32, #tpu.memory_space<vmem>>, vector<1x16xf32>,
        %get3A_137 = vector.shape_cast %get3A_136 : vector<1x16xf32> to vector<16xf32>
        %add3A_138 = arith.addf %get3A_133, %get3A_137 : vector<16xf32>
        %swap3A_139 = arith.index_cast %scan3A_32 : i32 to index
        %swap3A_140 = arith.constant 112 : index
        %swap3A_141 = tpu.vector_load %arg8[%swap3A_139, %swap3A_140] {strides = array<i32>} : memref<32x1024xf32, #tpu.memory_space<vmem>>, vector<1x16xf32>,
        %swap3A_142 = vector.shape_cast %swap3A_141 : vector<1x16xf32> to vector<16xf32>
        %swap3A_143 = vector.shape_cast %add3A_138 : vector<16xf32> to vector<1x16xf32>
        tpu.vector_store %arg8[%swap3A_139, %swap3A_140], %swap3A_143 {strides = array<i32>} : memref<32x1024xf32, #tpu.memory_space<vmem>>, vector<1x16xf32>,
        %get3A_144 = arith.index_cast %scan3A_32 : i32 to index
        %get3A_145 = arith.constant 128 : index
        %get3A_146 = tpu.vector_load %arg8[%get3A_144, %get3A_145] {strides = array<i32>} : memref<32x1024xf32, #tpu.memory_space<vmem>>, vector<1x16xf32>,
        %get3A_147 = vector.shape_cast %get3A_146 : vector<1x16xf32> to vector<16xf32>
        %get3A_148 = arith.index_cast %scan3A_32 : i32 to index
        %get3A_149 = arith.constant 128 : index
        %get3A_150 = tpu.vector_load %arg9[%get3A_148, %get3A_149] {strides = array<i32>} : memref<32x1024xf32, #tpu.memory_space<vmem>>, vector<1x16xf32>,
        %get3A_151 = vector.shape_cast %get3A_150 : vector<1x16xf32> to vector<16xf32>
        %add3A_152 = arith.addf %get3A_147, %get3A_151 : vector<16xf32>
        %swap3A_153 = arith.index_cast %scan3A_32 : i32 to index
        %swap3A_154 = arith.constant 128 : index
        %swap3A_155 = tpu.vector_load %arg8[%swap3A_153, %swap3A_154] {strides = array<i32>} : memref<32x1024xf32, #tpu.memory_space<vmem>>, vector<1x16xf32>,
        %swap3A_156 = vector.shape_cast %swap3A_155 : vector<1x16xf32> to vector<16xf32>
        %swap3A_157 = vector.shape_cast %add3A_152 : vector<16xf32> to vector<1x16xf32>
        tpu.vector_store %arg8[%swap3A_153, %swap3A_154], %swap3A_157 {strides = array<i32>} : memref<32x1024xf32, #tpu.memory_space<vmem>>, vector<1x16xf32>,
        %get3A_158 = arith.index_cast %scan3A_32 : i32 to index
        %get3A_159 = arith.constant 144 : index
        %get3A_160 = tpu.vector_load %arg8[%get3A_158, %get3A_159] {strides = array<i32>} : memref<32x1024xf32, #tpu.memory_space<vmem>>, vector<1x16xf32>,
        %get3A_161 = vector.shape_cast %get3A_160 : vector<1x16xf32> to vector<16xf32>
        %get3A_162 = arith.index_cast %scan3A_32 : i32 to index
        %get3A_163 = arith.constant 144 : index
        %get3A_164 = tpu.vector_load %arg9[%get3A_162, %get3A_163] {strides = array<i32>} : memref<32x1024xf32, #tpu.memory_space<vmem>>, vector<1x16xf32>,
        %get3A_165 = vector.shape_cast %get3A_164 : vector<1x16xf32> to vector<16xf32>
        %add3A_166 = arith.addf %get3A_161, %get3A_165 : vector<16xf32>
        %swap3A_167 = arith.index_cast %scan3A_32 : i32 to index
        %swap3A_168 = arith.constant 144 : index
        %swap3A_169 = tpu.vector_load %arg8[%swap3A_167, %swap3A_168] {strides = array<i32>} : memref<32x1024xf32, #tpu.memory_space<vmem>>, vector<1x16xf32>,
        %swap3A_170 = vector.shape_cast %swap3A_169 : vector<1x16xf32> to vector<16xf32>
        %swap3A_171 = vector.shape_cast %add3A_166 : vector<16xf32> to vector<1x16xf32>
        tpu.vector_store %arg8[%swap3A_167, %swap3A_168], %swap3A_171 {strides = array<i32>} : memref<32x1024xf32, #tpu.memory_space<vmem>>, vector<1x16xf32>,
        %get3A_172 = arith.index_cast %scan3A_32 : i32 to index
        %get3A_173 = arith.constant 160 : index
        %get3A_174 = tpu.vector_load %arg8[%get3A_172, %get3A_173] {strides = array<i32>} : memref<32x1024xf32, #tpu.memory_space<vmem>>, vector<1x16xf32>,
        %get3A_175 = vector.shape_cast %get3A_174 : vector<1x16xf32> to vector<16xf32>
        %get3A_176 = arith.index_cast %scan3A_32 : i32 to index
        %get3A_177 = arith.constant 160 : index
        %get3A_178 = tpu.vector_load %arg9[%get3A_176, %get3A_177] {strides = array<i32>} : memref<32x1024xf32, #tpu.memory_space<vmem>>, vector<1x16xf32>,
        %get3A_179 = vector.shape_cast %get3A_178 : vector<1x16xf32> to vector<16xf32>
        %add3A_180 = arith.addf %get3A_175, %get3A_179 : vector<16xf32>
        %swap3A_181 = arith.index_cast %scan3A_32 : i32 to index
        %swap3A_182 = arith.constant 160 : index
        %swap3A_183 = tpu.vector_load %arg8[%swap3A_181, %swap3A_182] {strides = array<i32>} : memref<32x1024xf32, #tpu.memory_space<vmem>>, vector<1x16xf32>,
        %swap3A_184 = vector.shape_cast %swap3A_183 : vector<1x16xf32> to vector<16xf32>
        %swap3A_185 = vector.shape_cast %add3A_180 : vector<16xf32> to vector<1x16xf32>
        tpu.vector_store %arg8[%swap3A_181, %swap3A_182], %swap3A_185 {strides = array<i32>} : memref<32x1024xf32, #tpu.memory_space<vmem>>, vector<1x16xf32>,
        %get3A_186 = arith.index_cast %scan3A_32 : i32 to index
        %get3A_187 = arith.constant 176 : index
        %get3A_188 = tpu.vector_load %arg8[%get3A_186, %get3A_187] {strides = array<i32>} : memref<32x1024xf32, #tpu.memory_space<vmem>>, vector<1x16xf32>,
        %get3A_189 = vector.shape_cast %get3A_188 : vector<1x16xf32> to vector<16xf32>
        %get3A_190 = arith.index_cast %scan3A_32 : i32 to index
        %get3A_191 = arith.constant 176 : index
        %get3A_192 = tpu.vector_load %arg9[%get3A_190, %get3A_191] {strides = array<i32>} : memref<32x1024xf32, #tpu.memory_space<vmem>>, vector<1x16xf32>,
        %get3A_193 = vector.shape_cast %get3A_192 : vector<1x16xf32> to vector<16xf32>
        %add3A_194 = arith.addf %get3A_189, %get3A_193 : vector<16xf32>
        %swap3A_195 = arith.index_cast %scan3A_32 : i32 to index
        %swap3A_196 = arith.constant 176 : index
        %swap3A_197 = tpu.vector_load %arg8[%swap3A_195, %swap3A_196] {strides = array<i32>} : memref<32x1024xf32, #tpu.memory_space<vmem>>, vector<1x16xf32>,
        %swap3A_198 = vector.shape_cast %swap3A_197 : vector<1x16xf32> to vector<16xf32>
        %swap3A_199 = vector.shape_cast %add3A_194 : vector<16xf32> to vector<1x16xf32>
        tpu.vector_store %arg8[%swap3A_195, %swap3A_196], %swap3A_199 {strides = array<i32>} : memref<32x1024xf32, #tpu.memory_space<vmem>>, vector<1x16xf32>,
        %get3A_200 = arith.index_cast %scan3A_32 : i32 to index
        %get3A_201 = arith.constant 192 : index
        %get3A_202 = tpu.vector_load %arg8[%get3A_200, %get3A_201] {strides = array<i32>} : memref<32x1024xf32, #tpu.memory_space<vmem>>, vector<1x16xf32>,
        %get3A_203 = vector.shape_cast %get3A_202 : vector<1x16xf32> to vector<16xf32>
        %get3A_204 = arith.index_cast %scan3A_32 : i32 to index
        %get3A_205 = arith.constant 192 : index
        %get3A_206 = tpu.vector_load %arg9[%get3A_204, %get3A_205] {strides = array<i32>} : memref<32x1024xf32, #tpu.memory_space<vmem>>, vector<1x16xf32>,
        %get3A_207 = vector.shape_cast %get3A_206 : vector<1x16xf32> to vector<16xf32>
        %add3A_208 = arith.addf %get3A_203, %get3A_207 : vector<16xf32>
        %swap3A_209 = arith.index_cast %scan3A_32 : i32 to index
        %swap3A_210 = arith.constant 192 : index
        %swap3A_211 = tpu.vector_load %arg8[%swap3A_209, %swap3A_210] {strides = array<i32>} : memref<32x1024xf32, #tpu.memory_space<vmem>>, vector<1x16xf32>,
        %swap3A_212 = vector.shape_cast %swap3A_211 : vector<1x16xf32> to vector<16xf32>
        %swap3A_213 = vector.shape_cast %add3A_208 : vector<16xf32> to vector<1x16xf32>
        tpu.vector_store %arg8[%swap3A_209, %swap3A_210], %swap3A_213 {strides = array<i32>} : memref<32x1024xf32, #tpu.memory_space<vmem>>, vector<1x16xf32>,
        %get3A_214 = arith.index_cast %scan3A_32 : i32 to index
        %get3A_215 = arith.constant 208 : index
        %get3A_216 = tpu.vector_load %arg8[%get3A_214, %get3A_215] {strides = array<i32>} : memref<32x1024xf32, #tpu.memory_space<vmem>>, vector<1x16xf32>,
        %get3A_217 = vector.shape_cast %get3A_216 : vector<1x16xf32> to vector<16xf32>
        %get3A_218 = arith.index_cast %scan3A_32 : i32 to index
        %get3A_219 = arith.constant 208 : index
        %get3A_220 = tpu.vector_load %arg9[%get3A_218, %get3A_219] {strides = array<i32>} : memref<32x1024xf32, #tpu.memory_space<vmem>>, vector<1x16xf32>,
        %get3A_221 = vector.shape_cast %get3A_220 : vector<1x16xf32> to vector<16xf32>
        %add3A_222 = arith.addf %get3A_217, %get3A_221 : vector<16xf32>
        %swap3A_223 = arith.index_cast %scan3A_32 : i32 to index
        %swap3A_224 = arith.constant 208 : index
        %swap3A_225 = tpu.vector_load %arg8[%swap3A_223, %swap3A_224] {strides = array<i32>} : memref<32x1024xf32, #tpu.memory_space<vmem>>, vector<1x16xf32>,
        %swap3A_226 = vector.shape_cast %swap3A_225 : vector<1x16xf32> to vector<16xf32>
        %swap3A_227 = vector.shape_cast %add3A_222 : vector<16xf32> to vector<1x16xf32>
        tpu.vector_store %arg8[%swap3A_223, %swap3A_224], %swap3A_227 {strides = array<i32>} : memref<32x1024xf32, #tpu.memory_space<vmem>>, vector<1x16xf32>,
        %get3A_228 = arith.index_cast %scan3A_32 : i32 to index
        %get3A_229 = arith.constant 224 : index
        %get3A_230 = tpu.vector_load %arg8[%get3A_228, %get3A_229] {strides = array<i32>} : memref<32x1024xf32, #tpu.memory_space<vmem>>, vector<1x16xf32>,
        %get3A_231 = vector.shape_cast %get3A_230 : vector<1x16xf32> to vector<16xf32>
        %get3A_232 = arith.index_cast %scan3A_32 : i32 to index
        %get3A_233 = arith.constant 224 : index
        %get3A_234 = tpu.vector_load %arg9[%get3A_232, %get3A_233] {strides = array<i32>} : memref<32x1024xf32, #tpu.memory_space<vmem>>, vector<1x16xf32>,
        %get3A_235 = vector.shape_cast %get3A_234 : vector<1x16xf32> to vector<16xf32>
        %add3A_236 = arith.addf %get3A_231, %get3A_235 : vector<16xf32>
        %swap3A_237 = arith.index_cast %scan3A_32 : i32 to index
        %swap3A_238 = arith.constant 224 : index
        %swap3A_239 = tpu.vector_load %arg8[%swap3A_237, %swap3A_238] {strides = array<i32>} : memref<32x1024xf32, #tpu.memory_space<vmem>>, vector<1x16xf32>,
        %swap3A_240 = vector.shape_cast %swap3A_239 : vector<1x16xf32> to vector<16xf32>
        %swap3A_241 = vector.shape_cast %add3A_236 : vector<16xf32> to vector<1x16xf32>
        tpu.vector_store %arg8[%swap3A_237, %swap3A_238], %swap3A_241 {strides = array<i32>} : memref<32x1024xf32, #tpu.memory_space<vmem>>, vector<1x16xf32>,
        %get3A_242 = arith.index_cast %scan3A_32 : i32 to index
        %get3A_243 = arith.constant 240 : index
        %get3A_244 = tpu.vector_load %arg8[%get3A_242, %get3A_243] {strides = array<i32>} : memref<32x1024xf32, #tpu.memory_space<vmem>>, vector<1x16xf32>,
        %get3A_245 = vector.shape_cast %get3A_244 : vector<1x16xf32> to vector<16xf32>
        %get3A_246 = arith.index_cast %scan3A_32 : i32 to index
        %get3A_247 = arith.constant 240 : index
        %get3A_248 = tpu.vector_load %arg9[%get3A_246, %get3A_247] {strides = array<i32>} : memref<32x1024xf32, #tpu.memory_space<vmem>>, vector<1x16xf32>,
        %get3A_249 = vector.shape_cast %get3A_248 : vector<1x16xf32> to vector<16xf32>
        %add3A_250 = arith.addf %get3A_245, %get3A_249 : vector<16xf32>
        %swap3A_251 = arith.index_cast %scan3A_32 : i32 to index
        %swap3A_252 = arith.constant 240 : index
        %swap3A_253 = tpu.vector_load %arg8[%swap3A_251, %swap3A_252] {strides = array<i32>} : memref<32x1024xf32, #tpu.memory_space<vmem>>, vector<1x16xf32>,
        %swap3A_254 = vector.shape_cast %swap3A_253 : vector<1x16xf32> to vector<16xf32>
        %swap3A_255 = vector.shape_cast %add3A_250 : vector<16xf32> to vector<1x16xf32>
        tpu.vector_store %arg8[%swap3A_251, %swap3A_252], %swap3A_255 {strides = array<i32>} : memref<32x1024xf32, #tpu.memory_space<vmem>>, vector<1x16xf32>,
        %get3A_256 = arith.index_cast %scan3A_32 : i32 to index
        %get3A_257 = arith.constant 256 : index
        %get3A_258 = tpu.vector_load %arg8[%get3A_256, %get3A_257] {strides = array<i32>} : memref<32x1024xf32, #tpu.memory_space<vmem>>, vector<1x16xf32>,
        %get3A_259 = vector.shape_cast %get3A_258 : vector<1x16xf32> to vector<16xf32>
        %get3A_260 = arith.index_cast %scan3A_32 : i32 to index
        %get3A_261 = arith.constant 256 : index
        %get3A_262 = tpu.vector_load %arg9[%get3A_260, %get3A_261] {strides = array<i32>} : memref<32x1024xf32, #tpu.memory_space<vmem>>, vector<1x16xf32>,
        %get3A_263 = vector.shape_cast %get3A_262 : vector<1x16xf32> to vector<16xf32>
        %add3A_264 = arith.addf %get3A_259, %get3A_263 : vector<16xf32>
        %swap3A_265 = arith.index_cast %scan3A_32 : i32 to index
        %swap3A_266 = arith.constant 256 : index
        %swap3A_267 = tpu.vector_load %arg8[%swap3A_265, %swap3A_266] {strides = array<i32>} : memref<32x1024xf32, #tpu.memory_space<vmem>>, vector<1x16xf32>,
        %swap3A_268 = vector.shape_cast %swap3A_267 : vector<1x16xf32> to vector<16xf32>
        %swap3A_269 = vector.shape_cast %add3A_264 : vector<16xf32> to vector<1x16xf32>
        tpu.vector_store %arg8[%swap3A_265, %swap3A_266], %swap3A_269 {strides = array<i32>} : memref<32x1024xf32, #tpu.memory_space<vmem>>, vector<1x16xf32>,
        %get3A_270 = arith.index_cast %scan3A_32 : i32 to index
        %get3A_271 = arith.constant 272 : index
        %get3A_272 = tpu.vector_load %arg8[%get3A_270, %get3A_271] {strides = array<i32>} : memref<32x1024xf32, #tpu.memory_space<vmem>>, vector<1x16xf32>,
        %get3A_273 = vector.shape_cast %get3A_272 : vector<1x16xf32> to vector<16xf32>
        %get3A_274 = arith.index_cast %scan3A_32 : i32 to index
        %get3A_275 = arith.constant 272 : index
        %get3A_276 = tpu.vector_load %arg9[%get3A_274, %get3A_275] {strides = array<i32>} : memref<32x1024xf32, #tpu.memory_space<vmem>>, vector<1x16xf32>,
        %get3A_277 = vector.shape_cast %get3A_276 : vector<1x16xf32> to vector<16xf32>
        %add3A_278 = arith.addf %get3A_273, %get3A_277 : vector<16xf32>
        %swap3A_279 = arith.index_cast %scan3A_32 : i32 to index
        %swap3A_280 = arith.constant 272 : index
        %swap3A_281 = tpu.vector_load %arg8[%swap3A_279, %swap3A_280] {strides = array<i32>} : memref<32x1024xf32, #tpu.memory_space<vmem>>, vector<1x16xf32>,
        %swap3A_282 = vector.shape_cast %swap3A_281 : vector<1x16xf32> to vector<16xf32>
        %swap3A_283 = vector.shape_cast %add3A_278 : vector<16xf32> to vector<1x16xf32>
        tpu.vector_store %arg8[%swap3A_279, %swap3A_280], %swap3A_283 {strides = array<i32>} : memref<32x1024xf32, #tpu.memory_space<vmem>>, vector<1x16xf32>,
        %get3A_284 = arith.index_cast %scan3A_32 : i32 to index
        %get3A_285 = arith.constant 288 : index
        %get3A_286 = tpu.vector_load %arg8[%get3A_284, %get3A_285] {strides = array<i32>} : memref<32x1024xf32, #tpu.memory_space<vmem>>, vector<1x16xf32>,
        %get3A_287 = vector.shape_cast %get3A_286 : vector<1x16xf32> to vector<16xf32>
        %get3A_288 = arith.index_cast %scan3A_32 : i32 to index
        %get3A_289 = arith.constant 288 : index
        %get3A_290 = tpu.vector_load %arg9[%get3A_288, %get3A_289] {strides = array<i32>} : memref<32x1024xf32, #tpu.memory_space<vmem>>, vector<1x16xf32>,
        %get3A_291 = vector.shape_cast %get3A_290 : vector<1x16xf32> to vector<16xf32>
        %add3A_292 = arith.addf %get3A_287, %get3A_291 : vector<16xf32>
        %swap3A_293 = arith.index_cast %scan3A_32 : i32 to index
        %swap3A_294 = arith.constant 288 : index
        %swap3A_295 = tpu.vector_load %arg8[%swap3A_293, %swap3A_294] {strides = array<i32>} : memref<32x1024xf32, #tpu.memory_space<vmem>>, vector<1x16xf32>,
        %swap3A_296 = vector.shape_cast %swap3A_295 : vector<1x16xf32> to vector<16xf32>
        %swap3A_297 = vector.shape_cast %add3A_292 : vector<16xf32> to vector<1x16xf32>
        tpu.vector_store %arg8[%swap3A_293, %swap3A_294], %swap3A_297 {strides = array<i32>} : memref<32x1024xf32, #tpu.memory_space<vmem>>, vector<1x16xf32>,
        %get3A_298 = arith.index_cast %scan3A_32 : i32 to index
        %get3A_299 = arith.constant 304 : index
        %get3A_300 = tpu.vector_load %arg8[%get3A_298, %get3A_299] {strides = array<i32>} : memref<32x1024xf32, #tpu.memory_space<vmem>>, vector<1x16xf32>,
        %get3A_301 = vector.shape_cast %get3A_300 : vector<1x16xf32> to vector<16xf32>
        %get3A_302 = arith.index_cast %scan3A_32 : i32 to index
        %get3A_303 = arith.constant 304 : index
        %get3A_304 = tpu.vector_load %arg9[%get3A_302, %get3A_303] {strides = array<i32>} : memref<32x1024xf32, #tpu.memory_space<vmem>>, vector<1x16xf32>,
        %get3A_305 = vector.shape_cast %get3A_304 : vector<1x16xf32> to vector<16xf32>
        %add3A_306 = arith.addf %get3A_301, %get3A_305 : vector<16xf32>
        %swap3A_307 = arith.index_cast %scan3A_32 : i32 to index
        %swap3A_308 = arith.constant 304 : index
        %swap3A_309 = tpu.vector_load %arg8[%swap3A_307, %swap3A_308] {strides = array<i32>} : memref<32x1024xf32, #tpu.memory_space<vmem>>, vector<1x16xf32>,
        %swap3A_310 = vector.shape_cast %swap3A_309 : vector<1x16xf32> to vector<16xf32>
        %swap3A_311 = vector.shape_cast %add3A_306 : vector<16xf32> to vector<1x16xf32>
        tpu.vector_store %arg8[%swap3A_307, %swap3A_308], %swap3A_311 {strides = array<i32>} : memref<32x1024xf32, #tpu.memory_space<vmem>>, vector<1x16xf32>,
        %get3A_312 = arith.index_cast %scan3A_32 : i32 to index
        %get3A_313 = arith.constant 320 : index
        %get3A_314 = tpu.vector_load %arg8[%get3A_312, %get3A_313] {strides = array<i32>} : memref<32x1024xf32, #tpu.memory_space<vmem>>, vector<1x16xf32>,
        %get3A_315 = vector.shape_cast %get3A_314 : vector<1x16xf32> to vector<16xf32>
        %get3A_316 = arith.index_cast %scan3A_32 : i32 to index
        %get3A_317 = arith.constant 320 : index
        %get3A_318 = tpu.vector_load %arg9[%get3A_316, %get3A_317] {strides = array<i32>} : memref<32x1024xf32, #tpu.memory_space<vmem>>, vector<1x16xf32>,
        %get3A_319 = vector.shape_cast %get3A_318 : vector<1x16xf32> to vector<16xf32>
        %add3A_320 = arith.addf %get3A_315, %get3A_319 : vector<16xf32>
        %swap3A_321 = arith.index_cast %scan3A_32 : i32 to index
        %swap3A_322 = arith.constant 320 : index
        %swap3A_323 = tpu.vector_load %arg8[%swap3A_321, %swap3A_322] {strides = array<i32>} : memref<32x1024xf32, #tpu.memory_space<vmem>>, vector<1x16xf32>,
        %swap3A_324 = vector.shape_cast %swap3A_323 : vector<1x16xf32> to vector<16xf32>
        %swap3A_325 = vector.shape_cast %add3A_320 : vector<16xf32> to vector<1x16xf32>
        tpu.vector_store %arg8[%swap3A_321, %swap3A_322], %swap3A_325 {strides = array<i32>} : memref<32x1024xf32, #tpu.memory_space<vmem>>, vector<1x16xf32>,
        %get3A_326 = arith.index_cast %scan3A_32 : i32 to index
        %get3A_327 = arith.constant 336 : index
        %get3A_328 = tpu.vector_load %arg8[%get3A_326, %get3A_327] {strides = array<i32>} : memref<32x1024xf32, #tpu.memory_space<vmem>>, vector<1x16xf32>,
        %get3A_329 = vector.shape_cast %get3A_328 : vector<1x16xf32> to vector<16xf32>
        %get3A_330 = arith.index_cast %scan3A_32 : i32 to index
        %get3A_331 = arith.constant 336 : index
        %get3A_332 = tpu.vector_load %arg9[%get3A_330, %get3A_331] {strides = array<i32>} : memref<32x1024xf32, #tpu.memory_space<vmem>>, vector<1x16xf32>,
        %get3A_333 = vector.shape_cast %get3A_332 : vector<1x16xf32> to vector<16xf32>
        %add3A_334 = arith.addf %get3A_329, %get3A_333 : vector<16xf32>
        %swap3A_335 = arith.index_cast %scan3A_32 : i32 to index
        %swap3A_336 = arith.constant 336 : index
        %swap3A_337 = tpu.vector_load %arg8[%swap3A_335, %swap3A_336] {strides = array<i32>} : memref<32x1024xf32, #tpu.memory_space<vmem>>, vector<1x16xf32>,
        %swap3A_338 = vector.shape_cast %swap3A_337 : vector<1x16xf32> to vector<16xf32>
        %swap3A_339 = vector.shape_cast %add3A_334 : vector<16xf32> to vector<1x16xf32>
        tpu.vector_store %arg8[%swap3A_335, %swap3A_336], %swap3A_339 {strides = array<i32>} : memref<32x1024xf32, #tpu.memory_space<vmem>>, vector<1x16xf32>,
        %get3A_340 = arith.index_cast %scan3A_32 : i32 to index
        %get3A_341 = arith.constant 352 : index
        %get3A_342 = tpu.vector_load %arg8[%get3A_340, %get3A_341] {strides = array<i32>} : memref<32x1024xf32, #tpu.memory_space<vmem>>, vector<1x16xf32>,
        %get3A_343 = vector.shape_cast %get3A_342 : vector<1x16xf32> to vector<16xf32>
        %get3A_344 = arith.index_cast %scan3A_32 : i32 to index
        %get3A_345 = arith.constant 352 : index
        %get3A_346 = tpu.vector_load %arg9[%get3A_344, %get3A_345] {strides = array<i32>} : memref<32x1024xf32, #tpu.memory_space<vmem>>, vector<1x16xf32>,
        %get3A_347 = vector.shape_cast %get3A_346 : vector<1x16xf32> to vector<16xf32>
        %add3A_348 = arith.addf %get3A_343, %get3A_347 : vector<16xf32>
        %swap3A_349 = arith.index_cast %scan3A_32 : i32 to index
        %swap3A_350 = arith.constant 352 : index
        %swap3A_351 = tpu.vector_load %arg8[%swap3A_349, %swap3A_350] {strides = array<i32>} : memref<32x1024xf32, #tpu.memory_space<vmem>>, vector<1x16xf32>,
        %swap3A_352 = vector.shape_cast %swap3A_351 : vector<1x16xf32> to vector<16xf32>
        %swap3A_353 = vector.shape_cast %add3A_348 : vector<16xf32> to vector<1x16xf32>
        tpu.vector_store %arg8[%swap3A_349, %swap3A_350], %swap3A_353 {strides = array<i32>} : memref<32x1024xf32, #tpu.memory_space<vmem>>, vector<1x16xf32>,
        %get3A_354 = arith.index_cast %scan3A_32 : i32 to index
        %get3A_355 = arith.constant 368 : index
        %get3A_356 = tpu.vector_load %arg8[%get3A_354, %get3A_355] {strides = array<i32>} : memref<32x1024xf32, #tpu.memory_space<vmem>>, vector<1x16xf32>,
        %get3A_357 = vector.shape_cast %get3A_356 : vector<1x16xf32> to vector<16xf32>
        %get3A_358 = arith.index_cast %scan3A_32 : i32 to index
        %get3A_359 = arith.constant 368 : index
        %get3A_360 = tpu.vector_load %arg9[%get3A_358, %get3A_359] {strides = array<i32>} : memref<32x1024xf32, #tpu.memory_space<vmem>>, vector<1x16xf32>,
        %get3A_361 = vector.shape_cast %get3A_360 : vector<1x16xf32> to vector<16xf32>
        %add3A_362 = arith.addf %get3A_357, %get3A_361 : vector<16xf32>
        %swap3A_363 = arith.index_cast %scan3A_32 : i32 to index
        %swap3A_364 = arith.constant 368 : index
        %swap3A_365 = tpu.vector_load %arg8[%swap3A_363, %swap3A_364] {strides = array<i32>} : memref<32x1024xf32, #tpu.memory_space<vmem>>, vector<1x16xf32>,
        %swap3A_366 = vector.shape_cast %swap3A_365 : vector<1x16xf32> to vector<16xf32>
        %swap3A_367 = vector.shape_cast %add3A_362 : vector<16xf32> to vector<1x16xf32>
        tpu.vector_store %arg8[%swap3A_363, %swap3A_364], %swap3A_367 {strides = array<i32>} : memref<32x1024xf32, #tpu.memory_space<vmem>>, vector<1x16xf32>,
        %get3A_368 = arith.index_cast %scan3A_32 : i32 to index
        %get3A_369 = arith.constant 384 : index
        %get3A_370 = tpu.vector_load %arg8[%get3A_368, %get3A_369] {strides = array<i32>} : memref<32x1024xf32, #tpu.memory_space<vmem>>, vector<1x16xf32>,
        %get3A_371 = vector.shape_cast %get3A_370 : vector<1x16xf32> to vector<16xf32>
        %get3A_372 = arith.index_cast %scan3A_32 : i32 to index
        %get3A_373 = arith.constant 384 : index
        %get3A_374 = tpu.vector_load %arg9[%get3A_372, %get3A_373] {strides = array<i32>} : memref<32x1024xf32, #tpu.memory_space<vmem>>, vector<1x16xf32>,
        %get3A_375 = vector.shape_cast %get3A_374 : vector<1x16xf32> to vector<16xf32>
        %add3A_376 = arith.addf %get3A_371, %get3A_375 : vector<16xf32>
        %swap3A_377 = arith.index_cast %scan3A_32 : i32 to index
        %swap3A_378 = arith.constant 384 : index
        %swap3A_379 = tpu.vector_load %arg8[%swap3A_377, %swap3A_378] {strides = array<i32>} : memref<32x1024xf32, #tpu.memory_space<vmem>>, vector<1x16xf32>,
        %swap3A_380 = vector.shape_cast %swap3A_379 : vector<1x16xf32> to vector<16xf32>
        %swap3A_381 = vector.shape_cast %add3A_376 : vector<16xf32> to vector<1x16xf32>
        tpu.vector_store %arg8[%swap3A_377, %swap3A_378], %swap3A_381 {strides = array<i32>} : memref<32x1024xf32, #tpu.memory_space<vmem>>, vector<1x16xf32>,
        %get3A_382 = arith.index_cast %scan3A_32 : i32 to index
        %get3A_383 = arith.constant 400 : index
        %get3A_384 = tpu.vector_load %arg8[%get3A_382, %get3A_383] {strides = array<i32>} : memref<32x1024xf32, #tpu.memory_space<vmem>>, vector<1x16xf32>,
        %get3A_385 = vector.shape_cast %get3A_384 : vector<1x16xf32> to vector<16xf32>
        %get3A_386 = arith.index_cast %scan3A_32 : i32 to index
        %get3A_387 = arith.constant 400 : index
        %get3A_388 = tpu.vector_load %arg9[%get3A_386, %get3A_387] {strides = array<i32>} : memref<32x1024xf32, #tpu.memory_space<vmem>>, vector<1x16xf32>,
        %get3A_389 = vector.shape_cast %get3A_388 : vector<1x16xf32> to vector<16xf32>
        %add3A_390 = arith.addf %get3A_385, %get3A_389 : vector<16xf32>
        %swap3A_391 = arith.index_cast %scan3A_32 : i32 to index
        %swap3A_392 = arith.constant 400 : index
        %swap3A_393 = tpu.vector_load %arg8[%swap3A_391, %swap3A_392] {strides = array<i32>} : memref<32x1024xf32, #tpu.memory_space<vmem>>, vector<1x16xf32>,
        %swap3A_394 = vector.shape_cast %swap3A_393 : vector<1x16xf32> to vector<16xf32>
        %swap3A_395 = vector.shape_cast %add3A_390 : vector<16xf32> to vector<1x16xf32>
        tpu.vector_store %arg8[%swap3A_391, %swap3A_392], %swap3A_395 {strides = array<i32>} : memref<32x1024xf32, #tpu.memory_space<vmem>>, vector<1x16xf32>,
        %get3A_396 = arith.index_cast %scan3A_32 : i32 to index
        %get3A_397 = arith.constant 416 : index
        %get3A_398 = tpu.vector_load %arg8[%get3A_396, %get3A_397] {strides = array<i32>} : memref<32x1024xf32, #tpu.memory_space<vmem>>, vector<1x16xf32>,
        %get3A_399 = vector.shape_cast %get3A_398 : vector<1x16xf32> to vector<16xf32>
        %get3A_400 = arith.index_cast %scan3A_32 : i32 to index
        %get3A_401 = arith.constant 416 : index
        %get3A_402 = tpu.vector_load %arg9[%get3A_400, %get3A_401] {strides = array<i32>} : memref<32x1024xf32, #tpu.memory_space<vmem>>, vector<1x16xf32>,
        %get3A_403 = vector.shape_cast %get3A_402 : vector<1x16xf32> to vector<16xf32>
        %add3A_404 = arith.addf %get3A_399, %get3A_403 : vector<16xf32>
        %swap3A_405 = arith.index_cast %scan3A_32 : i32 to index
        %swap3A_406 = arith.constant 416 : index
        %swap3A_407 = tpu.vector_load %arg8[%swap3A_405, %swap3A_406] {strides = array<i32>} : memref<32x1024xf32, #tpu.memory_space<vmem>>, vector<1x16xf32>,
        %swap3A_408 = vector.shape_cast %swap3A_407 : vector<1x16xf32> to vector<16xf32>
        %swap3A_409 = vector.shape_cast %add3A_404 : vector<16xf32> to vector<1x16xf32>
        tpu.vector_store %arg8[%swap3A_405, %swap3A_406], %swap3A_409 {strides = array<i32>} : memref<32x1024xf32, #tpu.memory_space<vmem>>, vector<1x16xf32>,
        %get3A_410 = arith.index_cast %scan3A_32 : i32 to index
        %get3A_411 = arith.constant 432 : index
        %get3A_412 = tpu.vector_load %arg8[%get3A_410, %get3A_411] {strides = array<i32>} : memref<32x1024xf32, #tpu.memory_space<vmem>>, vector<1x16xf32>,
        %get3A_413 = vector.shape_cast %get3A_412 : vector<1x16xf32> to vector<16xf32>
        %get3A_414 = arith.index_cast %scan3A_32 : i32 to index
        %get3A_415 = arith.constant 432 : index
        %get3A_416 = tpu.vector_load %arg9[%get3A_414, %get3A_415] {strides = array<i32>} : memref<32x1024xf32, #tpu.memory_space<vmem>>, vector<1x16xf32>,
        %get3A_417 = vector.shape_cast %get3A_416 : vector<1x16xf32> to vector<16xf32>
        %add3A_418 = arith.addf %get3A_413, %get3A_417 : vector<16xf32>
        %swap3A_419 = arith.index_cast %scan3A_32 : i32 to index
        %swap3A_420 = arith.constant 432 : index
        %swap3A_421 = tpu.vector_load %arg8[%swap3A_419, %swap3A_420] {strides = array<i32>} : memref<32x1024xf32, #tpu.memory_space<vmem>>, vector<1x16xf32>,
        %swap3A_422 = vector.shape_cast %swap3A_421 : vector<1x16xf32> to vector<16xf32>
        %swap3A_423 = vector.shape_cast %add3A_418 : vector<16xf32> to vector<1x16xf32>
        tpu.vector_store %arg8[%swap3A_419, %swap3A_420], %swap3A_423 {strides = array<i32>} : memref<32x1024xf32, #tpu.memory_space<vmem>>, vector<1x16xf32>,
        %get3A_424 = arith.index_cast %scan3A_32 : i32 to index
        %get3A_425 = arith.constant 448 : index
        %get3A_426 = tpu.vector_load %arg8[%get3A_424, %get3A_425] {strides = array<i32>} : memref<32x1024xf32, #tpu.memory_space<vmem>>, vector<1x16xf32>,
        %get3A_427 = vector.shape_cast %get3A_426 : vector<1x16xf32> to vector<16xf32>
        %get3A_428 = arith.index_cast %scan3A_32 : i32 to index
        %get3A_429 = arith.constant 448 : index
        %get3A_430 = tpu.vector_load %arg9[%get3A_428, %get3A_429] {strides = array<i32>} : memref<32x1024xf32, #tpu.memory_space<vmem>>, vector<1x16xf32>,
        %get3A_431 = vector.shape_cast %get3A_430 : vector<1x16xf32> to vector<16xf32>
        %add3A_432 = arith.addf %get3A_427, %get3A_431 : vector<16xf32>
        %swap3A_433 = arith.index_cast %scan3A_32 : i32 to index
        %swap3A_434 = arith.constant 448 : index
        %swap3A_435 = tpu.vector_load %arg8[%swap3A_433, %swap3A_434] {strides = array<i32>} : memref<32x1024xf32, #tpu.memory_space<vmem>>, vector<1x16xf32>,
        %swap3A_436 = vector.shape_cast %swap3A_435 : vector<1x16xf32> to vector<16xf32>
        %swap3A_437 = vector.shape_cast %add3A_432 : vector<16xf32> to vector<1x16xf32>
        tpu.vector_store %arg8[%swap3A_433, %swap3A_434], %swap3A_437 {strides = array<i32>} : memref<32x1024xf32, #tpu.memory_space<vmem>>, vector<1x16xf32>,
        %get3A_438 = arith.index_cast %scan3A_32 : i32 to index
        %get3A_439 = arith.constant 464 : index
        %get3A_440 = tpu.vector_load %arg8[%get3A_438, %get3A_439] {strides = array<i32>} : memref<32x1024xf32, #tpu.memory_space<vmem>>, vector<1x16xf32>,
        %get3A_441 = vector.shape_cast %get3A_440 : vector<1x16xf32> to vector<16xf32>
        %get3A_442 = arith.index_cast %scan3A_32 : i32 to index
        %get3A_443 = arith.constant 464 : index
        %get3A_444 = tpu.vector_load %arg9[%get3A_442, %get3A_443] {strides = array<i32>} : memref<32x1024xf32, #tpu.memory_space<vmem>>, vector<1x16xf32>,
        %get3A_445 = vector.shape_cast %get3A_444 : vector<1x16xf32> to vector<16xf32>
        %add3A_446 = arith.addf %get3A_441, %get3A_445 : vector<16xf32>
        %swap3A_447 = arith.index_cast %scan3A_32 : i32 to index
        %swap3A_448 = arith.constant 464 : index
        %swap3A_449 = tpu.vector_load %arg8[%swap3A_447, %swap3A_448] {strides = array<i32>} : memref<32x1024xf32, #tpu.memory_space<vmem>>, vector<1x16xf32>,
        %swap3A_450 = vector.shape_cast %swap3A_449 : vector<1x16xf32> to vector<16xf32>
        %swap3A_451 = vector.shape_cast %add3A_446 : vector<16xf32> to vector<1x16xf32>
        tpu.vector_store %arg8[%swap3A_447, %swap3A_448], %swap3A_451 {strides = array<i32>} : memref<32x1024xf32, #tpu.memory_space<vmem>>, vector<1x16xf32>,
        %get3A_452 = arith.index_cast %scan3A_32 : i32 to index
        %get3A_453 = arith.constant 480 : index
        %get3A_454 = tpu.vector_load %arg8[%get3A_452, %get3A_453] {strides = array<i32>} : memref<32x1024xf32, #tpu.memory_space<vmem>>, vector<1x16xf32>,
        %get3A_455 = vector.shape_cast %get3A_454 : vector<1x16xf32> to vector<16xf32>
        %get3A_456 = arith.index_cast %scan3A_32 : i32 to index
        %get3A_457 = arith.constant 480 : index
        %get3A_458 = tpu.vector_load %arg9[%get3A_456, %get3A_457] {strides = array<i32>} : memref<32x1024xf32, #tpu.memory_space<vmem>>, vector<1x16xf32>,
        %get3A_459 = vector.shape_cast %get3A_458 : vector<1x16xf32> to vector<16xf32>
        %add3A_460 = arith.addf %get3A_455, %get3A_459 : vector<16xf32>
        %swap3A_461 = arith.index_cast %scan3A_32 : i32 to index
        %swap3A_462 = arith.constant 480 : index
        %swap3A_463 = tpu.vector_load %arg8[%swap3A_461, %swap3A_462] {strides = array<i32>} : memref<32x1024xf32, #tpu.memory_space<vmem>>, vector<1x16xf32>,
        %swap3A_464 = vector.shape_cast %swap3A_463 : vector<1x16xf32> to vector<16xf32>
        %swap3A_465 = vector.shape_cast %add3A_460 : vector<16xf32> to vector<1x16xf32>
        tpu.vector_store %arg8[%swap3A_461, %swap3A_462], %swap3A_465 {strides = array<i32>} : memref<32x1024xf32, #tpu.memory_space<vmem>>, vector<1x16xf32>,
        %get3A_466 = arith.index_cast %scan3A_32 : i32 to index
        %get3A_467 = arith.constant 496 : index
        %get3A_468 = tpu.vector_load %arg8[%get3A_466, %get3A_467] {strides = array<i32>} : memref<32x1024xf32, #tpu.memory_space<vmem>>, vector<1x16xf32>,
        %get3A_469 = vector.shape_cast %get3A_468 : vector<1x16xf32> to vector<16xf32>
        %get3A_470 = arith.index_cast %scan3A_32 : i32 to index
        %get3A_471 = arith.constant 496 : index
        %get3A_472 = tpu.vector_load %arg9[%get3A_470, %get3A_471] {strides = array<i32>} : memref<32x1024xf32, #tpu.memory_space<vmem>>, vector<1x16xf32>,
        %get3A_473 = vector.shape_cast %get3A_472 : vector<1x16xf32> to vector<16xf32>
        %add3A_474 = arith.addf %get3A_469, %get3A_473 : vector<16xf32>
        %swap3A_475 = arith.index_cast %scan3A_32 : i32 to index
        %swap3A_476 = arith.constant 496 : index
        %swap3A_477 = tpu.vector_load %arg8[%swap3A_475, %swap3A_476] {strides = array<i32>} : memref<32x1024xf32, #tpu.memory_space<vmem>>, vector<1x16xf32>,
        %swap3A_478 = vector.shape_cast %swap3A_477 : vector<1x16xf32> to vector<16xf32>
        %swap3A_479 = vector.shape_cast %add3A_474 : vector<16xf32> to vector<1x16xf32>
        tpu.vector_store %arg8[%swap3A_475, %swap3A_476], %swap3A_479 {strides = array<i32>} : memref<32x1024xf32, #tpu.memory_space<vmem>>, vector<1x16xf32>,
        %get3A_480 = arith.index_cast %scan3A_32 : i32 to index
        %get3A_481 = arith.constant 512 : index
        %get3A_482 = tpu.vector_load %arg8[%get3A_480, %get3A_481] {strides = array<i32>} : memref<32x1024xf32, #tpu.memory_space<vmem>>, vector<1x16xf32>,
        %get3A_483 = vector.shape_cast %get3A_482 : vector<1x16xf32> to vector<16xf32>
        %get3A_484 = arith.index_cast %scan3A_32 : i32 to index
        %get3A_485 = arith.constant 512 : index
        %get3A_486 = tpu.vector_load %arg9[%get3A_484, %get3A_485] {strides = array<i32>} : memref<32x1024xf32, #tpu.memory_space<vmem>>, vector<1x16xf32>,
        %get3A_487 = vector.shape_cast %get3A_486 : vector<1x16xf32> to vector<16xf32>
        %add3A_488 = arith.addf %get3A_483, %get3A_487 : vector<16xf32>
        %swap3A_489 = arith.index_cast %scan3A_32 : i32 to index
        %swap3A_490 = arith.constant 512 : index
        %swap3A_491 = tpu.vector_load %arg8[%swap3A_489, %swap3A_490] {strides = array<i32>} : memref<32x1024xf32, #tpu.memory_space<vmem>>, vector<1x16xf32>,
        %swap3A_492 = vector.shape_cast %swap3A_491 : vector<1x16xf32> to vector<16xf32>
        %swap3A_493 = vector.shape_cast %add3A_488 : vector<16xf32> to vector<1x16xf32>
        tpu.vector_store %arg8[%swap3A_489, %swap3A_490], %swap3A_493 {strides = array<i32>} : memref<32x1024xf32, #tpu.memory_space<vmem>>, vector<1x16xf32>,
        %get3A_494 = arith.index_cast %scan3A_32 : i32 to index
        %get3A_495 = arith.constant 528 : index
        %get3A_496 = tpu.vector_load %arg8[%get3A_494, %get3A_495] {strides = array<i32>} : memref<32x1024xf32, #tpu.memory_space<vmem>>, vector<1x16xf32>,
        %get3A_497 = vector.shape_cast %get3A_496 : vector<1x16xf32> to vector<16xf32>
        %get3A_498 = arith.index_cast %scan3A_32 : i32 to index
        %get3A_499 = arith.constant 528 : index
        %get3A_500 = tpu.vector_load %arg9[%get3A_498, %get3A_499] {strides = array<i32>} : memref<32x1024xf32, #tpu.memory_space<vmem>>, vector<1x16xf32>,
        %get3A_501 = vector.shape_cast %get3A_500 : vector<1x16xf32> to vector<16xf32>
        %add3A_502 = arith.addf %get3A_497, %get3A_501 : vector<16xf32>
        %swap3A_503 = arith.index_cast %scan3A_32 : i32 to index
        %swap3A_504 = arith.constant 528 : index
        %swap3A_505 = tpu.vector_load %arg8[%swap3A_503, %swap3A_504] {strides = array<i32>} : memref<32x1024xf32, #tpu.memory_space<vmem>>, vector<1x16xf32>,
        %swap3A_506 = vector.shape_cast %swap3A_505 : vector<1x16xf32> to vector<16xf32>
        %swap3A_507 = vector.shape_cast %add3A_502 : vector<16xf32> to vector<1x16xf32>
        tpu.vector_store %arg8[%swap3A_503, %swap3A_504], %swap3A_507 {strides = array<i32>} : memref<32x1024xf32, #tpu.memory_space<vmem>>, vector<1x16xf32>,
        %get3A_508 = arith.index_cast %scan3A_32 : i32 to index
        %get3A_509 = arith.constant 544 : index
        %get3A_510 = tpu.vector_load %arg8[%get3A_508, %get3A_509] {strides = array<i32>} : memref<32x1024xf32, #tpu.memory_space<vmem>>, vector<1x16xf32>,
        %get3A_511 = vector.shape_cast %get3A_510 : vector<1x16xf32> to vector<16xf32>
        %get3A_512 = arith.index_cast %scan3A_32 : i32 to index
        %get3A_513 = arith.constant 544 : index
        %get3A_514 = tpu.vector_load %arg9[%get3A_512, %get3A_513] {strides = array<i32>} : memref<32x1024xf32, #tpu.memory_space<vmem>>, vector<1x16xf32>,
        %get3A_515 = vector.shape_cast %get3A_514 : vector<1x16xf32> to vector<16xf32>
        %add3A_516 = arith.addf %get3A_511, %get3A_515 : vector<16xf32>
        %swap3A_517 = arith.index_cast %scan3A_32 : i32 to index
        %swap3A_518 = arith.constant 544 : index
        %swap3A_519 = tpu.vector_load %arg8[%swap3A_517, %swap3A_518] {strides = array<i32>} : memref<32x1024xf32, #tpu.memory_space<vmem>>, vector<1x16xf32>,
        %swap3A_520 = vector.shape_cast %swap3A_519 : vector<1x16xf32> to vector<16xf32>
        %swap3A_521 = vector.shape_cast %add3A_516 : vector<16xf32> to vector<1x16xf32>
        tpu.vector_store %arg8[%swap3A_517, %swap3A_518], %swap3A_521 {strides = array<i32>} : memref<32x1024xf32, #tpu.memory_space<vmem>>, vector<1x16xf32>,
        %get3A_522 = arith.index_cast %scan3A_32 : i32 to index
        %get3A_523 = arith.constant 560 : index
        %get3A_524 = tpu.vector_load %arg8[%get3A_522, %get3A_523] {strides = array<i32>} : memref<32x1024xf32, #tpu.memory_space<vmem>>, vector<1x16xf32>,
        %get3A_525 = vector.shape_cast %get3A_524 : vector<1x16xf32> to vector<16xf32>
        %get3A_526 = arith.index_cast %scan3A_32 : i32 to index
        %get3A_527 = arith.constant 560 : index
        %get3A_528 = tpu.vector_load %arg9[%get3A_526, %get3A_527] {strides = array<i32>} : memref<32x1024xf32, #tpu.memory_space<vmem>>, vector<1x16xf32>,
        %get3A_529 = vector.shape_cast %get3A_528 : vector<1x16xf32> to vector<16xf32>
        %add3A_530 = arith.addf %get3A_525, %get3A_529 : vector<16xf32>
        %swap3A_531 = arith.index_cast %scan3A_32 : i32 to index
        %swap3A_532 = arith.constant 560 : index
        %swap3A_533 = tpu.vector_load %arg8[%swap3A_531, %swap3A_532] {strides = array<i32>} : memref<32x1024xf32, #tpu.memory_space<vmem>>, vector<1x16xf32>,
        %swap3A_534 = vector.shape_cast %swap3A_533 : vector<1x16xf32> to vector<16xf32>
        %swap3A_535 = vector.shape_cast %add3A_530 : vector<16xf32> to vector<1x16xf32>
        tpu.vector_store %arg8[%swap3A_531, %swap3A_532], %swap3A_535 {strides = array<i32>} : memref<32x1024xf32, #tpu.memory_space<vmem>>, vector<1x16xf32>,
        %get3A_536 = arith.index_cast %scan3A_32 : i32 to index
        %get3A_537 = arith.constant 576 : index
        %get3A_538 = tpu.vector_load %arg8[%get3A_536, %get3A_537] {strides = array<i32>} : memref<32x1024xf32, #tpu.memory_space<vmem>>, vector<1x16xf32>,
        %get3A_539 = vector.shape_cast %get3A_538 : vector<1x16xf32> to vector<16xf32>
        %get3A_540 = arith.index_cast %scan3A_32 : i32 to index
        %get3A_541 = arith.constant 576 : index
        %get3A_542 = tpu.vector_load %arg9[%get3A_540, %get3A_541] {strides = array<i32>} : memref<32x1024xf32, #tpu.memory_space<vmem>>, vector<1x16xf32>,
        %get3A_543 = vector.shape_cast %get3A_542 : vector<1x16xf32> to vector<16xf32>
        %add3A_544 = arith.addf %get3A_539, %get3A_543 : vector<16xf32>
        %swap3A_545 = arith.index_cast %scan3A_32 : i32 to index
        %swap3A_546 = arith.constant 576 : index
        %swap3A_547 = tpu.vector_load %arg8[%swap3A_545, %swap3A_546] {strides = array<i32>} : memref<32x1024xf32, #tpu.memory_space<vmem>>, vector<1x16xf32>,
        %swap3A_548 = vector.shape_cast %swap3A_547 : vector<1x16xf32> to vector<16xf32>
        %swap3A_549 = vector.shape_cast %add3A_544 : vector<16xf32> to vector<1x16xf32>
        tpu.vector_store %arg8[%swap3A_545, %swap3A_546], %swap3A_549 {strides = array<i32>} : memref<32x1024xf32, #tpu.memory_space<vmem>>, vector<1x16xf32>,
        %get3A_550 = arith.index_cast %scan3A_32 : i32 to index
        %get3A_551 = arith.constant 592 : index
        %get3A_552 = tpu.vector_load %arg8[%get3A_550, %get3A_551] {strides = array<i32>} : memref<32x1024xf32, #tpu.memory_space<vmem>>, vector<1x16xf32>,
        %get3A_553 = vector.shape_cast %get3A_552 : vector<1x16xf32> to vector<16xf32>
        %get3A_554 = arith.index_cast %scan3A_32 : i32 to index
        %get3A_555 = arith.constant 592 : index
        %get3A_556 = tpu.vector_load %arg9[%get3A_554, %get3A_555] {strides = array<i32>} : memref<32x1024xf32, #tpu.memory_space<vmem>>, vector<1x16xf32>,
        %get3A_557 = vector.shape_cast %get3A_556 : vector<1x16xf32> to vector<16xf32>
        %add3A_558 = arith.addf %get3A_553, %get3A_557 : vector<16xf32>
        %swap3A_559 = arith.index_cast %scan3A_32 : i32 to index
        %swap3A_560 = arith.constant 592 : index
        %swap3A_561 = tpu.vector_load %arg8[%swap3A_559, %swap3A_560] {strides = array<i32>} : memref<32x1024xf32, #tpu.memory_space<vmem>>, vector<1x16xf32>,
        %swap3A_562 = vector.shape_cast %swap3A_561 : vector<1x16xf32> to vector<16xf32>
        %swap3A_563 = vector.shape_cast %add3A_558 : vector<16xf32> to vector<1x16xf32>
        tpu.vector_store %arg8[%swap3A_559, %swap3A_560], %swap3A_563 {strides = array<i32>} : memref<32x1024xf32, #tpu.memory_space<vmem>>, vector<1x16xf32>,
        %get3A_564 = arith.index_cast %scan3A_32 : i32 to index
        %get3A_565 = arith.constant 608 : index
        %get3A_566 = tpu.vector_load %arg8[%get3A_564, %get3A_565] {strides = array<i32>} : memref<32x1024xf32, #tpu.memory_space<vmem>>, vector<1x16xf32>,
        %get3A_567 = vector.shape_cast %get3A_566 : vector<1x16xf32> to vector<16xf32>
        %get3A_568 = arith.index_cast %scan3A_32 : i32 to index
        %get3A_569 = arith.constant 608 : index
        %get3A_570 = tpu.vector_load %arg9[%get3A_568, %get3A_569] {strides = array<i32>} : memref<32x1024xf32, #tpu.memory_space<vmem>>, vector<1x16xf32>,
        %get3A_571 = vector.shape_cast %get3A_570 : vector<1x16xf32> to vector<16xf32>
        %add3A_572 = arith.addf %get3A_567, %get3A_571 : vector<16xf32>
        %swap3A_573 = arith.index_cast %scan3A_32 : i32 to index
        %swap3A_574 = arith.constant 608 : index
        %swap3A_575 = tpu.vector_load %arg8[%swap3A_573, %swap3A_574] {strides = array<i32>} : memref<32x1024xf32, #tpu.memory_space<vmem>>, vector<1x16xf32>,
        %swap3A_576 = vector.shape_cast %swap3A_575 : vector<1x16xf32> to vector<16xf32>
        %swap3A_577 = vector.shape_cast %add3A_572 : vector<16xf32> to vector<1x16xf32>
        tpu.vector_store %arg8[%swap3A_573, %swap3A_574], %swap3A_577 {strides = array<i32>} : memref<32x1024xf32, #tpu.memory_space<vmem>>, vector<1x16xf32>,
        %get3A_578 = arith.index_cast %scan3A_32 : i32 to index
        %get3A_579 = arith.constant 624 : index
        %get3A_580 = tpu.vector_load %arg8[%get3A_578, %get3A_579] {strides = array<i32>} : memref<32x1024xf32, #tpu.memory_space<vmem>>, vector<1x16xf32>,
        %get3A_581 = vector.shape_cast %get3A_580 : vector<1x16xf32> to vector<16xf32>
        %get3A_582 = arith.index_cast %scan3A_32 : i32 to index
        %get3A_583 = arith.constant 624 : index
        %get3A_584 = tpu.vector_load %arg9[%get3A_582, %get3A_583] {strides = array<i32>} : memref<32x1024xf32, #tpu.memory_space<vmem>>, vector<1x16xf32>,
        %get3A_585 = vector.shape_cast %get3A_584 : vector<1x16xf32> to vector<16xf32>
        %add3A_586 = arith.addf %get3A_581, %get3A_585 : vector<16xf32>
        %swap3A_587 = arith.index_cast %scan3A_32 : i32 to index
        %swap3A_588 = arith.constant 624 : index
        %swap3A_589 = tpu.vector_load %arg8[%swap3A_587, %swap3A_588] {strides = array<i32>} : memref<32x1024xf32, #tpu.memory_space<vmem>>, vector<1x16xf32>,
        %swap3A_590 = vector.shape_cast %swap3A_589 : vector<1x16xf32> to vector<16xf32>
        %swap3A_591 = vector.shape_cast %add3A_586 : vector<16xf32> to vector<1x16xf32>
        tpu.vector_store %arg8[%swap3A_587, %swap3A_588], %swap3A_591 {strides = array<i32>} : memref<32x1024xf32, #tpu.memory_space<vmem>>, vector<1x16xf32>,
        %get3A_592 = arith.index_cast %scan3A_32 : i32 to index
        %get3A_593 = arith.constant 640 : index
        %get3A_594 = tpu.vector_load %arg8[%get3A_592, %get3A_593] {strides = array<i32>} : memref<32x1024xf32, #tpu.memory_space<vmem>>, vector<1x16xf32>,
        %get3A_595 = vector.shape_cast %get3A_594 : vector<1x16xf32> to vector<16xf32>
        %get3A_596 = arith.index_cast %scan3A_32 : i32 to index
        %get3A_597 = arith.constant 640 : index
        %get3A_598 = tpu.vector_load %arg9[%get3A_596, %get3A_597] {strides = array<i32>} : memref<32x1024xf32, #tpu.memory_space<vmem>>, vector<1x16xf32>,
        %get3A_599 = vector.shape_cast %get3A_598 : vector<1x16xf32> to vector<16xf32>
        %add3A_600 = arith.addf %get3A_595, %get3A_599 : vector<16xf32>
        %swap3A_601 = arith.index_cast %scan3A_32 : i32 to index
        %swap3A_602 = arith.constant 640 : index
        %swap3A_603 = tpu.vector_load %arg8[%swap3A_601, %swap3A_602] {strides = array<i32>} : memref<32x1024xf32, #tpu.memory_space<vmem>>, vector<1x16xf32>,
        %swap3A_604 = vector.shape_cast %swap3A_603 : vector<1x16xf32> to vector<16xf32>
        %swap3A_605 = vector.shape_cast %add3A_600 : vector<16xf32> to vector<1x16xf32>
        tpu.vector_store %arg8[%swap3A_601, %swap3A_602], %swap3A_605 {strides = array<i32>} : memref<32x1024xf32, #tpu.memory_space<vmem>>, vector<1x16xf32>,
        %get3A_606 = arith.index_cast %scan3A_32 : i32 to index
        %get3A_607 = arith.constant 656 : index
        %get3A_608 = tpu.vector_load %arg8[%get3A_606, %get3A_607] {strides = array<i32>} : memref<32x1024xf32, #tpu.memory_space<vmem>>, vector<1x16xf32>,
        %get3A_609 = vector.shape_cast %get3A_608 : vector<1x16xf32> to vector<16xf32>
        %get3A_610 = arith.index_cast %scan3A_32 : i32 to index
        %get3A_611 = arith.constant 656 : index
        %get3A_612 = tpu.vector_load %arg9[%get3A_610, %get3A_611] {strides = array<i32>} : memref<32x1024xf32, #tpu.memory_space<vmem>>, vector<1x16xf32>,
        %get3A_613 = vector.shape_cast %get3A_612 : vector<1x16xf32> to vector<16xf32>
        %add3A_614 = arith.addf %get3A_609, %get3A_613 : vector<16xf32>
        %swap3A_615 = arith.index_cast %scan3A_32 : i32 to index
        %swap3A_616 = arith.constant 656 : index
        %swap3A_617 = tpu.vector_load %arg8[%swap3A_615, %swap3A_616] {strides = array<i32>} : memref<32x1024xf32, #tpu.memory_space<vmem>>, vector<1x16xf32>,
        %swap3A_618 = vector.shape_cast %swap3A_617 : vector<1x16xf32> to vector<16xf32>
        %swap3A_619 = vector.shape_cast %add3A_614 : vector<16xf32> to vector<1x16xf32>
        tpu.vector_store %arg8[%swap3A_615, %swap3A_616], %swap3A_619 {strides = array<i32>} : memref<32x1024xf32, #tpu.memory_space<vmem>>, vector<1x16xf32>,
        %get3A_620 = arith.index_cast %scan3A_32 : i32 to index
        %get3A_621 = arith.constant 672 : index
        %get3A_622 = tpu.vector_load %arg8[%get3A_620, %get3A_621] {strides = array<i32>} : memref<32x1024xf32, #tpu.memory_space<vmem>>, vector<1x16xf32>,
        %get3A_623 = vector.shape_cast %get3A_622 : vector<1x16xf32> to vector<16xf32>
        %get3A_624 = arith.index_cast %scan3A_32 : i32 to index
        %get3A_625 = arith.constant 672 : index
        %get3A_626 = tpu.vector_load %arg9[%get3A_624, %get3A_625] {strides = array<i32>} : memref<32x1024xf32, #tpu.memory_space<vmem>>, vector<1x16xf32>,
        %get3A_627 = vector.shape_cast %get3A_626 : vector<1x16xf32> to vector<16xf32>
        %add3A_628 = arith.addf %get3A_623, %get3A_627 : vector<16xf32>
        %swap3A_629 = arith.index_cast %scan3A_32 : i32 to index
        %swap3A_630 = arith.constant 672 : index
        %swap3A_631 = tpu.vector_load %arg8[%swap3A_629, %swap3A_630] {strides = array<i32>} : memref<32x1024xf32, #tpu.memory_space<vmem>>, vector<1x16xf32>,
        %swap3A_632 = vector.shape_cast %swap3A_631 : vector<1x16xf32> to vector<16xf32>
        %swap3A_633 = vector.shape_cast %add3A_628 : vector<16xf32> to vector<1x16xf32>
        tpu.vector_store %arg8[%swap3A_629, %swap3A_630], %swap3A_633 {strides = array<i32>} : memref<32x1024xf32, #tpu.memory_space<vmem>>, vector<1x16xf32>,
        %get3A_634 = arith.index_cast %scan3A_32 : i32 to index
        %get3A_635 = arith.constant 688 : index
        %get3A_636 = tpu.vector_load %arg8[%get3A_634, %get3A_635] {strides = array<i32>} : memref<32x1024xf32, #tpu.memory_space<vmem>>, vector<1x16xf32>,
        %get3A_637 = vector.shape_cast %get3A_636 : vector<1x16xf32> to vector<16xf32>
        %get3A_638 = arith.index_cast %scan3A_32 : i32 to index
        %get3A_639 = arith.constant 688 : index
        %get3A_640 = tpu.vector_load %arg9[%get3A_638, %get3A_639] {strides = array<i32>} : memref<32x1024xf32, #tpu.memory_space<vmem>>, vector<1x16xf32>,
        %get3A_641 = vector.shape_cast %get3A_640 : vector<1x16xf32> to vector<16xf32>
        %add3A_642 = arith.addf %get3A_637, %get3A_641 : vector<16xf32>
        %swap3A_643 = arith.index_cast %scan3A_32 : i32 to index
        %swap3A_644 = arith.constant 688 : index
        %swap3A_645 = tpu.vector_load %arg8[%swap3A_643, %swap3A_644] {strides = array<i32>} : memref<32x1024xf32, #tpu.memory_space<vmem>>, vector<1x16xf32>,
        %swap3A_646 = vector.shape_cast %swap3A_645 : vector<1x16xf32> to vector<16xf32>
        %swap3A_647 = vector.shape_cast %add3A_642 : vector<16xf32> to vector<1x16xf32>
        tpu.vector_store %arg8[%swap3A_643, %swap3A_644], %swap3A_647 {strides = array<i32>} : memref<32x1024xf32, #tpu.memory_space<vmem>>, vector<1x16xf32>,
        %get3A_648 = arith.index_cast %scan3A_32 : i32 to index
        %get3A_649 = arith.constant 704 : index
        %get3A_650 = tpu.vector_load %arg8[%get3A_648, %get3A_649] {strides = array<i32>} : memref<32x1024xf32, #tpu.memory_space<vmem>>, vector<1x16xf32>,
        %get3A_651 = vector.shape_cast %get3A_650 : vector<1x16xf32> to vector<16xf32>
        %get3A_652 = arith.index_cast %scan3A_32 : i32 to index
        %get3A_653 = arith.constant 704 : index
        %get3A_654 = tpu.vector_load %arg9[%get3A_652, %get3A_653] {strides = array<i32>} : memref<32x1024xf32, #tpu.memory_space<vmem>>, vector<1x16xf32>,
        %get3A_655 = vector.shape_cast %get3A_654 : vector<1x16xf32> to vector<16xf32>
        %add3A_656 = arith.addf %get3A_651, %get3A_655 : vector<16xf32>
        %swap3A_657 = arith.index_cast %scan3A_32 : i32 to index
        %swap3A_658 = arith.constant 704 : index
        %swap3A_659 = tpu.vector_load %arg8[%swap3A_657, %swap3A_658] {strides = array<i32>} : memref<32x1024xf32, #tpu.memory_space<vmem>>, vector<1x16xf32>,
        %swap3A_660 = vector.shape_cast %swap3A_659 : vector<1x16xf32> to vector<16xf32>
        %swap3A_661 = vector.shape_cast %add3A_656 : vector<16xf32> to vector<1x16xf32>
        tpu.vector_store %arg8[%swap3A_657, %swap3A_658], %swap3A_661 {strides = array<i32>} : memref<32x1024xf32, #tpu.memory_space<vmem>>, vector<1x16xf32>,
        %get3A_662 = arith.index_cast %scan3A_32 : i32 to index
        %get3A_663 = arith.constant 720 : index
        %get3A_664 = tpu.vector_load %arg8[%get3A_662, %get3A_663] {strides = array<i32>} : memref<32x1024xf32, #tpu.memory_space<vmem>>, vector<1x16xf32>,
        %get3A_665 = vector.shape_cast %get3A_664 : vector<1x16xf32> to vector<16xf32>
        %get3A_666 = arith.index_cast %scan3A_32 : i32 to index
        %get3A_667 = arith.constant 720 : index
        %get3A_668 = tpu.vector_load %arg9[%get3A_666, %get3A_667] {strides = array<i32>} : memref<32x1024xf32, #tpu.memory_space<vmem>>, vector<1x16xf32>,
        %get3A_669 = vector.shape_cast %get3A_668 : vector<1x16xf32> to vector<16xf32>
        %add3A_670 = arith.addf %get3A_665, %get3A_669 : vector<16xf32>
        %swap3A_671 = arith.index_cast %scan3A_32 : i32 to index
        %swap3A_672 = arith.constant 720 : index
        %swap3A_673 = tpu.vector_load %arg8[%swap3A_671, %swap3A_672] {strides = array<i32>} : memref<32x1024xf32, #tpu.memory_space<vmem>>, vector<1x16xf32>,
        %swap3A_674 = vector.shape_cast %swap3A_673 : vector<1x16xf32> to vector<16xf32>
        %swap3A_675 = vector.shape_cast %add3A_670 : vector<16xf32> to vector<1x16xf32>
        tpu.vector_store %arg8[%swap3A_671, %swap3A_672], %swap3A_675 {strides = array<i32>} : memref<32x1024xf32, #tpu.memory_space<vmem>>, vector<1x16xf32>,
        %get3A_676 = arith.index_cast %scan3A_32 : i32 to index
        %get3A_677 = arith.constant 736 : index
        %get3A_678 = tpu.vector_load %arg8[%get3A_676, %get3A_677] {strides = array<i32>} : memref<32x1024xf32, #tpu.memory_space<vmem>>, vector<1x16xf32>,
        %get3A_679 = vector.shape_cast %get3A_678 : vector<1x16xf32> to vector<16xf32>
        %get3A_680 = arith.index_cast %scan3A_32 : i32 to index
        %get3A_681 = arith.constant 736 : index
        %get3A_682 = tpu.vector_load %arg9[%get3A_680, %get3A_681] {strides = array<i32>} : memref<32x1024xf32, #tpu.memory_space<vmem>>, vector<1x16xf32>,
        %get3A_683 = vector.shape_cast %get3A_682 : vector<1x16xf32> to vector<16xf32>
        %add3A_684 = arith.addf %get3A_679, %get3A_683 : vector<16xf32>
        %swap3A_685 = arith.index_cast %scan3A_32 : i32 to index
        %swap3A_686 = arith.constant 736 : index
        %swap3A_687 = tpu.vector_load %arg8[%swap3A_685, %swap3A_686] {strides = array<i32>} : memref<32x1024xf32, #tpu.memory_space<vmem>>, vector<1x16xf32>,
        %swap3A_688 = vector.shape_cast %swap3A_687 : vector<1x16xf32> to vector<16xf32>
        %swap3A_689 = vector.shape_cast %add3A_684 : vector<16xf32> to vector<1x16xf32>
        tpu.vector_store %arg8[%swap3A_685, %swap3A_686], %swap3A_689 {strides = array<i32>} : memref<32x1024xf32, #tpu.memory_space<vmem>>, vector<1x16xf32>,
        %get3A_690 = arith.index_cast %scan3A_32 : i32 to index
        %get3A_691 = arith.constant 752 : index
        %get3A_692 = tpu.vector_load %arg8[%get3A_690, %get3A_691] {strides = array<i32>} : memref<32x1024xf32, #tpu.memory_space<vmem>>, vector<1x16xf32>,
        %get3A_693 = vector.shape_cast %get3A_692 : vector<1x16xf32> to vector<16xf32>
        %get3A_694 = arith.index_cast %scan3A_32 : i32 to index
        %get3A_695 = arith.constant 752 : index
        %get3A_696 = tpu.vector_load %arg9[%get3A_694, %get3A_695] {strides = array<i32>} : memref<32x1024xf32, #tpu.memory_space<vmem>>, vector<1x16xf32>,
        %get3A_697 = vector.shape_cast %get3A_696 : vector<1x16xf32> to vector<16xf32>
        %add3A_698 = arith.addf %get3A_693, %get3A_697 : vector<16xf32>
        %swap3A_699 = arith.index_cast %scan3A_32 : i32 to index
        %swap3A_700 = arith.constant 752 : index
        %swap3A_701 = tpu.vector_load %arg8[%swap3A_699, %swap3A_700] {strides = array<i32>} : memref<32x1024xf32, #tpu.memory_space<vmem>>, vector<1x16xf32>,
        %swap3A_702 = vector.shape_cast %swap3A_701 : vector<1x16xf32> to vector<16xf32>
        %swap3A_703 = vector.shape_cast %add3A_698 : vector<16xf32> to vector<1x16xf32>
        tpu.vector_store %arg8[%swap3A_699, %swap3A_700], %swap3A_703 {strides = array<i32>} : memref<32x1024xf32, #tpu.memory_space<vmem>>, vector<1x16xf32>,
        %get3A_704 = arith.index_cast %scan3A_32 : i32 to index
        %get3A_705 = arith.constant 768 : index
        %get3A_706 = tpu.vector_load %arg8[%get3A_704, %get3A_705] {strides = array<i32>} : memref<32x1024xf32, #tpu.memory_space<vmem>>, vector<1x16xf32>,
        %get3A_707 = vector.shape_cast %get3A_706 : vector<1x16xf32> to vector<16xf32>
        %get3A_708 = arith.index_cast %scan3A_32 : i32 to index
        %get3A_709 = arith.constant 768 : index
        %get3A_710 = tpu.vector_load %arg9[%get3A_708, %get3A_709] {strides = array<i32>} : memref<32x1024xf32, #tpu.memory_space<vmem>>, vector<1x16xf32>,
        %get3A_711 = vector.shape_cast %get3A_710 : vector<1x16xf32> to vector<16xf32>
        %add3A_712 = arith.addf %get3A_707, %get3A_711 : vector<16xf32>
        %swap3A_713 = arith.index_cast %scan3A_32 : i32 to index
        %swap3A_714 = arith.constant 768 : index
        %swap3A_715 = tpu.vector_load %arg8[%swap3A_713, %swap3A_714] {strides = array<i32>} : memref<32x1024xf32, #tpu.memory_space<vmem>>, vector<1x16xf32>,
        %swap3A_716 = vector.shape_cast %swap3A_715 : vector<1x16xf32> to vector<16xf32>
        %swap3A_717 = vector.shape_cast %add3A_712 : vector<16xf32> to vector<1x16xf32>
        tpu.vector_store %arg8[%swap3A_713, %swap3A_714], %swap3A_717 {strides = array<i32>} : memref<32x1024xf32, #tpu.memory_space<vmem>>, vector<1x16xf32>,
        %get3A_718 = arith.index_cast %scan3A_32 : i32 to index
        %get3A_719 = arith.constant 784 : index
        %get3A_720 = tpu.vector_load %arg8[%get3A_718, %get3A_719] {strides = array<i32>} : memref<32x1024xf32, #tpu.memory_space<vmem>>, vector<1x16xf32>,
        %get3A_721 = vector.shape_cast %get3A_720 : vector<1x16xf32> to vector<16xf32>
        %get3A_722 = arith.index_cast %scan3A_32 : i32 to index
        %get3A_723 = arith.constant 784 : index
        %get3A_724 = tpu.vector_load %arg9[%get3A_722, %get3A_723] {strides = array<i32>} : memref<32x1024xf32, #tpu.memory_space<vmem>>, vector<1x16xf32>,
        %get3A_725 = vector.shape_cast %get3A_724 : vector<1x16xf32> to vector<16xf32>
        %add3A_726 = arith.addf %get3A_721, %get3A_725 : vector<16xf32>
        %swap3A_727 = arith.index_cast %scan3A_32 : i32 to index
        %swap3A_728 = arith.constant 784 : index
        %swap3A_729 = tpu.vector_load %arg8[%swap3A_727, %swap3A_728] {strides = array<i32>} : memref<32x1024xf32, #tpu.memory_space<vmem>>, vector<1x16xf32>,
        %swap3A_730 = vector.shape_cast %swap3A_729 : vector<1x16xf32> to vector<16xf32>
        %swap3A_731 = vector.shape_cast %add3A_726 : vector<16xf32> to vector<1x16xf32>
        tpu.vector_store %arg8[%swap3A_727, %swap3A_728], %swap3A_731 {strides = array<i32>} : memref<32x1024xf32, #tpu.memory_space<vmem>>, vector<1x16xf32>,
        %get3A_732 = arith.index_cast %scan3A_32 : i32 to index
        %get3A_733 = arith.constant 800 : index
        %get3A_734 = tpu.vector_load %arg8[%get3A_732, %get3A_733] {strides = array<i32>} : memref<32x1024xf32, #tpu.memory_space<vmem>>, vector<1x16xf32>,
        %get3A_735 = vector.shape_cast %get3A_734 : vector<1x16xf32> to vector<16xf32>
        %get3A_736 = arith.index_cast %scan3A_32 : i32 to index
        %get3A_737 = arith.constant 800 : index
        %get3A_738 = tpu.vector_load %arg9[%get3A_736, %get3A_737] {strides = array<i32>} : memref<32x1024xf32, #tpu.memory_space<vmem>>, vector<1x16xf32>,
        %get3A_739 = vector.shape_cast %get3A_738 : vector<1x16xf32> to vector<16xf32>
        %add3A_740 = arith.addf %get3A_735, %get3A_739 : vector<16xf32>
        %swap3A_741 = arith.index_cast %scan3A_32 : i32 to index
        %swap3A_742 = arith.constant 800 : index
        %swap3A_743 = tpu.vector_load %arg8[%swap3A_741, %swap3A_742] {strides = array<i32>} : memref<32x1024xf32, #tpu.memory_space<vmem>>, vector<1x16xf32>,
        %swap3A_744 = vector.shape_cast %swap3A_743 : vector<1x16xf32> to vector<16xf32>
        %swap3A_745 = vector.shape_cast %add3A_740 : vector<16xf32> to vector<1x16xf32>
        tpu.vector_store %arg8[%swap3A_741, %swap3A_742], %swap3A_745 {strides = array<i32>} : memref<32x1024xf32, #tpu.memory_space<vmem>>, vector<1x16xf32>,
        %get3A_746 = arith.index_cast %scan3A_32 : i32 to index
        %get3A_747 = arith.constant 816 : index
        %get3A_748 = tpu.vector_load %arg8[%get3A_746, %get3A_747] {strides = array<i32>} : memref<32x1024xf32, #tpu.memory_space<vmem>>, vector<1x16xf32>,
        %get3A_749 = vector.shape_cast %get3A_748 : vector<1x16xf32> to vector<16xf32>
        %get3A_750 = arith.index_cast %scan3A_32 : i32 to index
        %get3A_751 = arith.constant 816 : index
        %get3A_752 = tpu.vector_load %arg9[%get3A_750, %get3A_751] {strides = array<i32>} : memref<32x1024xf32, #tpu.memory_space<vmem>>, vector<1x16xf32>,
        %get3A_753 = vector.shape_cast %get3A_752 : vector<1x16xf32> to vector<16xf32>
        %add3A_754 = arith.addf %get3A_749, %get3A_753 : vector<16xf32>
        %swap3A_755 = arith.index_cast %scan3A_32 : i32 to index
        %swap3A_756 = arith.constant 816 : index
        %swap3A_757 = tpu.vector_load %arg8[%swap3A_755, %swap3A_756] {strides = array<i32>} : memref<32x1024xf32, #tpu.memory_space<vmem>>, vector<1x16xf32>,
        %swap3A_758 = vector.shape_cast %swap3A_757 : vector<1x16xf32> to vector<16xf32>
        %swap3A_759 = vector.shape_cast %add3A_754 : vector<16xf32> to vector<1x16xf32>
        tpu.vector_store %arg8[%swap3A_755, %swap3A_756], %swap3A_759 {strides = array<i32>} : memref<32x1024xf32, #tpu.memory_space<vmem>>, vector<1x16xf32>,
        %get3A_760 = arith.index_cast %scan3A_32 : i32 to index
        %get3A_761 = arith.constant 832 : index
        %get3A_762 = tpu.vector_load %arg8[%get3A_760, %get3A_761] {strides = array<i32>} : memref<32x1024xf32, #tpu.memory_space<vmem>>, vector<1x16xf32>,
        %get3A_763 = vector.shape_cast %get3A_762 : vector<1x16xf32> to vector<16xf32>
        %get3A_764 = arith.index_cast %scan3A_32 : i32 to index
        %get3A_765 = arith.constant 832 : index
        %get3A_766 = tpu.vector_load %arg9[%get3A_764, %get3A_765] {strides = array<i32>} : memref<32x1024xf32, #tpu.memory_space<vmem>>, vector<1x16xf32>,
        %get3A_767 = vector.shape_cast %get3A_766 : vector<1x16xf32> to vector<16xf32>
        %add3A_768 = arith.addf %get3A_763, %get3A_767 : vector<16xf32>
        %swap3A_769 = arith.index_cast %scan3A_32 : i32 to index
        %swap3A_770 = arith.constant 832 : index
        %swap3A_771 = tpu.vector_load %arg8[%swap3A_769, %swap3A_770] {strides = array<i32>} : memref<32x1024xf32, #tpu.memory_space<vmem>>, vector<1x16xf32>,
        %swap3A_772 = vector.shape_cast %swap3A_771 : vector<1x16xf32> to vector<16xf32>
        %swap3A_773 = vector.shape_cast %add3A_768 : vector<16xf32> to vector<1x16xf32>
        tpu.vector_store %arg8[%swap3A_769, %swap3A_770], %swap3A_773 {strides = array<i32>} : memref<32x1024xf32, #tpu.memory_space<vmem>>, vector<1x16xf32>,
        %get3A_774 = arith.index_cast %scan3A_32 : i32 to index
        %get3A_775 = arith.constant 848 : index
        %get3A_776 = tpu.vector_load %arg8[%get3A_774, %get3A_775] {strides = array<i32>} : memref<32x1024xf32, #tpu.memory_space<vmem>>, vector<1x16xf32>,
        %get3A_777 = vector.shape_cast %get3A_776 : vector<1x16xf32> to vector<16xf32>
        %get3A_778 = arith.index_cast %scan3A_32 : i32 to index
        %get3A_779 = arith.constant 848 : index
        %get3A_780 = tpu.vector_load %arg9[%get3A_778, %get3A_779] {strides = array<i32>} : memref<32x1024xf32, #tpu.memory_space<vmem>>, vector<1x16xf32>,
        %get3A_781 = vector.shape_cast %get3A_780 : vector<1x16xf32> to vector<16xf32>
        %add3A_782 = arith.addf %get3A_777, %get3A_781 : vector<16xf32>
        %swap3A_783 = arith.index_cast %scan3A_32 : i32 to index
        %swap3A_784 = arith.constant 848 : index
        %swap3A_785 = tpu.vector_load %arg8[%swap3A_783, %swap3A_784] {strides = array<i32>} : memref<32x1024xf32, #tpu.memory_space<vmem>>, vector<1x16xf32>,
        %swap3A_786 = vector.shape_cast %swap3A_785 : vector<1x16xf32> to vector<16xf32>
        %swap3A_787 = vector.shape_cast %add3A_782 : vector<16xf32> to vector<1x16xf32>
        tpu.vector_store %arg8[%swap3A_783, %swap3A_784], %swap3A_787 {strides = array<i32>} : memref<32x1024xf32, #tpu.memory_space<vmem>>, vector<1x16xf32>,
        %get3A_788 = arith.index_cast %scan3A_32 : i32 to index
        %get3A_789 = arith.constant 864 : index
        %get3A_790 = tpu.vector_load %arg8[%get3A_788, %get3A_789] {strides = array<i32>} : memref<32x1024xf32, #tpu.memory_space<vmem>>, vector<1x16xf32>,
        %get3A_791 = vector.shape_cast %get3A_790 : vector<1x16xf32> to vector<16xf32>
        %get3A_792 = arith.index_cast %scan3A_32 : i32 to index
        %get3A_793 = arith.constant 864 : index
        %get3A_794 = tpu.vector_load %arg9[%get3A_792, %get3A_793] {strides = array<i32>} : memref<32x1024xf32, #tpu.memory_space<vmem>>, vector<1x16xf32>,
        %get3A_795 = vector.shape_cast %get3A_794 : vector<1x16xf32> to vector<16xf32>
        %add3A_796 = arith.addf %get3A_791, %get3A_795 : vector<16xf32>
        %swap3A_797 = arith.index_cast %scan3A_32 : i32 to index
        %swap3A_798 = arith.constant 864 : index
        %swap3A_799 = tpu.vector_load %arg8[%swap3A_797, %swap3A_798] {strides = array<i32>} : memref<32x1024xf32, #tpu.memory_space<vmem>>, vector<1x16xf32>,
        %swap3A_800 = vector.shape_cast %swap3A_799 : vector<1x16xf32> to vector<16xf32>
        %swap3A_801 = vector.shape_cast %add3A_796 : vector<16xf32> to vector<1x16xf32>
        tpu.vector_store %arg8[%swap3A_797, %swap3A_798], %swap3A_801 {strides = array<i32>} : memref<32x1024xf32, #tpu.memory_space<vmem>>, vector<1x16xf32>,
        %get3A_802 = arith.index_cast %scan3A_32 : i32 to index
        %get3A_803 = arith.constant 880 : index
        %get3A_804 = tpu.vector_load %arg8[%get3A_802, %get3A_803] {strides = array<i32>} : memref<32x1024xf32, #tpu.memory_space<vmem>>, vector<1x16xf32>,
        %get3A_805 = vector.shape_cast %get3A_804 : vector<1x16xf32> to vector<16xf32>
        %get3A_806 = arith.index_cast %scan3A_32 : i32 to index
        %get3A_807 = arith.constant 880 : index
        %get3A_808 = tpu.vector_load %arg9[%get3A_806, %get3A_807] {strides = array<i32>} : memref<32x1024xf32, #tpu.memory_space<vmem>>, vector<1x16xf32>,
        %get3A_809 = vector.shape_cast %get3A_808 : vector<1x16xf32> to vector<16xf32>
        %add3A_810 = arith.addf %get3A_805, %get3A_809 : vector<16xf32>
        %swap3A_811 = arith.index_cast %scan3A_32 : i32 to index
        %swap3A_812 = arith.constant 880 : index
        %swap3A_813 = tpu.vector_load %arg8[%swap3A_811, %swap3A_812] {strides = array<i32>} : memref<32x1024xf32, #tpu.memory_space<vmem>>, vector<1x16xf32>,
        %swap3A_814 = vector.shape_cast %swap3A_813 : vector<1x16xf32> to vector<16xf32>
        %swap3A_815 = vector.shape_cast %add3A_810 : vector<16xf32> to vector<1x16xf32>
        tpu.vector_store %arg8[%swap3A_811, %swap3A_812], %swap3A_815 {strides = array<i32>} : memref<32x1024xf32, #tpu.memory_space<vmem>>, vector<1x16xf32>,
        %get3A_816 = arith.index_cast %scan3A_32 : i32 to index
        %get3A_817 = arith.constant 896 : index
        %get3A_818 = tpu.vector_load %arg8[%get3A_816, %get3A_817] {strides = array<i32>} : memref<32x1024xf32, #tpu.memory_space<vmem>>, vector<1x16xf32>,
        %get3A_819 = vector.shape_cast %get3A_818 : vector<1x16xf32> to vector<16xf32>
        %get3A_820 = arith.index_cast %scan3A_32 : i32 to index
        %get3A_821 = arith.constant 896 : index
        %get3A_822 = tpu.vector_load %arg9[%get3A_820, %get3A_821] {strides = array<i32>} : memref<32x1024xf32, #tpu.memory_space<vmem>>, vector<1x16xf32>,
        %get3A_823 = vector.shape_cast %get3A_822 : vector<1x16xf32> to vector<16xf32>
        %add3A_824 = arith.addf %get3A_819, %get3A_823 : vector<16xf32>
        %swap3A_825 = arith.index_cast %scan3A_32 : i32 to index
        %swap3A_826 = arith.constant 896 : index
        %swap3A_827 = tpu.vector_load %arg8[%swap3A_825, %swap3A_826] {strides = array<i32>} : memref<32x1024xf32, #tpu.memory_space<vmem>>, vector<1x16xf32>,
        %swap3A_828 = vector.shape_cast %swap3A_827 : vector<1x16xf32> to vector<16xf32>
        %swap3A_829 = vector.shape_cast %add3A_824 : vector<16xf32> to vector<1x16xf32>
        tpu.vector_store %arg8[%swap3A_825, %swap3A_826], %swap3A_829 {strides = array<i32>} : memref<32x1024xf32, #tpu.memory_space<vmem>>, vector<1x16xf32>,
        %get3A_830 = arith.index_cast %scan3A_32 : i32 to index
        %get3A_831 = arith.constant 912 : index
        %get3A_832 = tpu.vector_load %arg8[%get3A_830, %get3A_831] {strides = array<i32>} : memref<32x1024xf32, #tpu.memory_space<vmem>>, vector<1x16xf32>,
        %get3A_833 = vector.shape_cast %get3A_832 : vector<1x16xf32> to vector<16xf32>
        %get3A_834 = arith.index_cast %scan3A_32 : i32 to index
        %get3A_835 = arith.constant 912 : index
        %get3A_836 = tpu.vector_load %arg9[%get3A_834, %get3A_835] {strides = array<i32>} : memref<32x1024xf32, #tpu.memory_space<vmem>>, vector<1x16xf32>,
        %get3A_837 = vector.shape_cast %get3A_836 : vector<1x16xf32> to vector<16xf32>
        %add3A_838 = arith.addf %get3A_833, %get3A_837 : vector<16xf32>
        %swap3A_839 = arith.index_cast %scan3A_32 : i32 to index
        %swap3A_840 = arith.constant 912 : index
        %swap3A_841 = tpu.vector_load %arg8[%swap3A_839, %swap3A_840] {strides = array<i32>} : memref<32x1024xf32, #tpu.memory_space<vmem>>, vector<1x16xf32>,
        %swap3A_842 = vector.shape_cast %swap3A_841 : vector<1x16xf32> to vector<16xf32>
        %swap3A_843 = vector.shape_cast %add3A_838 : vector<16xf32> to vector<1x16xf32>
        tpu.vector_store %arg8[%swap3A_839, %swap3A_840], %swap3A_843 {strides = array<i32>} : memref<32x1024xf32, #tpu.memory_space<vmem>>, vector<1x16xf32>,
        %get3A_844 = arith.index_cast %scan3A_32 : i32 to index
        %get3A_845 = arith.constant 928 : index
        %get3A_846 = tpu.vector_load %arg8[%get3A_844, %get3A_845] {strides = array<i32>} : memref<32x1024xf32, #tpu.memory_space<vmem>>, vector<1x16xf32>,
        %get3A_847 = vector.shape_cast %get3A_846 : vector<1x16xf32> to vector<16xf32>
        %get3A_848 = arith.index_cast %scan3A_32 : i32 to index
        %get3A_849 = arith.constant 928 : index
        %get3A_850 = tpu.vector_load %arg9[%get3A_848, %get3A_849] {strides = array<i32>} : memref<32x1024xf32, #tpu.memory_space<vmem>>, vector<1x16xf32>,
        %get3A_851 = vector.shape_cast %get3A_850 : vector<1x16xf32> to vector<16xf32>
        %add3A_852 = arith.addf %get3A_847, %get3A_851 : vector<16xf32>
        %swap3A_853 = arith.index_cast %scan3A_32 : i32 to index
        %swap3A_854 = arith.constant 928 : index
        %swap3A_855 = tpu.vector_load %arg8[%swap3A_853, %swap3A_854] {strides = array<i32>} : memref<32x1024xf32, #tpu.memory_space<vmem>>, vector<1x16xf32>,
        %swap3A_856 = vector.shape_cast %swap3A_855 : vector<1x16xf32> to vector<16xf32>
        %swap3A_857 = vector.shape_cast %add3A_852 : vector<16xf32> to vector<1x16xf32>
        tpu.vector_store %arg8[%swap3A_853, %swap3A_854], %swap3A_857 {strides = array<i32>} : memref<32x1024xf32, #tpu.memory_space<vmem>>, vector<1x16xf32>,
        %get3A_858 = arith.index_cast %scan3A_32 : i32 to index
        %get3A_859 = arith.constant 944 : index
        %get3A_860 = tpu.vector_load %arg8[%get3A_858, %get3A_859] {strides = array<i32>} : memref<32x1024xf32, #tpu.memory_space<vmem>>, vector<1x16xf32>,
        %get3A_861 = vector.shape_cast %get3A_860 : vector<1x16xf32> to vector<16xf32>
        %get3A_862 = arith.index_cast %scan3A_32 : i32 to index
        %get3A_863 = arith.constant 944 : index
        %get3A_864 = tpu.vector_load %arg9[%get3A_862, %get3A_863] {strides = array<i32>} : memref<32x1024xf32, #tpu.memory_space<vmem>>, vector<1x16xf32>,
        %get3A_865 = vector.shape_cast %get3A_864 : vector<1x16xf32> to vector<16xf32>
        %add3A_866 = arith.addf %get3A_861, %get3A_865 : vector<16xf32>
        %swap3A_867 = arith.index_cast %scan3A_32 : i32 to index
        %swap3A_868 = arith.constant 944 : index
        %swap3A_869 = tpu.vector_load %arg8[%swap3A_867, %swap3A_868] {strides = array<i32>} : memref<32x1024xf32, #tpu.memory_space<vmem>>, vector<1x16xf32>,
        %swap3A_870 = vector.shape_cast %swap3A_869 : vector<1x16xf32> to vector<16xf32>
        %swap3A_871 = vector.shape_cast %add3A_866 : vector<16xf32> to vector<1x16xf32>
        tpu.vector_store %arg8[%swap3A_867, %swap3A_868], %swap3A_871 {strides = array<i32>} : memref<32x1024xf32, #tpu.memory_space<vmem>>, vector<1x16xf32>,
        %get3A_872 = arith.index_cast %scan3A_32 : i32 to index
        %get3A_873 = arith.constant 960 : index
        %get3A_874 = tpu.vector_load %arg8[%get3A_872, %get3A_873] {strides = array<i32>} : memref<32x1024xf32, #tpu.memory_space<vmem>>, vector<1x16xf32>,
        %get3A_875 = vector.shape_cast %get3A_874 : vector<1x16xf32> to vector<16xf32>
        %get3A_876 = arith.index_cast %scan3A_32 : i32 to index
        %get3A_877 = arith.constant 960 : index
        %get3A_878 = tpu.vector_load %arg9[%get3A_876, %get3A_877] {strides = array<i32>} : memref<32x1024xf32, #tpu.memory_space<vmem>>, vector<1x16xf32>,
        %get3A_879 = vector.shape_cast %get3A_878 : vector<1x16xf32> to vector<16xf32>
        %add3A_880 = arith.addf %get3A_875, %get3A_879 : vector<16xf32>
        %swap3A_881 = arith.index_cast %scan3A_32 : i32 to index
        %swap3A_882 = arith.constant 960 : index
        %swap3A_883 = tpu.vector_load %arg8[%swap3A_881, %swap3A_882] {strides = array<i32>} : memref<32x1024xf32, #tpu.memory_space<vmem>>, vector<1x16xf32>,
        %swap3A_884 = vector.shape_cast %swap3A_883 : vector<1x16xf32> to vector<16xf32>
        %swap3A_885 = vector.shape_cast %add3A_880 : vector<16xf32> to vector<1x16xf32>
        tpu.vector_store %arg8[%swap3A_881, %swap3A_882], %swap3A_885 {strides = array<i32>} : memref<32x1024xf32, #tpu.memory_space<vmem>>, vector<1x16xf32>,
        %get3A_886 = arith.index_cast %scan3A_32 : i32 to index
        %get3A_887 = arith.constant 976 : index
        %get3A_888 = tpu.vector_load %arg8[%get3A_886, %get3A_887] {strides = array<i32>} : memref<32x1024xf32, #tpu.memory_space<vmem>>, vector<1x16xf32>,
        %get3A_889 = vector.shape_cast %get3A_888 : vector<1x16xf32> to vector<16xf32>
        %get3A_890 = arith.index_cast %scan3A_32 : i32 to index
        %get3A_891 = arith.constant 976 : index
        %get3A_892 = tpu.vector_load %arg9[%get3A_890, %get3A_891] {strides = array<i32>} : memref<32x1024xf32, #tpu.memory_space<vmem>>, vector<1x16xf32>,
        %get3A_893 = vector.shape_cast %get3A_892 : vector<1x16xf32> to vector<16xf32>
        %add3A_894 = arith.addf %get3A_889, %get3A_893 : vector<16xf32>
        %swap3A_895 = arith.index_cast %scan3A_32 : i32 to index
        %swap3A_896 = arith.constant 976 : index
        %swap3A_897 = tpu.vector_load %arg8[%swap3A_895, %swap3A_896] {strides = array<i32>} : memref<32x1024xf32, #tpu.memory_space<vmem>>, vector<1x16xf32>,
        %swap3A_898 = vector.shape_cast %swap3A_897 : vector<1x16xf32> to vector<16xf32>
        %swap3A_899 = vector.shape_cast %add3A_894 : vector<16xf32> to vector<1x16xf32>
        tpu.vector_store %arg8[%swap3A_895, %swap3A_896], %swap3A_899 {strides = array<i32>} : memref<32x1024xf32, #tpu.memory_space<vmem>>, vector<1x16xf32>,
        %get3A_900 = arith.index_cast %scan3A_32 : i32 to index
        %get3A_901 = arith.constant 992 : index
        %get3A_902 = tpu.vector_load %arg8[%get3A_900, %get3A_901] {strides = array<i32>} : memref<32x1024xf32, #tpu.memory_space<vmem>>, vector<1x16xf32>,
        %get3A_903 = vector.shape_cast %get3A_902 : vector<1x16xf32> to vector<16xf32>
        %get3A_904 = arith.index_cast %scan3A_32 : i32 to index
        %get3A_905 = arith.constant 992 : index
        %get3A_906 = tpu.vector_load %arg9[%get3A_904, %get3A_905] {strides = array<i32>} : memref<32x1024xf32, #tpu.memory_space<vmem>>, vector<1x16xf32>,
        %get3A_907 = vector.shape_cast %get3A_906 : vector<1x16xf32> to vector<16xf32>
        %add3A_908 = arith.addf %get3A_903, %get3A_907 : vector<16xf32>
        %swap3A_909 = arith.index_cast %scan3A_32 : i32 to index
        %swap3A_910 = arith.constant 992 : index
        %swap3A_911 = tpu.vector_load %arg8[%swap3A_909, %swap3A_910] {strides = array<i32>} : memref<32x1024xf32, #tpu.memory_space<vmem>>, vector<1x16xf32>,
        %swap3A_912 = vector.shape_cast %swap3A_911 : vector<1x16xf32> to vector<16xf32>
        %swap3A_913 = vector.shape_cast %add3A_908 : vector<16xf32> to vector<1x16xf32>
        tpu.vector_store %arg8[%swap3A_909, %swap3A_910], %swap3A_913 {strides = array<i32>} : memref<32x1024xf32, #tpu.memory_space<vmem>>, vector<1x16xf32>,
        %get3A_914 = arith.index_cast %scan3A_32 : i32 to index
        %get3A_915 = arith.constant 1008 : index
        %get3A_916 = tpu.vector_load %arg8[%get3A_914, %get3A_915] {strides = array<i32>} : memref<32x1024xf32, #tpu.memory_space<vmem>>, vector<1x16xf32>,
        %get3A_917 = vector.shape_cast %get3A_916 : vector<1x16xf32> to vector<16xf32>
        %get3A_918 = arith.index_cast %scan3A_32 : i32 to index
        %get3A_919 = arith.constant 1008 : index
        %get3A_920 = tpu.vector_load %arg9[%get3A_918, %get3A_919] {strides = array<i32>} : memref<32x1024xf32, #tpu.memory_space<vmem>>, vector<1x16xf32>,
        %get3A_921 = vector.shape_cast %get3A_920 : vector<1x16xf32> to vector<16xf32>
        %add3A_922 = arith.addf %get3A_917, %get3A_921 : vector<16xf32>
        %swap3A_923 = arith.index_cast %scan3A_32 : i32 to index
        %swap3A_924 = arith.constant 1008 : index
        %swap3A_925 = tpu.vector_load %arg8[%swap3A_923, %swap3A_924] {strides = array<i32>} : memref<32x1024xf32, #tpu.memory_space<vmem>>, vector<1x16xf32>,
        %swap3A_926 = vector.shape_cast %swap3A_925 : vector<1x16xf32> to vector<16xf32>
        %swap3A_927 = vector.shape_cast %add3A_922 : vector<16xf32> to vector<1x16xf32>
        tpu.vector_store %arg8[%swap3A_923, %swap3A_924], %swap3A_927 {strides = array<i32>} : memref<32x1024xf32, #tpu.memory_space<vmem>>, vector<1x16xf32>,
        %scan3A_928 = arith.constant 0 : i32
        scf.yield %scan3A_928 : i32
      }
      %scan3A_30 = arith.constant 32 : i32
      "tpu.region"() ({
        %run_scoped3A = tpu.sem_alloc : memref<!tpu.dma_semaphore, #tpu.memory_space<semaphore_mem>>
        %dma_start3A_32 = arith.constant 0 : i32
        %dma_start3A_33 = tpu.memref_slice %arg5[%add3A_13, %dma_start3A_32] : memref<2048x1024xf32, #tpu.memory_space<hbm>> -> memref<32x1024xf32, #tpu.memory_space<hbm>>
        %dma_start3A_34 = arith.constant 0 : i32
        %dma_start3A_35 = tpu.memref_slice %arg5[%add3A_13, %dma_start3A_34] : memref<2048x1024xf32, #tpu.memory_space<hbm>> -> memref<32x1024xf32, #tpu.memory_space<hbm>>
        tpu.enqueue_dma source(%arg8 : memref<32x1024xf32, #tpu.memory_space<vmem>>) target(%dma_start3A_35 : memref<32x1024xf32, #tpu.memory_space<hbm>>) target_semaphore(%run_scoped3A : memref<!tpu.dma_semaphore, #tpu.memory_space<semaphore_mem>>)
        %dma_wait3A_36 = arith.constant 0 : i32
        %dma_wait3A_37 = tpu.memref_slice %arg5[%add3A_13, %dma_wait3A_36] : memref<2048x1024xf32, #tpu.memory_space<hbm>> -> memref<32x1024xf32, #tpu.memory_space<hbm>>
        %dma_wait3A_38 = arith.constant 0 : i32
        %dma_wait3A_39 = tpu.memref_slice %arg5[%add3A_13, %dma_wait3A_38] : memref<2048x1024xf32, #tpu.memory_space<hbm>> -> memref<32x1024xf32, #tpu.memory_space<hbm>>
        tpu.wait_dma2 semaphore(%run_scoped3A : memref<!tpu.dma_semaphore, #tpu.memory_space<semaphore_mem>>) src(%arg8 : memref<32x1024xf32, #tpu.memory_space<vmem>>) dst(%dma_wait3A_39 : memref<32x1024xf32, #tpu.memory_space<hbm>>)
        tpu.yield
      }) : () -> ()
      %scan3A_31 = arith.constant 0 : i32
      scf.yield %scan3A_31 : i32
    }
    %scan3A_8 = arith.constant 2 : i32
    return
  }
}

module attributes {stable_mosaic.version = 14 : i64} {
  func.func @_router_kernel(%arg0: memref<2048x1024xf32, #tpu.memory_space<vmem>>, %arg1: memref<1024x8xf32, #tpu.memory_space<vmem>>, %arg2: memref<2048x2xi32, #tpu.memory_space<vmem>>, %arg3: memref<2048x2xf32, #tpu.memory_space<vmem>>) attributes {dimension_semantics = [], scalar_prefetch = 0 : i64, scratch_operands = 0 : i64, tpu.core_type = #tpu.core_type<tc>} {
    %get3A = arith.constant 0 : index
    %get3A_0 = arith.constant 0 : index
    %get3A_1 = vector.load %arg0[%get3A, %get3A_0] : memref<2048x1024xf32, #tpu.memory_space<vmem>>, vector<2048x1024xf32>
    %get3A_2 = arith.constant 0 : index
    %get3A_3 = arith.constant 0 : index
    %get3A_4 = vector.load %arg1[%get3A_2, %get3A_3] : memref<1024x8xf32, #tpu.memory_space<vmem>>, vector<1024x8xf32>
    %dot_general3A = arith.constant dense<0.000000e+00> : vector<2048x8xf32>
    %dot_general3A_5 = tpu.matmul %get3A_1, %get3A_4, %dot_general3A {dimension_numbers = #tpu.dot_dimension_numbers<[1], [0], [0], [1], [0, 0, 1, 1], [], []>, transpose_lhs_hint = false} : vector<2048x1024xf32>, vector<1024x8xf32>, vector<2048x8xf32> -> vector<2048x8xf32>
    %iota3A = tpu.iota {dimensions = array<i32: 1>} : vector<2048x8xi32>
    %reduce_max3A = arith.constant dense<0xFF800000> : vector<2048xf32>
    %reduce_max3A_6 = vector.multi_reduction <maximumf>, %dot_general3A_5, %reduce_max3A [1] : vector<2048x8xf32> to vector<2048xf32>
    %broadcast_in_dim3A = vector.shape_cast %reduce_max3A_6 : vector<2048xf32> to vector<2048x1xf32>
    %eq3A = vector.broadcast %broadcast_in_dim3A : vector<2048x1xf32> to vector<2048x8xf32>
    %eq3A_7 = arith.cmpf oeq, %dot_general3A_5, %eq3A : vector<2048x8xf32>
    %jit3A = arith.constant 8 : i32
    %broadcast_in_dim3A_8 = vector.broadcast %jit3A : i32 to vector<2048x8xi32>
    %select_n3A = arith.select %eq3A_7, %iota3A, %broadcast_in_dim3A_8 : vector<2048x8xi1>, vector<2048x8xi32>
    %reduce_min3A = arith.constant dense<2147483647> : vector<2048xi32>
    %reduce_min3A_9 = vector.multi_reduction <minsi>, %select_n3A, %reduce_min3A [1] : vector<2048x8xi32> to vector<2048xi32>
    %broadcast_in_dim3A_10 = vector.shape_cast %reduce_min3A_9 : vector<2048xi32> to vector<2048x1xi32>
    %eq3A_11 = vector.broadcast %broadcast_in_dim3A_10 : vector<2048x1xi32> to vector<2048x8xi32>
    %eq3A_12 = arith.cmpi eq, %iota3A, %eq3A_11 : vector<2048x8xi32>
    %jit3A_13 = arith.constant 0xFF800000 : f32
    %broadcast_in_dim3A_14 = vector.broadcast %jit3A_13 : f32 to vector<2048x8xf32>
    %select_n3A_15 = arith.select %eq3A_12, %broadcast_in_dim3A_14, %dot_general3A_5 : vector<2048x8xi1>, vector<2048x8xf32>
    %reduce_max3A_16 = arith.constant dense<0xFF800000> : vector<2048xf32>
    %reduce_max3A_17 = vector.multi_reduction <maximumf>, %select_n3A_15, %reduce_max3A_16 [1] : vector<2048x8xf32> to vector<2048xf32>
    %broadcast_in_dim3A_18 = vector.shape_cast %reduce_max3A_17 : vector<2048xf32> to vector<2048x1xf32>
    %eq3A_19 = vector.broadcast %broadcast_in_dim3A_18 : vector<2048x1xf32> to vector<2048x8xf32>
    %eq3A_20 = arith.cmpf oeq, %select_n3A_15, %eq3A_19 : vector<2048x8xf32>
    %jit3A_21 = arith.constant 8 : i32
    %broadcast_in_dim3A_22 = vector.broadcast %jit3A_21 : i32 to vector<2048x8xi32>
    %select_n3A_23 = arith.select %eq3A_20, %iota3A, %broadcast_in_dim3A_22 : vector<2048x8xi1>, vector<2048x8xi32>
    %reduce_min3A_24 = arith.constant dense<2147483647> : vector<2048xi32>
    %reduce_min3A_25 = vector.multi_reduction <minsi>, %select_n3A_23, %reduce_min3A_24 [1] : vector<2048x8xi32> to vector<2048xi32>
    %broadcast_in_dim3A_26 = vector.shape_cast %reduce_min3A_25 : vector<2048xi32> to vector<2048x1xi32>
    %sub3A = arith.subf %broadcast_in_dim3A_18, %broadcast_in_dim3A : vector<2048x1xf32>
    %exp3A = math.exp %sub3A : vector<2048x1xf32>
    %add3A = arith.constant 1.000000e+00 : f32
    %add3A_27 = vector.broadcast %add3A : f32 to vector<2048x1xf32>
    %add3A_28 = arith.addf %add3A_27, %exp3A : vector<2048x1xf32>
    %div3A = arith.constant 1.000000e+00 : f32
    %div3A_29 = vector.broadcast %div3A : f32 to vector<2048x1xf32>
    %div3A_30 = arith.divf %div3A_29, %add3A_28 : vector<2048x1xf32>
    %add3A_31 = arith.constant 1.000000e+00 : f32
    %add3A_32 = vector.broadcast %add3A_31 : f32 to vector<2048x1xf32>
    %add3A_33 = arith.addf %add3A_32, %exp3A : vector<2048x1xf32>
    %div3A_34 = arith.divf %exp3A, %add3A_33 : vector<2048x1xf32>
    %concatenate3A = tpu.concatenate %broadcast_in_dim3A_10, %broadcast_in_dim3A_26 in 1 : vector<2048x1xi32>, vector<2048x1xi32> -> vector<2048x2xi32>
    %swap3A = arith.constant 0 : index
    %swap3A_35 = arith.constant 0 : index
    %swap3A_36 = vector.load %arg2[%swap3A, %swap3A_35] : memref<2048x2xi32, #tpu.memory_space<vmem>>, vector<2048x2xi32>
    tpu.vector_store %arg2[%swap3A, %swap3A_35], %concatenate3A {strides = array<i32>} : memref<2048x2xi32, #tpu.memory_space<vmem>>, vector<2048x2xi32>,
    %concatenate3A_37 = tpu.concatenate %div3A_30, %div3A_34 in 1 : vector<2048x1xf32>, vector<2048x1xf32> -> vector<2048x2xf32>
    %swap3A_38 = arith.constant 0 : index
    %swap3A_39 = arith.constant 0 : index
    %swap3A_40 = vector.load %arg3[%swap3A_38, %swap3A_39] : memref<2048x2xf32, #tpu.memory_space<vmem>>, vector<2048x2xf32>
    tpu.vector_store %arg3[%swap3A_38, %swap3A_39], %concatenate3A_37 {strides = array<i32>} : memref<2048x2xf32, #tpu.memory_space<vmem>>, vector<2048x2xf32>,
    return
  }
}

module attributes {stable_mosaic.version = 14 : i64} {
  func.func @_gmm_a_kernel(%arg0: i32, %arg1: memref<25xi32, #tpu.memory_space<smem>>, %arg2: memref<256x1024xf32, #tpu.memory_space<vmem>>, %arg3: memref<1x1024x2048xf32, #tpu.memory_space<vmem>>, %arg4: memref<1x1024x2048xf32, #tpu.memory_space<vmem>>, %arg5: memref<1x2048x1024xf32, #tpu.memory_space<vmem>>, %arg6: memref<256x1xf32, #tpu.memory_space<vmem>>, %arg7: memref<256x1024xf32, #tpu.memory_space<vmem>>) attributes {dimension_semantics = [#tpu.dimension_semantics<arbitrary>], iteration_bounds = array<i64: 24>, scalar_prefetch = 1 : i64, scratch_operands = 0 : i64, tpu.core_type = #tpu.core_type<tc>, window_params = [{transform_indices = @transform_0, window_bounds = array<i64: 256, 1024>}, {transform_indices = @transform_1, window_bounds = array<i64: 1, 1024, 2048>}, {transform_indices = @transform_2, window_bounds = array<i64: 1, 1024, 2048>}, {transform_indices = @transform_3, window_bounds = array<i64: 1, 2048, 1024>}, {transform_indices = @transform_4, window_bounds = array<i64: 256, 1>}, {transform_indices = @transform_5, window_bounds = array<i64: 256, 1024>}]} {
    %get3A = arith.constant 24 : index
    %get3A_0 = memref.load %arg1[%get3A] : memref<25xi32, #tpu.memory_space<smem>>
    %lt3A = arith.cmpi slt, %arg0, %get3A_0 : i32
    %convert_element_type3A = arith.extui %lt3A : i1 to i32
    %cond3A = arith.constant 0 : i32
    %cond3A_1 = arith.cmpi ne, %convert_element_type3A, %cond3A : i32
    scf.if %cond3A_1 {
      %get3A_2 = arith.constant 0 : index
      %get3A_3 = arith.constant 0 : index
      %get3A_4 = vector.load %arg2[%get3A_2, %get3A_3] : memref<256x1024xf32, #tpu.memory_space<vmem>>, vector<256x1024xf32>
      %get3A_5 = arith.constant 0 : index
      %get3A_6 = arith.constant 0 : index
      %get3A_7 = arith.constant 0 : index
      %get3A_8 = vector.load %arg3[%get3A_5, %get3A_6, %get3A_7] : memref<1x1024x2048xf32, #tpu.memory_space<vmem>>, vector<1x1024x2048xf32>
      %get3A_9 = vector.shape_cast %get3A_8 : vector<1x1024x2048xf32> to vector<1024x2048xf32>
      %get3A_10 = arith.constant 0 : index
      %get3A_11 = arith.constant 0 : index
      %get3A_12 = arith.constant 0 : index
      %get3A_13 = vector.load %arg4[%get3A_10, %get3A_11, %get3A_12] : memref<1x1024x2048xf32, #tpu.memory_space<vmem>>, vector<1x1024x2048xf32>
      %get3A_14 = vector.shape_cast %get3A_13 : vector<1x1024x2048xf32> to vector<1024x2048xf32>
      %get3A_15 = arith.constant 0 : index
      %get3A_16 = arith.constant 0 : index
      %get3A_17 = arith.constant 0 : index
      %get3A_18 = vector.load %arg5[%get3A_15, %get3A_16, %get3A_17] : memref<1x2048x1024xf32, #tpu.memory_space<vmem>>, vector<1x2048x1024xf32>
      %get3A_19 = vector.shape_cast %get3A_18 : vector<1x2048x1024xf32> to vector<2048x1024xf32>
      %dot_general3A = arith.constant dense<0.000000e+00> : vector<256x2048xf32>
      %dot_general3A_20 = tpu.matmul %get3A_4, %get3A_9, %dot_general3A {dimension_numbers = #tpu.dot_dimension_numbers<[1], [0], [0], [1], [0, 0, 1, 1], [], []>, transpose_lhs_hint = false} : vector<256x1024xf32>, vector<1024x2048xf32>, vector<256x2048xf32> -> vector<256x2048xf32>
      %dot_general3A_21 = arith.constant dense<0.000000e+00> : vector<256x2048xf32>
      %dot_general3A_22 = tpu.matmul %get3A_4, %get3A_14, %dot_general3A_21 {dimension_numbers = #tpu.dot_dimension_numbers<[1], [0], [0], [1], [0, 0, 1, 1], [], []>, transpose_lhs_hint = false} : vector<256x1024xf32>, vector<1024x2048xf32>, vector<256x2048xf32> -> vector<256x2048xf32>
      %integer_pow3A = arith.mulf %dot_general3A_20, %dot_general3A_20 : vector<256x2048xf32>
      %integer_pow3A_23 = arith.mulf %dot_general3A_20, %integer_pow3A : vector<256x2048xf32>
      %mul3A = arith.constant 4.471500e-02 : f32
      %mul3A_24 = vector.broadcast %mul3A : f32 to vector<256x2048xf32>
      %mul3A_25 = arith.mulf %mul3A_24, %integer_pow3A_23 : vector<256x2048xf32>
      %add3A = arith.addf %dot_general3A_20, %mul3A_25 : vector<256x2048xf32>
      %mul3A_26 = arith.constant 0.797884583 : f32
      %mul3A_27 = vector.broadcast %mul3A_26 : f32 to vector<256x2048xf32>
      %mul3A_28 = arith.mulf %mul3A_27, %add3A : vector<256x2048xf32>
      %tanh3A = math.tanh %mul3A_28 : vector<256x2048xf32>
      %add3A_29 = arith.constant 1.000000e+00 : f32
      %add3A_30 = vector.broadcast %add3A_29 : f32 to vector<256x2048xf32>
      %add3A_31 = arith.addf %add3A_30, %tanh3A : vector<256x2048xf32>
      %mul3A_32 = arith.constant 5.000000e-01 : f32
      %mul3A_33 = vector.broadcast %mul3A_32 : f32 to vector<256x2048xf32>
      %mul3A_34 = arith.mulf %mul3A_33, %add3A_31 : vector<256x2048xf32>
      %mul3A_35 = arith.mulf %dot_general3A_20, %mul3A_34 : vector<256x2048xf32>
      %mul3A_36 = arith.mulf %mul3A_35, %dot_general3A_22 : vector<256x2048xf32>
      %dot_general3A_37 = arith.constant dense<0.000000e+00> : vector<256x1024xf32>
      %dot_general3A_38 = tpu.matmul %mul3A_36, %get3A_19, %dot_general3A_37 {dimension_numbers = #tpu.dot_dimension_numbers<[1], [0], [0], [1], [0, 0, 1, 1], [], []>, transpose_lhs_hint = false} : vector<256x2048xf32>, vector<2048x1024xf32>, vector<256x1024xf32> -> vector<256x1024xf32>
      %get3A_39 = arith.constant 0 : index
      %get3A_40 = arith.constant 0 : index
      %get3A_41 = vector.load %arg6[%get3A_39, %get3A_40] : memref<256x1xf32, #tpu.memory_space<vmem>>, vector<256x1xf32>
      %mul3A_42 = vector.broadcast %get3A_41 : vector<256x1xf32> to vector<256x1024xf32>
      %mul3A_43 = arith.mulf %dot_general3A_38, %mul3A_42 : vector<256x1024xf32>
      %swap3A = arith.constant 0 : index
      %swap3A_44 = arith.constant 0 : index
      %swap3A_45 = vector.load %arg7[%swap3A, %swap3A_44] : memref<256x1024xf32, #tpu.memory_space<vmem>>, vector<256x1024xf32>
      tpu.vector_store %arg7[%swap3A, %swap3A_44], %mul3A_43 {strides = array<i32>} : memref<256x1024xf32, #tpu.memory_space<vmem>>, vector<256x1024xf32>,
    } else {
    }
    return
  }
  func.func @transform_0(%arg0: i32, %arg1: memref<25xi32, #tpu.memory_space<smem>>) -> (i32, i32) {
    %c0_i32 = arith.constant 0 : i32
    %c0_i32_0 = arith.constant 0 : i32
    return %arg0, %c0_i32 : i32, i32
  }
  func.func @transform_1(%arg0: i32, %arg1: memref<25xi32, #tpu.memory_space<smem>>) -> (i32, i32, i32) {
    %get3A = arith.index_cast %arg0 : i32 to index
    %get3A_0 = memref.load %arg1[%get3A] : memref<25xi32, #tpu.memory_space<smem>>
    %c0_i32 = arith.constant 0 : i32
    %c0_i32_1 = arith.constant 0 : i32
    %c0_i32_2 = arith.constant 0 : i32
    return %get3A_0, %c0_i32, %c0_i32_1 : i32, i32, i32
  }
  func.func @transform_2(%arg0: i32, %arg1: memref<25xi32, #tpu.memory_space<smem>>) -> (i32, i32, i32) {
    %get3A = arith.index_cast %arg0 : i32 to index
    %get3A_0 = memref.load %arg1[%get3A] : memref<25xi32, #tpu.memory_space<smem>>
    %c0_i32 = arith.constant 0 : i32
    %c0_i32_1 = arith.constant 0 : i32
    %c0_i32_2 = arith.constant 0 : i32
    return %get3A_0, %c0_i32, %c0_i32_1 : i32, i32, i32
  }
  func.func @transform_3(%arg0: i32, %arg1: memref<25xi32, #tpu.memory_space<smem>>) -> (i32, i32, i32) {
    %get3A = arith.index_cast %arg0 : i32 to index
    %get3A_0 = memref.load %arg1[%get3A] : memref<25xi32, #tpu.memory_space<smem>>
    %c0_i32 = arith.constant 0 : i32
    %c0_i32_1 = arith.constant 0 : i32
    %c0_i32_2 = arith.constant 0 : i32
    return %get3A_0, %c0_i32, %c0_i32_1 : i32, i32, i32
  }
  func.func @transform_4(%arg0: i32, %arg1: memref<25xi32, #tpu.memory_space<smem>>) -> (i32, i32) {
    %c0_i32 = arith.constant 0 : i32
    %c0_i32_0 = arith.constant 0 : i32
    return %arg0, %c0_i32 : i32, i32
  }
  func.func @transform_5(%arg0: i32, %arg1: memref<25xi32, #tpu.memory_space<smem>>) -> (i32, i32) {
    %c0_i32 = arith.constant 0 : i32
    %c0_i32_0 = arith.constant 0 : i32
    return %arg0, %c0_i32 : i32, i32
  }
}

module attributes {stable_mosaic.version = 14 : i64} {
  func.func @_gmm_b_kernel(%arg0: i32, %arg1: memref<25xi32, #tpu.memory_space<smem>>, %arg2: memref<256x1024xf32, #tpu.memory_space<vmem>>, %arg3: memref<1x1024x2048xf32, #tpu.memory_space<vmem>>, %arg4: memref<1x1024x2048xf32, #tpu.memory_space<vmem>>, %arg5: memref<1x2048x1024xf32, #tpu.memory_space<vmem>>, %arg6: memref<256x1xf32, #tpu.memory_space<vmem>>, %arg7: memref<256x1024xf32, #tpu.memory_space<vmem>>, %arg8: memref<256x1024xf32, #tpu.memory_space<vmem>>) attributes {dimension_semantics = [#tpu.dimension_semantics<arbitrary>], iteration_bounds = array<i64: 24>, scalar_prefetch = 1 : i64, scratch_operands = 0 : i64, tpu.core_type = #tpu.core_type<tc>, window_params = [{transform_indices = @transform_0, window_bounds = array<i64: 256, 1024>}, {transform_indices = @transform_1, window_bounds = array<i64: 1, 1024, 2048>}, {transform_indices = @transform_2, window_bounds = array<i64: 1, 1024, 2048>}, {transform_indices = @transform_3, window_bounds = array<i64: 1, 2048, 1024>}, {transform_indices = @transform_4, window_bounds = array<i64: 256, 1>}, {transform_indices = @transform_5, window_bounds = array<i64: 256, 1024>}, {transform_indices = @transform_6, window_bounds = array<i64: 256, 1024>}]} {
    %get3A = arith.constant 24 : index
    %get3A_0 = memref.load %arg1[%get3A] : memref<25xi32, #tpu.memory_space<smem>>
    %lt3A = arith.cmpi slt, %arg0, %get3A_0 : i32
    %convert_element_type3A = arith.extui %lt3A : i1 to i32
    %cond3A = arith.constant 0 : i32
    %cond3A_1 = arith.cmpi ne, %convert_element_type3A, %cond3A : i32
    scf.if %cond3A_1 {
      %get3A_2 = arith.constant 0 : index
      %get3A_3 = arith.constant 0 : index
      %get3A_4 = vector.load %arg7[%get3A_2, %get3A_3] : memref<256x1024xf32, #tpu.memory_space<vmem>>, vector<256x1024xf32>
      %get3A_5 = arith.constant 0 : index
      %get3A_6 = arith.constant 0 : index
      %get3A_7 = vector.load %arg2[%get3A_5, %get3A_6] : memref<256x1024xf32, #tpu.memory_space<vmem>>, vector<256x1024xf32>
      %get3A_8 = arith.constant 0 : index
      %get3A_9 = arith.constant 0 : index
      %get3A_10 = arith.constant 0 : index
      %get3A_11 = vector.load %arg3[%get3A_8, %get3A_9, %get3A_10] : memref<1x1024x2048xf32, #tpu.memory_space<vmem>>, vector<1x1024x2048xf32>
      %get3A_12 = vector.shape_cast %get3A_11 : vector<1x1024x2048xf32> to vector<1024x2048xf32>
      %get3A_13 = arith.constant 0 : index
      %get3A_14 = arith.constant 0 : index
      %get3A_15 = arith.constant 0 : index
      %get3A_16 = vector.load %arg4[%get3A_13, %get3A_14, %get3A_15] : memref<1x1024x2048xf32, #tpu.memory_space<vmem>>, vector<1x1024x2048xf32>
      %get3A_17 = vector.shape_cast %get3A_16 : vector<1x1024x2048xf32> to vector<1024x2048xf32>
      %get3A_18 = arith.constant 0 : index
      %get3A_19 = arith.constant 0 : index
      %get3A_20 = arith.constant 0 : index
      %get3A_21 = vector.load %arg5[%get3A_18, %get3A_19, %get3A_20] : memref<1x2048x1024xf32, #tpu.memory_space<vmem>>, vector<1x2048x1024xf32>
      %get3A_22 = vector.shape_cast %get3A_21 : vector<1x2048x1024xf32> to vector<2048x1024xf32>
      %dot_general3A = arith.constant dense<0.000000e+00> : vector<256x2048xf32>
      %dot_general3A_23 = tpu.matmul %get3A_7, %get3A_12, %dot_general3A {dimension_numbers = #tpu.dot_dimension_numbers<[1], [0], [0], [1], [0, 0, 1, 1], [], []>, transpose_lhs_hint = false} : vector<256x1024xf32>, vector<1024x2048xf32>, vector<256x2048xf32> -> vector<256x2048xf32>
      %dot_general3A_24 = arith.constant dense<0.000000e+00> : vector<256x2048xf32>
      %dot_general3A_25 = tpu.matmul %get3A_7, %get3A_17, %dot_general3A_24 {dimension_numbers = #tpu.dot_dimension_numbers<[1], [0], [0], [1], [0, 0, 1, 1], [], []>, transpose_lhs_hint = false} : vector<256x1024xf32>, vector<1024x2048xf32>, vector<256x2048xf32> -> vector<256x2048xf32>
      %integer_pow3A = arith.mulf %dot_general3A_23, %dot_general3A_23 : vector<256x2048xf32>
      %integer_pow3A_26 = arith.mulf %dot_general3A_23, %integer_pow3A : vector<256x2048xf32>
      %mul3A = arith.constant 4.471500e-02 : f32
      %mul3A_27 = vector.broadcast %mul3A : f32 to vector<256x2048xf32>
      %mul3A_28 = arith.mulf %mul3A_27, %integer_pow3A_26 : vector<256x2048xf32>
      %add3A = arith.addf %dot_general3A_23, %mul3A_28 : vector<256x2048xf32>
      %mul3A_29 = arith.constant 0.797884583 : f32
      %mul3A_30 = vector.broadcast %mul3A_29 : f32 to vector<256x2048xf32>
      %mul3A_31 = arith.mulf %mul3A_30, %add3A : vector<256x2048xf32>
      %tanh3A = math.tanh %mul3A_31 : vector<256x2048xf32>
      %add3A_32 = arith.constant 1.000000e+00 : f32
      %add3A_33 = vector.broadcast %add3A_32 : f32 to vector<256x2048xf32>
      %add3A_34 = arith.addf %add3A_33, %tanh3A : vector<256x2048xf32>
      %mul3A_35 = arith.constant 5.000000e-01 : f32
      %mul3A_36 = vector.broadcast %mul3A_35 : f32 to vector<256x2048xf32>
      %mul3A_37 = arith.mulf %mul3A_36, %add3A_34 : vector<256x2048xf32>
      %mul3A_38 = arith.mulf %dot_general3A_23, %mul3A_37 : vector<256x2048xf32>
      %mul3A_39 = arith.mulf %mul3A_38, %dot_general3A_25 : vector<256x2048xf32>
      %dot_general3A_40 = arith.constant dense<0.000000e+00> : vector<256x1024xf32>
      %dot_general3A_41 = tpu.matmul %mul3A_39, %get3A_22, %dot_general3A_40 {dimension_numbers = #tpu.dot_dimension_numbers<[1], [0], [0], [1], [0, 0, 1, 1], [], []>, transpose_lhs_hint = false} : vector<256x2048xf32>, vector<2048x1024xf32>, vector<256x1024xf32> -> vector<256x1024xf32>
      %get3A_42 = arith.constant 0 : index
      %get3A_43 = arith.constant 0 : index
      %get3A_44 = vector.load %arg6[%get3A_42, %get3A_43] : memref<256x1xf32, #tpu.memory_space<vmem>>, vector<256x1xf32>
      %mul3A_45 = vector.broadcast %get3A_44 : vector<256x1xf32> to vector<256x1024xf32>
      %mul3A_46 = arith.mulf %dot_general3A_41, %mul3A_45 : vector<256x1024xf32>
      %add3A_47 = arith.addf %get3A_4, %mul3A_46 : vector<256x1024xf32>
      %swap3A = arith.constant 0 : index
      %swap3A_48 = arith.constant 0 : index
      %swap3A_49 = vector.load %arg8[%swap3A, %swap3A_48] : memref<256x1024xf32, #tpu.memory_space<vmem>>, vector<256x1024xf32>
      tpu.vector_store %arg8[%swap3A, %swap3A_48], %add3A_47 {strides = array<i32>} : memref<256x1024xf32, #tpu.memory_space<vmem>>, vector<256x1024xf32>,
    } else {
    }
    return
  }
  func.func @transform_0(%arg0: i32, %arg1: memref<25xi32, #tpu.memory_space<smem>>) -> (i32, i32) {
    %c0_i32 = arith.constant 0 : i32
    %c0_i32_0 = arith.constant 0 : i32
    return %arg0, %c0_i32 : i32, i32
  }
  func.func @transform_1(%arg0: i32, %arg1: memref<25xi32, #tpu.memory_space<smem>>) -> (i32, i32, i32) {
    %get3A = arith.index_cast %arg0 : i32 to index
    %get3A_0 = memref.load %arg1[%get3A] : memref<25xi32, #tpu.memory_space<smem>>
    %c0_i32 = arith.constant 0 : i32
    %c1_i32 = arith.constant 1 : i32
    %c0_i32_1 = arith.constant 0 : i32
    return %get3A_0, %c0_i32, %c1_i32 : i32, i32, i32
  }
  func.func @transform_2(%arg0: i32, %arg1: memref<25xi32, #tpu.memory_space<smem>>) -> (i32, i32, i32) {
    %get3A = arith.index_cast %arg0 : i32 to index
    %get3A_0 = memref.load %arg1[%get3A] : memref<25xi32, #tpu.memory_space<smem>>
    %c0_i32 = arith.constant 0 : i32
    %c1_i32 = arith.constant 1 : i32
    %c0_i32_1 = arith.constant 0 : i32
    return %get3A_0, %c0_i32, %c1_i32 : i32, i32, i32
  }
  func.func @transform_3(%arg0: i32, %arg1: memref<25xi32, #tpu.memory_space<smem>>) -> (i32, i32, i32) {
    %get3A = arith.index_cast %arg0 : i32 to index
    %get3A_0 = memref.load %arg1[%get3A] : memref<25xi32, #tpu.memory_space<smem>>
    %c1_i32 = arith.constant 1 : i32
    %c0_i32 = arith.constant 0 : i32
    %c0_i32_1 = arith.constant 0 : i32
    return %get3A_0, %c1_i32, %c0_i32 : i32, i32, i32
  }
  func.func @transform_4(%arg0: i32, %arg1: memref<25xi32, #tpu.memory_space<smem>>) -> (i32, i32) {
    %c0_i32 = arith.constant 0 : i32
    %c0_i32_0 = arith.constant 0 : i32
    return %arg0, %c0_i32 : i32, i32
  }
  func.func @transform_5(%arg0: i32, %arg1: memref<25xi32, #tpu.memory_space<smem>>) -> (i32, i32) {
    %c0_i32 = arith.constant 0 : i32
    %c0_i32_0 = arith.constant 0 : i32
    return %arg0, %c0_i32 : i32, i32
  }
  func.func @transform_6(%arg0: i32, %arg1: memref<25xi32, #tpu.memory_space<smem>>) -> (i32, i32) {
    %c0_i32 = arith.constant 0 : i32
    %c0_i32_0 = arith.constant 0 : i32
    return %arg0, %c0_i32 : i32, i32
  }
}

</mosaic_0001>

<sc_bundles>
// kernel: gather_offload_async_start.1
scs
__scs_entry_jumppad:
0x0: {  	(pc) =	sbr.rel $0x88, $3  }
0x1: {  	(tag) =	ssettag $0x0;
	lr =	simm.s32 $0x1  }
0x2: {  	[smem:$0x3F9C] =	sst lr;
	_ =	strace $0xD0000000  }
0x3: {  	_ = 	snop  }
0x4: {  	_ = 	snop  }
0x5: {  	_ = 	snop  }
0x6: {  	_ = 	snop  }
0x7: {  	_ = 	snop  }
__scs_overlays_trampoline_lowered:
0x8: {  	[smem:$0x3FAB] =	sst s0  }
0x9: {  	[smem:$0x3FAC] =	sst s1  }
0xa: {  	[smem:$0x3FAD] =	sst s2  }
0xb: {  	[smem:$0x3FAE] =	sst s3  }
0xc: {  	[smem:$0x3FAF] =	sst s4  }
0xd: {  	[smem:$0x3FB0] =	sst s5  }
0xe: {  	[smem:$0x3FB1] =	sst s6  }
0xf: {  	[smem:$0x3FB2] =	sst s7  }
0x10: {  	[smem:$0x3FB3] =	sst s8  }
0x11: {  	[smem:$0x3FB4] =	sst s9;
	s0 =	simm.s32 @!p0 $0x0  }
0x12: {  	s1 =	sld [smem:$0x3F9A];
	s0 =	simm.s32 @p0 $0x1  }
0x13: {  	[smem:$0x3FB5] =	sst s0;
	s0 =	simm.s32 @!p1 $0x0  }
0x14: {  	s2 =	sld [smem:$0x3F99];
	s0 =	simm.s32 @p1 $0x1  }
0x15: {  	[smem:$0x3FB6] =	sst s0;
	s0 =	simm.s32 @!p2 $0x0  }
0x16: {  	s3 =	sld [smem:$0x3FDB];
	s0 =	simm.s32 @p2 $0x1  }
0x17: {  	s4 =	simm.s32 $0x1BF5;
	[smem:$0x3FB8] =	sst s0  }
0x18: {  	s0 =	sld [smem:$0x3F9B];
	_ =	swait.ge [sflag:s4], $0x0  }
0x19: {  	s7 =	sld [smem:$0x3F9C]  }
0x1a: {  	s8 =	sadd.s32 $0xFFFFE003, lr  }
0x1b: {  	s9 =	sadd.s32 $0xFFFFFEF7, lr;
	s5 =	simm.s32 $0xFFFFFFFF;
	p2 =	slt.u32 s8, $0xFFFFF086  }
0x1c: {  	p1 =	slt.u32 s9, $0xF7A;
	s5 =	simm.s32 @!p2 $0x0  }
0x1d: {  	s5 =	simm.s32 @p1 $0x1;
	p0 =	seq.s32 s7, s2  }
0x1e: {  	s7 =	smul.u32 @!p0 $0xF7A, s2;
	p2 =	seq.s32 @!p0 s5, $0x0  }
0x1f: {  	s9 =	smul.u32 $0xF7A, s1;
	s8 =	simm.s32 @!p0 $0x1BF5;
	p2 =	por !p2, p0  }
0x20: {  	[sflag:s8] =	ssyncset.s32 @!p0 $0xFFFFF086;
	s6 =	sadd.s32 @!p0 s3, s7;
	s7 =	simm.s32 @!p0 $0x108  }
0x21: {  	s3 =	sadd.s32 s3, s9;
	s6 =	sadd.s32 @!p0 $0x88, s6;
	s7 =	simm.s32 @p2 $0x1082  }
0x22: {  	[simem:s7], [sflag:s8] =	dma.local @!p0 [hbm:s6], $0xF7A  }
0x23: {  	s9 =	sor.u32 $0xD0000000, s2;
	s6 =	simm.s32 $0x108;
	_ =	swait.ge @!p0 [sflag:s8], $0x0  }
0x24: {  	s3 =	sadd.s32 $0x88, s3;
	s6 =	simm.s32 @!p1 $0x1082;
	[sflag:s4] =	ssyncset.s32 $0xFFFFF086  }
0x25: {  	[simem:s6], [sflag:s4] =	dma.local [hbm:s3], $0xF7A  }
0x26: {  	[smem:$0x3F9C] =	sst s1;
	(tag) =	ssettag s2;
	_ =	strace s9  }
0x27: {  	s1 =	sld [smem:$0x3FAC]  }
0x28: {  	s2 =	sld [smem:$0x3FAD]  }
0x29: {  	s4 =	sld [smem:$0x3FAF]  }
0x2a: {  	p0 =	seq.s32 s5, $0x0;
	s5 =	sld [smem:$0x3FB0]  }
0x2b: {  	s6 =	sld [smem:$0x3FB1]  }
0x2c: {  	s7 =	sld [smem:$0x3FB2]  }
0x2d: {  	s3 =	simm.s32 $0x108;
	s8 =	sld [smem:$0x3FB3]  }
0x2e: {  	s3 =	simm.s32 @!p0 $0x1082;
	s9 =	sld [smem:$0x3FB4]  }
0x2f: {  	lr =	sadd.s32 s0, s3;
	s0 =	sld [smem:$0x3FAB]  }
0x30: {  	s3 =	sld [smem:$0x3FAE]  }
0x31: {  	[smem:$0x3FB7] =	sst s10  }
0x32: {  	s10 =	sld [smem:$0x3FB5];
	_ =	sdelay $0x3  }
0x33: {  	p0 =	seq.s32 s10, $0x1;
	s10 =	sld [smem:$0x3FB7];
	_ =	sdelay $0x3  }
0x34: {  	[smem:$0x3FB7] =	sst s10  }
0x35: {  	s10 =	sld [smem:$0x3FB6];
	_ =	sdelay $0x3  }
0x36: {  	p1 =	seq.s32 s10, $0x1;
	s10 =	sld [smem:$0x3FB7];
	_ =	sdelay $0x3  }
0x37: {  	[smem:$0x3FB7] =	sst s10  }
0x38: {  	s10 =	sld [smem:$0x3FB8]  }
0x39: {  	_ = 	snop;
	(pc) =	sbr.ind lr, $3  }
0x3a: {  	_ = 	snop  }
0x3b: {  	_ = 	snop  }
0x3c: {  	p2 =	seq.s32 s10, $0x1;
	s10 =	sld [smem:$0x3FB7]  }
0x3d: {  	_ =	shalt  }
0x3e: {  	_ =	shalt  }
0x3f: {  	_ =	shalt  }
0x40: {  	_ =	shalt  }
0x41: {  	_ =	shalt  }
0x42: {  	_ =	shalt  }
0x43: {  	_ =	shalt  }
0x44: {  	_ =	shalt  }
0x45: {  	_ =	shalt  }
0x46: {  	_ =	shalt  }
0x47: {  	_ =	shalt  }
0x48: {  	_ =	shalt  }
0x49: {  	_ =	shalt  }
0x4a: {  	_ =	shalt  }
0x4b: {  	_ =	shalt  }
0x4c: {  	_ =	shalt  }
0x4d: {  	_ =	shalt  }
0x4e: {  	_ =	shalt  }
0x4f: {  	_ =	shalt  }
0x50: {  	_ =	shalt  }
0x51: {  	_ =	shalt  }
0x52: {  	_ =	shalt  }
0x53: {  	_ =	shalt  }
0x54: {  	_ =	shalt  }
0x55: {  	_ =	shalt  }
0x56: {  	_ =	shalt  }
0x57: {  	_ =	shalt  }
0x58: {  	_ =	shalt  }
0x59: {  	_ =	shalt  }
0x5a: {  	_ =	shalt  }
0x5b: {  	_ =	shalt  }
0x5c: {  	_ =	shalt  }
0x5d: {  	_ =	shalt  }
0x5e: {  	_ =	shalt  }
0x5f: {  	_ =	shalt  }
0x60: {  	_ =	shalt  }
0x61: {  	_ =	shalt  }
0x62: {  	_ =	shalt  }
0x63: {  	_ =	shalt  }
0x64: {  	_ =	shalt  }
0x65: {  	_ =	shalt  }
0x66: {  	_ =	shalt  }
0x67: {  	_ =	shalt  }
0x68: {  	_ =	shalt  }
0x69: {  	_ =	shalt  }
0x6a: {  	_ =	shalt  }
0x6b: {  	_ =	shalt  }
0x6c: {  	_ =	shalt  }
0x6d: {  	_ =	shalt  }
0x6e: {  	_ =	shalt  }
0x6f: {  	_ =	shalt  }
0x70: {  	_ =	shalt  }
0x71: {  	_ =	shalt  }
0x72: {  	_ =	shalt  }
0x73: {  	_ =	shalt  }
0x74: {  	_ =	shalt  }
0x75: {  	_ =	shalt  }
0x76: {  	_ =	shalt  }
0x77: {  	_ =	shalt  }
0x78: {  	_ =	shalt  }
0x79: {  	_ =	shalt  }
0x7a: {  	_ =	shalt  }
0x7b: {  	_ =	shalt  }
0x7c: {  	_ =	shalt  }
0x7d: {  	_ =	shalt  }
0x7e: {  	_ =	shalt  }
0x7f: {  	_ =	shalt  }
0x80: {  	_ =	shalt  }
0x81: {  	_ =	shalt  }
0x82: {  	_ =	shalt  }
0x83: {  	_ =	shalt  }
0x84: {  	_ =	shalt  }
0x85: {  	_ =	shalt  }
0x86: {  	_ =	shalt  }
0x87: {  	_ =	shalt  }
.Lfunc_end0:
.L_simem_size_0:
called_computation.2_lowered:
.L_overlay_start_0:
0x88: {  	s2 =	sld [smem:$0x3FD9]  }
0x89: {  	s3 =	sld [smem:$0x3FFE];
	_ =	sdelay $0x1  }
0x8a: {  	s1 =	srdreg.scid  }
0x8b: {  	s0 =	sand.u32 $0x1, s1  }
0x8c: {  	s17 =	sshll.u32 s0, $0xA;
	s2 =	sadd.s32 s3, s2  }
0x8d: {  	s2 =	sadd.s32 s2, s17  }
0x8e: {  	[smem:$0x3FC3] =	sst s2  }
0x8f: {  	_ = 	snop  }
0x90: {  	(tm) =	ssettm $0x1  }
0x91: {  	s18 =	sld [smem:$0x3FFB];
	_ =	sdelay $0x3  }
0x92: {  	_ =	strace s18  }
0x93: {  	s2 =	sld [smem:$0x3FFC];
	_ =	sdelay $0x3  }
0x94: {  	_ =	strace s2  }
0x95: {  	s2 =	sld [smem:$0x3FFD];
	_ =	sdelay $0x3  }
0x96: {  	_ =	strace s2  }
0x97: {  	_ =	strace $0x8FFFFFFF  }
0x98: {  	s19 =	sld [smem:$0x3FDB];
	_ =	sdelay $0x1  }
0x99: {  	s20 =	simm.s32 $_scs_section_size  }
0x9a: {  	s4 =	simm.s32 $_size__tile_overlayer_lowered;
	s5 =	simm.s32 $_tile_overlayer_lowered  }
0x9b: {  	s6 =	simm.s32 $0x1BFF;
	s21 =	sshll.u32 s5, $0x1;
	s3 =	sadd.s32 s20, s19  }
0x9c: {  	s22 =	simm.s32 $0x0;
	s4 =	sshll.u32 s4, $0x1;
	s5 =	sadd.s32 s21, s3  }
0x9d: {  	[timem:s22], [sflag:s6] =	dma.local [hbm:s5], s4  }
0x9e: {  	_ =	swait.ge [sflag:s6], s4  }
0x9f: {  	s4 =	ssub.s32 $0x0, s4;
	[sflag:s6] =	ssyncset.done $0x0  }
0xa0: {  	[sflag:s6] =	ssyncadd.s32 s4;
	_ =	sdelay $0x1  }
0xa1: {  	s23 =	simm.s32 $0x1B8B  }
0xa2: {  	_ =	swait.ge [sflag:s23], $0x1  }
0xa3: {  	[sflag:s23] =	ssyncset.done $0x0  }
0xa4: {  	[sflag:s23] =	ssyncadd.s32 $0xFFFFFFFF  }
0xa5: {  	s4 =	sld [smem:$0x0]  }
0xa6: {  	s5 =	sand.u32 $0xFFFFFFFE, s1  }
0xa7: {  	p0 =	sne.s32 s1, s5  }
0xa8: {  	s5 =	sshll.u32 @p0 s5, $0xE  }
0xa9: {  	s5 =	sadd.s32 @p0 $0x11B8D, s5;
	s6 =	sshll.u32 @p0 s4, $0x11  }
0xaa: {  	s5 =	sor.u32 @p0 s6, s5  }
0xab: {  	[sflag:s5] =	ssyncadd.remote.s32 @p0 $0x1;
	_ =	sdelay $0x1  }
0xac: {  	s5 =	simm.s32 @p0 $0x1B8D  }
0xad: {  	_ =	swait.eq @p0 [sflag:s5], $0x1  }
0xae: {  	[sflag:s5] =	ssyncadd.s32 @p0 $0xFFFFFFFF  }
0xaf: {  	s6 =	sshll.u32 @!p0 s1, $0xE  }
0xb0: {  	s6 =	sor.u32 @!p0 $0x4000, s6;
	s5 =	simm.s32 @!p0 $0x1B8D  }
0xb1: {  	s4 =	sshll.u32 @!p0 s4, $0x11;
	s6 =	sadd.s32 @!p0 $0x11B8D, s6;
	_ =	swait.eq @!p0 [sflag:s5], $0x1  }
0xb2: {  	s4 =	sor.u32 @!p0 s4, s6;
	[sflag:s5] =	ssyncadd.s32 @!p0 $0xFFFFFFFF  }
0xb3: {  	s25 =	simm.s32 $0x1B8E;
	s24 =	sld [smem:$0x3FFE];
	[sflag:s4] =	ssyncadd.remote.s32 @!p0 $0x1  }
0xb4: {  	s26 =	simm.s32 $execute0_lowered;
	[smem:$0x3FD2] =	sst s25  }
0xb5: {  	s5 =	sshll.u32 s26, $0x1;
	_ =	strace $0x80000052;
	[dreg:$0x1] =	wrdreg $0xFFFFFFFF  }
0xb6: {  	s28 =	simm.s32 $_size_execute0_lowered;
	s3 =	sadd.s32 s3, s5;
	[dreg:$0x0] =	wrdreg $0x0  }
0xb7: {  	s5 =	sshll.u32 s28, $0x1;
	[dreg:$0x2] =	wrdreg s3  }
0xb8: {  	[dreg:$0x3] =	wrdreg s5  }
0xb9: {  	[dreg:$0x4] =	wrdreg $0xC0  }
0xba: {  	_ =	task [dreg:s22], $0x5FFFF  }
0xbb: {  	[dreg:$0x1] =	wrdreg $0xFFFFFFFF  }
0xbc: {  	[dreg:$0x0] =	wrdreg $0x60  }
0xbd: {  	[dreg:$0x2] =	wrdreg s24  }
0xbe: {  	[dreg:$0x3] =	wrdreg $0x9  }
0xbf: {  	_ =	task.clear_ibuf [dreg:s22], $0x4FFFF;
	_ =	strace $0x90000052  }
0xc0: {  	s29 =	simm.s32 $0x9;
	_ =	strace $0x80000054  }
0xc1: {  	_ =	swait.ge [sflag:s29], $0x1  }
0xc2: {  	[sflag:s29] =	ssyncadd.s32 $0xFFFFFFFF  }
0xc3: {  	_ =	strace $0x90000054  }
0xc4: {  	_ =	sfence  }
0xc5: {  	s30 =	sld [smem:$0x0];
	_ =	sdelay $0x2  }
0xc6: {  	s31 =	sshll.u32 s1, $0xD;
	s1 =	sshrl.u32 s1, $0x2  }
0xc7: {  	s4 =	sand.u32 $0x4000, s31;
	s1 =	sadd.s32 s1, s30  }
0xc8: {  	s0 =	sor.u32 s4, s0;
	s1 =	sshll.u32 s1, $0x11  }
0xc9: {  	s0 =	sor.u32 s1, s0  }
0xca: {  	s0 =	sadd.s32 $0x8F2B, s0  }
0xcb: {  	[sflag:s0] =	ssyncadd.remote.s32 $0x1  }
0xcc: {  	_ =	sfence.sel $0xFFFF  }
0xcd: {  	[dreg:$0x0] =	wrdreg $0xFFFFFFFF;
	(pc) =	sbr.abs _section_cstart, $3  }
0xce: {  	[dreg:$0x1] =	wrdreg $0xFFFFFFFF  }
0xcf: {  	_ =	task.clear_ibuf [dreg:s22], $0x2FFFF;
	_ =	strace $0x9FFFFFFF  }
0xd0: {  	(tm) =	ssettm $0x7FFFFFFF  }
0xd1: {  	_ =	shalt  }
tec
execute0_lowered:
.L_overlay_start_1:
0x0: {  	(tag) =	ssettag $0x1  }
0x1: {  	s0 =	srdreg.scid;
	s5 =	rddreg [dreg:$0x0]  }
0x2: {  	s1 =	stileid.u32;
	s6 =	simm.s32 $0x1;
	s9 =	simm.s32 $0x1  }
0x3: {  	s10 =	simm.s32 $0x3;
	s13 =	simm.s32 $0x0;
	s2 =	sshll.u32 s0, $0x6  }
0x4: {  	s12 =	simm.s32 $0x0;
	s3 =	sshll.u32 s1, $0x7;
	s2 =	sand.u32 $0x40, s2  }
0x5: {  	s0 =	rddreg [dreg:$0x1];
	_ =	strace $0x80000053;
	s2 =	sor.u32 s3, s2  }
0x6: {  	s4 =	sadd.s32 $0x1000, s5;
	[sflag:s6] =	ssyncpa.u1 $0x0;
	s8 =	ssub.s32 $0x1000, s2  }
.Ltmp0:
0x7: {  	s3 =	sadd.s32 $0x800, s5;
	s7 =	sand.u32 $0x7C0, s8;
	(pc) =	sbr.rel .LBB2_1-.Ltmp0, $4  }
0x8: {  	s5 =	sadd.s32 $0xE00, s5;
	s11 =	smov.u32 s2;
	p0 =	sne.s32 s7, $0x0  }
0x9: {  	s8 =	sshrl.u32 s8, $0xB;
	s7 =	simm.s32 $0x2;
	s9 =	simm.s32 @!p0 $0x0  }
0xa: {  	[sflag:s7] =	ssyncpa.u1 $0x0;
	p0 =	por $0x0, $0x0;
	s8 =	sadd.s32 s9, s8  }
0xb: {  	vm0 =	vmmov $0xffff;
	[sflag:s10] =	ssyncpa.u1 $0x0;
	s10 =	simm.s32 $0x0;
	s9 =	sadd.s32 $0x1, s8  }
.LBB2_4:
0xc: {  	v2 =	vnsel vm1, $0x0, v2  }
0xd: {  	vm1 =	vgt.s32 v0, $0x0;
	v2 =	vmin.u32 v2, $0xFFF  }
0xe: {  	v0 =	vnsel vm1, $0x0, v0  }
0xf: {  	v0 =	vmin.u32 v0, $0xFFF  }
0x10: {  	[tilespmem:s15], [sflag:$0x1] =	stream.indirect_vreg.gather [hbm4b:s3+s10], $0x1, v1, vm0, $0x4038;
	[tilespmem:$0x100] =	vst v63  }
0x11: {  	(ifvalue) =	ssetifvalue $0x7FFFFFFF  }
0x12: {  	[tilespmem:s16], [sflag:$0x1] =	stream.indirect_vreg.gather [hbm4b:s3+s10], $0x1, v2, vm0, $0x4038;
	[tilespmem:$0x100] =	vst v63  }
0x13: {  	s29 =	sadd.s32 $0x10, s16;
	(ifvalue) =	ssetifvalue $0x7FFFFFFF  }
0x14: {  	[tilespmem:s29], [sflag:$0x1] =	stream.indirect_vreg.gather [hbm4b:s3+s10], $0x1, v0, vm0, $0x4038;
	[tilespmem:$0x100] =	vst v63  }
0x15: {  	_ =	swait.ge [sflag:s6], $0x40  }
0x16: {  	s30 =	sshrl.u32 s13, $0x3;
	[sflag:s6] =	ssyncset.done $0x0  }
0x17: {  	s31 =	sand.u32 $0x7, s13;
	s15 =	sadd.s32 s5, s30;
	[sflag:s6] =	ssyncadd.s32 $0xFFFFFFC0  }
0x18: {  	[hbm4b:s15+s31] =	stream.linear.scatter [tilespmem:s14], [sflag:$0x3], $0x40, $0x38;
	[tilespmem:$0x100] =	vst v63  }
.LBB2_5:
0x19: {  	s15 =	sadd.s32 $0x800, s11  }
0x1a: {  	p2 =	sgt.s32 s15, $0xFFF  }
0x1b: {  	s15 =	smov.u32 @p2 s2;
	p2 =	sne.s32 s12, s9  }
.Ltmp1:
0x1c: {  	p1 =	slt.u32 s12, $0x2;
	(pc) =	sbr.rel @!p2 .LBB2_6-.Ltmp1, $4  }
0x1d: {  	s14 =	simm.s32 @!p1 $0x3  }
0x1e: {  	s16 =	sadd.s32 $0x1, s12;
	_ =	swait.ge @!p1 [sflag:s14], $0x40  }
0x1f: {  	s13 =	smov.u32 s11;
	p0 =	por !p0, !p0;
	[sflag:s14] =	ssyncset.done @!p1 $0x0  }
0x20: {  	s12 =	smov.u32 s16;
	s11 =	smov.u32 s15;
	[sflag:s14] =	ssyncadd.s32 @!p1 $0xFFFFFFC0  }
.LBB2_1:
0x21: {  	p1 =	sge.u32 s12, s8  }
0x22: {  	s14 =	sxor.u32 @!p1 $0xFFFFFFFF, s12  }
0x23: {  	s31 =	sadd.s32 $0xFFFFFFFF, s12;
	s15 =	sshrl.u32 @!p1 s11, $0x3;
	s14 =	sshll.u32 @!p1 s14, $0x6  }
0x24: {  	s16 =	sand.u32 @!p1 $0x7, s11;
	s15 =	sadd.s32 @!p1 s4, s15;
	s14 =	sand.u32 @!p1 $0x40, s14  }
0x25: {  	[tilespmem:s14], [sflag:$0x2] =	stream.linear.gather @!p1 [hbm4b:s15+s16], $0x40, $0x38;
	[tilespmem:$0x100] =	vst v63  }
0x26: {  	p1 =	sge.u32 s31, s8  }
.Ltmp2:
0x27: {  	_ = 	snop;
	(pc) =	sbr.rel @p1 .LBB2_5-.Ltmp2, $1  }
0x28: {  	_ =	sdelay $0x3  }
0x29: {  	s14 =	simm.s32 $0x1  }
0x2a: {  	_ =	swait.ge [sflag:s7], $0x40;
	s14 =	simm.s32 @!p0 $0x0  }
0x2b: {  	[sflag:s7] =	ssyncset.done $0x0;
	s14 =	sshll.u32 s14, $0x6  }
0x2c: {  	[sflag:s7] =	ssyncadd.s32 $0xFFFFFFC0;
	(ifvalue) =	ssetifvalue $0x7FFFFFFF;
	v0 =	vld.msk [tilespmem:s14+$0x0 ss:$0x1], $0xffff;
	_ =	sdelay $0x4  }
0x2d: {  	s15 =	sadd.s32 $0x10, s14;
	vm1 =	vgt.s32 v0, $0x0  }
0x2e: {  	v2 =	vld.msk [tilespmem:s15+$0x0 ss:$0x1], $0xffff;
	v1 =	vnsel vm1, $0x0, v0  }
0x2f: {  	v1 =	vmin.u32 v1, $0xFFF;
	_ =	sdelay $0x1  }
0x30: {  	s16 =	sshll.u32 s12, $0x6;
	s18 =	simm.s32 $0x20  }
0x31: {  	s16 =	sand.u32 $0x40, s16;
	s17 =	sadd.s32 $0x10, s15;
	s15 =	sor.u32 $0x80, s14  }
0x32: {  	s14 =	sor.u32 $0x80, s16;
	s16 =	sadd.s32 $0x10, s15;
	v0 =	vld.msk [tilespmem:s17+$0x0 ss:$0x1], $0xffff;
	vm1 =	vgt.s32 v2, $0x0;
	(ifvalue) =	ssetifvalue $0x7FFFFFFF  }
.LBB2_3:
0x33: {  	[tilespmem:s15], [sflag:$0x1] =	stream.indirect_vreg.gather [hbm4b:s3+s10], $0x1, v1, vm0, $0x4038;
	[tilespmem:$0x100] =	vst v63  }
0x34: {  	s18 =	sadd.s32 $0x10, s18  }
0x35: {  	v2 =	vnsel vm1, $0x0, v2;
	p1 =	slt.u32 s18, $0x30  }
.Ltmp3:
0x36: {  	s15 =	smov.u32 s16;
	v1 =	vmin.u32 v2, $0xFFF;
	(pc) =	sbr.rel @p1 .LBB2_3-.Ltmp3, $3  }
0x37: {  	_ =	sdelay $0x1  }
0x38: {  	s17 =	sadd.s32 $0x10, s17  }
0x39: {  	vm1 =	vgt.s32 v0, $0x0;
	s16 =	sadd.s32 $0x10, s16;
	v2 =	vmov v0;
	(ifvalue) =	ssetifvalue $0x7FFFFFFF;
	v0 =	vld.msk [tilespmem:s17+$0x0 ss:$0x1], $0xffff  }
.Ltmp4:
0x3a: {  	_ = 	snop;
	(pc) =	sbr.rel .LBB2_4-.Ltmp4, $1  }
0x3b: {  	_ =	sdelay $0x3  }
.LBB2_6:
0x3c: {  	_ =	sfence.sel $0x180000  }
0x3d: {  	s2 =	simm.s32 $0x2;
	[bflag:$0x0] =	sbarrier.arrive $0xFFFF  }
0x3e: {  	s30 =	simm.s32 $0x3;
	[sflag:s2] =	ssyncpa.u1 $0x1  }
0x3f: {  	s31 =	simm.s32 $0x1;
	[sflag:s30] =	ssyncpa.u1 $0x1  }
0x40: {  	[sflag:s31] =	ssyncpa.u1 $0x1  }
0x41: {  	p0 =	sne.s32 s1, $0x0;
	_ =	strace $0x90000053  }
0x42: {  	s0 =	sadd.s32 @!p0 $0x100000, s0;
	[bflag:$0x2] =	sbarrier.arrive $0xFFFF  }
0x43: {  	[sflag:s0] =	ssyncadd.tile.s32 @!p0 $0x1;
	_ =	shalt  }
.Lfunc_end2:
_tile_overlayer_lowered:
.L_overlay_start_2:
0x44: {  	(tag) =	ssettag $0x2  }
0x45: {  	s0 =	rddreg [dreg:$0x0];
	s2 =	stileid.u32  }
0x46: {  	s1 =	rddreg [dreg:$0x1];
	p0 =	sne.s32 s2, $0x0  }
0x47: {  	s3 =	rddreg [dreg:$0x2];
	[bflag:$0x3] =	sbarrier.arrive $0xFFFF;
	s2 =	simm.s32 @!p0 $0x1C01  }
0x48: {  	[timem:s3], [sflag:s2] =	dma.local @!p0 [hbm:s0], s1  }
0x49: {  	s0 =	simm.s32 @!p0 $0x1  }
0x4a: {  	_ =	swait.ge @!p0 [sflag:s0], s1  }
0x4b: {  	s1 =	ssub.s32 @!p0 $0x0, s1;
	[sflag:s0] =	ssyncset.done @!p0 $0x0  }
0x4c: {  	[sflag:s0] =	ssyncadd.s32 @!p0 s1  }
0x4d: {  	[bflag:$0x3] =	sbarrier.arrive $0xFFFF  }
0x4e: {  	_ =	shalt  }

// kernel: gather_offload_async_start.2
scs
__scs_entry_jumppad:
0x0: {  	(pc) =	sbr.rel $0x88, $3  }
0x1: {  	(tag) =	ssettag $0x0;
	lr =	simm.s32 $0x1  }
0x2: {  	[smem:$0x3F9C] =	sst lr;
	_ =	strace $0xD0000000  }
0x3: {  	_ = 	snop  }
0x4: {  	_ = 	snop  }
0x5: {  	_ = 	snop  }
0x6: {  	_ = 	snop  }
0x7: {  	_ = 	snop  }
__scs_overlays_trampoline_lowered:
0x8: {  	[smem:$0x3FAB] =	sst s0  }
0x9: {  	[smem:$0x3FAC] =	sst s1  }
0xa: {  	[smem:$0x3FAD] =	sst s2  }
0xb: {  	[smem:$0x3FAE] =	sst s3  }
0xc: {  	[smem:$0x3FAF] =	sst s4  }
0xd: {  	[smem:$0x3FB0] =	sst s5  }
0xe: {  	[smem:$0x3FB1] =	sst s6  }
0xf: {  	[smem:$0x3FB2] =	sst s7  }
0x10: {  	[smem:$0x3FB3] =	sst s8  }
0x11: {  	[smem:$0x3FB4] =	sst s9;
	s0 =	simm.s32 @!p0 $0x0  }
0x12: {  	s1 =	sld [smem:$0x3F9A];
	s0 =	simm.s32 @p0 $0x1  }
0x13: {  	[smem:$0x3FB5] =	sst s0;
	s0 =	simm.s32 @!p1 $0x0  }
0x14: {  	s2 =	sld [smem:$0x3F99];
	s0 =	simm.s32 @p1 $0x1  }
0x15: {  	[smem:$0x3FB6] =	sst s0;
	s0 =	simm.s32 @!p2 $0x0  }
0x16: {  	s3 =	sld [smem:$0x3FDB];
	s0 =	simm.s32 @p2 $0x1  }
0x17: {  	s4 =	simm.s32 $0x1BF5;
	[smem:$0x3FB8] =	sst s0  }
0x18: {  	s0 =	sld [smem:$0x3F9B];
	_ =	swait.ge [sflag:s4], $0x0  }
0x19: {  	s7 =	sld [smem:$0x3F9C]  }
0x1a: {  	s8 =	sadd.s32 $0xFFFFE003, lr  }
0x1b: {  	s9 =	sadd.s32 $0xFFFFFEF7, lr;
	s5 =	simm.s32 $0xFFFFFFFF;
	p2 =	slt.u32 s8, $0xFFFFF086  }
0x1c: {  	p1 =	slt.u32 s9, $0xF7A;
	s5 =	simm.s32 @!p2 $0x0  }
0x1d: {  	s5 =	simm.s32 @p1 $0x1;
	p0 =	seq.s32 s7, s2  }
0x1e: {  	s7 =	smul.u32 @!p0 $0xF7A, s2;
	p2 =	seq.s32 @!p0 s5, $0x0  }
0x1f: {  	s9 =	smul.u32 $0xF7A, s1;
	s8 =	simm.s32 @!p0 $0x1BF5;
	p2 =	por !p2, p0  }
0x20: {  	[sflag:s8] =	ssyncset.s32 @!p0 $0xFFFFF086;
	s6 =	sadd.s32 @!p0 s3, s7;
	s7 =	simm.s32 @!p0 $0x108  }
0x21: {  	s3 =	sadd.s32 s3, s9;
	s6 =	sadd.s32 @!p0 $0x88, s6;
	s7 =	simm.s32 @p2 $0x1082  }
0x22: {  	[simem:s7], [sflag:s8] =	dma.local @!p0 [hbm:s6], $0xF7A  }
0x23: {  	s9 =	sor.u32 $0xD0000000, s2;
	s6 =	simm.s32 $0x108;
	_ =	swait.ge @!p0 [sflag:s8], $0x0  }
0x24: {  	s3 =	sadd.s32 $0x88, s3;
	s6 =	simm.s32 @!p1 $0x1082;
	[sflag:s4] =	ssyncset.s32 $0xFFFFF086  }
0x25: {  	[simem:s6], [sflag:s4] =	dma.local [hbm:s3], $0xF7A  }
0x26: {  	[smem:$0x3F9C] =	sst s1;
	(tag) =	ssettag s2;
	_ =	strace s9  }
0x27: {  	s1 =	sld [smem:$0x3FAC]  }
0x28: {  	s2 =	sld [smem:$0x3FAD]  }
0x29: {  	s4 =	sld [smem:$0x3FAF]  }
0x2a: {  	p0 =	seq.s32 s5, $0x0;
	s5 =	sld [smem:$0x3FB0]  }
0x2b: {  	s6 =	sld [smem:$0x3FB1]  }
0x2c: {  	s7 =	sld [smem:$0x3FB2]  }
0x2d: {  	s3 =	simm.s32 $0x108;
	s8 =	sld [smem:$0x3FB3]  }
0x2e: {  	s3 =	simm.s32 @!p0 $0x1082;
	s9 =	sld [smem:$0x3FB4]  }
0x2f: {  	lr =	sadd.s32 s0, s3;
	s0 =	sld [smem:$0x3FAB]  }
0x30: {  	s3 =	sld [smem:$0x3FAE]  }
0x31: {  	[smem:$0x3FB7] =	sst s10  }
0x32: {  	s10 =	sld [smem:$0x3FB5];
	_ =	sdelay $0x3  }
0x33: {  	p0 =	seq.s32 s10, $0x1;
	s10 =	sld [smem:$0x3FB7];
	_ =	sdelay $0x3  }
0x34: {  	[smem:$0x3FB7] =	sst s10  }
0x35: {  	s10 =	sld [smem:$0x3FB6];
	_ =	sdelay $0x3  }
0x36: {  	p1 =	seq.s32 s10, $0x1;
	s10 =	sld [smem:$0x3FB7];
	_ =	sdelay $0x3  }
0x37: {  	[smem:$0x3FB7] =	sst s10  }
0x38: {  	s10 =	sld [smem:$0x3FB8]  }
0x39: {  	_ = 	snop;
	(pc) =	sbr.ind lr, $3  }
0x3a: {  	_ = 	snop  }
0x3b: {  	_ = 	snop  }
0x3c: {  	p2 =	seq.s32 s10, $0x1;
	s10 =	sld [smem:$0x3FB7]  }
0x3d: {  	_ =	shalt  }
0x3e: {  	_ =	shalt  }
0x3f: {  	_ =	shalt  }
0x40: {  	_ =	shalt  }
0x41: {  	_ =	shalt  }
0x42: {  	_ =	shalt  }
0x43: {  	_ =	shalt  }
0x44: {  	_ =	shalt  }
0x45: {  	_ =	shalt  }
0x46: {  	_ =	shalt  }
0x47: {  	_ =	shalt  }
0x48: {  	_ =	shalt  }
0x49: {  	_ =	shalt  }
0x4a: {  	_ =	shalt  }
0x4b: {  	_ =	shalt  }
0x4c: {  	_ =	shalt  }
0x4d: {  	_ =	shalt  }
0x4e: {  	_ =	shalt  }
0x4f: {  	_ =	shalt  }
0x50: {  	_ =	shalt  }
0x51: {  	_ =	shalt  }
0x52: {  	_ =	shalt  }
0x53: {  	_ =	shalt  }
0x54: {  	_ =	shalt  }
0x55: {  	_ =	shalt  }
0x56: {  	_ =	shalt  }
0x57: {  	_ =	shalt  }
0x58: {  	_ =	shalt  }
0x59: {  	_ =	shalt  }
0x5a: {  	_ =	shalt  }
0x5b: {  	_ =	shalt  }
0x5c: {  	_ =	shalt  }
0x5d: {  	_ =	shalt  }
0x5e: {  	_ =	shalt  }
0x5f: {  	_ =	shalt  }
0x60: {  	_ =	shalt  }
0x61: {  	_ =	shalt  }
0x62: {  	_ =	shalt  }
0x63: {  	_ =	shalt  }
0x64: {  	_ =	shalt  }
0x65: {  	_ =	shalt  }
0x66: {  	_ =	shalt  }
0x67: {  	_ =	shalt  }
0x68: {  	_ =	shalt  }
0x69: {  	_ =	shalt  }
0x6a: {  	_ =	shalt  }
0x6b: {  	_ =	shalt  }
0x6c: {  	_ =	shalt  }
0x6d: {  	_ =	shalt  }
0x6e: {  	_ =	shalt  }
0x6f: {  	_ =	shalt  }
0x70: {  	_ =	shalt  }
0x71: {  	_ =	shalt  }
0x72: {  	_ =	shalt  }
0x73: {  	_ =	shalt  }
0x74: {  	_ =	shalt  }
0x75: {  	_ =	shalt  }
0x76: {  	_ =	shalt  }
0x77: {  	_ =	shalt  }
0x78: {  	_ =	shalt  }
0x79: {  	_ =	shalt  }
0x7a: {  	_ =	shalt  }
0x7b: {  	_ =	shalt  }
0x7c: {  	_ =	shalt  }
0x7d: {  	_ =	shalt  }
0x7e: {  	_ =	shalt  }
0x7f: {  	_ =	shalt  }
0x80: {  	_ =	shalt  }
0x81: {  	_ =	shalt  }
0x82: {  	_ =	shalt  }
0x83: {  	_ =	shalt  }
0x84: {  	_ =	shalt  }
0x85: {  	_ =	shalt  }
0x86: {  	_ =	shalt  }
0x87: {  	_ =	shalt  }
.Lfunc_end0:
.L_simem_size_0:
called_computation.3_lowered:
.L_overlay_start_0:
0x88: {  	s2 =	sld [smem:$0x3FD9]  }
0x89: {  	s3 =	sld [smem:$0x3FFE];
	_ =	sdelay $0x1  }
0x8a: {  	s1 =	srdreg.scid  }
0x8b: {  	s0 =	sand.u32 $0x1, s1  }
0x8c: {  	s17 =	sshll.u32 s0, $0xA;
	s2 =	sadd.s32 s3, s2  }
0x8d: {  	s2 =	sadd.s32 s2, s17  }
0x8e: {  	[smem:$0x3FC3] =	sst s2  }
0x8f: {  	_ = 	snop  }
0x90: {  	s2 =	sld [smem:$0x3FD0];
	(tm) =	ssettm $0x1  }
0x91: {  	s18 =	sld [smem:$0x3FFB];
	_ =	sdelay $0x3  }
0x92: {  	_ =	strace s18  }
0x93: {  	s3 =	sld [smem:$0x3FFC];
	_ =	sdelay $0x3  }
0x94: {  	_ =	strace s3  }
0x95: {  	s3 =	sld [smem:$0x3FFD];
	_ =	sdelay $0x3  }
0x96: {  	_ =	strace s3  }
0x97: {  	_ =	strace $0x8FFFFFFF  }
0x98: {  	s19 =	sld [smem:$0x3FDB];
	_ =	sdelay $0x1  }
0x99: {  	s4 =	simm.s32 $_scs_section_size  }
0x9a: {  	s5 =	simm.s32 $_size__tile_overlayer_lowered;
	s6 =	simm.s32 $_tile_overlayer_lowered  }
0x9b: {  	s22 =	simm.s32 $0x1BFF;
	s21 =	sshll.u32 s6, $0x1;
	s3 =	sadd.s32 s4, s19  }
0x9c: {  	s7 =	simm.s32 $0x0;
	s20 =	sshll.u32 s5, $0x1;
	s5 =	sadd.s32 s21, s3  }
0x9d: {  	[timem:s7], [sflag:s22] =	dma.local [hbm:s5], s20  }
0x9e: {  	_ =	swait.ge [sflag:s22], s20  }
0x9f: {  	s4 =	ssub.s32 $0x0, s20;
	[sflag:s22] =	ssyncset.done $0x0  }
0xa0: {  	[sflag:s22] =	ssyncadd.s32 s4;
	_ =	sdelay $0x1  }
0xa1: {  	s23 =	simm.s32 $0x1B8B  }
0xa2: {  	_ =	swait.ge [sflag:s23], $0x1  }
0xa3: {  	[sflag:s23] =	ssyncset.done $0x0  }
0xa4: {  	s25 =	simm.s32 $0x1B8E;
	s24 =	sld [smem:$0x3FFE];
	[sflag:s23] =	ssyncadd.s32 $0xFFFFFFFF  }
0xa5: {  	s26 =	simm.s32 $execute0_lowered;
	[smem:$0x3FD2] =	sst s25  }
0xa6: {  	s5 =	sshll.u32 s26, $0x1;
	_ =	strace $0x8000004C;
	[dreg:$0x1] =	wrdreg $0xFFFFFFFF  }
0xa7: {  	s28 =	simm.s32 $_size_execute0_lowered;
	s3 =	sadd.s32 s3, s5;
	[dreg:$0x0] =	wrdreg $0x0  }
0xa8: {  	s5 =	sshll.u32 s28, $0x1;
	[dreg:$0x2] =	wrdreg s3  }
0xa9: {  	[dreg:$0x3] =	wrdreg s5  }
0xaa: {  	[dreg:$0x4] =	wrdreg $0xC0  }
0xab: {  	_ =	task [dreg:s7], $0x5FFFF  }
0xac: {  	[dreg:$0x1] =	wrdreg $0xFFFFFFFF  }
0xad: {  	[dreg:$0x0] =	wrdreg $0x60  }
0xae: {  	[dreg:$0x2] =	wrdreg s24  }
0xaf: {  	[dreg:$0x3] =	wrdreg s2  }
0xb0: {  	[dreg:$0x4] =	wrdreg $0x9  }
0xb1: {  	_ =	task.clear_ibuf [dreg:s7], $0x5FFFF;
	_ =	strace $0x9000004C  }
0xb2: {  	s29 =	simm.s32 $0x9;
	_ =	strace $0x8000004E  }
0xb3: {  	_ =	swait.ge [sflag:s29], $0x1  }
0xb4: {  	[sflag:s29] =	ssyncadd.s32 $0xFFFFFFFF  }
0xb5: {  	_ =	strace $0x9000004E  }
0xb6: {  	_ =	sfence  }
0xb7: {  	s30 =	sld [smem:$0x0];
	_ =	sdelay $0x2  }
0xb8: {  	s31 =	sshll.u32 s1, $0xD;
	s1 =	sshrl.u32 s1, $0x2  }
0xb9: {  	s3 =	sand.u32 $0x4000, s31;
	s1 =	sadd.s32 s1, s30  }
0xba: {  	s0 =	sor.u32 s3, s0;
	s1 =	sshll.u32 s1, $0x11  }
0xbb: {  	s0 =	sor.u32 s1, s0  }
0xbc: {  	s0 =	sadd.s32 $0x8F2B, s0  }
0xbd: {  	[sflag:s0] =	ssyncadd.remote.s32 $0x1  }
0xbe: {  	_ =	sfence.sel $0xFFFF  }
0xbf: {  	[dreg:$0x0] =	wrdreg $0xFFFFFFFF;
	(pc) =	sbr.abs _section_cstart, $3  }
0xc0: {  	[dreg:$0x1] =	wrdreg $0xFFFFFFFF  }
0xc1: {  	_ =	task.clear_ibuf [dreg:s7], $0x2FFFF;
	_ =	strace $0x9FFFFFFF  }
0xc2: {  	(tm) =	ssettm $0x7FFFFFFF  }
0xc3: {  	_ =	shalt  }
tec
execute0_lowered:
.L_overlay_start_1:
0x0: {  	(tag) =	ssettag $0x1  }
0x1: {  	s1 =	srdreg.scid;
	s5 =	rddreg [dreg:$0x0]  }
0x2: {  	s0 =	stileid.u32;
	s2 =	rddreg [dreg:$0x1];
	s6 =	simm.s32 $0x1  }
0x3: {  	s9 =	simm.s32 $0x1;
	s10 =	simm.s32 $0x3;
	s1 =	sshll.u32 s1, $0x7  }
0x4: {  	s13 =	simm.s32 $0x0;
	s3 =	sshll.u32 s0, $0x8;
	s4 =	sand.u32 $0x80, s1  }
0x5: {  	s12 =	simm.s32 $0x0;
	s1 =	rddreg [dreg:$0x2];
	s3 =	sor.u32 s3, s4  }
0x6: {  	_ =	strace $0x8000004D;
	s4 =	sadd.s32 $0xE00, s5;
	s8 =	ssub.s32 $0x1800, s3  }
.Ltmp0:
0x7: {  	s5 =	sadd.s32 $0x1400, s5;
	s7 =	sand.u32 $0xF80, s8;
	(pc) =	sbr.rel .LBB2_1-.Ltmp0, $4  }
0x8: {  	[sflag:s6] =	ssyncpa.u1 $0x0;
	s11 =	smov.u32 s3;
	p0 =	sne.s32 s7, $0x0  }
0x9: {  	s8 =	sshrl.u32 s8, $0xC;
	s7 =	simm.s32 $0x2;
	s9 =	simm.s32 @!p0 $0x0  }
0xa: {  	[sflag:s7] =	ssyncpa.u1 $0x0;
	p0 =	por $0x0, $0x0;
	s8 =	sadd.s32 s9, s8  }
0xb: {  	vm0 =	vmmov $0xffff;
	[sflag:s10] =	ssyncpa.u1 $0x0;
	s10 =	simm.s32 $0x0;
	s9 =	sadd.s32 $0x1, s8  }
.LBB2_4:
0xc: {  	v2 =	vnsel vm1, $0x0, v2  }
0xd: {  	vm1 =	vgt.s32 v0, $0x0;
	v2 =	vmin.u32 v2, $0xFFF  }
0xe: {  	v0 =	vnsel vm1, $0x0, v0  }
0xf: {  	v0 =	vmin.u32 v0, $0xFFF  }
0x10: {  	[tilespmem:s15], [sflag:$0x1] =	stream.indirect_vreg.gather [hbm4b:s4+s10], $0x1, v1, vm0, $0x4038;
	[tilespmem:$0x200] =	vst v63  }
0x11: {  	(ifvalue) =	ssetifvalue $0x7FFFFFFF  }
0x12: {  	[tilespmem:s16], [sflag:$0x1] =	stream.indirect_vreg.gather [hbm4b:s4+s10], $0x1, v2, vm0, $0x4038;
	[tilespmem:$0x200] =	vst v63  }
0x13: {  	s29 =	sadd.s32 $0x10, s16;
	(ifvalue) =	ssetifvalue $0x7FFFFFFF  }
0x14: {  	[tilespmem:s29], [sflag:$0x1] =	stream.indirect_vreg.gather [hbm4b:s4+s10], $0x1, v0, vm0, $0x4038;
	[tilespmem:$0x200] =	vst v63  }
0x15: {  	_ =	swait.ge [sflag:s6], $0x80  }
0x16: {  	s30 =	sshrl.u32 s13, $0x3;
	[sflag:s6] =	ssyncset.done $0x0  }
0x17: {  	s31 =	sand.u32 $0x7, s13;
	s15 =	sadd.s32 s5, s30;
	[sflag:s6] =	ssyncadd.s32 $0xFFFFFF80  }
0x18: {  	[hbm4b:s15+s31] =	stream.linear.scatter [tilespmem:s14], [sflag:$0x3], $0x80, $0x38;
	[tilespmem:$0x200] =	vst v63  }
.LBB2_5:
0x19: {  	s15 =	sadd.s32 $0x1000, s11  }
0x1a: {  	p2 =	sgt.s32 s15, $0x17FF  }
0x1b: {  	s15 =	smov.u32 @p2 s3;
	p2 =	sne.s32 s12, s9  }
.Ltmp1:
0x1c: {  	p1 =	slt.u32 s12, $0x2;
	(pc) =	sbr.rel @!p2 .LBB2_6-.Ltmp1, $4  }
0x1d: {  	s14 =	simm.s32 @!p1 $0x3  }
0x1e: {  	s16 =	sadd.s32 $0x1, s12;
	_ =	swait.ge @!p1 [sflag:s14], $0x80  }
0x1f: {  	s13 =	smov.u32 s11;
	p0 =	por !p0, !p0;
	[sflag:s14] =	ssyncset.done @!p1 $0x0  }
0x20: {  	s12 =	smov.u32 s16;
	s11 =	smov.u32 s15;
	[sflag:s14] =	ssyncadd.s32 @!p1 $0xFFFFFF80  }
.LBB2_1:
0x21: {  	p1 =	sge.u32 s12, s8  }
0x22: {  	s14 =	sxor.u32 @!p1 $0xFFFFFFFF, s12  }
0x23: {  	s31 =	sadd.s32 $0xFFFFFFFF, s12;
	s15 =	sshrl.u32 @!p1 s11, $0x3;
	s14 =	sshll.u32 @!p1 s14, $0x7  }
0x24: {  	s16 =	sand.u32 @!p1 $0x7, s11;
	s15 =	sadd.s32 @!p1 s2, s15;
	s14 =	sand.u32 @!p1 $0x80, s14  }
0x25: {  	[tilespmem:s14], [sflag:$0x2] =	stream.linear.gather @!p1 [hbm4b:s15+s16], $0x80, $0x38;
	[tilespmem:$0x200] =	vst v63  }
0x26: {  	p1 =	sge.u32 s31, s8  }
.Ltmp2:
0x27: {  	_ = 	snop;
	(pc) =	sbr.rel @p1 .LBB2_5-.Ltmp2, $1  }
0x28: {  	_ =	sdelay $0x3  }
0x29: {  	s14 =	simm.s32 $0x1  }
0x2a: {  	_ =	swait.ge [sflag:s7], $0x80;
	s14 =	simm.s32 @!p0 $0x0  }
0x2b: {  	[sflag:s7] =	ssyncset.done $0x0;
	s14 =	sshll.u32 s14, $0x7  }
0x2c: {  	[sflag:s7] =	ssyncadd.s32 $0xFFFFFF80;
	(ifvalue) =	ssetifvalue $0x7FFFFFFF;
	v0 =	vld.msk [tilespmem:s14+$0x0 ss:$0x1], $0xffff;
	_ =	sdelay $0x4  }
0x2d: {  	s15 =	sadd.s32 $0x10, s14;
	vm1 =	vgt.s32 v0, $0x0  }
0x2e: {  	v2 =	vld.msk [tilespmem:s15+$0x0 ss:$0x1], $0xffff;
	v1 =	vnsel vm1, $0x0, v0  }
0x2f: {  	v1 =	vmin.u32 v1, $0xFFF;
	_ =	sdelay $0x1  }
0x30: {  	s16 =	sshll.u32 s12, $0x7;
	s18 =	simm.s32 $0x20  }
0x31: {  	s16 =	sand.u32 $0x80, s16;
	s17 =	sadd.s32 $0x10, s15;
	s15 =	sor.u32 $0x100, s14  }
0x32: {  	s14 =	sor.u32 $0x100, s16;
	s16 =	sadd.s32 $0x10, s15;
	v0 =	vld.msk [tilespmem:s17+$0x0 ss:$0x1], $0xffff;
	vm1 =	vgt.s32 v2, $0x0;
	(ifvalue) =	ssetifvalue $0x7FFFFFFF  }
.LBB2_3:
0x33: {  	[tilespmem:s15], [sflag:$0x1] =	stream.indirect_vreg.gather [hbm4b:s4+s10], $0x1, v1, vm0, $0x4038;
	[tilespmem:$0x200] =	vst v63  }
0x34: {  	s18 =	sadd.s32 $0x10, s18  }
0x35: {  	v2 =	vnsel vm1, $0x0, v2;
	p1 =	slt.u32 s18, $0x70  }
.Ltmp3:
0x36: {  	s15 =	smov.u32 s16;
	v1 =	vmin.u32 v2, $0xFFF;
	(pc) =	sbr.rel @p1 .LBB2_3-.Ltmp3, $3  }
0x37: {  	_ =	sdelay $0x1  }
0x38: {  	s17 =	sadd.s32 $0x10, s17  }
0x39: {  	vm1 =	vgt.s32 v0, $0x0;
	s16 =	sadd.s32 $0x10, s16;
	v2 =	vmov v0;
	(ifvalue) =	ssetifvalue $0x7FFFFFFF;
	v0 =	vld.msk [tilespmem:s17+$0x0 ss:$0x1], $0xffff  }
.Ltmp4:
0x3a: {  	_ = 	snop;
	(pc) =	sbr.rel .LBB2_4-.Ltmp4, $1  }
0x3b: {  	_ =	sdelay $0x3  }
.LBB2_6:
0x3c: {  	_ =	sfence.sel $0x180000  }
0x3d: {  	s2 =	simm.s32 $0x2;
	[bflag:$0x0] =	sbarrier.arrive $0xFFFF  }
0x3e: {  	s30 =	simm.s32 $0x3;
	[sflag:s2] =	ssyncpa.u1 $0x1  }
0x3f: {  	s31 =	simm.s32 $0x1;
	[sflag:s30] =	ssyncpa.u1 $0x1  }
0x40: {  	[sflag:s31] =	ssyncpa.u1 $0x1  }
0x41: {  	p0 =	sne.s32 s0, $0x0;
	_ =	strace $0x9000004D  }
0x42: {  	s0 =	sadd.s32 @!p0 $0x100000, s1;
	[bflag:$0x2] =	sbarrier.arrive $0xFFFF  }
0x43: {  	[sflag:s0] =	ssyncadd.tile.s32 @!p0 $0x1;
	_ =	shalt  }
.Lfunc_end2:
_tile_overlayer_lowered:
.L_overlay_start_2:
0x44: {  	(tag) =	ssettag $0x2  }
0x45: {  	s0 =	rddreg [dreg:$0x0];
	s2 =	stileid.u32  }
0x46: {  	s1 =	rddreg [dreg:$0x1];
	p0 =	sne.s32 s2, $0x0  }
0x47: {  	s3 =	rddreg [dreg:$0x2];
	[bflag:$0x3] =	sbarrier.arrive $0xFFFF;
	s2 =	simm.s32 @!p0 $0x1C01  }
0x48: {  	[timem:s3], [sflag:s2] =	dma.local @!p0 [hbm:s0], s1  }
0x49: {  	s0 =	simm.s32 @!p0 $0x1  }
0x4a: {  	_ =	swait.ge @!p0 [sflag:s0], s1  }
0x4b: {  	s1 =	ssub.s32 @!p0 $0x0, s1;
	[sflag:s0] =	ssyncset.done @!p0 $0x0  }
0x4c: {  	[sflag:s0] =	ssyncadd.s32 @!p0 s1  }
0x4d: {  	[bflag:$0x3] =	sbarrier.arrive $0xFFFF  }
0x4e: {  	_ =	shalt  }

// kernel: gather_offload_async_start.3
scs
__scs_entry_jumppad:
0x0: {  	(pc) =	sbr.rel $0x88, $3  }
0x1: {  	(tag) =	ssettag $0x0;
	lr =	simm.s32 $0x1  }
0x2: {  	[smem:$0x3F9C] =	sst lr;
	_ =	strace $0xD0000000  }
0x3: {  	_ = 	snop  }
0x4: {  	_ = 	snop  }
0x5: {  	_ = 	snop  }
0x6: {  	_ = 	snop  }
0x7: {  	_ = 	snop  }
__scs_overlays_trampoline_lowered:
0x8: {  	[smem:$0x3FAB] =	sst s0  }
0x9: {  	[smem:$0x3FAC] =	sst s1  }
0xa: {  	[smem:$0x3FAD] =	sst s2  }
0xb: {  	[smem:$0x3FAE] =	sst s3  }
0xc: {  	[smem:$0x3FAF] =	sst s4  }
0xd: {  	[smem:$0x3FB0] =	sst s5  }
0xe: {  	[smem:$0x3FB1] =	sst s6  }
0xf: {  	[smem:$0x3FB2] =	sst s7  }
0x10: {  	[smem:$0x3FB3] =	sst s8  }
0x11: {  	[smem:$0x3FB4] =	sst s9;
	s0 =	simm.s32 @!p0 $0x0  }
0x12: {  	s1 =	sld [smem:$0x3F9A];
	s0 =	simm.s32 @p0 $0x1  }
0x13: {  	[smem:$0x3FB5] =	sst s0;
	s0 =	simm.s32 @!p1 $0x0  }
0x14: {  	s2 =	sld [smem:$0x3F99];
	s0 =	simm.s32 @p1 $0x1  }
0x15: {  	[smem:$0x3FB6] =	sst s0;
	s0 =	simm.s32 @!p2 $0x0  }
0x16: {  	s3 =	sld [smem:$0x3FDB];
	s0 =	simm.s32 @p2 $0x1  }
0x17: {  	s4 =	simm.s32 $0x1BF5;
	[smem:$0x3FB8] =	sst s0  }
0x18: {  	s0 =	sld [smem:$0x3F9B];
	_ =	swait.ge [sflag:s4], $0x0  }
0x19: {  	s7 =	sld [smem:$0x3F9C]  }
0x1a: {  	s8 =	sadd.s32 $0xFFFFE003, lr  }
0x1b: {  	s9 =	sadd.s32 $0xFFFFFEF7, lr;
	s5 =	simm.s32 $0xFFFFFFFF;
	p2 =	slt.u32 s8, $0xFFFFF086  }
0x1c: {  	p1 =	slt.u32 s9, $0xF7A;
	s5 =	simm.s32 @!p2 $0x0  }
0x1d: {  	s5 =	simm.s32 @p1 $0x1;
	p0 =	seq.s32 s7, s2  }
0x1e: {  	s7 =	smul.u32 @!p0 $0xF7A, s2;
	p2 =	seq.s32 @!p0 s5, $0x0  }
0x1f: {  	s9 =	smul.u32 $0xF7A, s1;
	s8 =	simm.s32 @!p0 $0x1BF5;
	p2 =	por !p2, p0  }
0x20: {  	[sflag:s8] =	ssyncset.s32 @!p0 $0xFFFFF086;
	s6 =	sadd.s32 @!p0 s3, s7;
	s7 =	simm.s32 @!p0 $0x108  }
0x21: {  	s3 =	sadd.s32 s3, s9;
	s6 =	sadd.s32 @!p0 $0x88, s6;
	s7 =	simm.s32 @p2 $0x1082  }
0x22: {  	[simem:s7], [sflag:s8] =	dma.local @!p0 [hbm:s6], $0xF7A  }
0x23: {  	s9 =	sor.u32 $0xD0000000, s2;
	s6 =	simm.s32 $0x108;
	_ =	swait.ge @!p0 [sflag:s8], $0x0  }
0x24: {  	s3 =	sadd.s32 $0x88, s3;
	s6 =	simm.s32 @!p1 $0x1082;
	[sflag:s4] =	ssyncset.s32 $0xFFFFF086  }
0x25: {  	[simem:s6], [sflag:s4] =	dma.local [hbm:s3], $0xF7A  }
0x26: {  	[smem:$0x3F9C] =	sst s1;
	(tag) =	ssettag s2;
	_ =	strace s9  }
0x27: {  	s1 =	sld [smem:$0x3FAC]  }
0x28: {  	s2 =	sld [smem:$0x3FAD]  }
0x29: {  	s4 =	sld [smem:$0x3FAF]  }
0x2a: {  	p0 =	seq.s32 s5, $0x0;
	s5 =	sld [smem:$0x3FB0]  }
0x2b: {  	s6 =	sld [smem:$0x3FB1]  }
0x2c: {  	s7 =	sld [smem:$0x3FB2]  }
0x2d: {  	s3 =	simm.s32 $0x108;
	s8 =	sld [smem:$0x3FB3]  }
0x2e: {  	s3 =	simm.s32 @!p0 $0x1082;
	s9 =	sld [smem:$0x3FB4]  }
0x2f: {  	lr =	sadd.s32 s0, s3;
	s0 =	sld [smem:$0x3FAB]  }
0x30: {  	s3 =	sld [smem:$0x3FAE]  }
0x31: {  	[smem:$0x3FB7] =	sst s10  }
0x32: {  	s10 =	sld [smem:$0x3FB5];
	_ =	sdelay $0x3  }
0x33: {  	p0 =	seq.s32 s10, $0x1;
	s10 =	sld [smem:$0x3FB7];
	_ =	sdelay $0x3  }
0x34: {  	[smem:$0x3FB7] =	sst s10  }
0x35: {  	s10 =	sld [smem:$0x3FB6];
	_ =	sdelay $0x3  }
0x36: {  	p1 =	seq.s32 s10, $0x1;
	s10 =	sld [smem:$0x3FB7];
	_ =	sdelay $0x3  }
0x37: {  	[smem:$0x3FB7] =	sst s10  }
0x38: {  	s10 =	sld [smem:$0x3FB8]  }
0x39: {  	_ = 	snop;
	(pc) =	sbr.ind lr, $3  }
0x3a: {  	_ = 	snop  }
0x3b: {  	_ = 	snop  }
0x3c: {  	p2 =	seq.s32 s10, $0x1;
	s10 =	sld [smem:$0x3FB7]  }
0x3d: {  	_ =	shalt  }
0x3e: {  	_ =	shalt  }
0x3f: {  	_ =	shalt  }
0x40: {  	_ =	shalt  }
0x41: {  	_ =	shalt  }
0x42: {  	_ =	shalt  }
0x43: {  	_ =	shalt  }
0x44: {  	_ =	shalt  }
0x45: {  	_ =	shalt  }
0x46: {  	_ =	shalt  }
0x47: {  	_ =	shalt  }
0x48: {  	_ =	shalt  }
0x49: {  	_ =	shalt  }
0x4a: {  	_ =	shalt  }
0x4b: {  	_ =	shalt  }
0x4c: {  	_ =	shalt  }
0x4d: {  	_ =	shalt  }
0x4e: {  	_ =	shalt  }
0x4f: {  	_ =	shalt  }
0x50: {  	_ =	shalt  }
0x51: {  	_ =	shalt  }
0x52: {  	_ =	shalt  }
0x53: {  	_ =	shalt  }
0x54: {  	_ =	shalt  }
0x55: {  	_ =	shalt  }
0x56: {  	_ =	shalt  }
0x57: {  	_ =	shalt  }
0x58: {  	_ =	shalt  }
0x59: {  	_ =	shalt  }
0x5a: {  	_ =	shalt  }
0x5b: {  	_ =	shalt  }
0x5c: {  	_ =	shalt  }
0x5d: {  	_ =	shalt  }
0x5e: {  	_ =	shalt  }
0x5f: {  	_ =	shalt  }
0x60: {  	_ =	shalt  }
0x61: {  	_ =	shalt  }
0x62: {  	_ =	shalt  }
0x63: {  	_ =	shalt  }
0x64: {  	_ =	shalt  }
0x65: {  	_ =	shalt  }
0x66: {  	_ =	shalt  }
0x67: {  	_ =	shalt  }
0x68: {  	_ =	shalt  }
0x69: {  	_ =	shalt  }
0x6a: {  	_ =	shalt  }
0x6b: {  	_ =	shalt  }
0x6c: {  	_ =	shalt  }
0x6d: {  	_ =	shalt  }
0x6e: {  	_ =	shalt  }
0x6f: {  	_ =	shalt  }
0x70: {  	_ =	shalt  }
0x71: {  	_ =	shalt  }
0x72: {  	_ =	shalt  }
0x73: {  	_ =	shalt  }
0x74: {  	_ =	shalt  }
0x75: {  	_ =	shalt  }
0x76: {  	_ =	shalt  }
0x77: {  	_ =	shalt  }
0x78: {  	_ =	shalt  }
0x79: {  	_ =	shalt  }
0x7a: {  	_ =	shalt  }
0x7b: {  	_ =	shalt  }
0x7c: {  	_ =	shalt  }
0x7d: {  	_ =	shalt  }
0x7e: {  	_ =	shalt  }
0x7f: {  	_ =	shalt  }
0x80: {  	_ =	shalt  }
0x81: {  	_ =	shalt  }
0x82: {  	_ =	shalt  }
0x83: {  	_ =	shalt  }
0x84: {  	_ =	shalt  }
0x85: {  	_ =	shalt  }
0x86: {  	_ =	shalt  }
0x87: {  	_ =	shalt  }
.Lfunc_end0:
.L_simem_size_0:
called_computation.4_lowered:
.L_overlay_start_0:
0x88: {  	s2 =	sld [smem:$0x3FD9]  }
0x89: {  	s3 =	sld [smem:$0x3FFE];
	_ =	sdelay $0x1  }
0x8a: {  	s1 =	srdreg.scid  }
0x8b: {  	s0 =	sand.u32 $0x1, s1  }
0x8c: {  	s17 =	sshll.u32 s0, $0xA;
	s2 =	sadd.s32 s3, s2  }
0x8d: {  	s2 =	sadd.s32 s2, s17  }
0x8e: {  	[smem:$0x3FC3] =	sst s2  }
0x8f: {  	_ = 	snop  }
0x90: {  	s2 =	sld [smem:$0x3FD0];
	(tm) =	ssettm $0x1  }
0x91: {  	s18 =	sld [smem:$0x3FFB];
	_ =	sdelay $0x3  }
0x92: {  	_ =	strace s18  }
0x93: {  	s3 =	sld [smem:$0x3FFC];
	_ =	sdelay $0x3  }
0x94: {  	_ =	strace s3  }
0x95: {  	s3 =	sld [smem:$0x3FFD];
	_ =	sdelay $0x3  }
0x96: {  	_ =	strace s3  }
0x97: {  	_ =	strace $0x8FFFFFFF  }
0x98: {  	s19 =	sld [smem:$0x3FDB];
	_ =	sdelay $0x1  }
0x99: {  	s4 =	simm.s32 $_scs_section_size  }
0x9a: {  	s5 =	simm.s32 $_size__tile_overlayer_lowered;
	s6 =	simm.s32 $_tile_overlayer_lowered  }
0x9b: {  	s22 =	simm.s32 $0x1BFF;
	s21 =	sshll.u32 s6, $0x1;
	s3 =	sadd.s32 s4, s19  }
0x9c: {  	s7 =	simm.s32 $0x0;
	s20 =	sshll.u32 s5, $0x1;
	s5 =	sadd.s32 s21, s3  }
0x9d: {  	[timem:s7], [sflag:s22] =	dma.local [hbm:s5], s20  }
0x9e: {  	_ =	swait.ge [sflag:s22], s20  }
0x9f: {  	s4 =	ssub.s32 $0x0, s20;
	[sflag:s22] =	ssyncset.done $0x0  }
0xa0: {  	[sflag:s22] =	ssyncadd.s32 s4;
	_ =	sdelay $0x1  }
0xa1: {  	s23 =	simm.s32 $0x1B8B  }
0xa2: {  	_ =	swait.ge [sflag:s23], $0x1  }
0xa3: {  	[sflag:s23] =	ssyncset.done $0x0  }
0xa4: {  	s25 =	simm.s32 $0x1B8E;
	s24 =	sld [smem:$0x3FFE];
	[sflag:s23] =	ssyncadd.s32 $0xFFFFFFFF  }
0xa5: {  	s26 =	simm.s32 $execute0_lowered;
	[smem:$0x3FD2] =	sst s25  }
0xa6: {  	s5 =	sshll.u32 s26, $0x1;
	_ =	strace $0x8000004F;
	[dreg:$0x1] =	wrdreg $0xFFFFFFFF  }
0xa7: {  	s28 =	simm.s32 $_size_execute0_lowered;
	s3 =	sadd.s32 s3, s5;
	[dreg:$0x0] =	wrdreg $0x0  }
0xa8: {  	s5 =	sshll.u32 s28, $0x1;
	[dreg:$0x2] =	wrdreg s3  }
0xa9: {  	[dreg:$0x3] =	wrdreg s5  }
0xaa: {  	[dreg:$0x4] =	wrdreg $0xC0  }
0xab: {  	_ =	task [dreg:s7], $0x5FFFF  }
0xac: {  	[dreg:$0x1] =	wrdreg $0xFFFFFFFF  }
0xad: {  	[dreg:$0x0] =	wrdreg $0x60  }
0xae: {  	[dreg:$0x2] =	wrdreg s24  }
0xaf: {  	[dreg:$0x3] =	wrdreg s2  }
0xb0: {  	[dreg:$0x4] =	wrdreg $0xA  }
0xb1: {  	_ =	task.clear_ibuf [dreg:s7], $0x5FFFF;
	_ =	strace $0x9000004F  }
0xb2: {  	s29 =	simm.s32 $0xA;
	_ =	strace $0x80000051  }
0xb3: {  	_ =	swait.ge [sflag:s29], $0x1  }
0xb4: {  	[sflag:s29] =	ssyncadd.s32 $0xFFFFFFFF  }
0xb5: {  	_ =	strace $0x90000051  }
0xb6: {  	_ =	sfence  }
0xb7: {  	s30 =	sld [smem:$0x0];
	_ =	sdelay $0x2  }
0xb8: {  	s31 =	sshll.u32 s1, $0xD;
	s1 =	sshrl.u32 s1, $0x2  }
0xb9: {  	s3 =	sand.u32 $0x4000, s31;
	s1 =	sadd.s32 s1, s30  }
0xba: {  	s0 =	sor.u32 s3, s0;
	s1 =	sshll.u32 s1, $0x11  }
0xbb: {  	s0 =	sor.u32 s1, s0  }
0xbc: {  	s0 =	sadd.s32 $0x8F2B, s0  }
0xbd: {  	[sflag:s0] =	ssyncadd.remote.s32 $0x1  }
0xbe: {  	_ =	sfence.sel $0xFFFF  }
0xbf: {  	[dreg:$0x0] =	wrdreg $0xFFFFFFFF;
	(pc) =	sbr.abs _section_cstart, $3  }
0xc0: {  	[dreg:$0x1] =	wrdreg $0xFFFFFFFF  }
0xc1: {  	_ =	task.clear_ibuf [dreg:s7], $0x2FFFF;
	_ =	strace $0x9FFFFFFF  }
0xc2: {  	(tm) =	ssettm $0x7FFFFFFF  }
0xc3: {  	_ =	shalt  }
tec
execute0_lowered:
.L_overlay_start_1:
0x0: {  	(tag) =	ssettag $0x1  }
0x1: {  	s1 =	srdreg.scid;
	s5 =	rddreg [dreg:$0x0]  }
0x2: {  	s0 =	stileid.u32;
	s2 =	rddreg [dreg:$0x1];
	s6 =	simm.s32 $0x1  }
0x3: {  	s9 =	simm.s32 $0x1;
	s10 =	simm.s32 $0x3;
	s1 =	sshll.u32 s1, $0x7  }
0x4: {  	s13 =	simm.s32 $0x0;
	s3 =	sshll.u32 s0, $0x8;
	s4 =	sand.u32 $0x80, s1  }
0x5: {  	s12 =	simm.s32 $0x0;
	s1 =	rddreg [dreg:$0x2];
	s3 =	sor.u32 s3, s4  }
0x6: {  	_ =	strace $0x80000050;
	s4 =	sadd.s32 $0x600, s5;
	s8 =	ssub.s32 $0x1800, s3  }
.Ltmp0:
0x7: {  	s5 =	sadd.s32 $0x1400, s5;
	s7 =	sand.u32 $0xF80, s8;
	(pc) =	sbr.rel .LBB2_1-.Ltmp0, $4  }
0x8: {  	[sflag:s6] =	ssyncpa.u1 $0x0;
	s11 =	smov.u32 s3;
	p0 =	sne.s32 s7, $0x0  }
0x9: {  	s8 =	sshrl.u32 s8, $0xC;
	s7 =	simm.s32 $0x2;
	s9 =	simm.s32 @!p0 $0x0  }
0xa: {  	[sflag:s7] =	ssyncpa.u1 $0x0;
	p0 =	por $0x0, $0x0;
	s8 =	sadd.s32 s9, s8  }
0xb: {  	vm0 =	vmmov $0xffff;
	[sflag:s10] =	ssyncpa.u1 $0x0;
	s10 =	simm.s32 $0x0;
	s9 =	sadd.s32 $0x1, s8  }
.LBB2_4:
0xc: {  	v2 =	vnsel vm1, $0x0, v2  }
0xd: {  	vm1 =	vgt.s32 v0, $0x0;
	v2 =	vmin.u32 v2, $0xFFF  }
0xe: {  	v0 =	vnsel vm1, $0x0, v0  }
0xf: {  	v0 =	vmin.u32 v0, $0xFFF  }
0x10: {  	[tilespmem:s15], [sflag:$0x1] =	stream.indirect_vreg.gather [hbm4b:s4+s10], $0x1, v1, vm0, $0x4038;
	[tilespmem:$0x200] =	vst v63  }
0x11: {  	(ifvalue) =	ssetifvalue $0x7FFFFFFF  }
0x12: {  	[tilespmem:s16], [sflag:$0x1] =	stream.indirect_vreg.gather [hbm4b:s4+s10], $0x1, v2, vm0, $0x4038;
	[tilespmem:$0x200] =	vst v63  }
0x13: {  	s29 =	sadd.s32 $0x10, s16;
	(ifvalue) =	ssetifvalue $0x7FFFFFFF  }
0x14: {  	[tilespmem:s29], [sflag:$0x1] =	stream.indirect_vreg.gather [hbm4b:s4+s10], $0x1, v0, vm0, $0x4038;
	[tilespmem:$0x200] =	vst v63  }
0x15: {  	_ =	swait.ge [sflag:s6], $0x80  }
0x16: {  	s30 =	sshrl.u32 s13, $0x3;
	[sflag:s6] =	ssyncset.done $0x0  }
0x17: {  	s31 =	sand.u32 $0x7, s13;
	s15 =	sadd.s32 s5, s30;
	[sflag:s6] =	ssyncadd.s32 $0xFFFFFF80  }
0x18: {  	[hbm4b:s15+s31] =	stream.linear.scatter [tilespmem:s14], [sflag:$0x3], $0x80, $0x38;
	[tilespmem:$0x200] =	vst v63  }
.LBB2_5:
0x19: {  	s15 =	sadd.s32 $0x1000, s11  }
0x1a: {  	p2 =	sgt.s32 s15, $0x17FF  }
0x1b: {  	s15 =	smov.u32 @p2 s3;
	p2 =	sne.s32 s12, s9  }
.Ltmp1:
0x1c: {  	p1 =	slt.u32 s12, $0x2;
	(pc) =	sbr.rel @!p2 .LBB2_6-.Ltmp1, $4  }
0x1d: {  	s14 =	simm.s32 @!p1 $0x3  }
0x1e: {  	s16 =	sadd.s32 $0x1, s12;
	_ =	swait.ge @!p1 [sflag:s14], $0x80  }
0x1f: {  	s13 =	smov.u32 s11;
	p0 =	por !p0, !p0;
	[sflag:s14] =	ssyncset.done @!p1 $0x0  }
0x20: {  	s12 =	smov.u32 s16;
	s11 =	smov.u32 s15;
	[sflag:s14] =	ssyncadd.s32 @!p1 $0xFFFFFF80  }
.LBB2_1:
0x21: {  	p1 =	sge.u32 s12, s8  }
0x22: {  	s14 =	sxor.u32 @!p1 $0xFFFFFFFF, s12  }
0x23: {  	s31 =	sadd.s32 $0xFFFFFFFF, s12;
	s15 =	sshrl.u32 @!p1 s11, $0x3;
	s14 =	sshll.u32 @!p1 s14, $0x7  }
0x24: {  	s16 =	sand.u32 @!p1 $0x7, s11;
	s15 =	sadd.s32 @!p1 s2, s15;
	s14 =	sand.u32 @!p1 $0x80, s14  }
0x25: {  	[tilespmem:s14], [sflag:$0x2] =	stream.linear.gather @!p1 [hbm4b:s15+s16], $0x80, $0x38;
	[tilespmem:$0x200] =	vst v63  }
0x26: {  	p1 =	sge.u32 s31, s8  }
.Ltmp2:
0x27: {  	_ = 	snop;
	(pc) =	sbr.rel @p1 .LBB2_5-.Ltmp2, $1  }
0x28: {  	_ =	sdelay $0x3  }
0x29: {  	s14 =	simm.s32 $0x1  }
0x2a: {  	_ =	swait.ge [sflag:s7], $0x80;
	s14 =	simm.s32 @!p0 $0x0  }
0x2b: {  	[sflag:s7] =	ssyncset.done $0x0;
	s14 =	sshll.u32 s14, $0x7  }
0x2c: {  	[sflag:s7] =	ssyncadd.s32 $0xFFFFFF80;
	(ifvalue) =	ssetifvalue $0x7FFFFFFF;
	v0 =	vld.msk [tilespmem:s14+$0x0 ss:$0x1], $0xffff;
	_ =	sdelay $0x4  }
0x2d: {  	s15 =	sadd.s32 $0x10, s14;
	vm1 =	vgt.s32 v0, $0x0  }
0x2e: {  	v2 =	vld.msk [tilespmem:s15+$0x0 ss:$0x1], $0xffff;
	v1 =	vnsel vm1, $0x0, v0  }
0x2f: {  	v1 =	vmin.u32 v1, $0xFFF;
	_ =	sdelay $0x1  }
0x30: {  	s16 =	sshll.u32 s12, $0x7;
	s18 =	simm.s32 $0x20  }
0x31: {  	s16 =	sand.u32 $0x80, s16;
	s17 =	sadd.s32 $0x10, s15;
	s15 =	sor.u32 $0x100, s14  }
0x32: {  	s14 =	sor.u32 $0x100, s16;
	s16 =	sadd.s32 $0x10, s15;
	v0 =	vld.msk [tilespmem:s17+$0x0 ss:$0x1], $0xffff;
	vm1 =	vgt.s32 v2, $0x0;
	(ifvalue) =	ssetifvalue $0x7FFFFFFF  }
.LBB2_3:
0x33: {  	[tilespmem:s15], [sflag:$0x1] =	stream.indirect_vreg.gather [hbm4b:s4+s10], $0x1, v1, vm0, $0x4038;
	[tilespmem:$0x200] =	vst v63  }
0x34: {  	s18 =	sadd.s32 $0x10, s18  }
0x35: {  	v2 =	vnsel vm1, $0x0, v2;
	p1 =	slt.u32 s18, $0x70  }
.Ltmp3:
0x36: {  	s15 =	smov.u32 s16;
	v1 =	vmin.u32 v2, $0xFFF;
	(pc) =	sbr.rel @p1 .LBB2_3-.Ltmp3, $3  }
0x37: {  	_ =	sdelay $0x1  }
0x38: {  	s17 =	sadd.s32 $0x10, s17  }
0x39: {  	vm1 =	vgt.s32 v0, $0x0;
	s16 =	sadd.s32 $0x10, s16;
	v2 =	vmov v0;
	(ifvalue) =	ssetifvalue $0x7FFFFFFF;
	v0 =	vld.msk [tilespmem:s17+$0x0 ss:$0x1], $0xffff  }
.Ltmp4:
0x3a: {  	_ = 	snop;
	(pc) =	sbr.rel .LBB2_4-.Ltmp4, $1  }
0x3b: {  	_ =	sdelay $0x3  }
.LBB2_6:
0x3c: {  	_ =	sfence.sel $0x180000  }
0x3d: {  	s2 =	simm.s32 $0x2;
	[bflag:$0x0] =	sbarrier.arrive $0xFFFF  }
0x3e: {  	s30 =	simm.s32 $0x3;
	[sflag:s2] =	ssyncpa.u1 $0x1  }
0x3f: {  	s31 =	simm.s32 $0x1;
	[sflag:s30] =	ssyncpa.u1 $0x1  }
0x40: {  	[sflag:s31] =	ssyncpa.u1 $0x1  }
0x41: {  	p0 =	sne.s32 s0, $0x0;
	_ =	strace $0x90000050  }
0x42: {  	s0 =	sadd.s32 @!p0 $0x100000, s1;
	[bflag:$0x2] =	sbarrier.arrive $0xFFFF  }
0x43: {  	[sflag:s0] =	ssyncadd.tile.s32 @!p0 $0x1;
	_ =	shalt  }
.Lfunc_end2:
_tile_overlayer_lowered:
.L_overlay_start_2:
0x44: {  	(tag) =	ssettag $0x2  }
0x45: {  	s0 =	rddreg [dreg:$0x0];
	s2 =	stileid.u32  }
0x46: {  	s1 =	rddreg [dreg:$0x1];
	p0 =	sne.s32 s2, $0x0  }
0x47: {  	s3 =	rddreg [dreg:$0x2];
	[bflag:$0x3] =	sbarrier.arrive $0xFFFF;
	s2 =	simm.s32 @!p0 $0x1C01  }
0x48: {  	[timem:s3], [sflag:s2] =	dma.local @!p0 [hbm:s0], s1  }
0x49: {  	s0 =	simm.s32 @!p0 $0x1  }
0x4a: {  	_ =	swait.ge @!p0 [sflag:s0], s1  }
0x4b: {  	s1 =	ssub.s32 @!p0 $0x0, s1;
	[sflag:s0] =	ssyncset.done @!p0 $0x0  }
0x4c: {  	[sflag:s0] =	ssyncadd.s32 @!p0 s1  }
0x4d: {  	[bflag:$0x3] =	sbarrier.arrive $0xFFFF  }
0x4e: {  	_ =	shalt  }

// kernel: gather_offload_async_start.4
scs
__scs_entry_jumppad:
0x0: {  	(pc) =	sbr.rel $0x88, $3  }
0x1: {  	(tag) =	ssettag $0x0;
	lr =	simm.s32 $0x1  }
0x2: {  	[smem:$0x3F9C] =	sst lr;
	_ =	strace $0xD0000000  }
0x3: {  	_ = 	snop  }
0x4: {  	_ = 	snop  }
0x5: {  	_ = 	snop  }
0x6: {  	_ = 	snop  }
0x7: {  	_ = 	snop  }
__scs_overlays_trampoline_lowered:
0x8: {  	[smem:$0x3FAB] =	sst s0  }
0x9: {  	[smem:$0x3FAC] =	sst s1  }
0xa: {  	[smem:$0x3FAD] =	sst s2  }
0xb: {  	[smem:$0x3FAE] =	sst s3  }
0xc: {  	[smem:$0x3FAF] =	sst s4  }
0xd: {  	[smem:$0x3FB0] =	sst s5  }
0xe: {  	[smem:$0x3FB1] =	sst s6  }
0xf: {  	[smem:$0x3FB2] =	sst s7  }
0x10: {  	[smem:$0x3FB3] =	sst s8  }
0x11: {  	[smem:$0x3FB4] =	sst s9;
	s0 =	simm.s32 @!p0 $0x0  }
0x12: {  	s1 =	sld [smem:$0x3F9A];
	s0 =	simm.s32 @p0 $0x1  }
0x13: {  	[smem:$0x3FB5] =	sst s0;
	s0 =	simm.s32 @!p1 $0x0  }
0x14: {  	s2 =	sld [smem:$0x3F99];
	s0 =	simm.s32 @p1 $0x1  }
0x15: {  	[smem:$0x3FB6] =	sst s0;
	s0 =	simm.s32 @!p2 $0x0  }
0x16: {  	s3 =	sld [smem:$0x3FDB];
	s0 =	simm.s32 @p2 $0x1  }
0x17: {  	s4 =	simm.s32 $0x1BF5;
	[smem:$0x3FB8] =	sst s0  }
0x18: {  	s0 =	sld [smem:$0x3F9B];
	_ =	swait.ge [sflag:s4], $0x0  }
0x19: {  	s7 =	sld [smem:$0x3F9C]  }
0x1a: {  	s8 =	sadd.s32 $0xFFFFE003, lr  }
0x1b: {  	s9 =	sadd.s32 $0xFFFFFEF7, lr;
	s5 =	simm.s32 $0xFFFFFFFF;
	p2 =	slt.u32 s8, $0xFFFFF086  }
0x1c: {  	p1 =	slt.u32 s9, $0xF7A;
	s5 =	simm.s32 @!p2 $0x0  }
0x1d: {  	s5 =	simm.s32 @p1 $0x1;
	p0 =	seq.s32 s7, s2  }
0x1e: {  	s7 =	smul.u32 @!p0 $0xF7A, s2;
	p2 =	seq.s32 @!p0 s5, $0x0  }
0x1f: {  	s9 =	smul.u32 $0xF7A, s1;
	s8 =	simm.s32 @!p0 $0x1BF5;
	p2 =	por !p2, p0  }
0x20: {  	[sflag:s8] =	ssyncset.s32 @!p0 $0xFFFFF086;
	s6 =	sadd.s32 @!p0 s3, s7;
	s7 =	simm.s32 @!p0 $0x108  }
0x21: {  	s3 =	sadd.s32 s3, s9;
	s6 =	sadd.s32 @!p0 $0x88, s6;
	s7 =	simm.s32 @p2 $0x1082  }
0x22: {  	[simem:s7], [sflag:s8] =	dma.local @!p0 [hbm:s6], $0xF7A  }
0x23: {  	s9 =	sor.u32 $0xD0000000, s2;
	s6 =	simm.s32 $0x108;
	_ =	swait.ge @!p0 [sflag:s8], $0x0  }
0x24: {  	s3 =	sadd.s32 $0x88, s3;
	s6 =	simm.s32 @!p1 $0x1082;
	[sflag:s4] =	ssyncset.s32 $0xFFFFF086  }
0x25: {  	[simem:s6], [sflag:s4] =	dma.local [hbm:s3], $0xF7A  }
0x26: {  	[smem:$0x3F9C] =	sst s1;
	(tag) =	ssettag s2;
	_ =	strace s9  }
0x27: {  	s1 =	sld [smem:$0x3FAC]  }
0x28: {  	s2 =	sld [smem:$0x3FAD]  }
0x29: {  	s4 =	sld [smem:$0x3FAF]  }
0x2a: {  	p0 =	seq.s32 s5, $0x0;
	s5 =	sld [smem:$0x3FB0]  }
0x2b: {  	s6 =	sld [smem:$0x3FB1]  }
0x2c: {  	s7 =	sld [smem:$0x3FB2]  }
0x2d: {  	s3 =	simm.s32 $0x108;
	s8 =	sld [smem:$0x3FB3]  }
0x2e: {  	s3 =	simm.s32 @!p0 $0x1082;
	s9 =	sld [smem:$0x3FB4]  }
0x2f: {  	lr =	sadd.s32 s0, s3;
	s0 =	sld [smem:$0x3FAB]  }
0x30: {  	s3 =	sld [smem:$0x3FAE]  }
0x31: {  	[smem:$0x3FB7] =	sst s10  }
0x32: {  	s10 =	sld [smem:$0x3FB5];
	_ =	sdelay $0x3  }
0x33: {  	p0 =	seq.s32 s10, $0x1;
	s10 =	sld [smem:$0x3FB7];
	_ =	sdelay $0x3  }
0x34: {  	[smem:$0x3FB7] =	sst s10  }
0x35: {  	s10 =	sld [smem:$0x3FB6];
	_ =	sdelay $0x3  }
0x36: {  	p1 =	seq.s32 s10, $0x1;
	s10 =	sld [smem:$0x3FB7];
	_ =	sdelay $0x3  }
0x37: {  	[smem:$0x3FB7] =	sst s10  }
0x38: {  	s10 =	sld [smem:$0x3FB8]  }
0x39: {  	_ = 	snop;
	(pc) =	sbr.ind lr, $3  }
0x3a: {  	_ = 	snop  }
0x3b: {  	_ = 	snop  }
0x3c: {  	p2 =	seq.s32 s10, $0x1;
	s10 =	sld [smem:$0x3FB7]  }
0x3d: {  	_ =	shalt  }
0x3e: {  	_ =	shalt  }
0x3f: {  	_ =	shalt  }
0x40: {  	_ =	shalt  }
0x41: {  	_ =	shalt  }
0x42: {  	_ =	shalt  }
0x43: {  	_ =	shalt  }
0x44: {  	_ =	shalt  }
0x45: {  	_ =	shalt  }
0x46: {  	_ =	shalt  }
0x47: {  	_ =	shalt  }
0x48: {  	_ =	shalt  }
0x49: {  	_ =	shalt  }
0x4a: {  	_ =	shalt  }
0x4b: {  	_ =	shalt  }
0x4c: {  	_ =	shalt  }
0x4d: {  	_ =	shalt  }
0x4e: {  	_ =	shalt  }
0x4f: {  	_ =	shalt  }
0x50: {  	_ =	shalt  }
0x51: {  	_ =	shalt  }
0x52: {  	_ =	shalt  }
0x53: {  	_ =	shalt  }
0x54: {  	_ =	shalt  }
0x55: {  	_ =	shalt  }
0x56: {  	_ =	shalt  }
0x57: {  	_ =	shalt  }
0x58: {  	_ =	shalt  }
0x59: {  	_ =	shalt  }
0x5a: {  	_ =	shalt  }
0x5b: {  	_ =	shalt  }
0x5c: {  	_ =	shalt  }
0x5d: {  	_ =	shalt  }
0x5e: {  	_ =	shalt  }
0x5f: {  	_ =	shalt  }
0x60: {  	_ =	shalt  }
0x61: {  	_ =	shalt  }
0x62: {  	_ =	shalt  }
0x63: {  	_ =	shalt  }
0x64: {  	_ =	shalt  }
0x65: {  	_ =	shalt  }
0x66: {  	_ =	shalt  }
0x67: {  	_ =	shalt  }
0x68: {  	_ =	shalt  }
0x69: {  	_ =	shalt  }
0x6a: {  	_ =	shalt  }
0x6b: {  	_ =	shalt  }
0x6c: {  	_ =	shalt  }
0x6d: {  	_ =	shalt  }
0x6e: {  	_ =	shalt  }
0x6f: {  	_ =	shalt  }
0x70: {  	_ =	shalt  }
0x71: {  	_ =	shalt  }
0x72: {  	_ =	shalt  }
0x73: {  	_ =	shalt  }
0x74: {  	_ =	shalt  }
0x75: {  	_ =	shalt  }
0x76: {  	_ =	shalt  }
0x77: {  	_ =	shalt  }
0x78: {  	_ =	shalt  }
0x79: {  	_ =	shalt  }
0x7a: {  	_ =	shalt  }
0x7b: {  	_ =	shalt  }
0x7c: {  	_ =	shalt  }
0x7d: {  	_ =	shalt  }
0x7e: {  	_ =	shalt  }
0x7f: {  	_ =	shalt  }
0x80: {  	_ =	shalt  }
0x81: {  	_ =	shalt  }
0x82: {  	_ =	shalt  }
0x83: {  	_ =	shalt  }
0x84: {  	_ =	shalt  }
0x85: {  	_ =	shalt  }
0x86: {  	_ =	shalt  }
0x87: {  	_ =	shalt  }
.Lfunc_end0:
.L_simem_size_0:
called_computation.5_lowered:
.L_overlay_start_0:
0x88: {  	s2 =	sld [smem:$0x3FD9]  }
0x89: {  	s3 =	sld [smem:$0x3FFE];
	_ =	sdelay $0x1  }
0x8a: {  	s1 =	srdreg.scid  }
0x8b: {  	s0 =	sand.u32 $0x1, s1  }
0x8c: {  	s17 =	sshll.u32 s0, $0xA;
	s2 =	sadd.s32 s3, s2  }
0x8d: {  	s2 =	sadd.s32 s2, s17  }
0x8e: {  	[smem:$0x3FC3] =	sst s2  }
0x8f: {  	_ = 	snop  }
0x90: {  	s18 =	sld [smem:$0x3FD0];
	(tm) =	ssettm $0x1  }
0x91: {  	s19 =	sld [smem:$0x3FFB];
	_ =	sdelay $0x3  }
0x92: {  	_ =	strace s19  }
0x93: {  	s2 =	sld [smem:$0x3FFC];
	_ =	sdelay $0x3  }
0x94: {  	_ =	strace s2  }
0x95: {  	s2 =	sld [smem:$0x3FFD];
	_ =	sdelay $0x3  }
0x96: {  	_ =	strace s2  }
0x97: {  	_ =	strace $0x8FFFFFFF  }
0x98: {  	s20 =	sld [smem:$0x3FDB];
	_ =	sdelay $0x1  }
0x99: {  	s4 =	simm.s32 $_scs_section_size  }
0x9a: {  	s5 =	simm.s32 $_size__tile_overlayer_lowered;
	s6 =	simm.s32 $_tile_overlayer_lowered  }
0x9b: {  	s7 =	simm.s32 $0x1BFF;
	s21 =	sshll.u32 s6, $0x1;
	s4 =	sadd.s32 s4, s20  }
0x9c: {  	s22 =	simm.s32 $0x0;
	s5 =	sshll.u32 s5, $0x1;
	s6 =	sadd.s32 s21, s4  }
0x9d: {  	[timem:s22], [sflag:s7] =	dma.local [hbm:s6], s5  }
0x9e: {  	_ =	swait.ge [sflag:s7], s5  }
0x9f: {  	s5 =	ssub.s32 $0x0, s5;
	[sflag:s7] =	ssyncset.done $0x0  }
0xa0: {  	[sflag:s7] =	ssyncadd.s32 s5;
	_ =	sdelay $0x1  }
0xa1: {  	s23 =	simm.s32 $0x1B8B  }
0xa2: {  	_ =	swait.ge [sflag:s23], $0x1  }
0xa3: {  	[sflag:s23] =	ssyncset.done $0x0  }
0xa4: {  	[sflag:s23] =	ssyncadd.s32 $0xFFFFFFFF  }
0xa5: {  	s5 =	sld [smem:$0x0]  }
0xa6: {  	s6 =	sand.u32 $0xFFFFFFFE, s1  }
0xa7: {  	p0 =	sne.s32 s1, s6  }
0xa8: {  	s6 =	sshll.u32 @p0 s6, $0xE  }
0xa9: {  	s6 =	sadd.s32 @p0 $0x11B8D, s6;
	s7 =	sshll.u32 @p0 s5, $0x11  }
0xaa: {  	s6 =	sor.u32 @p0 s7, s6  }
0xab: {  	[sflag:s6] =	ssyncadd.remote.s32 @p0 $0x1;
	_ =	sdelay $0x1  }
0xac: {  	s6 =	simm.s32 @p0 $0x1B8D  }
0xad: {  	_ =	swait.eq @p0 [sflag:s6], $0x1  }
0xae: {  	[sflag:s6] =	ssyncadd.s32 @p0 $0xFFFFFFFF  }
0xaf: {  	s7 =	sshll.u32 @!p0 s1, $0xE  }
0xb0: {  	s7 =	sor.u32 @!p0 $0x4000, s7;
	s6 =	simm.s32 @!p0 $0x1B8D  }
0xb1: {  	s5 =	sshll.u32 @!p0 s5, $0x11;
	s7 =	sadd.s32 @!p0 $0x11B8D, s7;
	_ =	swait.eq @!p0 [sflag:s6], $0x1  }
0xb2: {  	s5 =	sor.u32 @!p0 s5, s7;
	[sflag:s6] =	ssyncadd.s32 @!p0 $0xFFFFFFFF  }
0xb3: {  	s25 =	simm.s32 $0x1B8E;
	s24 =	sld [smem:$0x3FFE];
	[sflag:s5] =	ssyncadd.remote.s32 @!p0 $0x1  }
0xb4: {  	s26 =	simm.s32 $execute0_lowered;
	[smem:$0x3FD2] =	sst s25  }
0xb5: {  	s6 =	sshll.u32 s26, $0x1;
	_ =	strace $0x80000055;
	[dreg:$0x1] =	wrdreg $0xFFFFFFFF  }
0xb6: {  	s28 =	simm.s32 $_size_execute0_lowered;
	s4 =	sadd.s32 s4, s6;
	[dreg:$0x0] =	wrdreg $0x0  }
0xb7: {  	s6 =	sshll.u32 s28, $0x1;
	[dreg:$0x2] =	wrdreg s4  }
0xb8: {  	[dreg:$0x3] =	wrdreg s6  }
0xb9: {  	[dreg:$0x4] =	wrdreg $0xC0  }
0xba: {  	_ =	task [dreg:s22], $0x5FFFF  }
0xbb: {  	[dreg:$0x1] =	wrdreg $0xFFFFFFFF  }
0xbc: {  	[dreg:$0x0] =	wrdreg $0x60  }
0xbd: {  	[dreg:$0x2] =	wrdreg s24  }
0xbe: {  	[dreg:$0x3] =	wrdreg s18  }
0xbf: {  	[dreg:$0x4] =	wrdreg $0xA  }
0xc0: {  	_ =	task.clear_ibuf [dreg:s22], $0x5FFFF;
	_ =	strace $0x90000055  }
0xc1: {  	s29 =	simm.s32 $0xA;
	_ =	strace $0x80000057  }
0xc2: {  	_ =	swait.ge [sflag:s29], $0x1  }
0xc3: {  	[sflag:s29] =	ssyncadd.s32 $0xFFFFFFFF  }
0xc4: {  	_ =	strace $0x90000057  }
0xc5: {  	_ =	sfence  }
0xc6: {  	s30 =	sld [smem:$0x0];
	_ =	sdelay $0x2  }
0xc7: {  	s31 =	sshll.u32 s1, $0xD;
	s1 =	sshrl.u32 s1, $0x2  }
0xc8: {  	s4 =	sand.u32 $0x4000, s31;
	s1 =	sadd.s32 s1, s30  }
0xc9: {  	s0 =	sor.u32 s4, s0;
	s1 =	sshll.u32 s1, $0x11  }
0xca: {  	s0 =	sor.u32 s1, s0  }
0xcb: {  	s0 =	sadd.s32 $0x8F2B, s0  }
0xcc: {  	[sflag:s0] =	ssyncadd.remote.s32 $0x1  }
0xcd: {  	_ =	sfence.sel $0xFFFF  }
0xce: {  	[dreg:$0x0] =	wrdreg $0xFFFFFFFF;
	(pc) =	sbr.abs _section_cstart, $3  }
0xcf: {  	[dreg:$0x1] =	wrdreg $0xFFFFFFFF  }
0xd0: {  	_ =	task.clear_ibuf [dreg:s22], $0x2FFFF;
	_ =	strace $0x9FFFFFFF  }
0xd1: {  	(tm) =	ssettm $0x7FFFFFFF  }
tec
execute0_lowered:
.L_overlay_start_1:
0x0: {  	(tag) =	ssettag $0x1  }
0x1: {  	s1 =	srdreg.scid;
	s5 =	rddreg [dreg:$0x0]  }
0x2: {  	s0 =	stileid.u32;
	s2 =	rddreg [dreg:$0x1];
	s6 =	simm.s32 $0x1  }
0x3: {  	s9 =	simm.s32 $0x1;
	s10 =	simm.s32 $0x3;
	s1 =	sshll.u32 s1, $0x7  }
0x4: {  	s13 =	simm.s32 $0x0;
	s3 =	sshll.u32 s0, $0x8;
	s4 =	sand.u32 $0x80, s1  }
0x5: {  	s12 =	simm.s32 $0x0;
	s1 =	rddreg [dreg:$0x2];
	s3 =	sor.u32 s3, s4  }
0x6: {  	_ =	strace $0x80000056;
	s4 =	sadd.s32 $0xC00, s5;
	s8 =	ssub.s32 $0x1800, s3  }
.Ltmp0:
0x7: {  	s5 =	sadd.s32 $0x1200, s5;
	s7 =	sand.u32 $0xF80, s8;
	(pc) =	sbr.rel .LBB2_1-.Ltmp0, $4  }
0x8: {  	[sflag:s6] =	ssyncpa.u1 $0x0;
	s11 =	smov.u32 s3;
	p0 =	sne.s32 s7, $0x0  }
0x9: {  	s8 =	sshrl.u32 s8, $0xC;
	s7 =	simm.s32 $0x2;
	s9 =	simm.s32 @!p0 $0x0  }
0xa: {  	[sflag:s7] =	ssyncpa.u1 $0x0;
	p0 =	por $0x0, $0x0;
	s8 =	sadd.s32 s9, s8  }
0xb: {  	vm0 =	vmmov $0xffff;
	[sflag:s10] =	ssyncpa.u1 $0x0;
	s10 =	simm.s32 $0x0;
	s9 =	sadd.s32 $0x1, s8  }
.LBB2_4:
0xc: {  	v2 =	vnsel vm1, $0x0, v2  }
0xd: {  	vm1 =	vgt.s32 v0, $0x0;
	v2 =	vmin.u32 v2, $0xFFF  }
0xe: {  	v0 =	vnsel vm1, $0x0, v0  }
0xf: {  	v0 =	vmin.u32 v0, $0xFFF  }
0x10: {  	[tilespmem:s15], [sflag:$0x1] =	stream.indirect_vreg.gather [hbm4b:s4+s10], $0x1, v1, vm0, $0x4038;
	[tilespmem:$0x200] =	vst v63  }
0x11: {  	(ifvalue) =	ssetifvalue $0x7FFFFFFF  }
0x12: {  	[tilespmem:s16], [sflag:$0x1] =	stream.indirect_vreg.gather [hbm4b:s4+s10], $0x1, v2, vm0, $0x4038;
	[tilespmem:$0x200] =	vst v63  }
0x13: {  	s29 =	sadd.s32 $0x10, s16;
	(ifvalue) =	ssetifvalue $0x7FFFFFFF  }
0x14: {  	[tilespmem:s29], [sflag:$0x1] =	stream.indirect_vreg.gather [hbm4b:s4+s10], $0x1, v0, vm0, $0x4038;
	[tilespmem:$0x200] =	vst v63  }
0x15: {  	_ =	swait.ge [sflag:s6], $0x80  }
0x16: {  	s30 =	sshrl.u32 s13, $0x3;
	[sflag:s6] =	ssyncset.done $0x0  }
0x17: {  	s31 =	sand.u32 $0x7, s13;
	s15 =	sadd.s32 s5, s30;
	[sflag:s6] =	ssyncadd.s32 $0xFFFFFF80  }
0x18: {  	[hbm4b:s15+s31] =	stream.linear.scatter [tilespmem:s14], [sflag:$0x3], $0x80, $0x38;
	[tilespmem:$0x200] =	vst v63  }
.LBB2_5:
0x19: {  	s15 =	sadd.s32 $0x1000, s11  }
0x1a: {  	p2 =	sgt.s32 s15, $0x17FF  }
0x1b: {  	s15 =	smov.u32 @p2 s3;
	p2 =	sne.s32 s12, s9  }
.Ltmp1:
0x1c: {  	p1 =	slt.u32 s12, $0x2;
	(pc) =	sbr.rel @!p2 .LBB2_6-.Ltmp1, $4  }
0x1d: {  	s14 =	simm.s32 @!p1 $0x3  }
0x1e: {  	s16 =	sadd.s32 $0x1, s12;
	_ =	swait.ge @!p1 [sflag:s14], $0x80  }
0x1f: {  	s13 =	smov.u32 s11;
	p0 =	por !p0, !p0;
	[sflag:s14] =	ssyncset.done @!p1 $0x0  }
0x20: {  	s12 =	smov.u32 s16;
	s11 =	smov.u32 s15;
	[sflag:s14] =	ssyncadd.s32 @!p1 $0xFFFFFF80  }
.LBB2_1:
0x21: {  	p1 =	sge.u32 s12, s8  }
0x22: {  	s14 =	sxor.u32 @!p1 $0xFFFFFFFF, s12  }
0x23: {  	s31 =	sadd.s32 $0xFFFFFFFF, s12;
	s15 =	sshrl.u32 @!p1 s11, $0x3;
	s14 =	sshll.u32 @!p1 s14, $0x7  }
0x24: {  	s16 =	sand.u32 @!p1 $0x7, s11;
	s15 =	sadd.s32 @!p1 s2, s15;
	s14 =	sand.u32 @!p1 $0x80, s14  }
0x25: {  	[tilespmem:s14], [sflag:$0x2] =	stream.linear.gather @!p1 [hbm4b:s15+s16], $0x80, $0x38;
	[tilespmem:$0x200] =	vst v63  }
0x26: {  	p1 =	sge.u32 s31, s8  }
.Ltmp2:
0x27: {  	_ = 	snop;
	(pc) =	sbr.rel @p1 .LBB2_5-.Ltmp2, $1  }
0x28: {  	_ =	sdelay $0x3  }
0x29: {  	s14 =	simm.s32 $0x1  }
0x2a: {  	_ =	swait.ge [sflag:s7], $0x80;
	s14 =	simm.s32 @!p0 $0x0  }
0x2b: {  	[sflag:s7] =	ssyncset.done $0x0;
	s14 =	sshll.u32 s14, $0x7  }
0x2c: {  	[sflag:s7] =	ssyncadd.s32 $0xFFFFFF80;
	(ifvalue) =	ssetifvalue $0x7FFFFFFF;
	v0 =	vld.msk [tilespmem:s14+$0x0 ss:$0x1], $0xffff;
	_ =	sdelay $0x4  }
0x2d: {  	s15 =	sadd.s32 $0x10, s14;
	vm1 =	vgt.s32 v0, $0x0  }
0x2e: {  	v2 =	vld.msk [tilespmem:s15+$0x0 ss:$0x1], $0xffff;
	v1 =	vnsel vm1, $0x0, v0  }
0x2f: {  	v1 =	vmin.u32 v1, $0xFFF;
	_ =	sdelay $0x1  }
0x30: {  	s16 =	sshll.u32 s12, $0x7;
	s18 =	simm.s32 $0x20  }
0x31: {  	s16 =	sand.u32 $0x80, s16;
	s17 =	sadd.s32 $0x10, s15;
	s15 =	sor.u32 $0x100, s14  }
0x32: {  	s14 =	sor.u32 $0x100, s16;
	s16 =	sadd.s32 $0x10, s15;
	v0 =	vld.msk [tilespmem:s17+$0x0 ss:$0x1], $0xffff;
	vm1 =	vgt.s32 v2, $0x0;
	(ifvalue) =	ssetifvalue $0x7FFFFFFF  }
.LBB2_3:
0x33: {  	[tilespmem:s15], [sflag:$0x1] =	stream.indirect_vreg.gather [hbm4b:s4+s10], $0x1, v1, vm0, $0x4038;
	[tilespmem:$0x200] =	vst v63  }
0x34: {  	s18 =	sadd.s32 $0x10, s18  }
0x35: {  	v2 =	vnsel vm1, $0x0, v2;
	p1 =	slt.u32 s18, $0x70  }
.Ltmp3:
0x36: {  	s15 =	smov.u32 s16;
	v1 =	vmin.u32 v2, $0xFFF;
	(pc) =	sbr.rel @p1 .LBB2_3-.Ltmp3, $3  }
0x37: {  	_ =	sdelay $0x1  }
0x38: {  	s17 =	sadd.s32 $0x10, s17  }
0x39: {  	vm1 =	vgt.s32 v0, $0x0;
	s16 =	sadd.s32 $0x10, s16;
	v2 =	vmov v0;
	(ifvalue) =	ssetifvalue $0x7FFFFFFF;
	v0 =	vld.msk [tilespmem:s17+$0x0 ss:$0x1], $0xffff  }
.Ltmp4:
0x3a: {  	_ = 	snop;
	(pc) =	sbr.rel .LBB2_4-.Ltmp4, $1  }
0x3b: {  	_ =	sdelay $0x3  }
.LBB2_6:
0x3c: {  	_ =	sfence.sel $0x180000  }
0x3d: {  	s2 =	simm.s32 $0x2;
	[bflag:$0x0] =	sbarrier.arrive $0xFFFF  }
0x3e: {  	s30 =	simm.s32 $0x3;
	[sflag:s2] =	ssyncpa.u1 $0x1  }
0x3f: {  	s31 =	simm.s32 $0x1;
	[sflag:s30] =	ssyncpa.u1 $0x1  }
0x40: {  	[sflag:s31] =	ssyncpa.u1 $0x1  }
0x41: {  	p0 =	sne.s32 s0, $0x0;
	_ =	strace $0x90000056  }
0x42: {  	s0 =	sadd.s32 @!p0 $0x100000, s1;
	[bflag:$0x2] =	sbarrier.arrive $0xFFFF  }
0x43: {  	[sflag:s0] =	ssyncadd.tile.s32 @!p0 $0x1;
	_ =	shalt  }
.Lfunc_end2:
_tile_overlayer_lowered:
.L_overlay_start_2:
0x44: {  	(tag) =	ssettag $0x2  }
0x45: {  	s0 =	rddreg [dreg:$0x0];
	s2 =	stileid.u32  }
0x46: {  	s1 =	rddreg [dreg:$0x1];
	p0 =	sne.s32 s2, $0x0  }
0x47: {  	s3 =	rddreg [dreg:$0x2];
	[bflag:$0x3] =	sbarrier.arrive $0xFFFF;
	s2 =	simm.s32 @!p0 $0x1C01  }
0x48: {  	[timem:s3], [sflag:s2] =	dma.local @!p0 [hbm:s0], s1  }
0x49: {  	s0 =	simm.s32 @!p0 $0x1  }
0x4a: {  	_ =	swait.ge @!p0 [sflag:s0], s1  }
0x4b: {  	s1 =	ssub.s32 @!p0 $0x0, s1;
	[sflag:s0] =	ssyncset.done @!p0 $0x0  }
0x4c: {  	[sflag:s0] =	ssyncadd.s32 @!p0 s1  }
0x4d: {  	[bflag:$0x3] =	sbarrier.arrive $0xFFFF  }
0x4e: {  	_ =	shalt  }

// kernel: gather_offload_async_start
scs
__scs_entry_jumppad:
0x0: {  	(pc) =	sbr.rel $0x88, $3  }
0x1: {  	(tag) =	ssettag $0x0;
	lr =	simm.s32 $0x1  }
0x2: {  	[smem:$0x3F9C] =	sst lr;
	_ =	strace $0xD0000000  }
0x3: {  	_ = 	snop  }
0x4: {  	_ = 	snop  }
0x5: {  	_ = 	snop  }
0x6: {  	_ = 	snop  }
0x7: {  	_ = 	snop  }
__scs_overlays_trampoline_lowered:
0x8: {  	[smem:$0x3FAB] =	sst s0  }
0x9: {  	[smem:$0x3FAC] =	sst s1  }
0xa: {  	[smem:$0x3FAD] =	sst s2  }
0xb: {  	[smem:$0x3FAE] =	sst s3  }
0xc: {  	[smem:$0x3FAF] =	sst s4  }
0xd: {  	[smem:$0x3FB0] =	sst s5  }
0xe: {  	[smem:$0x3FB1] =	sst s6  }
0xf: {  	[smem:$0x3FB2] =	sst s7  }
0x10: {  	[smem:$0x3FB3] =	sst s8  }
0x11: {  	[smem:$0x3FB4] =	sst s9;
	s0 =	simm.s32 @!p0 $0x0  }
0x12: {  	s1 =	sld [smem:$0x3F9A];
	s0 =	simm.s32 @p0 $0x1  }
0x13: {  	[smem:$0x3FB5] =	sst s0;
	s0 =	simm.s32 @!p1 $0x0  }
0x14: {  	s2 =	sld [smem:$0x3F99];
	s0 =	simm.s32 @p1 $0x1  }
0x15: {  	[smem:$0x3FB6] =	sst s0;
	s0 =	simm.s32 @!p2 $0x0  }
0x16: {  	s3 =	sld [smem:$0x3FDB];
	s0 =	simm.s32 @p2 $0x1  }
0x17: {  	s4 =	simm.s32 $0x1BF5;
	[smem:$0x3FB8] =	sst s0  }
0x18: {  	s0 =	sld [smem:$0x3F9B];
	_ =	swait.ge [sflag:s4], $0x0  }
0x19: {  	s7 =	sld [smem:$0x3F9C]  }
0x1a: {  	s8 =	sadd.s32 $0xFFFFE003, lr  }
0x1b: {  	s9 =	sadd.s32 $0xFFFFFEF7, lr;
	s5 =	simm.s32 $0xFFFFFFFF;
	p2 =	slt.u32 s8, $0xFFFFF086  }
0x1c: {  	p1 =	slt.u32 s9, $0xF7A;
	s5 =	simm.s32 @!p2 $0x0  }
0x1d: {  	s5 =	simm.s32 @p1 $0x1;
	p0 =	seq.s32 s7, s2  }
0x1e: {  	s7 =	smul.u32 @!p0 $0xF7A, s2;
	p2 =	seq.s32 @!p0 s5, $0x0  }
0x1f: {  	s9 =	smul.u32 $0xF7A, s1;
	s8 =	simm.s32 @!p0 $0x1BF5;
	p2 =	por !p2, p0  }
0x20: {  	[sflag:s8] =	ssyncset.s32 @!p0 $0xFFFFF086;
	s6 =	sadd.s32 @!p0 s3, s7;
	s7 =	simm.s32 @!p0 $0x108  }
0x21: {  	s3 =	sadd.s32 s3, s9;
	s6 =	sadd.s32 @!p0 $0x88, s6;
	s7 =	simm.s32 @p2 $0x1082  }
0x22: {  	[simem:s7], [sflag:s8] =	dma.local @!p0 [hbm:s6], $0xF7A  }
0x23: {  	s9 =	sor.u32 $0xD0000000, s2;
	s6 =	simm.s32 $0x108;
	_ =	swait.ge @!p0 [sflag:s8], $0x0  }
0x24: {  	s3 =	sadd.s32 $0x88, s3;
	s6 =	simm.s32 @!p1 $0x1082;
	[sflag:s4] =	ssyncset.s32 $0xFFFFF086  }
0x25: {  	[simem:s6], [sflag:s4] =	dma.local [hbm:s3], $0xF7A  }
0x26: {  	[smem:$0x3F9C] =	sst s1;
	(tag) =	ssettag s2;
	_ =	strace s9  }
0x27: {  	s1 =	sld [smem:$0x3FAC]  }
0x28: {  	s2 =	sld [smem:$0x3FAD]  }
0x29: {  	s4 =	sld [smem:$0x3FAF]  }
0x2a: {  	p0 =	seq.s32 s5, $0x0;
	s5 =	sld [smem:$0x3FB0]  }
0x2b: {  	s6 =	sld [smem:$0x3FB1]  }
0x2c: {  	s7 =	sld [smem:$0x3FB2]  }
0x2d: {  	s3 =	simm.s32 $0x108;
	s8 =	sld [smem:$0x3FB3]  }
0x2e: {  	s3 =	simm.s32 @!p0 $0x1082;
	s9 =	sld [smem:$0x3FB4]  }
0x2f: {  	lr =	sadd.s32 s0, s3;
	s0 =	sld [smem:$0x3FAB]  }
0x30: {  	s3 =	sld [smem:$0x3FAE]  }
0x31: {  	[smem:$0x3FB7] =	sst s10  }
0x32: {  	s10 =	sld [smem:$0x3FB5];
	_ =	sdelay $0x3  }
0x33: {  	p0 =	seq.s32 s10, $0x1;
	s10 =	sld [smem:$0x3FB7];
	_ =	sdelay $0x3  }
0x34: {  	[smem:$0x3FB7] =	sst s10  }
0x35: {  	s10 =	sld [smem:$0x3FB6];
	_ =	sdelay $0x3  }
0x36: {  	p1 =	seq.s32 s10, $0x1;
	s10 =	sld [smem:$0x3FB7];
	_ =	sdelay $0x3  }
0x37: {  	[smem:$0x3FB7] =	sst s10  }
0x38: {  	s10 =	sld [smem:$0x3FB8]  }
0x39: {  	_ = 	snop;
	(pc) =	sbr.ind lr, $3  }
0x3a: {  	_ = 	snop  }
0x3b: {  	_ = 	snop  }
0x3c: {  	p2 =	seq.s32 s10, $0x1;
	s10 =	sld [smem:$0x3FB7]  }
0x3d: {  	_ =	shalt  }
0x3e: {  	_ =	shalt  }
0x3f: {  	_ =	shalt  }
0x40: {  	_ =	shalt  }
0x41: {  	_ =	shalt  }
0x42: {  	_ =	shalt  }
0x43: {  	_ =	shalt  }
0x44: {  	_ =	shalt  }
0x45: {  	_ =	shalt  }
0x46: {  	_ =	shalt  }
0x47: {  	_ =	shalt  }
0x48: {  	_ =	shalt  }
0x49: {  	_ =	shalt  }
0x4a: {  	_ =	shalt  }
0x4b: {  	_ =	shalt  }
0x4c: {  	_ =	shalt  }
0x4d: {  	_ =	shalt  }
0x4e: {  	_ =	shalt  }
0x4f: {  	_ =	shalt  }
0x50: {  	_ =	shalt  }
0x51: {  	_ =	shalt  }
0x52: {  	_ =	shalt  }
0x53: {  	_ =	shalt  }
0x54: {  	_ =	shalt  }
0x55: {  	_ =	shalt  }
0x56: {  	_ =	shalt  }
0x57: {  	_ =	shalt  }
0x58: {  	_ =	shalt  }
0x59: {  	_ =	shalt  }
0x5a: {  	_ =	shalt  }
0x5b: {  	_ =	shalt  }
0x5c: {  	_ =	shalt  }
0x5d: {  	_ =	shalt  }
0x5e: {  	_ =	shalt  }
0x5f: {  	_ =	shalt  }
0x60: {  	_ =	shalt  }
0x61: {  	_ =	shalt  }
0x62: {  	_ =	shalt  }
0x63: {  	_ =	shalt  }
0x64: {  	_ =	shalt  }
0x65: {  	_ =	shalt  }
0x66: {  	_ =	shalt  }
0x67: {  	_ =	shalt  }
0x68: {  	_ =	shalt  }
0x69: {  	_ =	shalt  }
0x6a: {  	_ =	shalt  }
0x6b: {  	_ =	shalt  }
0x6c: {  	_ =	shalt  }
0x6d: {  	_ =	shalt  }
0x6e: {  	_ =	shalt  }
0x6f: {  	_ =	shalt  }
0x70: {  	_ =	shalt  }
0x71: {  	_ =	shalt  }
0x72: {  	_ =	shalt  }
0x73: {  	_ =	shalt  }
0x74: {  	_ =	shalt  }
0x75: {  	_ =	shalt  }
0x76: {  	_ =	shalt  }
0x77: {  	_ =	shalt  }
0x78: {  	_ =	shalt  }
0x79: {  	_ =	shalt  }
0x7a: {  	_ =	shalt  }
0x7b: {  	_ =	shalt  }
0x7c: {  	_ =	shalt  }
0x7d: {  	_ =	shalt  }
0x7e: {  	_ =	shalt  }
0x7f: {  	_ =	shalt  }
0x80: {  	_ =	shalt  }
0x81: {  	_ =	shalt  }
0x82: {  	_ =	shalt  }
0x83: {  	_ =	shalt  }
0x84: {  	_ =	shalt  }
0x85: {  	_ =	shalt  }
0x86: {  	_ =	shalt  }
0x87: {  	_ =	shalt  }
.Lfunc_end0:
.L_simem_size_0:
called_computation.1_lowered:
.L_overlay_start_0:
0x88: {  	s2 =	sld [smem:$0x3FD9]  }
0x89: {  	s3 =	sld [smem:$0x3FFE];
	_ =	sdelay $0x1  }
0x8a: {  	s1 =	srdreg.scid  }
0x8b: {  	s0 =	sand.u32 $0x1, s1  }
0x8c: {  	s17 =	sshll.u32 s0, $0xA;
	s2 =	sadd.s32 s3, s2  }
0x8d: {  	s2 =	sadd.s32 s2, s17  }
0x8e: {  	[smem:$0x3FC3] =	sst s2  }
0x8f: {  	_ = 	snop  }
0x90: {  	s2 =	sld [smem:$0x3FD0];
	(tm) =	ssettm $0x1  }
0x91: {  	s18 =	sld [smem:$0x3FFB];
	_ =	sdelay $0x3  }
0x92: {  	_ =	strace s18  }
0x93: {  	s3 =	sld [smem:$0x3FFC];
	_ =	sdelay $0x3  }
0x94: {  	_ =	strace s3  }
0x95: {  	s3 =	sld [smem:$0x3FFD];
	_ =	sdelay $0x3  }
0x96: {  	_ =	strace s3  }
0x97: {  	_ =	strace $0x8FFFFFFF  }
0x98: {  	s19 =	sld [smem:$0x3FDB];
	_ =	sdelay $0x1  }
0x99: {  	s4 =	simm.s32 $_scs_section_size  }
0x9a: {  	s5 =	simm.s32 $_size__tile_overlayer_lowered;
	s6 =	simm.s32 $_tile_overlayer_lowered  }
0x9b: {  	s22 =	simm.s32 $0x1BFF;
	s21 =	sshll.u32 s6, $0x1;
	s3 =	sadd.s32 s4, s19  }
0x9c: {  	s7 =	simm.s32 $0x0;
	s20 =	sshll.u32 s5, $0x1;
	s5 =	sadd.s32 s21, s3  }
0x9d: {  	[timem:s7], [sflag:s22] =	dma.local [hbm:s5], s20  }
0x9e: {  	_ =	swait.ge [sflag:s22], s20  }
0x9f: {  	s4 =	ssub.s32 $0x0, s20;
	[sflag:s22] =	ssyncset.done $0x0  }
0xa0: {  	[sflag:s22] =	ssyncadd.s32 s4;
	_ =	sdelay $0x1  }
0xa1: {  	s23 =	simm.s32 $0x1B8B  }
0xa2: {  	_ =	swait.ge [sflag:s23], $0x1  }
0xa3: {  	[sflag:s23] =	ssyncset.done $0x0  }
0xa4: {  	s25 =	simm.s32 $0x1B8E;
	s24 =	sld [smem:$0x3FFE];
	[sflag:s23] =	ssyncadd.s32 $0xFFFFFFFF  }
0xa5: {  	s26 =	simm.s32 $execute0_lowered;
	[smem:$0x3FD2] =	sst s25  }
0xa6: {  	s5 =	sshll.u32 s26, $0x1;
	_ =	strace $0x80000049;
	[dreg:$0x1] =	wrdreg $0xFFFFFFFF  }
0xa7: {  	s28 =	simm.s32 $_size_execute0_lowered;
	s3 =	sadd.s32 s3, s5;
	[dreg:$0x0] =	wrdreg $0x0  }
0xa8: {  	s5 =	sshll.u32 s28, $0x1;
	[dreg:$0x2] =	wrdreg s3  }
0xa9: {  	[dreg:$0x3] =	wrdreg s5  }
0xaa: {  	[dreg:$0x4] =	wrdreg $0xC0  }
0xab: {  	_ =	task [dreg:s7], $0x5FFFF  }
0xac: {  	[dreg:$0x1] =	wrdreg $0xFFFFFFFF  }
0xad: {  	[dreg:$0x0] =	wrdreg $0x60  }
0xae: {  	[dreg:$0x2] =	wrdreg s24  }
0xaf: {  	[dreg:$0x3] =	wrdreg s2  }
0xb0: {  	[dreg:$0x4] =	wrdreg $0x9  }
0xb1: {  	_ =	task.clear_ibuf [dreg:s7], $0x5FFFF;
	_ =	strace $0x90000049  }
0xb2: {  	s29 =	simm.s32 $0x9;
	_ =	strace $0x8000004B  }
0xb3: {  	_ =	swait.ge [sflag:s29], $0x1  }
0xb4: {  	[sflag:s29] =	ssyncadd.s32 $0xFFFFFFFF  }
0xb5: {  	_ =	strace $0x9000004B  }
0xb6: {  	_ =	sfence  }
0xb7: {  	s30 =	sld [smem:$0x0];
	_ =	sdelay $0x2  }
0xb8: {  	s31 =	sshll.u32 s1, $0xD;
	s1 =	sshrl.u32 s1, $0x2  }
0xb9: {  	s3 =	sand.u32 $0x4000, s31;
	s1 =	sadd.s32 s1, s30  }
0xba: {  	s0 =	sor.u32 s3, s0;
	s1 =	sshll.u32 s1, $0x11  }
0xbb: {  	s0 =	sor.u32 s1, s0  }
0xbc: {  	s0 =	sadd.s32 $0x8F2B, s0  }
0xbd: {  	[sflag:s0] =	ssyncadd.remote.s32 $0x1  }
0xbe: {  	_ =	sfence.sel $0xFFFF  }
0xbf: {  	[dreg:$0x0] =	wrdreg $0xFFFFFFFF;
	(pc) =	sbr.abs _section_cstart, $3  }
0xc0: {  	[dreg:$0x1] =	wrdreg $0xFFFFFFFF  }
0xc1: {  	_ =	task.clear_ibuf [dreg:s7], $0x2FFFF;
	_ =	strace $0x9FFFFFFF  }
0xc2: {  	(tm) =	ssettm $0x7FFFFFFF  }
0xc3: {  	_ =	shalt  }
tec
execute0_lowered:
.L_overlay_start_1:
0x0: {  	(tag) =	ssettag $0x1  }
0x1: {  	s1 =	srdreg.scid;
	s5 =	rddreg [dreg:$0x0]  }
0x2: {  	s0 =	stileid.u32;
	s2 =	rddreg [dreg:$0x1];
	s6 =	simm.s32 $0x1  }
0x3: {  	s9 =	simm.s32 $0x1;
	s10 =	simm.s32 $0x3;
	s1 =	sshll.u32 s1, $0x6  }
0x4: {  	s13 =	simm.s32 $0x0;
	s3 =	sshll.u32 s0, $0x7;
	s4 =	sand.u32 $0x40, s1  }
0x5: {  	s12 =	simm.s32 $0x0;
	s1 =	rddreg [dreg:$0x2];
	s3 =	sor.u32 s3, s4  }
0x6: {  	_ =	strace $0x8000004A;
	s4 =	sadd.s32 $0x800, s5;
	s8 =	ssub.s32 $0x1000, s3  }
.Ltmp0:
0x7: {  	s5 =	sadd.s32 $0x1000, s5;
	s7 =	sand.u32 $0x7C0, s8;
	(pc) =	sbr.rel .LBB2_1-.Ltmp0, $4  }
0x8: {  	[sflag:s6] =	ssyncpa.u1 $0x0;
	s11 =	smov.u32 s3;
	p0 =	sne.s32 s7, $0x0  }
0x9: {  	s8 =	sshrl.u32 s8, $0xB;
	s7 =	simm.s32 $0x2;
	s9 =	simm.s32 @!p0 $0x0  }
0xa: {  	[sflag:s7] =	ssyncpa.u1 $0x0;
	p0 =	por $0x0, $0x0;
	s8 =	sadd.s32 s9, s8  }
0xb: {  	vm0 =	vmmov $0xffff;
	[sflag:s10] =	ssyncpa.u1 $0x0;
	s10 =	simm.s32 $0x0;
	s9 =	sadd.s32 $0x1, s8  }
.LBB2_4:
0xc: {  	v2 =	vnsel vm1, $0x0, v2  }
0xd: {  	vm1 =	vgt.s32 v0, $0x0;
	v2 =	vmin.u32 v2, $0xFFF  }
0xe: {  	v0 =	vnsel vm1, $0x0, v0  }
0xf: {  	v0 =	vmin.u32 v0, $0xFFF  }
0x10: {  	[tilespmem:s15], [sflag:$0x1] =	stream.indirect_vreg.gather [hbm4b:s4+s10], $0x1, v1, vm0, $0x4038;
	[tilespmem:$0x100] =	vst v63  }
0x11: {  	(ifvalue) =	ssetifvalue $0x7FFFFFFF  }
0x12: {  	[tilespmem:s16], [sflag:$0x1] =	stream.indirect_vreg.gather [hbm4b:s4+s10], $0x1, v2, vm0, $0x4038;
	[tilespmem:$0x100] =	vst v63  }
0x13: {  	s29 =	sadd.s32 $0x10, s16;
	(ifvalue) =	ssetifvalue $0x7FFFFFFF  }
0x14: {  	[tilespmem:s29], [sflag:$0x1] =	stream.indirect_vreg.gather [hbm4b:s4+s10], $0x1, v0, vm0, $0x4038;
	[tilespmem:$0x100] =	vst v63  }
0x15: {  	_ =	swait.ge [sflag:s6], $0x40  }
0x16: {  	s30 =	sshrl.u32 s13, $0x3;
	[sflag:s6] =	ssyncset.done $0x0  }
0x17: {  	s31 =	sand.u32 $0x7, s13;
	s15 =	sadd.s32 s2, s30;
	[sflag:s6] =	ssyncadd.s32 $0xFFFFFFC0  }
0x18: {  	[hbm4b:s15+s31] =	stream.linear.scatter [tilespmem:s14], [sflag:$0x3], $0x40, $0x38;
	[tilespmem:$0x100] =	vst v63  }
.LBB2_5:
0x19: {  	s15 =	sadd.s32 $0x800, s11  }
0x1a: {  	p2 =	sgt.s32 s15, $0xFFF  }
0x1b: {  	s15 =	smov.u32 @p2 s3;
	p2 =	sne.s32 s12, s9  }
.Ltmp1:
0x1c: {  	p1 =	slt.u32 s12, $0x2;
	(pc) =	sbr.rel @!p2 .LBB2_6-.Ltmp1, $4  }
0x1d: {  	s14 =	simm.s32 @!p1 $0x3  }
0x1e: {  	s16 =	sadd.s32 $0x1, s12;
	_ =	swait.ge @!p1 [sflag:s14], $0x40  }
0x1f: {  	s13 =	smov.u32 s11;
	p0 =	por !p0, !p0;
	[sflag:s14] =	ssyncset.done @!p1 $0x0  }
0x20: {  	s12 =	smov.u32 s16;
	s11 =	smov.u32 s15;
	[sflag:s14] =	ssyncadd.s32 @!p1 $0xFFFFFFC0  }
.LBB2_1:
0x21: {  	p1 =	sge.u32 s12, s8  }
0x22: {  	s14 =	sxor.u32 @!p1 $0xFFFFFFFF, s12  }
0x23: {  	s31 =	sadd.s32 $0xFFFFFFFF, s12;
	s15 =	sshrl.u32 @!p1 s11, $0x3;
	s14 =	sshll.u32 @!p1 s14, $0x6  }
0x24: {  	s16 =	sand.u32 @!p1 $0x7, s11;
	s15 =	sadd.s32 @!p1 s5, s15;
	s14 =	sand.u32 @!p1 $0x40, s14  }
0x25: {  	[tilespmem:s14], [sflag:$0x2] =	stream.linear.gather @!p1 [hbm4b:s15+s16], $0x40, $0x38;
	[tilespmem:$0x100] =	vst v63  }
0x26: {  	p1 =	sge.u32 s31, s8  }
.Ltmp2:
0x27: {  	_ = 	snop;
	(pc) =	sbr.rel @p1 .LBB2_5-.Ltmp2, $1  }
0x28: {  	_ =	sdelay $0x3  }
0x29: {  	s14 =	simm.s32 $0x1  }
0x2a: {  	_ =	swait.ge [sflag:s7], $0x40;
	s14 =	simm.s32 @!p0 $0x0  }
0x2b: {  	[sflag:s7] =	ssyncset.done $0x0;
	s14 =	sshll.u32 s14, $0x6  }
0x2c: {  	[sflag:s7] =	ssyncadd.s32 $0xFFFFFFC0;
	(ifvalue) =	ssetifvalue $0x7FFFFFFF;
	v0 =	vld.msk [tilespmem:s14+$0x0 ss:$0x1], $0xffff;
	_ =	sdelay $0x4  }
0x2d: {  	s15 =	sadd.s32 $0x10, s14;
	vm1 =	vgt.s32 v0, $0x0  }
0x2e: {  	v2 =	vld.msk [tilespmem:s15+$0x0 ss:$0x1], $0xffff;
	v1 =	vnsel vm1, $0x0, v0  }
0x2f: {  	v1 =	vmin.u32 v1, $0xFFF;
	_ =	sdelay $0x1  }
0x30: {  	s16 =	sshll.u32 s12, $0x6;
	s18 =	simm.s32 $0x20  }
0x31: {  	s16 =	sand.u32 $0x40, s16;
	s17 =	sadd.s32 $0x10, s15;
	s15 =	sor.u32 $0x80, s14  }
0x32: {  	s14 =	sor.u32 $0x80, s16;
	s16 =	sadd.s32 $0x10, s15;
	v0 =	vld.msk [tilespmem:s17+$0x0 ss:$0x1], $0xffff;
	vm1 =	vgt.s32 v2, $0x0;
	(ifvalue) =	ssetifvalue $0x7FFFFFFF  }
.LBB2_3:
0x33: {  	[tilespmem:s15], [sflag:$0x1] =	stream.indirect_vreg.gather [hbm4b:s4+s10], $0x1, v1, vm0, $0x4038;
	[tilespmem:$0x100] =	vst v63  }
0x34: {  	s18 =	sadd.s32 $0x10, s18  }
0x35: {  	v2 =	vnsel vm1, $0x0, v2;
	p1 =	slt.u32 s18, $0x30  }
.Ltmp3:
0x36: {  	s15 =	smov.u32 s16;
	v1 =	vmin.u32 v2, $0xFFF;
	(pc) =	sbr.rel @p1 .LBB2_3-.Ltmp3, $3  }
0x37: {  	_ =	sdelay $0x1  }
0x38: {  	s17 =	sadd.s32 $0x10, s17  }
0x39: {  	vm1 =	vgt.s32 v0, $0x0;
	s16 =	sadd.s32 $0x10, s16;
	v2 =	vmov v0;
	(ifvalue) =	ssetifvalue $0x7FFFFFFF;
	v0 =	vld.msk [tilespmem:s17+$0x0 ss:$0x1], $0xffff  }
.Ltmp4:
0x3a: {  	_ = 	snop;
	(pc) =	sbr.rel .LBB2_4-.Ltmp4, $1  }
0x3b: {  	_ =	sdelay $0x3  }
.LBB2_6:
0x3c: {  	_ =	sfence.sel $0x180000  }
0x3d: {  	s2 =	simm.s32 $0x2;
	[bflag:$0x0] =	sbarrier.arrive $0xFFFF  }
0x3e: {  	s30 =	simm.s32 $0x3;
	[sflag:s2] =	ssyncpa.u1 $0x1  }
0x3f: {  	s31 =	simm.s32 $0x1;
	[sflag:s30] =	ssyncpa.u1 $0x1  }
0x40: {  	[sflag:s31] =	ssyncpa.u1 $0x1  }
0x41: {  	p0 =	sne.s32 s0, $0x0;
	_ =	strace $0x9000004A  }
0x42: {  	s0 =	sadd.s32 @!p0 $0x100000, s1;
	[bflag:$0x2] =	sbarrier.arrive $0xFFFF  }
0x43: {  	[sflag:s0] =	ssyncadd.tile.s32 @!p0 $0x1;
	_ =	shalt  }
.Lfunc_end2:
_tile_overlayer_lowered:
.L_overlay_start_2:
0x44: {  	(tag) =	ssettag $0x2  }
0x45: {  	s0 =	rddreg [dreg:$0x0];
	s2 =	stileid.u32  }
0x46: {  	s1 =	rddreg [dreg:$0x1];
	p0 =	sne.s32 s2, $0x0  }
0x47: {  	s3 =	rddreg [dreg:$0x2];
	[bflag:$0x3] =	sbarrier.arrive $0xFFFF;
	s2 =	simm.s32 @!p0 $0x1C01  }
0x48: {  	[timem:s3], [sflag:s2] =	dma.local @!p0 [hbm:s0], s1  }
0x49: {  	s0 =	simm.s32 @!p0 $0x1  }
0x4a: {  	_ =	swait.ge @!p0 [sflag:s0], s1  }
0x4b: {  	s1 =	ssub.s32 @!p0 $0x0, s1;
	[sflag:s0] =	ssyncset.done @!p0 $0x0  }
0x4c: {  	[sflag:s0] =	ssyncadd.s32 @!p0 s1  }
0x4d: {  	[bflag:$0x3] =	sbarrier.arrive $0xFFFF  }
0x4e: {  	_ =	shalt  }

// kernel: kernel.10.cloned.1.call-start
scs
__scs_entry_jumppad:
0x0: {  	(pc) =	sbr.rel $0x88, $3  }
0x1: {  	(tag) =	ssettag $0x0;
	lr =	simm.s32 $0x1  }
0x2: {  	[smem:$0x3F9C] =	sst lr;
	_ =	strace $0xD0000000  }
0x3: {  	_ = 	snop  }
0x4: {  	_ = 	snop  }
0x5: {  	_ = 	snop  }
0x6: {  	_ = 	snop  }
0x7: {  	_ = 	snop  }
__scs_overlays_trampoline_lowered:
0x8: {  	[smem:$0x3FAB] =	sst s0  }
0x9: {  	[smem:$0x3FAC] =	sst s1  }
0xa: {  	[smem:$0x3FAD] =	sst s2  }
0xb: {  	[smem:$0x3FAE] =	sst s3  }
0xc: {  	[smem:$0x3FAF] =	sst s4  }
0xd: {  	[smem:$0x3FB0] =	sst s5  }
0xe: {  	[smem:$0x3FB1] =	sst s6  }
0xf: {  	[smem:$0x3FB2] =	sst s7  }
0x10: {  	[smem:$0x3FB3] =	sst s8  }
0x11: {  	[smem:$0x3FB4] =	sst s9;
	s0 =	simm.s32 @!p0 $0x0  }
0x12: {  	s1 =	sld [smem:$0x3F9A];
	s0 =	simm.s32 @p0 $0x1  }
0x13: {  	[smem:$0x3FB5] =	sst s0;
	s0 =	simm.s32 @!p1 $0x0  }
0x14: {  	s2 =	sld [smem:$0x3F99];
	s0 =	simm.s32 @p1 $0x1  }
0x15: {  	[smem:$0x3FB6] =	sst s0;
	s0 =	simm.s32 @!p2 $0x0  }
0x16: {  	s3 =	sld [smem:$0x3FDB];
	s0 =	simm.s32 @p2 $0x1  }
0x17: {  	s4 =	simm.s32 $0x1BF5;
	[smem:$0x3FB8] =	sst s0  }
0x18: {  	s0 =	sld [smem:$0x3F9B];
	_ =	swait.ge [sflag:s4], $0x0  }
0x19: {  	s7 =	sld [smem:$0x3F9C]  }
0x1a: {  	s8 =	sadd.s32 $0xFFFFE003, lr  }
0x1b: {  	s9 =	sadd.s32 $0xFFFFFEF7, lr;
	s5 =	simm.s32 $0xFFFFFFFF;
	p2 =	slt.u32 s8, $0xFFFFF086  }
0x1c: {  	p1 =	slt.u32 s9, $0xF7A;
	s5 =	simm.s32 @!p2 $0x0  }
0x1d: {  	s5 =	simm.s32 @p1 $0x1;
	p0 =	seq.s32 s7, s2  }
0x1e: {  	s7 =	smul.u32 @!p0 $0xF7A, s2;
	p2 =	seq.s32 @!p0 s5, $0x0  }
0x1f: {  	s9 =	smul.u32 $0xF7A, s1;
	s8 =	simm.s32 @!p0 $0x1BF5;
	p2 =	por !p2, p0  }
0x20: {  	[sflag:s8] =	ssyncset.s32 @!p0 $0xFFFFF086;
	s6 =	sadd.s32 @!p0 s3, s7;
	s7 =	simm.s32 @!p0 $0x108  }
0x21: {  	s3 =	sadd.s32 s3, s9;
	s6 =	sadd.s32 @!p0 $0x88, s6;
	s7 =	simm.s32 @p2 $0x1082  }
0x22: {  	[simem:s7], [sflag:s8] =	dma.local @!p0 [hbm:s6], $0xF7A  }
0x23: {  	s9 =	sor.u32 $0xD0000000, s2;
	s6 =	simm.s32 $0x108;
	_ =	swait.ge @!p0 [sflag:s8], $0x0  }
0x24: {  	s3 =	sadd.s32 $0x88, s3;
	s6 =	simm.s32 @!p1 $0x1082;
	[sflag:s4] =	ssyncset.s32 $0xFFFFF086  }
0x25: {  	[simem:s6], [sflag:s4] =	dma.local [hbm:s3], $0xF7A  }
0x26: {  	[smem:$0x3F9C] =	sst s1;
	(tag) =	ssettag s2;
	_ =	strace s9  }
0x27: {  	s1 =	sld [smem:$0x3FAC]  }
0x28: {  	s2 =	sld [smem:$0x3FAD]  }
0x29: {  	s4 =	sld [smem:$0x3FAF]  }
0x2a: {  	p0 =	seq.s32 s5, $0x0;
	s5 =	sld [smem:$0x3FB0]  }
0x2b: {  	s6 =	sld [smem:$0x3FB1]  }
0x2c: {  	s7 =	sld [smem:$0x3FB2]  }
0x2d: {  	s3 =	simm.s32 $0x108;
	s8 =	sld [smem:$0x3FB3]  }
0x2e: {  	s3 =	simm.s32 @!p0 $0x1082;
	s9 =	sld [smem:$0x3FB4]  }
0x2f: {  	lr =	sadd.s32 s0, s3;
	s0 =	sld [smem:$0x3FAB]  }
0x30: {  	s3 =	sld [smem:$0x3FAE]  }
0x31: {  	[smem:$0x3FB7] =	sst s10  }
0x32: {  	s10 =	sld [smem:$0x3FB5];
	_ =	sdelay $0x3  }
0x33: {  	p0 =	seq.s32 s10, $0x1;
	s10 =	sld [smem:$0x3FB7];
	_ =	sdelay $0x3  }
0x34: {  	[smem:$0x3FB7] =	sst s10  }
0x35: {  	s10 =	sld [smem:$0x3FB6];
	_ =	sdelay $0x3  }
0x36: {  	p1 =	seq.s32 s10, $0x1;
	s10 =	sld [smem:$0x3FB7];
	_ =	sdelay $0x3  }
0x37: {  	[smem:$0x3FB7] =	sst s10  }
0x38: {  	s10 =	sld [smem:$0x3FB8]  }
0x39: {  	_ = 	snop;
	(pc) =	sbr.ind lr, $3  }
0x3a: {  	_ = 	snop  }
0x3b: {  	_ = 	snop  }
0x3c: {  	p2 =	seq.s32 s10, $0x1;
	s10 =	sld [smem:$0x3FB7]  }
0x3d: {  	_ =	shalt  }
0x3e: {  	_ =	shalt  }
0x3f: {  	_ =	shalt  }
0x40: {  	_ =	shalt  }
0x41: {  	_ =	shalt  }
0x42: {  	_ =	shalt  }
0x43: {  	_ =	shalt  }
0x44: {  	_ =	shalt  }
0x45: {  	_ =	shalt  }
0x46: {  	_ =	shalt  }
0x47: {  	_ =	shalt  }
0x48: {  	_ =	shalt  }
0x49: {  	_ =	shalt  }
0x4a: {  	_ =	shalt  }
0x4b: {  	_ =	shalt  }
0x4c: {  	_ =	shalt  }
0x4d: {  	_ =	shalt  }
0x4e: {  	_ =	shalt  }
0x4f: {  	_ =	shalt  }
0x50: {  	_ =	shalt  }
0x51: {  	_ =	shalt  }
0x52: {  	_ =	shalt  }
0x53: {  	_ =	shalt  }
0x54: {  	_ =	shalt  }
0x55: {  	_ =	shalt  }
0x56: {  	_ =	shalt  }
0x57: {  	_ =	shalt  }
0x58: {  	_ =	shalt  }
0x59: {  	_ =	shalt  }
0x5a: {  	_ =	shalt  }
0x5b: {  	_ =	shalt  }
0x5c: {  	_ =	shalt  }
0x5d: {  	_ =	shalt  }
0x5e: {  	_ =	shalt  }
0x5f: {  	_ =	shalt  }
0x60: {  	_ =	shalt  }
0x61: {  	_ =	shalt  }
0x62: {  	_ =	shalt  }
0x63: {  	_ =	shalt  }
0x64: {  	_ =	shalt  }
0x65: {  	_ =	shalt  }
0x66: {  	_ =	shalt  }
0x67: {  	_ =	shalt  }
0x68: {  	_ =	shalt  }
0x69: {  	_ =	shalt  }
0x6a: {  	_ =	shalt  }
0x6b: {  	_ =	shalt  }
0x6c: {  	_ =	shalt  }
0x6d: {  	_ =	shalt  }
0x6e: {  	_ =	shalt  }
0x6f: {  	_ =	shalt  }
0x70: {  	_ =	shalt  }
0x71: {  	_ =	shalt  }
0x72: {  	_ =	shalt  }
0x73: {  	_ =	shalt  }
0x74: {  	_ =	shalt  }
0x75: {  	_ =	shalt  }
0x76: {  	_ =	shalt  }
0x77: {  	_ =	shalt  }
0x78: {  	_ =	shalt  }
0x79: {  	_ =	shalt  }
0x7a: {  	_ =	shalt  }
0x7b: {  	_ =	shalt  }
0x7c: {  	_ =	shalt  }
0x7d: {  	_ =	shalt  }
0x7e: {  	_ =	shalt  }
0x7f: {  	_ =	shalt  }
0x80: {  	_ =	shalt  }
0x81: {  	_ =	shalt  }
0x82: {  	_ =	shalt  }
0x83: {  	_ =	shalt  }
0x84: {  	_ =	shalt  }
0x85: {  	_ =	shalt  }
0x86: {  	_ =	shalt  }
0x87: {  	_ =	shalt  }
.Lfunc_end0:
.L_simem_size_0:
called_computation.7_lowered:
.L_overlay_start_0:
0x88: {  	s2 =	sld [smem:$0x3FD9]  }
0x89: {  	s3 =	sld [smem:$0x3FFE];
	_ =	sdelay $0x1  }
0x8a: {  	s1 =	srdreg.scid  }
0x8b: {  	s0 =	sand.u32 $0x1, s1  }
0x8c: {  	s17 =	sshll.u32 s0, $0xA;
	s2 =	sadd.s32 s3, s2  }
0x8d: {  	s2 =	sadd.s32 s2, s17  }
0x8e: {  	[smem:$0x3FC3] =	sst s2  }
0x8f: {  	_ = 	snop  }
0x90: {  	s2 =	sld [smem:$0x3FD0];
	(tm) =	ssettm $0x1  }
0x91: {  	s18 =	sld [smem:$0x3FFB];
	_ =	sdelay $0x3  }
0x92: {  	_ =	strace s18  }
0x93: {  	s3 =	sld [smem:$0x3FFC];
	_ =	sdelay $0x3  }
0x94: {  	_ =	strace s3  }
0x95: {  	s3 =	sld [smem:$0x3FFD];
	_ =	sdelay $0x3  }
0x96: {  	_ =	strace s3  }
0x97: {  	_ =	strace $0x8FFFFFFF  }
0x98: {  	s19 =	sld [smem:$0x3FDB];
	_ =	sdelay $0x1  }
0x99: {  	s4 =	simm.s32 $_scs_section_size  }
0x9a: {  	s5 =	simm.s32 $_size__tile_overlayer_lowered;
	s6 =	simm.s32 $_tile_overlayer_lowered  }
0x9b: {  	s22 =	simm.s32 $0x1BFF;
	s21 =	sshll.u32 s6, $0x1;
	s3 =	sadd.s32 s4, s19  }
0x9c: {  	s7 =	simm.s32 $0x0;
	s20 =	sshll.u32 s5, $0x1;
	s5 =	sadd.s32 s21, s3  }
0x9d: {  	[timem:s7], [sflag:s22] =	dma.local [hbm:s5], s20  }
0x9e: {  	_ =	swait.ge [sflag:s22], s20  }
0x9f: {  	s4 =	ssub.s32 $0x0, s20;
	[sflag:s22] =	ssyncset.done $0x0  }
0xa0: {  	[sflag:s22] =	ssyncadd.s32 s4;
	_ =	sdelay $0x1  }
0xa1: {  	s23 =	simm.s32 $0x1B8B  }
0xa2: {  	_ =	swait.ge [sflag:s23], $0x1  }
0xa3: {  	[sflag:s23] =	ssyncset.done $0x0  }
0xa4: {  	s25 =	simm.s32 $0x1B8E;
	s24 =	sld [smem:$0x3FFE];
	[sflag:s23] =	ssyncadd.s32 $0xFFFFFFFF  }
0xa5: {  	s26 =	simm.s32 $execute0_lowered;
	[smem:$0x3FD2] =	sst s25  }
0xa6: {  	s5 =	sshll.u32 s26, $0x1;
	_ =	strace $0x8000005B;
	[dreg:$0x1] =	wrdreg $0xFFFFFFFF  }
0xa7: {  	s28 =	simm.s32 $_size_execute0_lowered;
	s3 =	sadd.s32 s3, s5;
	[dreg:$0x0] =	wrdreg $0x0  }
0xa8: {  	s5 =	sshll.u32 s28, $0x1;
	[dreg:$0x2] =	wrdreg s3  }
0xa9: {  	[dreg:$0x3] =	wrdreg s5  }
0xaa: {  	[dreg:$0x4] =	wrdreg $0xC0  }
0xab: {  	_ =	task [dreg:s7], $0x5FFFF  }
0xac: {  	[dreg:$0x1] =	wrdreg $0xFFFFFFFF  }
0xad: {  	[dreg:$0x0] =	wrdreg $0x60  }
0xae: {  	[dreg:$0x2] =	wrdreg s24  }
0xaf: {  	[dreg:$0x3] =	wrdreg s2  }
0xb0: {  	[dreg:$0x4] =	wrdreg $0x9  }
0xb1: {  	_ =	task.clear_ibuf [dreg:s7], $0x5FFFF;
	_ =	strace $0x9000005B  }
0xb2: {  	s29 =	simm.s32 $0x9;
	_ =	strace $0x8000005D  }
0xb3: {  	_ =	swait.ge [sflag:s29], $0x1  }
0xb4: {  	[sflag:s29] =	ssyncadd.s32 $0xFFFFFFFF  }
0xb5: {  	_ =	strace $0x9000005D  }
0xb6: {  	_ =	sfence  }
0xb7: {  	s30 =	sld [smem:$0x0];
	_ =	sdelay $0x2  }
0xb8: {  	s31 =	sshll.u32 s1, $0xD;
	s1 =	sshrl.u32 s1, $0x2  }
0xb9: {  	s3 =	sand.u32 $0x4000, s31;
	s1 =	sadd.s32 s1, s30  }
0xba: {  	s0 =	sor.u32 s3, s0;
	s1 =	sshll.u32 s1, $0x11  }
0xbb: {  	s0 =	sor.u32 s1, s0  }
0xbc: {  	s0 =	sadd.s32 $0x8F2B, s0  }
0xbd: {  	[sflag:s0] =	ssyncadd.remote.s32 $0x1  }
0xbe: {  	_ =	sfence.sel $0xFFFF  }
0xbf: {  	[dreg:$0x0] =	wrdreg $0xFFFFFFFF;
	(pc) =	sbr.abs _section_cstart, $3  }
0xc0: {  	[dreg:$0x1] =	wrdreg $0xFFFFFFFF  }
0xc1: {  	_ =	task.clear_ibuf [dreg:s7], $0x2FFFF;
	_ =	strace $0x9FFFFFFF  }
0xc2: {  	(tm) =	ssettm $0x7FFFFFFF  }
0xc3: {  	_ =	shalt  }
tec
execute0_lowered:
.L_overlay_start_1:
0x0: {  	(tag) =	ssettag $0x1  }
0x1: {  	s0 =	rddreg [dreg:$0x0];
	s1 =	simm.s32 $0x0  }
0x2: {  	s29 =	srdreg.scid;
	s7 =	stileid.u32;
	s12 =	simm.s32 $0x3  }
0x3: {  	s14 =	simm.s32 $0x100;
	s13 =	simm.s32 $0xB100;
	s15 =	simm.s32 $0xB900  }
0x4: {  	s16 =	simm.s32 $0xC100;
	s17 =	simm.s32 $0xC900;
	s18 =	simm.s32 $0xD100  }
0x5: {  	s19 =	simm.s32 $0xD900;
	s20 =	simm.s32 $0xE100;
	s21 =	simm.s32 $0xE900  }
0x6: {  	s22 =	simm.s32 $0xF100;
	s23 =	simm.s32 $0xF900;
	s24 =	simm.s32 $0x1  }
0x7: {  	s25 =	simm.s32 $0x2;
	[smem:$0x7FF] =	sst s1;
	s1 =	sand.u32 $0x1, s29  }
0x8: {  	s4 =	sadd.s32 $0x182800, s0;
	s5 =	sadd.s32 $0x800, s0;
	s6 =	sadd.s32 $0x600, s0  }
0x9: {  	s30 =	sshll.u32 s7, $0x7;
	s8 =	sadd.s32 $0x182900, s0;
	s2 =	ssub.s32 $0x2, s1  }
0xa: {  	s9 =	sadd.s32 $0x182A00, s0;
	s10 =	sadd.s32 $0x182B00, s0;
	s3 =	sshrl.u32 s2, $0x1  }
0xb: {  	v2 =	vlaneseq.u32;
	_ =	strace $0x8000005C;
	s1 =	sshll.u32 s1, $0x6;
	s2 =	ssub.s32 s2, s3  }
0xc: {  	vm0 =	vmmov $0xffff;
	v1 =	vshrl.u32 v2, $0x3;
	s7 =	sor.u32 s1, s30;
	s1 =	simm.s32 $0xA100;
	s31 =	smax.u32 s2, $0x1  }
0xd: {  	v0 =	vand.u32 $0x7, v2;
	v2 =	vor.u32 $0x8, v2;
	v1 =	vmul.u32 $0x8, v1;
	s3 =	simm.s32 $0x0;
	s2 =	simm.s32 $0xA900;
	[dreg:$0x3] =	wrdreg s31  }
.LBB2_1:
0xe: {  	[dreg:$0x4] =	wrdreg s3;
	p1 =	por $0x1, $0x1;
	s0 =	simm.s32 $0x0  }
.LBB2_2:
0xf: {  	s26 =	sor.u32 s7, s0  }
0x10: {  	s0 =	sshrl.u32 s26, $0x3  }
0x11: {  	s28 =	simm.s32 $0x0;
	s29 =	sadd.s32 s5, s0  }
0x12: {  	[tilespmem:s28], [sflag:$0x3] =	stream.linear.gather [hbm4b:s29+s28], $0x20, $0x38;
	[tilespmem:$0x10100] =	vst v63  }
0x13: {  	_ =	swait.ge [sflag:s12], $0x20  }
0x14: {  	[sflag:s12] =	ssyncset.done $0x0  }
0x15: {  	s3 =	simm.s32 $0x80;
	s0 =	sadd.s32 s6, s0;
	[sflag:s12] =	ssyncadd.s32 $0xFFFFFFE0  }
0x16: {  	[tilespmem:s3], [sflag:$0x3] =	stream.linear.gather [hbm4b:s0+s28], $0x20, $0x38;
	[tilespmem:$0x10100] =	vst v63  }
0x17: {  	_ =	swait.ge [sflag:s12], $0x20  }
0x18: {  	[sflag:s12] =	ssyncset.done $0x0  }
0x19: {  	[sflag:s12] =	ssyncadd.s32 $0xFFFFFFE0  }
0x1a: {  	v3 =	vld [tilespmem:$0x0];
	_ =	sdelay $0x4  }
0x1b: {  	v4 =	vshll.u32 v3, $0x3  }
0x1c: {  	v3 =	vand.u32 $0x7, v3;
	v4 =	vand.u32 $0xFFFFFFC0, v4  }
0x1d: {  	v3 =	vor.u32 v3, v4  }
0x1e: {  	v4 =	vperm.xlane v3, v0;
	_ =	sdelay $0x1  }
0x1f: {  	v4 =	vadd.s32 v1, v4;
	_ =	sdelay $0x4  }
0x20: {  	[tilespmem:s14], [sflag:$0x1] =	stream.indirect_vreg.gather [hbm4b:s4+s28], $0x80, v4, vm0, $0xb8;
	[tilespmem:$0x10100] =	vst v63  }
0x21: {  	s11 =	simm.s32 $0x900;
	v3 =	vperm.xlane v3, v2  }
0x22: {  	[tilespmem:s11], [sflag:$0x1] =	stream.indirect_vreg.gather [hbm4b:s8+s28], $0x80, v4, vm0, $0xb8;
	[tilespmem:$0x10100] =	vst v63  }
0x23: {  	s3 =	simm.s32 $0x1100;
	v3 =	vadd.s32 v1, v3  }
0x24: {  	[tilespmem:s3], [sflag:$0x1] =	stream.indirect_vreg.gather [hbm4b:s9+s28], $0x80, v4, vm0, $0xb8;
	[tilespmem:$0x10100] =	vst v63  }
0x25: {  	s11 =	simm.s32 $0x1900  }
0x26: {  	[tilespmem:s11], [sflag:$0x1] =	stream.indirect_vreg.gather [hbm4b:s10+s28], $0x80, v4, vm0, $0xb8;
	[tilespmem:$0x10100] =	vst v63  }
0x27: {  	s3 =	simm.s32 $0x2100  }
0x28: {  	[tilespmem:s3], [sflag:$0x1] =	stream.indirect_vreg.gather [hbm4b:s4+s28], $0x80, v3, vm0, $0xb8;
	[tilespmem:$0x10100] =	vst v63  }
0x29: {  	s11 =	simm.s32 $0x2900  }
0x2a: {  	[tilespmem:s11], [sflag:$0x1] =	stream.indirect_vreg.gather [hbm4b:s8+s28], $0x80, v3, vm0, $0xb8;
	[tilespmem:$0x10100] =	vst v63  }
0x2b: {  	s3 =	simm.s32 $0x3100  }
0x2c: {  	[tilespmem:s3], [sflag:$0x1] =	stream.indirect_vreg.gather [hbm4b:s9+s28], $0x80, v3, vm0, $0xb8;
	[tilespmem:$0x10100] =	vst v63  }
0x2d: {  	s11 =	simm.s32 $0x3900  }
0x2e: {  	[tilespmem:s11], [sflag:$0x1] =	stream.indirect_vreg.gather [hbm4b:s10+s28], $0x80, v3, vm0, $0xb8;
	[tilespmem:$0x10100] =	vst v63  }
0x2f: {  	v3 =	vld [tilespmem:$0x10];
	_ =	sdelay $0x4  }
0x30: {  	v61 =	vshll.u32 v3, $0x3  }
0x31: {  	v3 =	vand.u32 $0x7, v3;
	v4 =	vand.u32 $0xFFFFFFC0, v61  }
0x32: {  	v3 =	vor.u32 v3, v4  }
0x33: {  	v4 =	vperm.xlane v3, v0;
	_ =	sdelay $0x1  }
0x34: {  	v4 =	vadd.s32 v1, v4;
	_ =	sdelay $0x3  }
0x35: {  	s3 =	simm.s32 $0x4100  }
0x36: {  	[tilespmem:s3], [sflag:$0x1] =	stream.indirect_vreg.gather [hbm4b:s4+s28], $0x80, v4, vm0, $0xb8;
	[tilespmem:$0x10100] =	vst v63  }
0x37: {  	s11 =	simm.s32 $0x4900;
	v3 =	vperm.xlane v3, v2  }
0x38: {  	[tilespmem:s11], [sflag:$0x1] =	stream.indirect_vreg.gather [hbm4b:s8+s28], $0x80, v4, vm0, $0xb8;
	[tilespmem:$0x10100] =	vst v63  }
0x39: {  	v3 =	vadd.s32 v1, v3;
	s3 =	simm.s32 $0x5100  }
0x3a: {  	[tilespmem:s3], [sflag:$0x1] =	stream.indirect_vreg.gather [hbm4b:s9+s28], $0x80, v4, vm0, $0xb8;
	[tilespmem:$0x10100] =	vst v63  }
0x3b: {  	s11 =	simm.s32 $0x5900  }
0x3c: {  	[tilespmem:s11], [sflag:$0x1] =	stream.indirect_vreg.gather [hbm4b:s10+s28], $0x80, v4, vm0, $0xb8;
	[tilespmem:$0x10100] =	vst v63  }
0x3d: {  	s3 =	simm.s32 $0x6100  }
0x3e: {  	[tilespmem:s3], [sflag:$0x1] =	stream.indirect_vreg.gather [hbm4b:s4+s28], $0x80, v3, vm0, $0xb8;
	[tilespmem:$0x10100] =	vst v63  }
0x3f: {  	s11 =	simm.s32 $0x6900  }
0x40: {  	[tilespmem:s11], [sflag:$0x1] =	stream.indirect_vreg.gather [hbm4b:s8+s28], $0x80, v3, vm0, $0xb8;
	[tilespmem:$0x10100] =	vst v63  }
0x41: {  	s3 =	simm.s32 $0x7100  }
0x42: {  	[tilespmem:s3], [sflag:$0x1] =	stream.indirect_vreg.gather [hbm4b:s9+s28], $0x80, v3, vm0, $0xb8;
	[tilespmem:$0x10100] =	vst v63  }
0x43: {  	s11 =	simm.s32 $0x7900  }
0x44: {  	[tilespmem:s11], [sflag:$0x1] =	stream.indirect_vreg.gather [hbm4b:s10+s28], $0x80, v3, vm0, $0xb8;
	[tilespmem:$0x10100] =	vst v63  }
0x45: {  	v3 =	vld [tilespmem:$0x80];
	_ =	sdelay $0x4  }
0x46: {  	v62 =	vshll.u32 v3, $0x3  }
0x47: {  	v3 =	vand.u32 $0x7, v3;
	v4 =	vand.u32 $0xFFFFFFC0, v62  }
0x48: {  	v3 =	vor.u32 v3, v4  }
0x49: {  	v4 =	vperm.xlane v3, v0;
	_ =	sdelay $0x1  }
0x4a: {  	v4 =	vadd.s32 v1, v4;
	_ =	sdelay $0x3  }
0x4b: {  	s3 =	simm.s32 $0x8100  }
0x4c: {  	[tilespmem:s3], [sflag:$0x2] =	stream.indirect_vreg.gather [hbm4b:s4+s28], $0x80, v4, vm0, $0xb8;
	[tilespmem:$0x10100] =	vst v63  }
0x4d: {  	s11 =	simm.s32 $0x8900;
	v3 =	vperm.xlane v3, v2  }
0x4e: {  	[tilespmem:s11], [sflag:$0x2] =	stream.indirect_vreg.gather [hbm4b:s8+s28], $0x80, v4, vm0, $0xb8;
	[tilespmem:$0x10100] =	vst v63  }
0x4f: {  	v3 =	vadd.s32 v1, v3;
	s3 =	simm.s32 $0x9100  }
0x50: {  	[tilespmem:s3], [sflag:$0x2] =	stream.indirect_vreg.gather [hbm4b:s9+s28], $0x80, v4, vm0, $0xb8;
	[tilespmem:$0x10100] =	vst v63  }
0x51: {  	s11 =	simm.s32 $0x9900  }
0x52: {  	[tilespmem:s11], [sflag:$0x2] =	stream.indirect_vreg.gather [hbm4b:s10+s28], $0x80, v4, vm0, $0xb8;
	[tilespmem:$0x10100] =	vst v63  }
0x53: {  	_ = 	snop  }
0x54: {  	[tilespmem:s1], [sflag:$0x2] =	stream.indirect_vreg.gather [hbm4b:s4+s28], $0x80, v3, vm0, $0xb8;
	[tilespmem:$0x10100] =	vst v63  }
0x55: {  	_ = 	snop  }
0x56: {  	[tilespmem:s2], [sflag:$0x2] =	stream.indirect_vreg.gather [hbm4b:s8+s28], $0x80, v3, vm0, $0xb8;
	[tilespmem:$0x10100] =	vst v63  }
0x57: {  	_ = 	snop  }
0x58: {  	[tilespmem:s13], [sflag:$0x2] =	stream.indirect_vreg.gather [hbm4b:s9+s28], $0x80, v3, vm0, $0xb8;
	[tilespmem:$0x10100] =	vst v63  }
0x59: {  	_ = 	snop  }
0x5a: {  	[tilespmem:s15], [sflag:$0x2] =	stream.indirect_vreg.gather [hbm4b:s10+s28], $0x80, v3, vm0, $0xb8;
	[tilespmem:$0x10100] =	vst v63  }
0x5b: {  	v3 =	vld [tilespmem:$0x90];
	_ =	sdelay $0x4  }
0x5c: {  	v63 =	vshll.u32 v3, $0x3  }
0x5d: {  	v3 =	vand.u32 $0x7, v3;
	v4 =	vand.u32 $0xFFFFFFC0, v63  }
0x5e: {  	v3 =	vor.u32 v3, v4  }
0x5f: {  	v4 =	vperm.xlane v3, v0;
	_ =	sdelay $0x1  }
0x60: {  	v4 =	vadd.s32 v1, v4;
	_ =	sdelay $0x4  }
0x61: {  	[tilespmem:s16], [sflag:$0x2] =	stream.indirect_vreg.gather [hbm4b:s4+s28], $0x80, v4, vm0, $0xb8;
	[tilespmem:$0x10100] =	vst v63  }
0x62: {  	v3 =	vperm.xlane v3, v2  }
0x63: {  	[tilespmem:s17], [sflag:$0x2] =	stream.indirect_vreg.gather [hbm4b:s8+s28], $0x80, v4, vm0, $0xb8;
	[tilespmem:$0x10100] =	vst v63  }
0x64: {  	v3 =	vadd.s32 v1, v3  }
0x65: {  	[tilespmem:s18], [sflag:$0x2] =	stream.indirect_vreg.gather [hbm4b:s9+s28], $0x80, v4, vm0, $0xb8;
	[tilespmem:$0x10100] =	vst v63  }
0x66: {  	_ = 	snop  }
0x67: {  	[tilespmem:s19], [sflag:$0x2] =	stream.indirect_vreg.gather [hbm4b:s10+s28], $0x80, v4, vm0, $0xb8;
	[tilespmem:$0x10100] =	vst v63  }
0x68: {  	_ = 	snop  }
0x69: {  	[tilespmem:s20], [sflag:$0x2] =	stream.indirect_vreg.gather [hbm4b:s4+s28], $0x80, v3, vm0, $0xb8;
	[tilespmem:$0x10100] =	vst v63  }
0x6a: {  	_ = 	snop  }
0x6b: {  	[tilespmem:s21], [sflag:$0x2] =	stream.indirect_vreg.gather [hbm4b:s8+s28], $0x80, v3, vm0, $0xb8;
	[tilespmem:$0x10100] =	vst v63  }
0x6c: {  	_ = 	snop  }
0x6d: {  	[tilespmem:s22], [sflag:$0x2] =	stream.indirect_vreg.gather [hbm4b:s9+s28], $0x80, v3, vm0, $0xb8;
	[tilespmem:$0x10100] =	vst v63  }
0x6e: {  	_ = 	snop  }
0x6f: {  	[tilespmem:s23], [sflag:$0x2] =	stream.indirect_vreg.gather [hbm4b:s10+s28], $0x80, v3, vm0, $0xb8;
	[tilespmem:$0x10100] =	vst v63  }
0x70: {  	_ =	swait.ge [sflag:s24], $0x8000  }
0x71: {  	[sflag:s24] =	ssyncset.done $0x0  }
0x72: {  	[sflag:s24] =	ssyncadd.s32 $0xFFFF8000  }
0x73: {  	_ =	swait.ge [sflag:s25], $0x8000  }
0x74: {  	p0 =	por p1, p1;
	s30 =	simm.s32 $0x0;
	[sflag:s25] =	ssyncset.done $0x0  }
0x75: {  	s31 =	simm.s32 $0x0;
	s29 =	simm.s32 $0xFFFF8000;
	[sflag:s25] =	ssyncadd.s32 $0xFFFF8000  }
.LBB2_3:
0x76: {  	s0 =	sadd.s32 $0x8000, s29  }
0x77: {  	s3 =	sand.u32 $0x380, s31;
	s0 =	sand.u32 $0x6000, s0  }
0x78: {  	s0 =	sor.u32 s3, s0  }
0x79: {  	v3 =	vld [tilespmem:s0+$0x100]  }
0x7a: {  	v4 =	vld [tilespmem:s0+$0x8100]  }
0x7b: {  	v5 =	vld [tilespmem:s0+$0x110]  }
0x7c: {  	v6 =	vld [tilespmem:s0+$0x8110]  }
0x7d: {  	v7 =	vld [tilespmem:s0+$0x120]  }
0x7e: {  	v8 =	vld [tilespmem:s0+$0x8120]  }
0x7f: {  	v9 =	vld [tilespmem:s0+$0x130]  }
0x80: {  	v10 =	vld [tilespmem:s0+$0x8130]  }
0x81: {  	v11 =	vld [tilespmem:s0+$0x140]  }
0x82: {  	v12 =	vld [tilespmem:s0+$0x8140]  }
0x83: {  	v13 =	vld [tilespmem:s0+$0x150]  }
0x84: {  	v14 =	vld [tilespmem:s0+$0x8150]  }
0x85: {  	v15 =	vld [tilespmem:s0+$0x160]  }
0x86: {  	v16 =	vld [tilespmem:s0+$0x8160]  }
0x87: {  	v17 =	vld [tilespmem:s0+$0x170]  }
0x88: {  	v18 =	vld [tilespmem:s0+$0x8170]  }
0x89: {  	v19 =	vld [tilespmem:s0+$0x500]  }
0x8a: {  	v20 =	vld [tilespmem:s0+$0x8500]  }
0x8b: {  	v21 =	vld [tilespmem:s0+$0x510]  }
0x8c: {  	v22 =	vld [tilespmem:s0+$0x8510]  }
0x8d: {  	v23 =	vld [tilespmem:s0+$0x520]  }
0x8e: {  	v24 =	vld [tilespmem:s0+$0x8520]  }
0x8f: {  	v25 =	vld [tilespmem:s0+$0x530]  }
0x90: {  	v26 =	vld [tilespmem:s0+$0x8530]  }
0x91: {  	v27 =	vld [tilespmem:s0+$0x540]  }
0x92: {  	v28 =	vld [tilespmem:s0+$0x8540]  }
0x93: {  	v29 =	vld [tilespmem:s0+$0x550]  }
0x94: {  	v30 =	vld [tilespmem:s0+$0x8550]  }
0x95: {  	v31 =	vld [tilespmem:s0+$0x560]  }
0x96: {  	v32 =	vld [tilespmem:s0+$0x8560]  }
0x97: {  	v33 =	vld [tilespmem:s0+$0x570]  }
0x98: {  	v34 =	vld [tilespmem:s0+$0x8570]  }
0x99: {  	v35 =	vld [tilespmem:s0+$0x900]  }
0x9a: {  	v36 =	vld [tilespmem:s0+$0x8900]  }
0x9b: {  	v37 =	vld [tilespmem:s0+$0x910]  }
0x9c: {  	v38 =	vld [tilespmem:s0+$0x8910]  }
0x9d: {  	v39 =	vld [tilespmem:s0+$0x920]  }
0x9e: {  	v40 =	vld [tilespmem:s0+$0x8920]  }
0x9f: {  	v41 =	vld [tilespmem:s0+$0x930]  }
0xa0: {  	v42 =	vld [tilespmem:s0+$0x8930]  }
0xa1: {  	v43 =	vld [tilespmem:s0+$0x940]  }
0xa2: {  	v44 =	vld [tilespmem:s0+$0x8940]  }
0xa3: {  	v45 =	vld [tilespmem:s0+$0x950]  }
0xa4: {  	v46 =	vld [tilespmem:s0+$0x8950]  }
0xa5: {  	v47 =	vld [tilespmem:s0+$0x960]  }
0xa6: {  	v48 =	vld [tilespmem:s0+$0x8960]  }
0xa7: {  	v49 =	vld [tilespmem:s0+$0x970]  }
0xa8: {  	v50 =	vld [tilespmem:s0+$0x8970]  }
0xa9: {  	v51 =	vld [tilespmem:s0+$0xD00]  }
0xaa: {  	v52 =	vld [tilespmem:s0+$0x8D00]  }
0xab: {  	v53 =	vld [tilespmem:s0+$0xD10]  }
0xac: {  	v54 =	vld [tilespmem:s0+$0x8D10]  }
0xad: {  	v55 =	vld [tilespmem:s0+$0xD20]  }
0xae: {  	v56 =	vld [tilespmem:s0+$0x8D20]  }
0xaf: {  	v57 =	vld [tilespmem:s0+$0xD30]  }
0xb0: {  	v58 =	vld [tilespmem:s0+$0x8D30]  }
0xb1: {  	v59 =	vld [tilespmem:s0+$0xD40]  }
0xb2: {  	v60 =	vld [tilespmem:s0+$0x8D40]  }
0xb3: {  	v61 =	vld [tilespmem:s0+$0xD50]  }
0xb4: {  	v62 =	vld [tilespmem:s0+$0x8D50]  }
0xb5: {  	v63 =	vld [tilespmem:s0+$0xD60]  }
0xb6: {  	v3 =	vadd.f32 v4, v3;
	v4 =	vld [tilespmem:s0+$0x8D60]  }
0xb7: {  	v5 =	vadd.f32 v6, v5;
	v6 =	vld [tilespmem:s0+$0xD70]  }
0xb8: {  	v14 =	vadd.f32 v14, v13;
	v13 =	vld [tilespmem:s0+$0x9120];
	[tilespmem:s0+$0x100] =	vst v3;
	v3 =	vadd.f32 v8, v7  }
0xb9: {  	v18 =	vadd.f32 v18, v17;
	v17 =	vld [tilespmem:s0+$0x9140];
	[tilespmem:s0+$0x110] =	vst v5  }
0xba: {  	v22 =	vadd.f32 v22, v21;
	v21 =	vld [tilespmem:s0+$0x9160];
	[tilespmem:s0+$0x120] =	vst v3;
	v3 =	vadd.f32 v12, v11  }
0xbb: {  	v7 =	vld [tilespmem:s0+$0x8D70];
	[tilespmem:s0+$0x150] =	vst v14  }
0xbc: {  	v8 =	vld [tilespmem:s0+$0x1100];
	[tilespmem:s0+$0x140] =	vst v3;
	v3 =	vadd.f32 v16, v15  }
0xbd: {  	v5 =	vadd.f32 v10, v9;
	v9 =	vld [tilespmem:s0+$0x9100];
	[tilespmem:s0+$0x170] =	vst v18  }
0xbe: {  	v10 =	vld [tilespmem:s0+$0x1110];
	[tilespmem:s0+$0x160] =	vst v3;
	v3 =	vadd.f32 v20, v19  }
0xbf: {  	v26 =	vadd.f32 v26, v25;
	v14 =	vld [tilespmem:s0+$0x1130];
	[tilespmem:s0+$0x510] =	vst v22  }
0xc0: {  	v18 =	vld [tilespmem:s0+$0x1150];
	[tilespmem:s0+$0x500] =	vst v3;
	v3 =	vadd.f32 v24, v23  }
0xc1: {  	v30 =	vadd.f32 v30, v29;
	[tilespmem:s0+$0x530] =	vst v26;
	v22 =	vld [tilespmem:s0+$0x1170]  }
0xc2: {  	v19 =	vld [tilespmem:s0+$0x9150];
	[tilespmem:s0+$0x520] =	vst v3;
	v3 =	vadd.f32 v28, v27  }
0xc3: {  	v34 =	vadd.f32 v34, v33;
	[tilespmem:s0+$0x550] =	vst v30;
	v11 =	vld [tilespmem:s0+$0x9110]  }
0xc4: {  	v12 =	vld [tilespmem:s0+$0x1120];
	[tilespmem:s0+$0x540] =	vst v3;
	v3 =	vadd.f32 v32, v31  }
0xc5: {  	[tilespmem:s0+$0x570] =	vst v34;
	v15 =	vld [tilespmem:s0+$0x9130]  }
0xc6: {  	v16 =	vld [tilespmem:s0+$0x1140];
	[tilespmem:s0+$0x560] =	vst v3;
	v3 =	vadd.f32 v36, v35  }
0xc7: {  	[tilespmem:s0+$0x130] =	vst v5;
	v20 =	vld [tilespmem:s0+$0x1160];
	v19 =	vadd.f32 v19, v18  }
0xc8: {  	v24 =	vld [tilespmem:s0+$0x1500];
	[tilespmem:s0+$0x900] =	vst v3;
	v3 =	vadd.f32 v40, v39  }
0xc9: {  	[tilespmem:s0+$0x1150] =	vst v19;
	v36 =	vadd.f32 v38, v37;
	v37 =	vld [tilespmem:s0+$0x9170]  }
0xca: {  	v38 =	vadd.f32 v42, v41;
	v41 =	vld [tilespmem:s0+$0x1510];
	[tilespmem:s0+$0x920] =	vst v3;
	v3 =	vadd.f32 v44, v43  }
0xcb: {  	v42 =	vld [tilespmem:s0+$0x9510];
	[tilespmem:s0+$0x910] =	vst v36  }
0xcc: {  	v35 =	vld [tilespmem:s0+$0x1910];
	[tilespmem:s0+$0x940] =	vst v3;
	v3 =	vadd.f32 v48, v47  }
0xcd: {  	v39 =	vld [tilespmem:s0+$0x9500];
	[tilespmem:s0+$0x930] =	vst v38;
	v40 =	vadd.f32 v46, v45  }
0xce: {  	v45 =	vld [tilespmem:s0+$0x9520];
	[tilespmem:s0+$0x960] =	vst v3;
	v3 =	vadd.f32 v52, v51  }
0xcf: {  	v46 =	vadd.f32 v54, v53;
	v53 =	vld [tilespmem:s0+$0x1550];
	[tilespmem:s0+$0x950] =	vst v40  }
0xd0: {  	v54 =	vld [tilespmem:s0+$0x9550];
	[tilespmem:s0+$0xD00] =	vst v3;
	v3 =	vadd.f32 v56, v55  }
0xd1: {  	v36 =	vld [tilespmem:s0+$0x9910];
	v43 =	vadd.f32 v50, v49;
	[tilespmem:s0+$0xD10] =	vst v46  }
0xd2: {  	v38 =	vld [tilespmem:s0+$0x1920];
	[tilespmem:s0+$0xD20] =	vst v3;
	v3 =	vadd.f32 v60, v59  }
0xd3: {  	v44 =	vld [tilespmem:s0+$0x1520];
	v49 =	vadd.f32 v58, v57;
	[tilespmem:s0+$0x970] =	vst v43  }
0xd4: {  	v50 =	vld [tilespmem:s0+$0x1540];
	[tilespmem:s0+$0xD40] =	vst v3;
	v3 =	vadd.f32 v4, v63  }
0xd5: {  	v57 =	vld [tilespmem:s0+$0x9560];
	v58 =	vadd.f32 v11, v10;
	[tilespmem:s0+$0xD30] =	vst v49  }
0xd6: {  	v46 =	vld [tilespmem:s0+$0x9950];
	[tilespmem:s0+$0xD60] =	vst v3;
	v3 =	vadd.f32 v9, v8  }
0xd7: {  	v37 =	vadd.f32 v37, v22;
	v40 =	vadd.f32 v42, v41;
	v41 =	vld [tilespmem:s0+$0x1930];
	[tilespmem:s0+$0x1110] =	vst v58  }
0xd8: {  	v42 =	vld [tilespmem:s0+$0x9930];
	[tilespmem:s0+$0x1100] =	vst v3;
	v3 =	vadd.f32 v13, v12  }
0xd9: {  	v47 =	vld [tilespmem:s0+$0x1530];
	[tilespmem:s0+$0x1170] =	vst v37  }
0xda: {  	v48 =	vld [tilespmem:s0+$0x9530];
	[tilespmem:s0+$0x1120] =	vst v3;
	v3 =	vadd.f32 v17, v16  }
0xdb: {  	v49 =	vld [tilespmem:s0+$0x9960];
	[tilespmem:s0+$0x1510] =	vst v40;
	v52 =	vadd.f32 v62, v61  }
0xdc: {  	v51 =	vld [tilespmem:s0+$0x9540];
	[tilespmem:s0+$0x1140] =	vst v3;
	v3 =	vadd.f32 v21, v20  }
0xdd: {  	v61 =	vadd.f32 v15, v14;
	v62 =	vld [tilespmem:s0+$0x1900];
	[tilespmem:s0+$0xD50] =	vst v52  }
0xde: {  	v56 =	vld [tilespmem:s0+$0x1560];
	[tilespmem:s0+$0x1160] =	vst v3;
	v3 =	vadd.f32 v39, v24  }
0xdf: {  	v55 =	vadd.f32 v7, v6;
	[tilespmem:s0+$0x1130] =	vst v61;
	v52 =	vld [tilespmem:s0+$0x9970]  }
0xe0: {  	v43 =	vadd.f32 v48, v47;
	v47 =	vld [tilespmem:s0+$0x1960];
	[tilespmem:s0+$0x1500] =	vst v3;
	v3 =	vadd.f32 v45, v44  }
0xe1: {  	[tilespmem:s0+$0xD70] =	vst v55;
	v63 =	vld [tilespmem:s0+$0x9900]  }
0xe2: {  	v59 =	vld [tilespmem:s0+$0x1570];
	[tilespmem:s0+$0x1520] =	vst v3;
	v3 =	vadd.f32 v51, v50  }
0xe3: {  	[tilespmem:s0+$0x1530] =	vst v43;
	v4 =	vadd.f32 v54, v53;
	v39 =	vld [tilespmem:s0+$0x9920]  }
0xe4: {  	v60 =	vld [tilespmem:s0+$0x9570];
	[tilespmem:s0+$0x1540] =	vst v3;
	v3 =	vadd.f32 v57, v56  }
0xe5: {  	v54 =	vadd.f32 v42, v41;
	[tilespmem:s0+$0x1550] =	vst v4;
	v45 =	vld [tilespmem:s0+$0x1950]  }
0xe6: {  	v53 =	vld [tilespmem:s0+$0x9940];
	[tilespmem:s0+$0x1560] =	vst v3;
	v3 =	vadd.f32 v63, v62  }
0xe7: {  	[tilespmem:s0+$0x1930] =	vst v54;
	v55 =	vadd.f32 v49, v47;
	v50 =	vld [tilespmem:s0+$0x1970]  }
0xe8: {  	v44 =	vld [tilespmem:s0+$0x1940];
	[tilespmem:s0+$0x1900] =	vst v3;
	v3 =	vadd.f32 v39, v38  }
0xe9: {  	v48 =	vadd.f32 v60, v59;
	[tilespmem:s0+$0x1960] =	vst v55  }
0xea: {  	[tilespmem:s0+$0x1920] =	vst v3;
	v3 =	vadd.f32 v46, v45  }
0xeb: {  	s11 =	sand.u32 $0x7, s28;
	[tilespmem:s0+$0x1570] =	vst v48;
	v51 =	vadd.f32 v36, v35  }
0xec: {  	s3 =	sshll.u32 s11, $0x7;
	[tilespmem:s0+$0x1950] =	vst v3;
	v3 =	vadd.f32 v52, v50  }
0xed: {  	s3 =	sadd.s32 s3, s30;
	[tilespmem:s0+$0x1910] =	vst v51;
	v56 =	vadd.f32 v53, v44  }
0xee: {  	s11 =	sor.u32 $0x1C00, s3;
	[tilespmem:s0+$0x1970] =	vst v3  }
0xef: {  	[tilespmem:s0+$0x1940] =	vst v56;
	v3 =	vld [tilespmem:s11+$0x100]  }
0xf0: {  	v4 =	vld [tilespmem:s11+$0x8100];
	_ =	sdelay $0x4  }
0xf1: {  	v3 =	vadd.f32 v4, v3;
	_ =	sdelay $0x1  }
0xf2: {  	[tilespmem:s11+$0x100] =	vst v3;
	s11 =	sor.u32 $0x1C10, s3  }
0xf3: {  	v3 =	vld [tilespmem:s11+$0x100]  }
0xf4: {  	v57 =	vld [tilespmem:s11+$0x8100];
	_ =	sdelay $0x4  }
0xf5: {  	v3 =	vadd.f32 v57, v3;
	_ =	sdelay $0x1  }
0xf6: {  	[tilespmem:s11+$0x100] =	vst v3;
	s11 =	sor.u32 $0x1C20, s3  }
0xf7: {  	v3 =	vld [tilespmem:s11+$0x100]  }
0xf8: {  	v58 =	vld [tilespmem:s11+$0x8100];
	_ =	sdelay $0x4  }
0xf9: {  	v3 =	vadd.f32 v58, v3;
	_ =	sdelay $0x1  }
0xfa: {  	[tilespmem:s11+$0x100] =	vst v3;
	s11 =	sor.u32 $0x1C30, s3  }
0xfb: {  	v3 =	vld [tilespmem:s11+$0x100]  }
0xfc: {  	v59 =	vld [tilespmem:s11+$0x8100];
	_ =	sdelay $0x4  }
0xfd: {  	v3 =	vadd.f32 v59, v3;
	_ =	sdelay $0x1  }
0xfe: {  	[tilespmem:s11+$0x100] =	vst v3;
	s11 =	sor.u32 $0x1C40, s3  }
0xff: {  	v3 =	vld [tilespmem:s11+$0x100]  }
0x100: {  	v60 =	vld [tilespmem:s11+$0x8100];
	_ =	sdelay $0x4  }
0x101: {  	v3 =	vadd.f32 v60, v3;
	_ =	sdelay $0x1  }
0x102: {  	[tilespmem:s11+$0x100] =	vst v3;
	s11 =	sor.u32 $0x1C50, s3  }
0x103: {  	v3 =	vld [tilespmem:s11+$0x100]  }
0x104: {  	v61 =	vld [tilespmem:s11+$0x8100];
	_ =	sdelay $0x4  }
0x105: {  	v3 =	vadd.f32 v61, v3;
	_ =	sdelay $0x1  }
0x106: {  	[tilespmem:s11+$0x100] =	vst v3;
	s11 =	sor.u32 $0x1C60, s3  }
0x107: {  	v3 =	vld [tilespmem:s11+$0x100]  }
0x108: {  	v62 =	vld [tilespmem:s11+$0x8100];
	_ =	sdelay $0x4  }
0x109: {  	v3 =	vadd.f32 v62, v3;
	_ =	sdelay $0x1  }
0x10a: {  	[tilespmem:s11+$0x100] =	vst v3;
	s11 =	sor.u32 $0x1C70, s3  }
0x10b: {  	v3 =	vld [tilespmem:s11+$0x100]  }
0x10c: {  	v63 =	vld [tilespmem:s11+$0x8100];
	_ =	sdelay $0x1  }
0x10d: {  	p1 =	sne.s32 s31, $0xF80  }
.Ltmp0:
0x10e: {  	_ = 	snop;
	(pc) =	sbr.rel @p1 .LBB2_3-.Ltmp0, $4  }
0x10f: {  	_ = 	snop  }
0x110: {  	v3 =	vadd.f32 v63, v3  }
0x111: {  	s28 =	sadd.s32 $0x1, s28  }
0x112: {  	s29 =	sadd.s32 $0x400, s29;
	s31 =	sadd.s32 $0x80, s31;
	s30 =	sadd.s32 $0x400, s30;
	[tilespmem:s11+$0x100] =	vst v3  }
0x113: {  	s0 =	sshll.u32 s26, $0x7;
	s3 =	rddreg [dreg:$0x1]  }
.Ltmp1:
0x114: {  	s31 =	simm.s32 $0x0;
	s0 =	sadd.s32 s3, s0;
	(pc) =	sbr.rel @p0 .LBB2_2-.Ltmp1, $4  }
0x115: {  	[hbm4b:s0+s31] =	stream.linear.scatter [tilespmem:s14], [sflag:$0x3], $0x8000, $0x38;
	[tilespmem:$0x10100] =	vst v63  }
0x116: {  	_ =	swait.ge [sflag:s12], $0x8000  }
0x117: {  	[sflag:s12] =	ssyncset.done $0x0  }
0x118: {  	p1 =	por $0x0, $0x0;
	s0 =	simm.s32 $0x20;
	[sflag:s12] =	ssyncadd.s32 $0xFFFF8000  }
0x119: {  	s3 =	rddreg [dreg:$0x4]  }
0x11a: {  	s0 =	rddreg [dreg:$0x3];
	s3 =	sadd.s32 $0x1, s3  }
0x11b: {  	p0 =	sne.s32 s3, s0  }
.Ltmp2:
0x11c: {  	_ = 	snop;
	(pc) =	sbr.rel @p0 .LBB2_1-.Ltmp2, $1  }
0x11d: {  	_ =	sdelay $0x3  }
0x11e: {  	_ =	sfence.sel $0x180000  }
0x11f: {  	[bflag:$0x0] =	sbarrier.arrive $0xFFFF  }
0x120: {  	_ =	strace $0x9000005C  }
0x121: {  	s0 =	stileid.u32;
	[bflag:$0x2] =	sbarrier.arrive $0xFFFF  }
0x122: {  	p0 =	sne.s32 s0, $0x0;
	s0 =	rddreg [dreg:$0x2]  }
0x123: {  	s0 =	sadd.s32 @!p0 $0x100000, s0  }
0x124: {  	[sflag:s0] =	ssyncadd.tile.s32 @!p0 $0x1;
	_ =	shalt  }
.Lfunc_end2:
_tile_overlayer_lowered:
.L_overlay_start_2:
0x125: {  	(tag) =	ssettag $0x2  }
0x126: {  	s0 =	rddreg [dreg:$0x0];
	s2 =	stileid.u32  }
0x127: {  	s1 =	rddreg [dreg:$0x1];
	p0 =	sne.s32 s2, $0x0  }
0x128: {  	s3 =	rddreg [dreg:$0x2];
	[bflag:$0x3] =	sbarrier.arrive $0xFFFF;
	s2 =	simm.s32 @!p0 $0x1C03  }
0x129: {  	[timem:s3], [sflag:s2] =	dma.local @!p0 [hbm:s0], s1  }
0x12a: {  	s0 =	simm.s32 @!p0 $0x3  }
0x12b: {  	_ =	swait.ge @!p0 [sflag:s0], s1  }
0x12c: {  	s1 =	ssub.s32 @!p0 $0x0, s1;
	[sflag:s0] =	ssyncset.done @!p0 $0x0  }
0x12d: {  	[sflag:s0] =	ssyncadd.s32 @!p0 s1  }
0x12e: {  	[bflag:$0x3] =	sbarrier.arrive $0xFFFF  }
0x12f: {  	_ =	shalt  }

// kernel: kernel.7.cloned.1.call-start
scs
__scs_entry_jumppad:
0x0: {  	(pc) =	sbr.rel $0x88, $3  }
0x1: {  	(tag) =	ssettag $0x0;
	lr =	simm.s32 $0x1  }
0x2: {  	[smem:$0x3F9C] =	sst lr;
	_ =	strace $0xD0000000  }
0x3: {  	_ = 	snop  }
0x4: {  	_ = 	snop  }
0x5: {  	_ = 	snop  }
0x6: {  	_ = 	snop  }
0x7: {  	_ = 	snop  }
__scs_overlays_trampoline_lowered:
0x8: {  	[smem:$0x3FAB] =	sst s0  }
0x9: {  	[smem:$0x3FAC] =	sst s1  }
0xa: {  	[smem:$0x3FAD] =	sst s2  }
0xb: {  	[smem:$0x3FAE] =	sst s3  }
0xc: {  	[smem:$0x3FAF] =	sst s4  }
0xd: {  	[smem:$0x3FB0] =	sst s5  }
0xe: {  	[smem:$0x3FB1] =	sst s6  }
0xf: {  	[smem:$0x3FB2] =	sst s7  }
0x10: {  	[smem:$0x3FB3] =	sst s8  }
0x11: {  	[smem:$0x3FB4] =	sst s9;
	s0 =	simm.s32 @!p0 $0x0  }
0x12: {  	s1 =	sld [smem:$0x3F9A];
	s0 =	simm.s32 @p0 $0x1  }
0x13: {  	[smem:$0x3FB5] =	sst s0;
	s0 =	simm.s32 @!p1 $0x0  }
0x14: {  	s2 =	sld [smem:$0x3F99];
	s0 =	simm.s32 @p1 $0x1  }
0x15: {  	[smem:$0x3FB6] =	sst s0;
	s0 =	simm.s32 @!p2 $0x0  }
0x16: {  	s3 =	sld [smem:$0x3FDB];
	s0 =	simm.s32 @p2 $0x1  }
0x17: {  	s4 =	simm.s32 $0x1BF5;
	[smem:$0x3FB8] =	sst s0  }
0x18: {  	s0 =	sld [smem:$0x3F9B];
	_ =	swait.ge [sflag:s4], $0x0  }
0x19: {  	s7 =	sld [smem:$0x3F9C]  }
0x1a: {  	s8 =	sadd.s32 $0xFFFFE003, lr  }
0x1b: {  	s9 =	sadd.s32 $0xFFFFFEF7, lr;
	s5 =	simm.s32 $0xFFFFFFFF;
	p2 =	slt.u32 s8, $0xFFFFF086  }
0x1c: {  	p1 =	slt.u32 s9, $0xF7A;
	s5 =	simm.s32 @!p2 $0x0  }
0x1d: {  	s5 =	simm.s32 @p1 $0x1;
	p0 =	seq.s32 s7, s2  }
0x1e: {  	s7 =	smul.u32 @!p0 $0xF7A, s2;
	p2 =	seq.s32 @!p0 s5, $0x0  }
0x1f: {  	s9 =	smul.u32 $0xF7A, s1;
	s8 =	simm.s32 @!p0 $0x1BF5;
	p2 =	por !p2, p0  }
0x20: {  	[sflag:s8] =	ssyncset.s32 @!p0 $0xFFFFF086;
	s6 =	sadd.s32 @!p0 s3, s7;
	s7 =	simm.s32 @!p0 $0x108  }
0x21: {  	s3 =	sadd.s32 s3, s9;
	s6 =	sadd.s32 @!p0 $0x88, s6;
	s7 =	simm.s32 @p2 $0x1082  }
0x22: {  	[simem:s7], [sflag:s8] =	dma.local @!p0 [hbm:s6], $0xF7A  }
0x23: {  	s9 =	sor.u32 $0xD0000000, s2;
	s6 =	simm.s32 $0x108;
	_ =	swait.ge @!p0 [sflag:s8], $0x0  }
0x24: {  	s3 =	sadd.s32 $0x88, s3;
	s6 =	simm.s32 @!p1 $0x1082;
	[sflag:s4] =	ssyncset.s32 $0xFFFFF086  }
0x25: {  	[simem:s6], [sflag:s4] =	dma.local [hbm:s3], $0xF7A  }
0x26: {  	[smem:$0x3F9C] =	sst s1;
	(tag) =	ssettag s2;
	_ =	strace s9  }
0x27: {  	s1 =	sld [smem:$0x3FAC]  }
0x28: {  	s2 =	sld [smem:$0x3FAD]  }
0x29: {  	s4 =	sld [smem:$0x3FAF]  }
0x2a: {  	p0 =	seq.s32 s5, $0x0;
	s5 =	sld [smem:$0x3FB0]  }
0x2b: {  	s6 =	sld [smem:$0x3FB1]  }
0x2c: {  	s7 =	sld [smem:$0x3FB2]  }
0x2d: {  	s3 =	simm.s32 $0x108;
	s8 =	sld [smem:$0x3FB3]  }
0x2e: {  	s3 =	simm.s32 @!p0 $0x1082;
	s9 =	sld [smem:$0x3FB4]  }
0x2f: {  	lr =	sadd.s32 s0, s3;
	s0 =	sld [smem:$0x3FAB]  }
0x30: {  	s3 =	sld [smem:$0x3FAE]  }
0x31: {  	[smem:$0x3FB7] =	sst s10  }
0x32: {  	s10 =	sld [smem:$0x3FB5];
	_ =	sdelay $0x3  }
0x33: {  	p0 =	seq.s32 s10, $0x1;
	s10 =	sld [smem:$0x3FB7];
	_ =	sdelay $0x3  }
0x34: {  	[smem:$0x3FB7] =	sst s10  }
0x35: {  	s10 =	sld [smem:$0x3FB6];
	_ =	sdelay $0x3  }
0x36: {  	p1 =	seq.s32 s10, $0x1;
	s10 =	sld [smem:$0x3FB7];
	_ =	sdelay $0x3  }
0x37: {  	[smem:$0x3FB7] =	sst s10  }
0x38: {  	s10 =	sld [smem:$0x3FB8]  }
0x39: {  	_ = 	snop;
	(pc) =	sbr.ind lr, $3  }
0x3a: {  	_ = 	snop  }
0x3b: {  	_ = 	snop  }
0x3c: {  	p2 =	seq.s32 s10, $0x1;
	s10 =	sld [smem:$0x3FB7]  }
0x3d: {  	_ =	shalt  }
0x3e: {  	_ =	shalt  }
0x3f: {  	_ =	shalt  }
0x40: {  	_ =	shalt  }
0x41: {  	_ =	shalt  }
0x42: {  	_ =	shalt  }
0x43: {  	_ =	shalt  }
0x44: {  	_ =	shalt  }
0x45: {  	_ =	shalt  }
0x46: {  	_ =	shalt  }
0x47: {  	_ =	shalt  }
0x48: {  	_ =	shalt  }
0x49: {  	_ =	shalt  }
0x4a: {  	_ =	shalt  }
0x4b: {  	_ =	shalt  }
0x4c: {  	_ =	shalt  }
0x4d: {  	_ =	shalt  }
0x4e: {  	_ =	shalt  }
0x4f: {  	_ =	shalt  }
0x50: {  	_ =	shalt  }
0x51: {  	_ =	shalt  }
0x52: {  	_ =	shalt  }
0x53: {  	_ =	shalt  }
0x54: {  	_ =	shalt  }
0x55: {  	_ =	shalt  }
0x56: {  	_ =	shalt  }
0x57: {  	_ =	shalt  }
0x58: {  	_ =	shalt  }
0x59: {  	_ =	shalt  }
0x5a: {  	_ =	shalt  }
0x5b: {  	_ =	shalt  }
0x5c: {  	_ =	shalt  }
0x5d: {  	_ =	shalt  }
0x5e: {  	_ =	shalt  }
0x5f: {  	_ =	shalt  }
0x60: {  	_ =	shalt  }
0x61: {  	_ =	shalt  }
0x62: {  	_ =	shalt  }
0x63: {  	_ =	shalt  }
0x64: {  	_ =	shalt  }
0x65: {  	_ =	shalt  }
0x66: {  	_ =	shalt  }
0x67: {  	_ =	shalt  }
0x68: {  	_ =	shalt  }
0x69: {  	_ =	shalt  }
0x6a: {  	_ =	shalt  }
0x6b: {  	_ =	shalt  }
0x6c: {  	_ =	shalt  }
0x6d: {  	_ =	shalt  }
0x6e: {  	_ =	shalt  }
0x6f: {  	_ =	shalt  }
0x70: {  	_ =	shalt  }
0x71: {  	_ =	shalt  }
0x72: {  	_ =	shalt  }
0x73: {  	_ =	shalt  }
0x74: {  	_ =	shalt  }
0x75: {  	_ =	shalt  }
0x76: {  	_ =	shalt  }
0x77: {  	_ =	shalt  }
0x78: {  	_ =	shalt  }
0x79: {  	_ =	shalt  }
0x7a: {  	_ =	shalt  }
0x7b: {  	_ =	shalt  }
0x7c: {  	_ =	shalt  }
0x7d: {  	_ =	shalt  }
0x7e: {  	_ =	shalt  }
0x7f: {  	_ =	shalt  }
0x80: {  	_ =	shalt  }
0x81: {  	_ =	shalt  }
0x82: {  	_ =	shalt  }
0x83: {  	_ =	shalt  }
0x84: {  	_ =	shalt  }
0x85: {  	_ =	shalt  }
0x86: {  	_ =	shalt  }
0x87: {  	_ =	shalt  }
.Lfunc_end0:
.L_simem_size_0:
called_computation.6_lowered:
.L_overlay_start_0:
0x88: {  	s2 =	sld [smem:$0x3FD9]  }
0x89: {  	s3 =	sld [smem:$0x3FFE];
	_ =	sdelay $0x1  }
0x8a: {  	s1 =	srdreg.scid  }
0x8b: {  	s0 =	sand.u32 $0x1, s1  }
0x8c: {  	s17 =	sshll.u32 s0, $0xA;
	s2 =	sadd.s32 s3, s2  }
0x8d: {  	s2 =	sadd.s32 s2, s17  }
0x8e: {  	[smem:$0x3FC3] =	sst s2  }
0x8f: {  	_ = 	snop  }
0x90: {  	s18 =	sld [smem:$0x3FC9];
	(tm) =	ssettm $0x1  }
0x91: {  	s19 =	sld [smem:$0x3FFB];
	_ =	sdelay $0x3  }
0x92: {  	_ =	strace s19  }
0x93: {  	s2 =	sld [smem:$0x3FFC];
	_ =	sdelay $0x3  }
0x94: {  	_ =	strace s2  }
0x95: {  	s2 =	sld [smem:$0x3FFD];
	_ =	sdelay $0x3  }
0x96: {  	_ =	strace s2  }
0x97: {  	_ =	strace $0x8FFFFFFF  }
0x98: {  	s20 =	sld [smem:$0x3FDB];
	_ =	sdelay $0x1  }
0x99: {  	s4 =	simm.s32 $_scs_section_size  }
0x9a: {  	s5 =	simm.s32 $_size__tile_overlayer_lowered;
	s6 =	simm.s32 $_tile_overlayer_lowered  }
0x9b: {  	s7 =	simm.s32 $0x1BFF;
	s21 =	sshll.u32 s6, $0x1;
	s4 =	sadd.s32 s4, s20  }
0x9c: {  	s22 =	simm.s32 $0x0;
	s5 =	sshll.u32 s5, $0x1;
	s6 =	sadd.s32 s21, s4  }
0x9d: {  	[timem:s22], [sflag:s7] =	dma.local [hbm:s6], s5  }
0x9e: {  	_ =	swait.ge [sflag:s7], s5  }
0x9f: {  	s5 =	ssub.s32 $0x0, s5;
	[sflag:s7] =	ssyncset.done $0x0  }
0xa0: {  	[sflag:s7] =	ssyncadd.s32 s5;
	_ =	sdelay $0x1  }
0xa1: {  	s23 =	simm.s32 $0x1B8B  }
0xa2: {  	_ =	swait.ge [sflag:s23], $0x1  }
0xa3: {  	[sflag:s23] =	ssyncset.done $0x0  }
0xa4: {  	[sflag:s23] =	ssyncadd.s32 $0xFFFFFFFF  }
0xa5: {  	s5 =	sld [smem:$0x0]  }
0xa6: {  	s6 =	sand.u32 $0xFFFFFFFE, s1  }
0xa7: {  	p0 =	sne.s32 s1, s6  }
0xa8: {  	s6 =	sshll.u32 @p0 s6, $0xE  }
0xa9: {  	s6 =	sadd.s32 @p0 $0x11B8D, s6;
	s7 =	sshll.u32 @p0 s5, $0x11  }
0xaa: {  	s6 =	sor.u32 @p0 s7, s6  }
0xab: {  	[sflag:s6] =	ssyncadd.remote.s32 @p0 $0x1;
	_ =	sdelay $0x1  }
0xac: {  	s6 =	simm.s32 @p0 $0x1B8D  }
0xad: {  	_ =	swait.eq @p0 [sflag:s6], $0x1  }
0xae: {  	[sflag:s6] =	ssyncadd.s32 @p0 $0xFFFFFFFF  }
0xaf: {  	s7 =	sshll.u32 @!p0 s1, $0xE  }
0xb0: {  	s7 =	sor.u32 @!p0 $0x4000, s7;
	s6 =	simm.s32 @!p0 $0x1B8D  }
0xb1: {  	s5 =	sshll.u32 @!p0 s5, $0x11;
	s7 =	sadd.s32 @!p0 $0x11B8D, s7;
	_ =	swait.eq @!p0 [sflag:s6], $0x1  }
0xb2: {  	s5 =	sor.u32 @!p0 s5, s7;
	[sflag:s6] =	ssyncadd.s32 @!p0 $0xFFFFFFFF  }
0xb3: {  	s25 =	simm.s32 $0x1B8E;
	s24 =	sld [smem:$0x3FFE];
	[sflag:s5] =	ssyncadd.remote.s32 @!p0 $0x1  }
0xb4: {  	s26 =	simm.s32 $execute0_lowered;
	[smem:$0x3FD2] =	sst s25  }
0xb5: {  	s6 =	sshll.u32 s26, $0x1;
	_ =	strace $0x80000058;
	[dreg:$0x1] =	wrdreg $0xFFFFFFFF  }
0xb6: {  	s28 =	simm.s32 $_size_execute0_lowered;
	s4 =	sadd.s32 s4, s6;
	[dreg:$0x0] =	wrdreg $0x0  }
0xb7: {  	s6 =	sshll.u32 s28, $0x1;
	[dreg:$0x2] =	wrdreg s4  }
0xb8: {  	[dreg:$0x3] =	wrdreg s6  }
0xb9: {  	[dreg:$0x4] =	wrdreg $0xC0  }
0xba: {  	_ =	task [dreg:s22], $0x5FFFF  }
0xbb: {  	[dreg:$0x1] =	wrdreg $0xFFFFFFFF  }
0xbc: {  	[dreg:$0x0] =	wrdreg $0x60  }
0xbd: {  	[dreg:$0x2] =	wrdreg s18  }
0xbe: {  	[dreg:$0x3] =	wrdreg s24  }
0xbf: {  	[dreg:$0x4] =	wrdreg $0xB  }
0xc0: {  	_ =	task.clear_ibuf [dreg:s22], $0x5FFFF;
	_ =	strace $0x90000058  }
0xc1: {  	s29 =	simm.s32 $0xB;
	_ =	strace $0x8000005A  }
0xc2: {  	_ =	swait.ge [sflag:s29], $0x1  }
0xc3: {  	[sflag:s29] =	ssyncadd.s32 $0xFFFFFFFF  }
0xc4: {  	_ =	strace $0x9000005A  }
0xc5: {  	_ =	sfence  }
0xc6: {  	s30 =	sld [smem:$0x0];
	_ =	sdelay $0x2  }
0xc7: {  	s31 =	sshll.u32 s1, $0xD;
	s1 =	sshrl.u32 s1, $0x2  }
0xc8: {  	s4 =	sand.u32 $0x4000, s31;
	s1 =	sadd.s32 s1, s30  }
0xc9: {  	s0 =	sor.u32 s4, s0;
	s1 =	sshll.u32 s1, $0x11  }
0xca: {  	s0 =	sor.u32 s1, s0  }
0xcb: {  	s0 =	sadd.s32 $0x8F2B, s0  }
0xcc: {  	[sflag:s0] =	ssyncadd.remote.s32 $0x1  }
0xcd: {  	_ =	sfence.sel $0xFFFF  }
0xce: {  	[dreg:$0x0] =	wrdreg $0xFFFFFFFF;
	(pc) =	sbr.abs _section_cstart, $3  }
0xcf: {  	[dreg:$0x1] =	wrdreg $0xFFFFFFFF  }
0xd0: {  	_ =	task.clear_ibuf [dreg:s22], $0x2FFFF;
	_ =	strace $0x9FFFFFFF  }
0xd1: {  	(tm) =	ssettm $0x7FFFFFFF  }
tec
execute0_lowered:
.L_overlay_start_1:
0x0: {  	(tag) =	ssettag $0x1  }
0x1: {  	s2 =	rddreg [dreg:$0x0];
	s0 =	srdreg.scid  }
0x2: {  	s3 =	stileid.u32;
	s1 =	rddreg [dreg:$0x1];
	s28 =	simm.s32 $0x2400  }
0x3: {  	s29 =	simm.s32 $0x2C00;
	s0 =	sand.u32 $0x1, s0;
	s4 =	sshll.u32 s3, $0x1  }
0x4: {  	s30 =	simm.s32 $0x3400;
	s31 =	simm.s32 $0x3C00;
	s4 =	sor.u32 s0, s4  }
0x5: {  	s3 =	simm.s32 $0x0;
	s6 =	sadd.s32 $0x2400, s1;
	s5 =	smul.u32 $0xC0, s4  }
0x6: {  	s1 =	sadd.s32 $0x2800, s1;
	[smem:$0x7FF] =	sst s3;
	s0 =	ssub.s32 $0x2, s0  }
0x7: {  	_ =	strace $0x80000059;
	s4 =	smul.u32 $0x6000, s4;
	s7 =	sshrl.u32 s5, $0x3  }
0x8: {  	s8 =	sor.u32 $0x18, s5;
	s10 =	sor.u32 $0x30, s5;
	s19 =	sadd.s32 $0x48, s5  }
0x9: {  	s11 =	sadd.s32 $0x60, s5;
	s13 =	sadd.s32 $0x78, s5;
	s24 =	sadd.s32 $0x90, s5  }
0xa: {  	s5 =	sadd.s32 $0xA8, s5;
	s4 =	sadd.s32 s1, s4;
	s7 =	sadd.s32 s6, s7  }
0xb: {  	s9 =	sshrl.u32 s8, $0x3;
	s17 =	sshrl.u32 s10, $0x3;
	s20 =	sshrl.u32 s19, $0x3  }
0xc: {  	s12 =	sshrl.u32 s11, $0x3;
	s22 =	sshrl.u32 s13, $0x3;
	[dreg:$0xb] =	wrdreg s4  }
0xd: {  	s25 =	sshrl.u32 s24, $0x3;
	[dreg:$0x3] =	wrdreg s7;
	s16 =	sadd.s32 s6, s9  }
0xe: {  	s14 =	sshrl.u32 s5, $0x3;
	s18 =	sadd.s32 s6, s17;
	[dreg:$0x4] =	wrdreg s16  }
0xf: {  	s26 =	sshll.u32 s8, $0x7;
	s7 =	sadd.s32 s6, s20;
	[dreg:$0x5] =	wrdreg s18  }
0x10: {  	s11 =	sshll.u32 s11, $0x7;
	s21 =	sadd.s32 s6, s12;
	[dreg:$0x6] =	wrdreg s7  }
0x11: {  	s15 =	sshll.u32 s13, $0x7;
	s23 =	sadd.s32 s6, s22;
	[dreg:$0x7] =	wrdreg s21  }
0x12: {  	s5 =	sshll.u32 s5, $0x7;
	s20 =	simm.s32 $0x80;
	[dreg:$0x8] =	wrdreg s23  }
0x13: {  	s4 =	sadd.s32 $0x100, s2;
	s22 =	simm.s32 $0x180;
	[dreg:$0x13] =	wrdreg s20  }
0x14: {  	s17 =	sshll.u32 s24, $0x7;
	s24 =	simm.s32 $0x280;
	[dreg:$0x15] =	wrdreg s22  }
0x15: {  	s9 =	sshll.u32 s19, $0x7;
	s7 =	sadd.s32 s6, s25;
	[dreg:$0x17] =	wrdreg s24  }
0x16: {  	s19 =	sshrl.u32 s0, $0x1;
	s6 =	sadd.s32 s6, s14;
	[dreg:$0x9] =	wrdreg s7  }
0x17: {  	s14 =	sadd.s32 s1, s11;
	s16 =	sadd.s32 s1, s15;
	[dreg:$0xa] =	wrdreg s6  }
0x18: {  	s18 =	sadd.s32 s1, s17;
	s0 =	ssub.s32 s0, s19;
	[dreg:$0xf] =	wrdreg s14  }
0x19: {  	s21 =	simm.s32 $0x100;
	s23 =	simm.s32 $0x200;
	[dreg:$0x10] =	wrdreg s16  }
0x1a: {  	s25 =	simm.s32 $0x300;
	s15 =	simm.s32 $0x6400;
	[dreg:$0x11] =	wrdreg s18  }
0x1b: {  	s19 =	simm.s32 $0xAC00;
	s20 =	simm.s32 $0xB400;
	[dreg:$0x14] =	wrdreg s21  }
0x1c: {  	s6 =	sadd.s32 s1, s26;
	s7 =	sshll.u32 s10, $0x7;
	[dreg:$0x16] =	wrdreg s23  }
0x1d: {  	s10 =	sadd.s32 s1, s9;
	s18 =	smax.u32 s0, $0x1;
	[dreg:$0x18] =	wrdreg s25  }
0x1e: {  	s26 =	simm.s32 $0x380;
	s25 =	simm.s32 $0x1400;
	s23 =	simm.s32 $0x7400  }
0x1f: {  	s21 =	simm.s32 $0xBC00;
	s9 =	simm.s32 $0x12400;
	[dreg:$0xc] =	wrdreg s6  }
0x20: {  	s8 =	sadd.s32 s1, s7;
	[dreg:$0xe] =	wrdreg s10;
	s1 =	sadd.s32 s1, s5  }
0x21: {  	v2 =	vlaneseq.u32;
	s5 =	sadd.s32 $0x200, s2;
	s6 =	sadd.s32 $0x300, s2;
	[dreg:$0x19] =	wrdreg s26  }
0x22: {  	vm0 =	vmmov $0xffff;
	v1 =	vshrl.u32 v2, $0x3;
	s26 =	simm.s32 $0x1C00;
	s10 =	simm.s32 $0xC400;
	[dreg:$0xd] =	wrdreg s8  }
0x23: {  	v0 =	vand.u32 $0x7, v2;
	v2 =	vor.u32 $0x8, v2;
	v1 =	vmul.u32 $0x8, v1;
	[dreg:$0x12] =	wrdreg s1;
	s8 =	simm.s32 $0x9;
	s1 =	simm.s32 $0x5  }
.LBB2_1:
0x24: {  	s22 =	rddreg [dreg:$0x3]  }
0x25: {  	[tilespmem:s3], [sflag:$0x9] =	stream.linear.gather [hbm4b:s22+s3], $0x18, $0x38;
	[tilespmem:$0x18400] =	vst v63  }
0x26: {  	_ =	swait.ge [sflag:s8], $0x18  }
0x27: {  	s14 =	rddreg [dreg:$0x4];
	[sflag:s8] =	ssyncset.done $0x0  }
0x28: {  	s24 =	rddreg [dreg:$0x13];
	[sflag:s8] =	ssyncadd.s32 $0xFFFFFFE8  }
0x29: {  	[tilespmem:s24], [sflag:$0x9] =	stream.linear.gather [hbm4b:s14+s3], $0x18, $0x38;
	[tilespmem:$0x18400] =	vst v63  }
0x2a: {  	_ =	swait.ge [sflag:s8], $0x18  }
0x2b: {  	s16 =	rddreg [dreg:$0x5];
	[sflag:s8] =	ssyncset.done $0x0  }
0x2c: {  	s17 =	rddreg [dreg:$0x14];
	[sflag:s8] =	ssyncadd.s32 $0xFFFFFFE8  }
0x2d: {  	[tilespmem:s17], [sflag:$0x9] =	stream.linear.gather [hbm4b:s16+s3], $0x18, $0x38;
	[tilespmem:$0x18400] =	vst v63  }
0x2e: {  	_ =	swait.ge [sflag:s8], $0x18  }
0x2f: {  	s0 =	rddreg [dreg:$0x6];
	[sflag:s8] =	ssyncset.done $0x0  }
0x30: {  	s7 =	rddreg [dreg:$0x15];
	[sflag:s8] =	ssyncadd.s32 $0xFFFFFFE8  }
0x31: {  	[tilespmem:s7], [sflag:$0x9] =	stream.linear.gather [hbm4b:s0+s3], $0x18, $0x38;
	[tilespmem:$0x18400] =	vst v63  }
0x32: {  	_ =	swait.ge [sflag:s8], $0x18  }
0x33: {  	s11 =	rddreg [dreg:$0x7];
	[sflag:s8] =	ssyncset.done $0x0  }
0x34: {  	s12 =	rddreg [dreg:$0x16];
	[sflag:s8] =	ssyncadd.s32 $0xFFFFFFE8  }
0x35: {  	[tilespmem:s12], [sflag:$0x9] =	stream.linear.gather [hbm4b:s11+s3], $0x18, $0x38;
	[tilespmem:$0x18400] =	vst v63  }
0x36: {  	_ =	swait.ge [sflag:s8], $0x18  }
0x37: {  	s13 =	rddreg [dreg:$0x8];
	[sflag:s8] =	ssyncset.done $0x0  }
0x38: {  	s14 =	rddreg [dreg:$0x17];
	[sflag:s8] =	ssyncadd.s32 $0xFFFFFFE8  }
0x39: {  	[tilespmem:s14], [sflag:$0x9] =	stream.linear.gather [hbm4b:s13+s3], $0x18, $0x38;
	[tilespmem:$0x18400] =	vst v63  }
0x3a: {  	_ =	swait.ge [sflag:s8], $0x18  }
0x3b: {  	s16 =	rddreg [dreg:$0x9];
	[sflag:s8] =	ssyncset.done $0x0  }
0x3c: {  	s17 =	rddreg [dreg:$0x18];
	[sflag:s8] =	ssyncadd.s32 $0xFFFFFFE8  }
0x3d: {  	[tilespmem:s17], [sflag:$0x9] =	stream.linear.gather [hbm4b:s16+s3], $0x18, $0x38;
	[tilespmem:$0x18400] =	vst v63  }
0x3e: {  	_ =	swait.ge [sflag:s8], $0x18  }
0x3f: {  	s24 =	rddreg [dreg:$0xa];
	[sflag:s8] =	ssyncset.done $0x0  }
0x40: {  	s0 =	rddreg [dreg:$0x19];
	[sflag:s8] =	ssyncadd.s32 $0xFFFFFFE8  }
0x41: {  	[tilespmem:s0], [sflag:$0x9] =	stream.linear.gather [hbm4b:s24+s3], $0x18, $0x38;
	[tilespmem:$0x18400] =	vst v63  }
0x42: {  	_ =	swait.ge [sflag:s8], $0x18  }
0x43: {  	[sflag:s8] =	ssyncset.done $0x0  }
0x44: {  	[sflag:s8] =	ssyncadd.s32 $0xFFFFFFE8  }
0x45: {  	v3 =	vld [tilespmem:$0x0];
	_ =	sdelay $0x4  }
0x46: {  	v4 =	vshll.u32 v3, $0x3  }
0x47: {  	v3 =	vand.u32 $0x7, v3;
	v4 =	vand.u32 $0xFFFFFFC0, v4  }
0x48: {  	v3 =	vor.u32 v3, v4  }
0x49: {  	v4 =	vperm.xlane v3, v0;
	_ =	sdelay $0x1  }
0x4a: {  	v4 =	vadd.s32 v1, v4;
	_ =	sdelay $0x3  }
0x4b: {  	s0 =	simm.s32 $0x400  }
0x4c: {  	[tilespmem:s0], [sflag:$0x1] =	stream.indirect_vreg.gather [hbm4b:s2+s3], $0x80, v4, vm0, $0xb8;
	[tilespmem:$0x18400] =	vst v63  }
0x4d: {  	s24 =	simm.s32 $0xC00;
	v3 =	vperm.xlane v3, v2  }
0x4e: {  	[tilespmem:s24], [sflag:$0x1] =	stream.indirect_vreg.gather [hbm4b:s4+s3], $0x80, v4, vm0, $0xb8;
	[tilespmem:$0x18400] =	vst v63  }
0x4f: {  	v3 =	vadd.s32 v1, v3  }
0x50: {  	[tilespmem:s25], [sflag:$0x1] =	stream.indirect_vreg.gather [hbm4b:s5+s3], $0x80, v4, vm0, $0xb8;
	[tilespmem:$0x18400] =	vst v63  }
0x51: {  	_ = 	snop  }
0x52: {  	[tilespmem:s26], [sflag:$0x1] =	stream.indirect_vreg.gather [hbm4b:s6+s3], $0x80, v4, vm0, $0xb8;
	[tilespmem:$0x18400] =	vst v63  }
0x53: {  	_ = 	snop  }
0x54: {  	[tilespmem:s28], [sflag:$0x1] =	stream.indirect_vreg.gather [hbm4b:s2+s3], $0x80, v3, vm0, $0xb8;
	[tilespmem:$0x18400] =	vst v63  }
0x55: {  	_ = 	snop  }
0x56: {  	[tilespmem:s29], [sflag:$0x1] =	stream.indirect_vreg.gather [hbm4b:s4+s3], $0x80, v3, vm0, $0xb8;
	[tilespmem:$0x18400] =	vst v63  }
0x57: {  	_ = 	snop  }
0x58: {  	[tilespmem:s30], [sflag:$0x1] =	stream.indirect_vreg.gather [hbm4b:s5+s3], $0x80, v3, vm0, $0xb8;
	[tilespmem:$0x18400] =	vst v63  }
0x59: {  	_ = 	snop  }
0x5a: {  	[tilespmem:s31], [sflag:$0x1] =	stream.indirect_vreg.gather [hbm4b:s6+s3], $0x80, v3, vm0, $0xb8;
	[tilespmem:$0x18400] =	vst v63  }
0x5b: {  	v3 =	vld.msk [tilespmem:$0x10], $0xff;
	_ =	sdelay $0x4  }
0x5c: {  	v49 =	vshll.u32 v3, $0x3  }
0x5d: {  	v3 =	vand.u32 $0x7, v3;
	v4 =	vand.u32 $0xFFFFFFC0, v49  }
0x5e: {  	v3 =	vor.u32 v3, v4  }
0x5f: {  	v3 =	vperm.xlane v3, v0;
	_ =	sdelay $0x1  }
0x60: {  	v3 =	vadd.s32 v1, v3;
	_ =	sdelay $0x3  }
0x61: {  	s14 =	simm.s32 $0x4400  }
0x62: {  	[tilespmem:s14], [sflag:$0x1] =	stream.indirect_vreg.gather [hbm4b:s2+s3], $0x80, v3, vm0, $0xb8;
	[tilespmem:$0x18400] =	vst v63  }
0x63: {  	s13 =	simm.s32 $0x4C00  }
0x64: {  	[tilespmem:s13], [sflag:$0x1] =	stream.indirect_vreg.gather [hbm4b:s4+s3], $0x80, v3, vm0, $0xb8;
	[tilespmem:$0x18400] =	vst v63  }
0x65: {  	s11 =	simm.s32 $0x5400  }
0x66: {  	[tilespmem:s11], [sflag:$0x1] =	stream.indirect_vreg.gather [hbm4b:s5+s3], $0x80, v3, vm0, $0xb8;
	[tilespmem:$0x18400] =	vst v63  }
0x67: {  	s12 =	simm.s32 $0x5C00  }
0x68: {  	[tilespmem:s12], [sflag:$0x1] =	stream.indirect_vreg.gather [hbm4b:s6+s3], $0x80, v3, vm0, $0xb8;
	[tilespmem:$0x18400] =	vst v63  }
0x69: {  	v3 =	vld [tilespmem:$0x80];
	_ =	sdelay $0x4  }
0x6a: {  	v50 =	vshll.u32 v3, $0x3  }
0x6b: {  	v3 =	vand.u32 $0x7, v3;
	v4 =	vand.u32 $0xFFFFFFC0, v50  }
0x6c: {  	v3 =	vor.u32 v3, v4  }
0x6d: {  	v4 =	vperm.xlane v3, v0;
	_ =	sdelay $0x1  }
0x6e: {  	v4 =	vadd.s32 v1, v4;
	_ =	sdelay $0x4  }
0x6f: {  	[tilespmem:s15], [sflag:$0x2] =	stream.indirect_vreg.gather [hbm4b:s2+s3], $0x80, v4, vm0, $0xb8;
	[tilespmem:$0x18400] =	vst v63  }
0x70: {  	s7 =	simm.s32 $0x6C00;
	v3 =	vperm.xlane v3, v2  }
0x71: {  	[tilespmem:s7], [sflag:$0x2] =	stream.indirect_vreg.gather [hbm4b:s4+s3], $0x80, v4, vm0, $0xb8;
	[tilespmem:$0x18400] =	vst v63  }
0x72: {  	v3 =	vadd.s32 v1, v3  }
0x73: {  	[tilespmem:s23], [sflag:$0x2] =	stream.indirect_vreg.gather [hbm4b:s5+s3], $0x80, v4, vm0, $0xb8;
	[tilespmem:$0x18400] =	vst v63  }
0x74: {  	s16 =	simm.s32 $0x7C00  }
0x75: {  	[tilespmem:s16], [sflag:$0x2] =	stream.indirect_vreg.gather [hbm4b:s6+s3], $0x80, v4, vm0, $0xb8;
	[tilespmem:$0x18400] =	vst v63  }
0x76: {  	s17 =	simm.s32 $0x8400  }
0x77: {  	[tilespmem:s17], [sflag:$0x2] =	stream.indirect_vreg.gather [hbm4b:s2+s3], $0x80, v3, vm0, $0xb8;
	[tilespmem:$0x18400] =	vst v63  }
0x78: {  	s22 =	simm.s32 $0x8C00  }
0x79: {  	[tilespmem:s22], [sflag:$0x2] =	stream.indirect_vreg.gather [hbm4b:s4+s3], $0x80, v3, vm0, $0xb8;
	[tilespmem:$0x18400] =	vst v63  }
0x7a: {  	s16 =	simm.s32 $0x9400  }
0x7b: {  	[tilespmem:s16], [sflag:$0x2] =	stream.indirect_vreg.gather [hbm4b:s5+s3], $0x80, v3, vm0, $0xb8;
	[tilespmem:$0x18400] =	vst v63  }
0x7c: {  	s17 =	simm.s32 $0x9C00  }
0x7d: {  	[tilespmem:s17], [sflag:$0x2] =	stream.indirect_vreg.gather [hbm4b:s6+s3], $0x80, v3, vm0, $0xb8;
	[tilespmem:$0x18400] =	vst v63  }
0x7e: {  	v3 =	vld.msk [tilespmem:$0x90], $0xff;
	_ =	sdelay $0x4  }
0x7f: {  	v51 =	vshll.u32 v3, $0x3  }
0x80: {  	v3 =	vand.u32 $0x7, v3;
	v4 =	vand.u32 $0xFFFFFFC0, v51  }
0x81: {  	v3 =	vor.u32 v3, v4  }
0x82: {  	v3 =	vperm.xlane v3, v0;
	_ =	sdelay $0x1  }
0x83: {  	v3 =	vadd.s32 v1, v3;
	_ =	sdelay $0x3  }
0x84: {  	s7 =	simm.s32 $0xA400  }
0x85: {  	[tilespmem:s7], [sflag:$0x2] =	stream.indirect_vreg.gather [hbm4b:s2+s3], $0x80, v3, vm0, $0xb8;
	[tilespmem:$0x18400] =	vst v63  }
0x86: {  	_ = 	snop  }
0x87: {  	[tilespmem:s19], [sflag:$0x2] =	stream.indirect_vreg.gather [hbm4b:s4+s3], $0x80, v3, vm0, $0xb8;
	[tilespmem:$0x18400] =	vst v63  }
0x88: {  	_ = 	snop  }
0x89: {  	[tilespmem:s20], [sflag:$0x2] =	stream.indirect_vreg.gather [hbm4b:s5+s3], $0x80, v3, vm0, $0xb8;
	[tilespmem:$0x18400] =	vst v63  }
0x8a: {  	_ = 	snop  }
0x8b: {  	[tilespmem:s21], [sflag:$0x2] =	stream.indirect_vreg.gather [hbm4b:s6+s3], $0x80, v3, vm0, $0xb8;
	[tilespmem:$0x18400] =	vst v63  }
0x8c: {  	v3 =	vld [tilespmem:$0x100];
	_ =	sdelay $0x4  }
0x8d: {  	v52 =	vshll.u32 v3, $0x3  }
0x8e: {  	v3 =	vand.u32 $0x7, v3;
	v4 =	vand.u32 $0xFFFFFFC0, v52  }
0x8f: {  	v3 =	vor.u32 v3, v4  }
0x90: {  	v4 =	vperm.xlane v3, v0;
	_ =	sdelay $0x1  }
0x91: {  	v4 =	vadd.s32 v1, v4;
	_ =	sdelay $0x4  }
0x92: {  	[tilespmem:s10], [sflag:$0x3] =	stream.indirect_vreg.gather [hbm4b:s2+s3], $0x80, v4, vm0, $0xb8;
	[tilespmem:$0x18400] =	vst v63  }
0x93: {  	s22 =	simm.s32 $0xCC00;
	v3 =	vperm.xlane v3, v2  }
0x94: {  	[tilespmem:s22], [sflag:$0x3] =	stream.indirect_vreg.gather [hbm4b:s4+s3], $0x80, v4, vm0, $0xb8;
	[tilespmem:$0x18400] =	vst v63  }
0x95: {  	s7 =	simm.s32 $0xD400;
	v3 =	vadd.s32 v1, v3  }
0x96: {  	[tilespmem:s7], [sflag:$0x3] =	stream.indirect_vreg.gather [hbm4b:s5+s3], $0x80, v4, vm0, $0xb8;
	[tilespmem:$0x18400] =	vst v63  }
0x97: {  	s22 =	simm.s32 $0xDC00  }
0x98: {  	[tilespmem:s22], [sflag:$0x3] =	stream.indirect_vreg.gather [hbm4b:s6+s3], $0x80, v4, vm0, $0xb8;
	[tilespmem:$0x18400] =	vst v63  }
0x99: {  	s7 =	simm.s32 $0xE400  }
0x9a: {  	[tilespmem:s7], [sflag:$0x3] =	stream.indirect_vreg.gather [hbm4b:s2+s3], $0x80, v3, vm0, $0xb8;
	[tilespmem:$0x18400] =	vst v63  }
0x9b: {  	s22 =	simm.s32 $0xEC00  }
0x9c: {  	[tilespmem:s22], [sflag:$0x3] =	stream.indirect_vreg.gather [hbm4b:s4+s3], $0x80, v3, vm0, $0xb8;
	[tilespmem:$0x18400] =	vst v63  }
0x9d: {  	s7 =	simm.s32 $0xF400  }
0x9e: {  	[tilespmem:s7], [sflag:$0x3] =	stream.indirect_vreg.gather [hbm4b:s5+s3], $0x80, v3, vm0, $0xb8;
	[tilespmem:$0x18400] =	vst v63  }
0x9f: {  	s22 =	simm.s32 $0xFC00  }
0xa0: {  	[tilespmem:s22], [sflag:$0x3] =	stream.indirect_vreg.gather [hbm4b:s6+s3], $0x80, v3, vm0, $0xb8;
	[tilespmem:$0x18400] =	vst v63  }
0xa1: {  	v3 =	vld.msk [tilespmem:$0x110], $0xff;
	_ =	sdelay $0x4  }
0xa2: {  	v53 =	vshll.u32 v3, $0x3  }
0xa3: {  	v3 =	vand.u32 $0x7, v3;
	v4 =	vand.u32 $0xFFFFFFC0, v53  }
0xa4: {  	v3 =	vor.u32 v3, v4  }
0xa5: {  	v3 =	vperm.xlane v3, v0;
	_ =	sdelay $0x1  }
0xa6: {  	v3 =	vadd.s32 v1, v3;
	_ =	sdelay $0x3  }
0xa7: {  	s7 =	simm.s32 $0x10400  }
0xa8: {  	[tilespmem:s7], [sflag:$0x3] =	stream.indirect_vreg.gather [hbm4b:s2+s3], $0x80, v3, vm0, $0xb8;
	[tilespmem:$0x18400] =	vst v63  }
0xa9: {  	s22 =	simm.s32 $0x10C00  }
0xaa: {  	[tilespmem:s22], [sflag:$0x3] =	stream.indirect_vreg.gather [hbm4b:s4+s3], $0x80, v3, vm0, $0xb8;
	[tilespmem:$0x18400] =	vst v63  }
0xab: {  	s7 =	simm.s32 $0x11400  }
0xac: {  	[tilespmem:s7], [sflag:$0x3] =	stream.indirect_vreg.gather [hbm4b:s5+s3], $0x80, v3, vm0, $0xb8;
	[tilespmem:$0x18400] =	vst v63  }
0xad: {  	s22 =	simm.s32 $0x11C00  }
0xae: {  	[tilespmem:s22], [sflag:$0x3] =	stream.indirect_vreg.gather [hbm4b:s6+s3], $0x80, v3, vm0, $0xb8;
	[tilespmem:$0x18400] =	vst v63  }
0xaf: {  	v3 =	vld [tilespmem:$0x180];
	_ =	sdelay $0x4  }
0xb0: {  	v54 =	vshll.u32 v3, $0x3  }
0xb1: {  	v3 =	vand.u32 $0x7, v3;
	v4 =	vand.u32 $0xFFFFFFC0, v54  }
0xb2: {  	v3 =	vor.u32 v3, v4  }
0xb3: {  	v4 =	vperm.xlane v3, v0;
	_ =	sdelay $0x1  }
0xb4: {  	v4 =	vadd.s32 v1, v4;
	_ =	sdelay $0x4  }
0xb5: {  	[tilespmem:s9], [sflag:$0x4] =	stream.indirect_vreg.gather [hbm4b:s2+s3], $0x80, v4, vm0, $0xb8;
	[tilespmem:$0x18400] =	vst v63  }
0xb6: {  	s7 =	simm.s32 $0x12C00;
	v3 =	vperm.xlane v3, v2  }
0xb7: {  	[tilespmem:s7], [sflag:$0x4] =	stream.indirect_vreg.gather [hbm4b:s4+s3], $0x80, v4, vm0, $0xb8;
	[tilespmem:$0x18400] =	vst v63  }
0xb8: {  	s22 =	simm.s32 $0x13400;
	v3 =	vadd.s32 v1, v3  }
0xb9: {  	[tilespmem:s22], [sflag:$0x4] =	stream.indirect_vreg.gather [hbm4b:s5+s3], $0x80, v4, vm0, $0xb8;
	[tilespmem:$0x18400] =	vst v63  }
0xba: {  	s7 =	simm.s32 $0x13C00  }
0xbb: {  	[tilespmem:s7], [sflag:$0x4] =	stream.indirect_vreg.gather [hbm4b:s6+s3], $0x80, v4, vm0, $0xb8;
	[tilespmem:$0x18400] =	vst v63  }
0xbc: {  	s22 =	simm.s32 $0x14400  }
0xbd: {  	[tilespmem:s22], [sflag:$0x4] =	stream.indirect_vreg.gather [hbm4b:s2+s3], $0x80, v3, vm0, $0xb8;
	[tilespmem:$0x18400] =	vst v63  }
0xbe: {  	s7 =	simm.s32 $0x14C00  }
0xbf: {  	[tilespmem:s7], [sflag:$0x4] =	stream.indirect_vreg.gather [hbm4b:s4+s3], $0x80, v3, vm0, $0xb8;
	[tilespmem:$0x18400] =	vst v63  }
0xc0: {  	s22 =	simm.s32 $0x15400  }
0xc1: {  	[tilespmem:s22], [sflag:$0x4] =	stream.indirect_vreg.gather [hbm4b:s5+s3], $0x80, v3, vm0, $0xb8;
	[tilespmem:$0x18400] =	vst v63  }
0xc2: {  	s7 =	simm.s32 $0x15C00  }
0xc3: {  	[tilespmem:s7], [sflag:$0x4] =	stream.indirect_vreg.gather [hbm4b:s6+s3], $0x80, v3, vm0, $0xb8;
	[tilespmem:$0x18400] =	vst v63  }
0xc4: {  	v3 =	vld.msk [tilespmem:$0x190], $0xff;
	_ =	sdelay $0x4  }
0xc5: {  	v55 =	vshll.u32 v3, $0x3  }
0xc6: {  	v3 =	vand.u32 $0x7, v3;
	v4 =	vand.u32 $0xFFFFFFC0, v55  }
0xc7: {  	v3 =	vor.u32 v3, v4  }
0xc8: {  	v3 =	vperm.xlane v3, v0;
	_ =	sdelay $0x1  }
0xc9: {  	v3 =	vadd.s32 v1, v3;
	_ =	sdelay $0x3  }
0xca: {  	s22 =	simm.s32 $0x16400  }
0xcb: {  	[tilespmem:s22], [sflag:$0x4] =	stream.indirect_vreg.gather [hbm4b:s2+s3], $0x80, v3, vm0, $0xb8;
	[tilespmem:$0x18400] =	vst v63  }
0xcc: {  	s7 =	simm.s32 $0x16C00  }
0xcd: {  	[tilespmem:s7], [sflag:$0x4] =	stream.indirect_vreg.gather [hbm4b:s4+s3], $0x80, v3, vm0, $0xb8;
	[tilespmem:$0x18400] =	vst v63  }
0xce: {  	s22 =	simm.s32 $0x17400  }
0xcf: {  	[tilespmem:s22], [sflag:$0x4] =	stream.indirect_vreg.gather [hbm4b:s5+s3], $0x80, v3, vm0, $0xb8;
	[tilespmem:$0x18400] =	vst v63  }
0xd0: {  	s0 =	simm.s32 $0x1;
	s7 =	simm.s32 $0x17C00  }
0xd1: {  	[tilespmem:s7], [sflag:$0x4] =	stream.indirect_vreg.gather [hbm4b:s6+s3], $0x80, v3, vm0, $0xb8;
	[tilespmem:$0x18400] =	vst v63  }
0xd2: {  	_ =	swait.ge [sflag:s0], $0x6000  }
0xd3: {  	[sflag:s0] =	ssyncset.done $0x0  }
0xd4: {  	s7 =	simm.s32 $0x400;
	s22 =	rddreg [dreg:$0xb];
	[sflag:s0] =	ssyncadd.s32 $0xFFFFA000  }
0xd5: {  	[hbm4b:s22+s3] =	stream.linear.scatter [tilespmem:s7], [sflag:$0x5], $0x6000, $0x38;
	[tilespmem:$0x18400] =	vst v63  }
0xd6: {  	_ =	swait.ge [sflag:s1], $0x6000  }
0xd7: {  	[sflag:s1] =	ssyncset.done $0x0  }
0xd8: {  	[sflag:s1] =	ssyncadd.s32 $0xFFFFA000  }
0xd9: {  	v3 =	vld [tilespmem:$0x200];
	_ =	sdelay $0x4  }
0xda: {  	v56 =	vshll.u32 v3, $0x3  }
0xdb: {  	v3 =	vand.u32 $0x7, v3;
	v4 =	vand.u32 $0xFFFFFFC0, v56  }
0xdc: {  	v3 =	vor.u32 v3, v4  }
0xdd: {  	v4 =	vperm.xlane v3, v0;
	_ =	sdelay $0x1  }
0xde: {  	v4 =	vadd.s32 v1, v4;
	_ =	sdelay $0x4  }
0xdf: {  	[tilespmem:s7], [sflag:$0x1] =	stream.indirect_vreg.gather [hbm4b:s2+s3], $0x80, v4, vm0, $0xb8;
	[tilespmem:$0x18400] =	vst v63  }
0xe0: {  	v3 =	vperm.xlane v3, v2  }
0xe1: {  	[tilespmem:s24], [sflag:$0x1] =	stream.indirect_vreg.gather [hbm4b:s4+s3], $0x80, v4, vm0, $0xb8;
	[tilespmem:$0x18400] =	vst v63  }
0xe2: {  	v3 =	vadd.s32 v1, v3  }
0xe3: {  	[tilespmem:s25], [sflag:$0x1] =	stream.indirect_vreg.gather [hbm4b:s5+s3], $0x80, v4, vm0, $0xb8;
	[tilespmem:$0x18400] =	vst v63  }
0xe4: {  	_ = 	snop  }
0xe5: {  	[tilespmem:s26], [sflag:$0x1] =	stream.indirect_vreg.gather [hbm4b:s6+s3], $0x80, v4, vm0, $0xb8;
	[tilespmem:$0x18400] =	vst v63  }
0xe6: {  	_ = 	snop  }
0xe7: {  	[tilespmem:s28], [sflag:$0x1] =	stream.indirect_vreg.gather [hbm4b:s2+s3], $0x80, v3, vm0, $0xb8;
	[tilespmem:$0x18400] =	vst v63  }
0xe8: {  	_ = 	snop  }
0xe9: {  	[tilespmem:s29], [sflag:$0x1] =	stream.indirect_vreg.gather [hbm4b:s4+s3], $0x80, v3, vm0, $0xb8;
	[tilespmem:$0x18400] =	vst v63  }
0xea: {  	_ = 	snop  }
0xeb: {  	[tilespmem:s30], [sflag:$0x1] =	stream.indirect_vreg.gather [hbm4b:s5+s3], $0x80, v3, vm0, $0xb8;
	[tilespmem:$0x18400] =	vst v63  }
0xec: {  	_ = 	snop  }
0xed: {  	[tilespmem:s31], [sflag:$0x1] =	stream.indirect_vreg.gather [hbm4b:s6+s3], $0x80, v3, vm0, $0xb8;
	[tilespmem:$0x18400] =	vst v63  }
0xee: {  	v3 =	vld.msk [tilespmem:$0x210], $0xff;
	_ =	sdelay $0x4  }
0xef: {  	v57 =	vshll.u32 v3, $0x3  }
0xf0: {  	v3 =	vand.u32 $0x7, v3;
	v4 =	vand.u32 $0xFFFFFFC0, v57  }
0xf1: {  	v3 =	vor.u32 v3, v4  }
0xf2: {  	v3 =	vperm.xlane v3, v0;
	_ =	sdelay $0x1  }
0xf3: {  	v3 =	vadd.s32 v1, v3;
	_ =	sdelay $0x4  }
0xf4: {  	[tilespmem:s14], [sflag:$0x1] =	stream.indirect_vreg.gather [hbm4b:s2+s3], $0x80, v3, vm0, $0xb8;
	[tilespmem:$0x18400] =	vst v63  }
0xf5: {  	_ = 	snop  }
0xf6: {  	[tilespmem:s13], [sflag:$0x1] =	stream.indirect_vreg.gather [hbm4b:s4+s3], $0x80, v3, vm0, $0xb8;
	[tilespmem:$0x18400] =	vst v63  }
0xf7: {  	_ = 	snop  }
0xf8: {  	[tilespmem:s11], [sflag:$0x1] =	stream.indirect_vreg.gather [hbm4b:s5+s3], $0x80, v3, vm0, $0xb8;
	[tilespmem:$0x18400] =	vst v63  }
0xf9: {  	s11 =	simm.s32 $0x2  }
0xfa: {  	[tilespmem:s12], [sflag:$0x1] =	stream.indirect_vreg.gather [hbm4b:s6+s3], $0x80, v3, vm0, $0xb8;
	[tilespmem:$0x18400] =	vst v63  }
0xfb: {  	_ =	swait.ge [sflag:s11], $0x6000  }
0xfc: {  	[sflag:s11] =	ssyncset.done $0x0  }
0xfd: {  	s12 =	simm.s32 $0x6;
	s14 =	rddreg [dreg:$0xc];
	[sflag:s11] =	ssyncadd.s32 $0xFFFFA000  }
0xfe: {  	[hbm4b:s14+s3] =	stream.linear.scatter [tilespmem:s15], [sflag:$0x6], $0x6000, $0x38;
	[tilespmem:$0x18400] =	vst v63  }
0xff: {  	_ =	swait.ge [sflag:s12], $0x6000  }
0x100: {  	[sflag:s12] =	ssyncset.done $0x0  }
0x101: {  	[sflag:s12] =	ssyncadd.s32 $0xFFFFA000  }
0x102: {  	v3 =	vld [tilespmem:$0x280];
	_ =	sdelay $0x4  }
0x103: {  	v58 =	vshll.u32 v3, $0x3  }
0x104: {  	v3 =	vand.u32 $0x7, v3;
	v4 =	vand.u32 $0xFFFFFFC0, v58  }
0x105: {  	v3 =	vor.u32 v3, v4  }
0x106: {  	v4 =	vperm.xlane v3, v0;
	_ =	sdelay $0x1  }
0x107: {  	v4 =	vadd.s32 v1, v4;
	_ =	sdelay $0x4  }
0x108: {  	[tilespmem:s15], [sflag:$0x2] =	stream.indirect_vreg.gather [hbm4b:s2+s3], $0x80, v4, vm0, $0xb8;
	[tilespmem:$0x18400] =	vst v63  }
0x109: {  	s22 =	simm.s32 $0x6C00;
	v3 =	vperm.xlane v3, v2  }
0x10a: {  	[tilespmem:s22], [sflag:$0x2] =	stream.indirect_vreg.gather [hbm4b:s4+s3], $0x80, v4, vm0, $0xb8;
	[tilespmem:$0x18400] =	vst v63  }
0x10b: {  	v3 =	vadd.s32 v1, v3  }
0x10c: {  	[tilespmem:s23], [sflag:$0x2] =	stream.indirect_vreg.gather [hbm4b:s5+s3], $0x80, v4, vm0, $0xb8;
	[tilespmem:$0x18400] =	vst v63  }
0x10d: {  	s24 =	simm.s32 $0x7C00  }
0x10e: {  	[tilespmem:s24], [sflag:$0x2] =	stream.indirect_vreg.gather [hbm4b:s6+s3], $0x80, v4, vm0, $0xb8;
	[tilespmem:$0x18400] =	vst v63  }
0x10f: {  	s13 =	simm.s32 $0x8400  }
0x110: {  	[tilespmem:s13], [sflag:$0x2] =	stream.indirect_vreg.gather [hbm4b:s2+s3], $0x80, v3, vm0, $0xb8;
	[tilespmem:$0x18400] =	vst v63  }
0x111: {  	s14 =	simm.s32 $0x8C00  }
0x112: {  	[tilespmem:s14], [sflag:$0x2] =	stream.indirect_vreg.gather [hbm4b:s4+s3], $0x80, v3, vm0, $0xb8;
	[tilespmem:$0x18400] =	vst v63  }
0x113: {  	_ = 	snop  }
0x114: {  	[tilespmem:s16], [sflag:$0x2] =	stream.indirect_vreg.gather [hbm4b:s5+s3], $0x80, v3, vm0, $0xb8;
	[tilespmem:$0x18400] =	vst v63  }
0x115: {  	_ = 	snop  }
0x116: {  	[tilespmem:s17], [sflag:$0x2] =	stream.indirect_vreg.gather [hbm4b:s6+s3], $0x80, v3, vm0, $0xb8;
	[tilespmem:$0x18400] =	vst v63  }
0x117: {  	v3 =	vld.msk [tilespmem:$0x290], $0xff;
	_ =	sdelay $0x4  }
0x118: {  	v59 =	vshll.u32 v3, $0x3  }
0x119: {  	v3 =	vand.u32 $0x7, v3;
	v4 =	vand.u32 $0xFFFFFFC0, v59  }
0x11a: {  	v3 =	vor.u32 v3, v4  }
0x11b: {  	v3 =	vperm.xlane v3, v0;
	_ =	sdelay $0x1  }
0x11c: {  	v3 =	vadd.s32 v1, v3;
	_ =	sdelay $0x3  }
0x11d: {  	s16 =	simm.s32 $0xA400  }
0x11e: {  	[tilespmem:s16], [sflag:$0x2] =	stream.indirect_vreg.gather [hbm4b:s2+s3], $0x80, v3, vm0, $0xb8;
	[tilespmem:$0x18400] =	vst v63  }
0x11f: {  	_ = 	snop  }
0x120: {  	[tilespmem:s19], [sflag:$0x2] =	stream.indirect_vreg.gather [hbm4b:s4+s3], $0x80, v3, vm0, $0xb8;
	[tilespmem:$0x18400] =	vst v63  }
0x121: {  	_ = 	snop  }
0x122: {  	[tilespmem:s20], [sflag:$0x2] =	stream.indirect_vreg.gather [hbm4b:s5+s3], $0x80, v3, vm0, $0xb8;
	[tilespmem:$0x18400] =	vst v63  }
0x123: {  	s13 =	simm.s32 $0x3  }
0x124: {  	[tilespmem:s21], [sflag:$0x2] =	stream.indirect_vreg.gather [hbm4b:s6+s3], $0x80, v3, vm0, $0xb8;
	[tilespmem:$0x18400] =	vst v63  }
0x125: {  	_ =	swait.ge [sflag:s13], $0x6000  }
0x126: {  	[sflag:s13] =	ssyncset.done $0x0  }
0x127: {  	s14 =	simm.s32 $0x7;
	s17 =	rddreg [dreg:$0xd];
	[sflag:s13] =	ssyncadd.s32 $0xFFFFA000  }
0x128: {  	[hbm4b:s17+s3] =	stream.linear.scatter [tilespmem:s10], [sflag:$0x7], $0x6000, $0x38;
	[tilespmem:$0x18400] =	vst v63  }
0x129: {  	_ =	swait.ge [sflag:s14], $0x6000  }
0x12a: {  	[sflag:s14] =	ssyncset.done $0x0  }
0x12b: {  	[sflag:s14] =	ssyncadd.s32 $0xFFFFA000  }
0x12c: {  	v3 =	vld [tilespmem:$0x300];
	_ =	sdelay $0x4  }
0x12d: {  	v60 =	vshll.u32 v3, $0x3  }
0x12e: {  	v3 =	vand.u32 $0x7, v3;
	v4 =	vand.u32 $0xFFFFFFC0, v60  }
0x12f: {  	v3 =	vor.u32 v3, v4  }
0x130: {  	v4 =	vperm.xlane v3, v0;
	_ =	sdelay $0x1  }
0x131: {  	v4 =	vadd.s32 v1, v4;
	_ =	sdelay $0x4  }
0x132: {  	[tilespmem:s10], [sflag:$0x3] =	stream.indirect_vreg.gather [hbm4b:s2+s3], $0x80, v4, vm0, $0xb8;
	[tilespmem:$0x18400] =	vst v63  }
0x133: {  	s22 =	simm.s32 $0xCC00;
	v3 =	vperm.xlane v3, v2  }
0x134: {  	[tilespmem:s22], [sflag:$0x3] =	stream.indirect_vreg.gather [hbm4b:s4+s3], $0x80, v4, vm0, $0xb8;
	[tilespmem:$0x18400] =	vst v63  }
0x135: {  	s24 =	simm.s32 $0xD400;
	v3 =	vadd.s32 v1, v3  }
0x136: {  	[tilespmem:s24], [sflag:$0x3] =	stream.indirect_vreg.gather [hbm4b:s5+s3], $0x80, v4, vm0, $0xb8;
	[tilespmem:$0x18400] =	vst v63  }
0x137: {  	s16 =	simm.s32 $0xDC00  }
0x138: {  	[tilespmem:s16], [sflag:$0x3] =	stream.indirect_vreg.gather [hbm4b:s6+s3], $0x80, v4, vm0, $0xb8;
	[tilespmem:$0x18400] =	vst v63  }
0x139: {  	s17 =	simm.s32 $0xE400  }
0x13a: {  	[tilespmem:s17], [sflag:$0x3] =	stream.indirect_vreg.gather [hbm4b:s2+s3], $0x80, v3, vm0, $0xb8;
	[tilespmem:$0x18400] =	vst v63  }
0x13b: {  	s22 =	simm.s32 $0xEC00  }
0x13c: {  	[tilespmem:s22], [sflag:$0x3] =	stream.indirect_vreg.gather [hbm4b:s4+s3], $0x80, v3, vm0, $0xb8;
	[tilespmem:$0x18400] =	vst v63  }
0x13d: {  	s24 =	simm.s32 $0xF400  }
0x13e: {  	[tilespmem:s24], [sflag:$0x3] =	stream.indirect_vreg.gather [hbm4b:s5+s3], $0x80, v3, vm0, $0xb8;
	[tilespmem:$0x18400] =	vst v63  }
0x13f: {  	s16 =	simm.s32 $0xFC00  }
0x140: {  	[tilespmem:s16], [sflag:$0x3] =	stream.indirect_vreg.gather [hbm4b:s6+s3], $0x80, v3, vm0, $0xb8;
	[tilespmem:$0x18400] =	vst v63  }
0x141: {  	v3 =	vld.msk [tilespmem:$0x310], $0xff;
	_ =	sdelay $0x4  }
0x142: {  	v61 =	vshll.u32 v3, $0x3  }
0x143: {  	v3 =	vand.u32 $0x7, v3;
	v4 =	vand.u32 $0xFFFFFFC0, v61  }
0x144: {  	v3 =	vor.u32 v3, v4  }
0x145: {  	v3 =	vperm.xlane v3, v0;
	_ =	sdelay $0x1  }
0x146: {  	v3 =	vadd.s32 v1, v3;
	_ =	sdelay $0x3  }
0x147: {  	s17 =	simm.s32 $0x10400  }
0x148: {  	[tilespmem:s17], [sflag:$0x3] =	stream.indirect_vreg.gather [hbm4b:s2+s3], $0x80, v3, vm0, $0xb8;
	[tilespmem:$0x18400] =	vst v63  }
0x149: {  	s22 =	simm.s32 $0x10C00  }
0x14a: {  	[tilespmem:s22], [sflag:$0x3] =	stream.indirect_vreg.gather [hbm4b:s4+s3], $0x80, v3, vm0, $0xb8;
	[tilespmem:$0x18400] =	vst v63  }
0x14b: {  	s24 =	simm.s32 $0x11400  }
0x14c: {  	[tilespmem:s24], [sflag:$0x3] =	stream.indirect_vreg.gather [hbm4b:s5+s3], $0x80, v3, vm0, $0xb8;
	[tilespmem:$0x18400] =	vst v63  }
0x14d: {  	s16 =	simm.s32 $0x11C00  }
0x14e: {  	[tilespmem:s16], [sflag:$0x3] =	stream.indirect_vreg.gather [hbm4b:s6+s3], $0x80, v3, vm0, $0xb8;
	[tilespmem:$0x18400] =	vst v63  }
0x14f: {  	s16 =	simm.s32 $0x4  }
0x150: {  	_ =	swait.ge [sflag:s16], $0x6000  }
0x151: {  	[sflag:s16] =	ssyncset.done $0x0  }
0x152: {  	s17 =	rddreg [dreg:$0xe];
	[sflag:s16] =	ssyncadd.s32 $0xFFFFA000  }
0x153: {  	[hbm4b:s17+s3] =	stream.linear.scatter [tilespmem:s9], [sflag:$0x8], $0x6000, $0x38;
	[tilespmem:$0x18400] =	vst v63  }
0x154: {  	s17 =	simm.s32 $0x8  }
0x155: {  	_ =	swait.ge [sflag:s17], $0x6000  }
0x156: {  	[sflag:s17] =	ssyncset.done $0x0  }
0x157: {  	[sflag:s17] =	ssyncadd.s32 $0xFFFFA000  }
0x158: {  	v3 =	vld [tilespmem:$0x380];
	_ =	sdelay $0x4  }
0x159: {  	v62 =	vshll.u32 v3, $0x3  }
0x15a: {  	v3 =	vand.u32 $0x7, v3;
	v4 =	vand.u32 $0xFFFFFFC0, v62  }
0x15b: {  	v3 =	vor.u32 v3, v4  }
0x15c: {  	v4 =	vperm.xlane v3, v0;
	_ =	sdelay $0x1  }
0x15d: {  	v4 =	vadd.s32 v1, v4;
	_ =	sdelay $0x4  }
0x15e: {  	[tilespmem:s9], [sflag:$0x4] =	stream.indirect_vreg.gather [hbm4b:s2+s3], $0x80, v4, vm0, $0xb8;
	[tilespmem:$0x18400] =	vst v63  }
0x15f: {  	s24 =	simm.s32 $0x12C00;
	v3 =	vperm.xlane v3, v2  }
0x160: {  	[tilespmem:s24], [sflag:$0x4] =	stream.indirect_vreg.gather [hbm4b:s4+s3], $0x80, v4, vm0, $0xb8;
	[tilespmem:$0x18400] =	vst v63  }
0x161: {  	s22 =	simm.s32 $0x13400;
	v3 =	vadd.s32 v1, v3  }
0x162: {  	[tilespmem:s22], [sflag:$0x4] =	stream.indirect_vreg.gather [hbm4b:s5+s3], $0x80, v4, vm0, $0xb8;
	[tilespmem:$0x18400] =	vst v63  }
0x163: {  	s24 =	simm.s32 $0x13C00  }
0x164: {  	[tilespmem:s24], [sflag:$0x4] =	stream.indirect_vreg.gather [hbm4b:s6+s3], $0x80, v4, vm0, $0xb8;
	[tilespmem:$0x18400] =	vst v63  }
0x165: {  	s22 =	simm.s32 $0x14400  }
0x166: {  	[tilespmem:s22], [sflag:$0x4] =	stream.indirect_vreg.gather [hbm4b:s2+s3], $0x80, v3, vm0, $0xb8;
	[tilespmem:$0x18400] =	vst v63  }
0x167: {  	s24 =	simm.s32 $0x14C00  }
0x168: {  	[tilespmem:s24], [sflag:$0x4] =	stream.indirect_vreg.gather [hbm4b:s4+s3], $0x80, v3, vm0, $0xb8;
	[tilespmem:$0x18400] =	vst v63  }
0x169: {  	s22 =	simm.s32 $0x15400  }
0x16a: {  	[tilespmem:s22], [sflag:$0x4] =	stream.indirect_vreg.gather [hbm4b:s5+s3], $0x80, v3, vm0, $0xb8;
	[tilespmem:$0x18400] =	vst v63  }
0x16b: {  	s24 =	simm.s32 $0x15C00  }
0x16c: {  	[tilespmem:s24], [sflag:$0x4] =	stream.indirect_vreg.gather [hbm4b:s6+s3], $0x80, v3, vm0, $0xb8;
	[tilespmem:$0x18400] =	vst v63  }
0x16d: {  	v3 =	vld.msk [tilespmem:$0x390], $0xff;
	_ =	sdelay $0x4  }
0x16e: {  	v63 =	vshll.u32 v3, $0x3  }
0x16f: {  	v3 =	vand.u32 $0x7, v3;
	v4 =	vand.u32 $0xFFFFFFC0, v63  }
0x170: {  	v3 =	vor.u32 v3, v4  }
0x171: {  	v3 =	vperm.xlane v3, v0;
	_ =	sdelay $0x1  }
0x172: {  	v3 =	vadd.s32 v1, v3;
	_ =	sdelay $0x3  }
0x173: {  	s22 =	simm.s32 $0x16400  }
0x174: {  	[tilespmem:s22], [sflag:$0x4] =	stream.indirect_vreg.gather [hbm4b:s2+s3], $0x80, v3, vm0, $0xb8;
	[tilespmem:$0x18400] =	vst v63  }
0x175: {  	s24 =	simm.s32 $0x16C00  }
0x176: {  	[tilespmem:s24], [sflag:$0x4] =	stream.indirect_vreg.gather [hbm4b:s4+s3], $0x80, v3, vm0, $0xb8;
	[tilespmem:$0x18400] =	vst v63  }
0x177: {  	s22 =	simm.s32 $0x17400  }
0x178: {  	[tilespmem:s22], [sflag:$0x4] =	stream.indirect_vreg.gather [hbm4b:s5+s3], $0x80, v3, vm0, $0xb8;
	[tilespmem:$0x18400] =	vst v63  }
0x179: {  	s24 =	simm.s32 $0x17C00  }
0x17a: {  	[tilespmem:s24], [sflag:$0x4] =	stream.indirect_vreg.gather [hbm4b:s6+s3], $0x80, v3, vm0, $0xb8;
	[tilespmem:$0x18400] =	vst v63  }
0x17b: {  	_ =	swait.ge [sflag:s0], $0x6000  }
0x17c: {  	[sflag:s0] =	ssyncset.done $0x0  }
0x17d: {  	s24 =	simm.s32 $0x400;
	s7 =	rddreg [dreg:$0xf];
	[sflag:s0] =	ssyncadd.s32 $0xFFFFA000  }
0x17e: {  	[hbm4b:s7+s3] =	stream.linear.scatter [tilespmem:s24], [sflag:$0x5], $0x6000, $0x38;
	[tilespmem:$0x18400] =	vst v63  }
0x17f: {  	_ =	swait.ge [sflag:s11], $0x6000  }
0x180: {  	[sflag:s11] =	ssyncset.done $0x0  }
0x181: {  	s7 =	rddreg [dreg:$0x10];
	[sflag:s11] =	ssyncadd.s32 $0xFFFFA000  }
0x182: {  	[hbm4b:s7+s3] =	stream.linear.scatter [tilespmem:s15], [sflag:$0x6], $0x6000, $0x38;
	[tilespmem:$0x18400] =	vst v63  }
0x183: {  	_ =	swait.ge [sflag:s13], $0x6000  }
0x184: {  	[sflag:s13] =	ssyncset.done $0x0  }
0x185: {  	s11 =	rddreg [dreg:$0x11];
	[sflag:s13] =	ssyncadd.s32 $0xFFFFA000  }
0x186: {  	[hbm4b:s11+s3] =	stream.linear.scatter [tilespmem:s10], [sflag:$0x7], $0x6000, $0x38;
	[tilespmem:$0x18400] =	vst v63  }
0x187: {  	_ =	swait.ge [sflag:s16], $0x6000  }
0x188: {  	[sflag:s16] =	ssyncset.done $0x0  }
0x189: {  	s24 =	rddreg [dreg:$0x12];
	[sflag:s16] =	ssyncadd.s32 $0xFFFFA000  }
0x18a: {  	[hbm4b:s24+s3] =	stream.linear.scatter [tilespmem:s9], [sflag:$0x8], $0x6000, $0x38;
	[tilespmem:$0x18400] =	vst v63  }
0x18b: {  	_ =	swait.ge [sflag:s1], $0x6000  }
0x18c: {  	[sflag:s1] =	ssyncset.done $0x0  }
0x18d: {  	[sflag:s1] =	ssyncadd.s32 $0xFFFFA000  }
0x18e: {  	_ =	swait.ge [sflag:s12], $0x6000  }
0x18f: {  	[sflag:s12] =	ssyncset.done $0x0  }
0x190: {  	[sflag:s12] =	ssyncadd.s32 $0xFFFFA000  }
0x191: {  	p0 =	sne.s32 s18, $0x1;
	_ =	swait.ge [sflag:s14], $0x6000  }
.Ltmp0:
0x192: {  	[sflag:s14] =	ssyncset.done $0x0;
	(pc) =	sbr.rel @p0 .LBB2_1-.Ltmp0, $4  }
0x193: {  	[sflag:s14] =	ssyncadd.s32 $0xFFFFA000  }
0x194: {  	_ =	swait.ge [sflag:s17], $0x6000  }
0x195: {  	[sflag:s17] =	ssyncset.done $0x0  }
0x196: {  	s18 =	sadd.s32 $0xFFFFFFFF, s18;
	[sflag:s17] =	ssyncadd.s32 $0xFFFFA000  }
0x197: {  	_ =	sfence.sel $0x180000  }
0x198: {  	[bflag:$0x0] =	sbarrier.arrive $0xFFFF  }
0x199: {  	_ =	strace $0x90000059  }
0x19a: {  	s0 =	stileid.u32;
	[bflag:$0x2] =	sbarrier.arrive $0xFFFF  }
0x19b: {  	p0 =	sne.s32 s0, $0x0;
	s0 =	rddreg [dreg:$0x2]  }
0x19c: {  	s0 =	sadd.s32 @!p0 $0x100000, s0  }
0x19d: {  	[sflag:s0] =	ssyncadd.tile.s32 @!p0 $0x1;
	_ =	shalt  }
.Lfunc_end2:
_tile_overlayer_lowered:
.L_overlay_start_2:
0x19e: {  	(tag) =	ssettag $0x2  }
0x19f: {  	s0 =	rddreg [dreg:$0x0];
	s2 =	stileid.u32  }
0x1a0: {  	s1 =	rddreg [dreg:$0x1];
	p0 =	sne.s32 s2, $0x0  }
0x1a1: {  	s3 =	rddreg [dreg:$0x2];
	[bflag:$0x3] =	sbarrier.arrive $0xFFFF;
	s2 =	simm.s32 @!p0 $0x1C09  }
0x1a2: {  	[timem:s3], [sflag:s2] =	dma.local @!p0 [hbm:s0], s1  }
0x1a3: {  	s0 =	simm.s32 @!p0 $0x9  }
0x1a4: {  	_ =	swait.ge @!p0 [sflag:s0], s1  }
0x1a5: {  	s1 =	ssub.s32 @!p0 $0x0, s1;
	[sflag:s0] =	ssyncset.done @!p0 $0x0  }
0x1a6: {  	[sflag:s0] =	ssyncadd.s32 @!p0 s1  }
0x1a7: {  	[bflag:$0x3] =	sbarrier.arrive $0xFFFF  }
0x1a8: {  	_ =	shalt  }

// kernel: scatter_offload_async_start
scs
__scs_entry_jumppad:
0x0: {  	(pc) =	sbr.rel $0x88, $3  }
0x1: {  	(tag) =	ssettag $0x0;
	lr =	simm.s32 $0x1  }
0x2: {  	[smem:$0x3F9C] =	sst lr;
	_ =	strace $0xD0000000  }
0x3: {  	_ = 	snop  }
0x4: {  	_ = 	snop  }
0x5: {  	_ = 	snop  }
0x6: {  	_ = 	snop  }
0x7: {  	_ = 	snop  }
__scs_overlays_trampoline_lowered:
0x8: {  	[smem:$0x3FAB] =	sst s0  }
0x9: {  	[smem:$0x3FAC] =	sst s1  }
0xa: {  	[smem:$0x3FAD] =	sst s2  }
0xb: {  	[smem:$0x3FAE] =	sst s3  }
0xc: {  	[smem:$0x3FAF] =	sst s4  }
0xd: {  	[smem:$0x3FB0] =	sst s5  }
0xe: {  	[smem:$0x3FB1] =	sst s6  }
0xf: {  	[smem:$0x3FB2] =	sst s7  }
0x10: {  	[smem:$0x3FB3] =	sst s8  }
0x11: {  	[smem:$0x3FB4] =	sst s9;
	s0 =	simm.s32 @!p0 $0x0  }
0x12: {  	s1 =	sld [smem:$0x3F9A];
	s0 =	simm.s32 @p0 $0x1  }
0x13: {  	[smem:$0x3FB5] =	sst s0;
	s0 =	simm.s32 @!p1 $0x0  }
0x14: {  	s2 =	sld [smem:$0x3F99];
	s0 =	simm.s32 @p1 $0x1  }
0x15: {  	[smem:$0x3FB6] =	sst s0;
	s0 =	simm.s32 @!p2 $0x0  }
0x16: {  	s3 =	sld [smem:$0x3FDB];
	s0 =	simm.s32 @p2 $0x1  }
0x17: {  	s4 =	simm.s32 $0x1BF5;
	[smem:$0x3FB8] =	sst s0  }
0x18: {  	s0 =	sld [smem:$0x3F9B];
	_ =	swait.ge [sflag:s4], $0x0  }
0x19: {  	s7 =	sld [smem:$0x3F9C]  }
0x1a: {  	s8 =	sadd.s32 $0xFFFFE003, lr  }
0x1b: {  	s9 =	sadd.s32 $0xFFFFFEF7, lr;
	s5 =	simm.s32 $0xFFFFFFFF;
	p2 =	slt.u32 s8, $0xFFFFF086  }
0x1c: {  	p1 =	slt.u32 s9, $0xF7A;
	s5 =	simm.s32 @!p2 $0x0  }
0x1d: {  	s5 =	simm.s32 @p1 $0x1;
	p0 =	seq.s32 s7, s2  }
0x1e: {  	s7 =	smul.u32 @!p0 $0xF7A, s2;
	p2 =	seq.s32 @!p0 s5, $0x0  }
0x1f: {  	s9 =	smul.u32 $0xF7A, s1;
	s8 =	simm.s32 @!p0 $0x1BF5;
	p2 =	por !p2, p0  }
0x20: {  	[sflag:s8] =	ssyncset.s32 @!p0 $0xFFFFF086;
	s6 =	sadd.s32 @!p0 s3, s7;
	s7 =	simm.s32 @!p0 $0x108  }
0x21: {  	s3 =	sadd.s32 s3, s9;
	s6 =	sadd.s32 @!p0 $0x88, s6;
	s7 =	simm.s32 @p2 $0x1082  }
0x22: {  	[simem:s7], [sflag:s8] =	dma.local @!p0 [hbm:s6], $0xF7A  }
0x23: {  	s9 =	sor.u32 $0xD0000000, s2;
	s6 =	simm.s32 $0x108;
	_ =	swait.ge @!p0 [sflag:s8], $0x0  }
0x24: {  	s3 =	sadd.s32 $0x88, s3;
	s6 =	simm.s32 @!p1 $0x1082;
	[sflag:s4] =	ssyncset.s32 $0xFFFFF086  }
0x25: {  	[simem:s6], [sflag:s4] =	dma.local [hbm:s3], $0xF7A  }
0x26: {  	[smem:$0x3F9C] =	sst s1;
	(tag) =	ssettag s2;
	_ =	strace s9  }
0x27: {  	s1 =	sld [smem:$0x3FAC]  }
0x28: {  	s2 =	sld [smem:$0x3FAD]  }
0x29: {  	s4 =	sld [smem:$0x3FAF]  }
0x2a: {  	p0 =	seq.s32 s5, $0x0;
	s5 =	sld [smem:$0x3FB0]  }
0x2b: {  	s6 =	sld [smem:$0x3FB1]  }
0x2c: {  	s7 =	sld [smem:$0x3FB2]  }
0x2d: {  	s3 =	simm.s32 $0x108;
	s8 =	sld [smem:$0x3FB3]  }
0x2e: {  	s3 =	simm.s32 @!p0 $0x1082;
	s9 =	sld [smem:$0x3FB4]  }
0x2f: {  	lr =	sadd.s32 s0, s3;
	s0 =	sld [smem:$0x3FAB]  }
0x30: {  	s3 =	sld [smem:$0x3FAE]  }
0x31: {  	[smem:$0x3FB7] =	sst s10  }
0x32: {  	s10 =	sld [smem:$0x3FB5];
	_ =	sdelay $0x3  }
0x33: {  	p0 =	seq.s32 s10, $0x1;
	s10 =	sld [smem:$0x3FB7];
	_ =	sdelay $0x3  }
0x34: {  	[smem:$0x3FB7] =	sst s10  }
0x35: {  	s10 =	sld [smem:$0x3FB6];
	_ =	sdelay $0x3  }
0x36: {  	p1 =	seq.s32 s10, $0x1;
	s10 =	sld [smem:$0x3FB7];
	_ =	sdelay $0x3  }
0x37: {  	[smem:$0x3FB7] =	sst s10  }
0x38: {  	s10 =	sld [smem:$0x3FB8]  }
0x39: {  	_ = 	snop;
	(pc) =	sbr.ind lr, $3  }
0x3a: {  	_ = 	snop  }
0x3b: {  	_ = 	snop  }
0x3c: {  	p2 =	seq.s32 s10, $0x1;
	s10 =	sld [smem:$0x3FB7]  }
0x3d: {  	_ =	shalt  }
0x3e: {  	_ =	shalt  }
0x3f: {  	_ =	shalt  }
0x40: {  	_ =	shalt  }
0x41: {  	_ =	shalt  }
0x42: {  	_ =	shalt  }
0x43: {  	_ =	shalt  }
0x44: {  	_ =	shalt  }
0x45: {  	_ =	shalt  }
0x46: {  	_ =	shalt  }
0x47: {  	_ =	shalt  }
0x48: {  	_ =	shalt  }
0x49: {  	_ =	shalt  }
0x4a: {  	_ =	shalt  }
0x4b: {  	_ =	shalt  }
0x4c: {  	_ =	shalt  }
0x4d: {  	_ =	shalt  }
0x4e: {  	_ =	shalt  }
0x4f: {  	_ =	shalt  }
0x50: {  	_ =	shalt  }
0x51: {  	_ =	shalt  }
0x52: {  	_ =	shalt  }
0x53: {  	_ =	shalt  }
0x54: {  	_ =	shalt  }
0x55: {  	_ =	shalt  }
0x56: {  	_ =	shalt  }
0x57: {  	_ =	shalt  }
0x58: {  	_ =	shalt  }
0x59: {  	_ =	shalt  }
0x5a: {  	_ =	shalt  }
0x5b: {  	_ =	shalt  }
0x5c: {  	_ =	shalt  }
0x5d: {  	_ =	shalt  }
0x5e: {  	_ =	shalt  }
0x5f: {  	_ =	shalt  }
0x60: {  	_ =	shalt  }
0x61: {  	_ =	shalt  }
0x62: {  	_ =	shalt  }
0x63: {  	_ =	shalt  }
0x64: {  	_ =	shalt  }
0x65: {  	_ =	shalt  }
0x66: {  	_ =	shalt  }
0x67: {  	_ =	shalt  }
0x68: {  	_ =	shalt  }
0x69: {  	_ =	shalt  }
0x6a: {  	_ =	shalt  }
0x6b: {  	_ =	shalt  }
0x6c: {  	_ =	shalt  }
0x6d: {  	_ =	shalt  }
0x6e: {  	_ =	shalt  }
0x6f: {  	_ =	shalt  }
0x70: {  	_ =	shalt  }
0x71: {  	_ =	shalt  }
0x72: {  	_ =	shalt  }
0x73: {  	_ =	shalt  }
0x74: {  	_ =	shalt  }
0x75: {  	_ =	shalt  }
0x76: {  	_ =	shalt  }
0x77: {  	_ =	shalt  }
0x78: {  	_ =	shalt  }
0x79: {  	_ =	shalt  }
0x7a: {  	_ =	shalt  }
0x7b: {  	_ =	shalt  }
0x7c: {  	_ =	shalt  }
0x7d: {  	_ =	shalt  }
0x7e: {  	_ =	shalt  }
0x7f: {  	_ =	shalt  }
0x80: {  	_ =	shalt  }
0x81: {  	_ =	shalt  }
0x82: {  	_ =	shalt  }
0x83: {  	_ =	shalt  }
0x84: {  	_ =	shalt  }
0x85: {  	_ =	shalt  }
0x86: {  	_ =	shalt  }
0x87: {  	_ =	shalt  }
.Lfunc_end0:
.L_simem_size_0:
called_computation_lowered:
.L_overlay_start_0:
0x88: {  	s0 =	sld [smem:$0x3FD9]  }
0x89: {  	s1 =	sld [smem:$0x3FFE];
	_ =	sdelay $0x3  }
0x8a: {  	s0 =	sadd.s32 s1, s0  }
0x8b: {  	[smem:$0x3FC3] =	sst s0  }
0x8c: {  	_ = 	snop  }
0x8d: {  	s0 =	sld [smem:$0x3FD0];
	(tm) =	ssettm $0x1  }
0x8e: {  	s16 =	sld [smem:$0x3FFB];
	_ =	sdelay $0x3  }
0x8f: {  	_ =	strace s16  }
0x90: {  	s1 =	sld [smem:$0x3FFC];
	_ =	sdelay $0x3  }
0x91: {  	_ =	strace s1  }
0x92: {  	s1 =	sld [smem:$0x3FFD];
	_ =	sdelay $0x3  }
0x93: {  	_ =	strace s1  }
0x94: {  	_ =	strace $0x8FFFFFFF  }
0x95: {  	s17 =	sld [smem:$0x3FDB];
	_ =	sdelay $0x1  }
0x96: {  	s2 =	simm.s32 $_scs_section_size  }
0x97: {  	s3 =	simm.s32 $_size__tile_overlayer_lowered;
	s4 =	simm.s32 $_tile_overlayer_lowered  }
0x98: {  	s20 =	simm.s32 $0x1BFF;
	s19 =	sshll.u32 s4, $0x1;
	s1 =	sadd.s32 s2, s17  }
0x99: {  	s5 =	simm.s32 $0x0;
	s18 =	sshll.u32 s3, $0x1;
	s3 =	sadd.s32 s19, s1  }
0x9a: {  	[timem:s5], [sflag:s20] =	dma.local [hbm:s3], s18  }
0x9b: {  	_ =	swait.ge [sflag:s20], s18  }
0x9c: {  	s2 =	ssub.s32 $0x0, s18;
	[sflag:s20] =	ssyncset.done $0x0  }
0x9d: {  	[sflag:s20] =	ssyncadd.s32 s2;
	_ =	sdelay $0x1  }
0x9e: {  	s21 =	simm.s32 $0x1B8B  }
0x9f: {  	_ =	swait.ge [sflag:s21], $0x1  }
0xa0: {  	[sflag:s21] =	ssyncset.done $0x0  }
0xa1: {  	s23 =	simm.s32 $0x1B8E;
	s22 =	sld [smem:$0x3FFE];
	[sflag:s21] =	ssyncadd.s32 $0xFFFFFFFF  }
0xa2: {  	s24 =	simm.s32 $execute0_lowered;
	[smem:$0x3FD2] =	sst s23  }
0xa3: {  	s3 =	sshll.u32 s24, $0x1;
	_ =	strace $0x80000046;
	[dreg:$0x1] =	wrdreg $0xFFFFFFFF  }
0xa4: {  	s25 =	simm.s32 $_size_execute0_lowered;
	s1 =	sadd.s32 s1, s3;
	[dreg:$0x0] =	wrdreg $0x0  }
0xa5: {  	s3 =	sshll.u32 s25, $0x1;
	[dreg:$0x2] =	wrdreg s1  }
0xa6: {  	[dreg:$0x3] =	wrdreg s3  }
0xa7: {  	[dreg:$0x4] =	wrdreg $0xC0  }
0xa8: {  	_ =	task [dreg:s5], $0x5FFFF  }
0xa9: {  	[dreg:$0x1] =	wrdreg $0xFFFFFFFF  }
0xaa: {  	[dreg:$0x0] =	wrdreg $0x60  }
0xab: {  	[dreg:$0x2] =	wrdreg s22  }
0xac: {  	[dreg:$0x3] =	wrdreg s0  }
0xad: {  	[dreg:$0x4] =	wrdreg $0x9  }
0xae: {  	_ =	task.clear_ibuf [dreg:s5], $0x5FFFF;
	_ =	strace $0x90000046  }
0xaf: {  	s26 =	simm.s32 $0x9;
	_ =	strace $0x80000048  }
0xb0: {  	_ =	swait.ge [sflag:s26], $0x1  }
0xb1: {  	[sflag:s26] =	ssyncadd.s32 $0xFFFFFFFF  }
0xb2: {  	_ =	strace $0x90000048  }
0xb3: {  	_ =	sfence  }
0xb4: {  	s28 =	sld [smem:$0x0];
	_ =	sdelay $0x1  }
0xb5: {  	s29 =	srdreg.scid  }
0xb6: {  	s30 =	sshll.u32 s29, $0xD;
	s31 =	sshrl.u32 s29, $0x2  }
0xb7: {  	s2 =	sand.u32 $0x4000, s30;
	s1 =	sand.u32 $0x1, s29;
	s0 =	sadd.s32 s31, s28  }
0xb8: {  	s1 =	sor.u32 s2, s1;
	s0 =	sshll.u32 s0, $0x11  }
0xb9: {  	s0 =	sor.u32 s0, s1  }
0xba: {  	s0 =	sadd.s32 $0x8F2B, s0  }
0xbb: {  	[sflag:s0] =	ssyncadd.remote.s32 $0x1  }
0xbc: {  	_ =	sfence.sel $0xFFFF  }
0xbd: {  	[dreg:$0x0] =	wrdreg $0xFFFFFFFF;
	(pc) =	sbr.abs _section_cstart, $3  }
0xbe: {  	[dreg:$0x1] =	wrdreg $0xFFFFFFFF  }
0xbf: {  	_ =	task.clear_ibuf [dreg:s5], $0x2FFFF;
	_ =	strace $0x9FFFFFFF  }
0xc0: {  	(tm) =	ssettm $0x7FFFFFFF  }
0xc1: {  	_ =	shalt  }
tec
execute0_lowered:
.L_overlay_start_1:
0x0: {  	(tag) =	ssettag $0x1  }
0x1: {  	s5 =	rddreg [dreg:$0x0]  }
0x2: {  	s6 =	rddreg [dreg:$0x1]  }
0x3: {  	s0 =	rddreg [dreg:$0x2];
	_ =	strace $0x80000047;
	s7 =	stileid.u32  }
0x4: {  	s3 =	simm.s32 $0x3E;
	s1 =	sadd.s32 $0x1200, s5;
	p0 =	sne.s32 s7, $0x0  }
0x5: {  	[sflag:s3] =	ssyncpa.u1 $0x0;
	s4 =	simm.s32 @!p0 $0x1C3E;
	s2 =	simm.s32 @!p0 $0x0  }
0x6: {  	[spmem:s2], [sflag:s4] =	dma.local @!p0 [hbm:s1], $0x10  }
0x7: {  	s4 =	simm.s32 @!p0 $0x3E  }
0x8: {  	_ =	swait.ge @!p0 [sflag:s4], $0x10  }
0x9: {  	[sflag:s4] =	ssyncset.done @!p0 $0x0  }
0xa: {  	[sflag:s4] =	ssyncadd.s32 @!p0 $0xFFFFFFF0  }
0xb: {  	s9 =	simm.s32 $0x108;
	s8 =	sadd.s32 $0x1400, s5;
	[bflag:$0x0] =	sbarrier.arrive $0xFFFF  }
0xc: {  	s7 =	sshll.u32 s7, $0x5;
	[sflag:s3] =	ssyncpa.u1 $0x1;
	s3 =	simm.s32 $0x1  }
0xd: {  	s5 =	simm.s32 $0x0;
	s4 =	simm.s32 $0x2;
	[sflag:s3] =	ssyncpa.u1 $0x0  }
0xe: {  	s6 =	sadd.s32 s6, s7;
	(ifvalue) =	ssetifvalue $0x80;
	[sflag:s4] =	ssyncpa.u1 $0x0  }
0xf: {  	[tilespmem:s9], [sflag:$0x2] =	stream.linear.gather [hbm4b:s6+s5], $0x100, $0x38;
	[tilespmem:$0x408] =	vst v63  }
0x10: {  	s23 =	simm.s32 $0x308;
	s22 =	sadd.s32 s8, s7  }
0x11: {  	[tilespmem:s23], [sflag:$0x2] =	stream.linear.gather [hbm4b:s22+s5], $0x100, $0x38;
	[tilespmem:$0x408] =	vst v63  }
0x12: {  	_ =	swait.ge [sflag:s4], $0x200  }
0x13: {  	[sflag:s4] =	ssyncset.done $0x0  }
0x14: {  	[sflag:s4] =	ssyncadd.s32 $0xFFFFFE00  }
0x15: {  	v0 =	vld.msk [tilespmem:s9+$0x0 ss:$0x1], $0xffff;
	_ =	sdelay $0x4  }
0x16: {  	v0 =	vmin.u32 v0, $0x80;
	_ =	sdelay $0x3  }
0x17: {  	vm0 =	vmmov $0xffff;
	s24 =	simm.s32 $0x118  }
0x18: {  	[spmem:s5] =	stream.indirect_vreg.scatter.add.s32 [tilespmem:s23], [sflag:$0x1], $0x1, v0, vm0, $0x4038;
	[tilespmem:$0x408] =	vst v63  }
0x19: {  	v0 =	vld.msk [tilespmem:s24+$0x0 ss:$0x1], $0xffff;
	_ =	sdelay $0x4  }
0x1a: {  	v0 =	vmin.u32 v0, $0x80;
	_ =	sdelay $0x3  }
0x1b: {  	s25 =	simm.s32 $0x318;
	s26 =	simm.s32 $0x128  }
0x1c: {  	[spmem:s5] =	stream.indirect_vreg.scatter.add.s32 [tilespmem:s25], [sflag:$0x1], $0x1, v0, vm0, $0x4038;
	[tilespmem:$0x408] =	vst v63  }
0x1d: {  	v0 =	vld.msk [tilespmem:s26+$0x0 ss:$0x1], $0xffff;
	_ =	sdelay $0x4  }
0x1e: {  	v0 =	vmin.u32 v0, $0x80;
	_ =	sdelay $0x3  }
0x1f: {  	s28 =	simm.s32 $0x328;
	s29 =	simm.s32 $0x138  }
0x20: {  	[spmem:s5] =	stream.indirect_vreg.scatter.add.s32 [tilespmem:s28], [sflag:$0x1], $0x1, v0, vm0, $0x4038;
	[tilespmem:$0x408] =	vst v63  }
0x21: {  	v0 =	vld.msk [tilespmem:s29+$0x0 ss:$0x1], $0xffff;
	_ =	sdelay $0x4  }
0x22: {  	v0 =	vmin.u32 v0, $0x80;
	_ =	sdelay $0x3  }
0x23: {  	s30 =	simm.s32 $0x338;
	s31 =	simm.s32 $0x148  }
0x24: {  	[spmem:s5] =	stream.indirect_vreg.scatter.add.s32 [tilespmem:s30], [sflag:$0x1], $0x1, v0, vm0, $0x4038;
	[tilespmem:$0x408] =	vst v63  }
0x25: {  	v0 =	vld.msk [tilespmem:s31+$0x0 ss:$0x1], $0xffff;
	_ =	sdelay $0x4  }
0x26: {  	v0 =	vmin.u32 v0, $0x80;
	_ =	sdelay $0x3  }
0x27: {  	s7 =	simm.s32 $0x348;
	s8 =	simm.s32 $0x158  }
0x28: {  	[spmem:s5] =	stream.indirect_vreg.scatter.add.s32 [tilespmem:s7], [sflag:$0x1], $0x1, v0, vm0, $0x4038;
	[tilespmem:$0x408] =	vst v63  }
0x29: {  	v0 =	vld.msk [tilespmem:s8+$0x0 ss:$0x1], $0xffff;
	_ =	sdelay $0x4  }
0x2a: {  	v0 =	vmin.u32 v0, $0x80;
	_ =	sdelay $0x3  }
0x2b: {  	s10 =	simm.s32 $0x168;
	s9 =	simm.s32 $0x358  }
0x2c: {  	[spmem:s5] =	stream.indirect_vreg.scatter.add.s32 [tilespmem:s9], [sflag:$0x1], $0x1, v0, vm0, $0x4038;
	[tilespmem:$0x408] =	vst v63  }
0x2d: {  	v0 =	vld.msk [tilespmem:s10+$0x0 ss:$0x1], $0xffff;
	_ =	sdelay $0x4  }
0x2e: {  	v0 =	vmin.u32 v0, $0x80;
	_ =	sdelay $0x3  }
0x2f: {  	s11 =	simm.s32 $0x368;
	s12 =	simm.s32 $0x178  }
0x30: {  	[spmem:s5] =	stream.indirect_vreg.scatter.add.s32 [tilespmem:s11], [sflag:$0x1], $0x1, v0, vm0, $0x4038;
	[tilespmem:$0x408] =	vst v63  }
0x31: {  	v0 =	vld.msk [tilespmem:s12+$0x0 ss:$0x1], $0xffff;
	_ =	sdelay $0x4  }
0x32: {  	v0 =	vmin.u32 v0, $0x80;
	_ =	sdelay $0x3  }
0x33: {  	s13 =	simm.s32 $0x378;
	s14 =	simm.s32 $0x188  }
0x34: {  	[spmem:s5] =	stream.indirect_vreg.scatter.add.s32 [tilespmem:s13], [sflag:$0x1], $0x1, v0, vm0, $0x4038;
	[tilespmem:$0x408] =	vst v63  }
0x35: {  	v0 =	vld.msk [tilespmem:s14+$0x0 ss:$0x1], $0xffff;
	_ =	sdelay $0x4  }
0x36: {  	v0 =	vmin.u32 v0, $0x80;
	_ =	sdelay $0x3  }
0x37: {  	s15 =	simm.s32 $0x388;
	s16 =	simm.s32 $0x198  }
0x38: {  	[spmem:s5] =	stream.indirect_vreg.scatter.add.s32 [tilespmem:s15], [sflag:$0x1], $0x1, v0, vm0, $0x4038;
	[tilespmem:$0x408] =	vst v63  }
0x39: {  	v0 =	vld.msk [tilespmem:s16+$0x0 ss:$0x1], $0xffff;
	_ =	sdelay $0x4  }
0x3a: {  	v0 =	vmin.u32 v0, $0x80;
	_ =	sdelay $0x3  }
0x3b: {  	s17 =	simm.s32 $0x398;
	s18 =	simm.s32 $0x1A8  }
0x3c: {  	[spmem:s5] =	stream.indirect_vreg.scatter.add.s32 [tilespmem:s17], [sflag:$0x1], $0x1, v0, vm0, $0x4038;
	[tilespmem:$0x408] =	vst v63  }
0x3d: {  	v0 =	vld.msk [tilespmem:s18+$0x0 ss:$0x1], $0xffff;
	_ =	sdelay $0x4  }
0x3e: {  	v0 =	vmin.u32 v0, $0x80;
	_ =	sdelay $0x3  }
0x3f: {  	s19 =	simm.s32 $0x3A8;
	s20 =	simm.s32 $0x1B8  }
0x40: {  	[spmem:s5] =	stream.indirect_vreg.scatter.add.s32 [tilespmem:s19], [sflag:$0x1], $0x1, v0, vm0, $0x4038;
	[tilespmem:$0x408] =	vst v63  }
0x41: {  	v0 =	vld.msk [tilespmem:s20+$0x0 ss:$0x1], $0xffff;
	_ =	sdelay $0x4  }
0x42: {  	v0 =	vmin.u32 v0, $0x80;
	_ =	sdelay $0x3  }
0x43: {  	s21 =	simm.s32 $0x3B8;
	s22 =	simm.s32 $0x1C8  }
0x44: {  	[spmem:s5] =	stream.indirect_vreg.scatter.add.s32 [tilespmem:s21], [sflag:$0x1], $0x1, v0, vm0, $0x4038;
	[tilespmem:$0x408] =	vst v63  }
0x45: {  	v0 =	vld.msk [tilespmem:s22+$0x0 ss:$0x1], $0xffff;
	_ =	sdelay $0x4  }
0x46: {  	v0 =	vmin.u32 v0, $0x80;
	_ =	sdelay $0x3  }
0x47: {  	s23 =	simm.s32 $0x3C8;
	s24 =	simm.s32 $0x1D8  }
0x48: {  	[spmem:s5] =	stream.indirect_vreg.scatter.add.s32 [tilespmem:s23], [sflag:$0x1], $0x1, v0, vm0, $0x4038;
	[tilespmem:$0x408] =	vst v63  }
0x49: {  	v0 =	vld.msk [tilespmem:s24+$0x0 ss:$0x1], $0xffff;
	_ =	sdelay $0x4  }
0x4a: {  	v0 =	vmin.u32 v0, $0x80;
	_ =	sdelay $0x3  }
0x4b: {  	s25 =	simm.s32 $0x3D8;
	s26 =	simm.s32 $0x1E8  }
0x4c: {  	[spmem:s5] =	stream.indirect_vreg.scatter.add.s32 [tilespmem:s25], [sflag:$0x1], $0x1, v0, vm0, $0x4038;
	[tilespmem:$0x408] =	vst v63  }
0x4d: {  	v0 =	vld.msk [tilespmem:s26+$0x0 ss:$0x1], $0xffff;
	_ =	sdelay $0x4  }
0x4e: {  	v0 =	vmin.u32 v0, $0x80;
	_ =	sdelay $0x3  }
0x4f: {  	s28 =	simm.s32 $0x3E8;
	s29 =	simm.s32 $0x1F8  }
0x50: {  	[spmem:s5] =	stream.indirect_vreg.scatter.add.s32 [tilespmem:s28], [sflag:$0x1], $0x1, v0, vm0, $0x4038;
	[tilespmem:$0x408] =	vst v63  }
0x51: {  	v0 =	vld.msk [tilespmem:s29+$0x0 ss:$0x1], $0xffff;
	_ =	sdelay $0x4  }
0x52: {  	v0 =	vmin.u32 v0, $0x80;
	_ =	sdelay $0x3  }
0x53: {  	s30 =	simm.s32 $0x3F8  }
0x54: {  	[spmem:s5] =	stream.indirect_vreg.scatter.add.s32 [tilespmem:s30], [sflag:$0x1], $0x1, v0, vm0, $0x4038;
	[tilespmem:$0x408] =	vst v63  }
0x55: {  	_ =	swait.ge [sflag:s3], $0x100  }
0x56: {  	[sflag:s3] =	ssyncset.done $0x0  }
0x57: {  	[sflag:s3] =	ssyncadd.s32 $0xFFFFFF00  }
0x58: {  	_ =	sfence.sel $0x180000  }
0x59: {  	[bflag:$0x0] =	sbarrier.arrive $0xFFFF  }
0x5a: {  	[sflag:s4] =	ssyncpa.u1 $0x1  }
0x5b: {  	[sflag:s3] =	ssyncpa.u1 $0x1  }
0x5c: {  	_ =	sfence.stream.spmem  }
0x5d: {  	s31 =	simm.s32 $0x3D;
	[bflag:$0x0] =	sbarrier.arrive $0xFFFF  }
0x5e: {  	s3 =	simm.s32 @p0 $0x3D;
	[sflag:s31] =	ssyncpa.u1 $0x0  }
0x5f: {  	[sflag:s3] =	ssyncpa.u1 @p0 $0x1  }
0x60: {  	[bflag:$0x0] =	sbarrier.arrive @p0 $0xFFFF  }
0x61: {  	_ =	strace @p0 $0x90000047  }
0x62: {  	s3 =	simm.s32 @!p0 $0x1C3D;
	[bflag:$0x2] =	sbarrier.arrive @p0 $0xFFFF  }
0x63: {  	[hbm:s1], [sflag:s3] =	dma.local @!p0 [spmem:s2], $0x10  }
0x64: {  	s1 =	simm.s32 @!p0 $0x3D  }
0x65: {  	_ =	swait.ge @!p0 [sflag:s1], $0x10  }
0x66: {  	[sflag:s1] =	ssyncset.done @!p0 $0x0  }
0x67: {  	[sflag:s1] =	ssyncadd.s32 @!p0 $0xFFFFFFF0  }
0x68: {  	[sflag:s1] =	ssyncpa.u1 @!p0 $0x1  }
0x69: {  	[bflag:$0x0] =	sbarrier.arrive @!p0 $0xFFFF  }
0x6a: {  	_ =	strace @!p0 $0x90000047  }
0x6b: {  	s0 =	sadd.s32 @!p0 $0x100000, s0;
	[bflag:$0x2] =	sbarrier.arrive @!p0 $0xFFFF  }
0x6c: {  	[sflag:s0] =	ssyncadd.tile.s32 @!p0 $0x1;
	_ =	shalt  }
.Lfunc_end2:
_tile_overlayer_lowered:
.L_overlay_start_2:
0x6d: {  	(tag) =	ssettag $0x2  }
0x6e: {  	s0 =	rddreg [dreg:$0x0];
	s2 =	stileid.u32  }
0x6f: {  	s1 =	rddreg [dreg:$0x1];
	p0 =	sne.s32 s2, $0x0  }
0x70: {  	s3 =	rddreg [dreg:$0x2];
	[bflag:$0x3] =	sbarrier.arrive $0xFFFF;
	s2 =	simm.s32 @!p0 $0x1C01  }
0x71: {  	[timem:s3], [sflag:s2] =	dma.local @!p0 [hbm:s0], s1  }
0x72: {  	s0 =	simm.s32 @!p0 $0x1  }
0x73: {  	_ =	swait.ge @!p0 [sflag:s0], s1  }
0x74: {  	s1 =	ssub.s32 @!p0 $0x0, s1;
	[sflag:s0] =	ssyncset.done @!p0 $0x0  }
0x75: {  	[sflag:s0] =	ssyncadd.s32 @!p0 s1  }
0x76: {  	[bflag:$0x3] =	sbarrier.arrive $0xFFFF  }
0x77: {  	_ =	shalt  }

</sc_bundles>
